<compile_context>
chip_gen: v7x
topology: tpu7x:2x2x1
jax: 0.10.2.dev20260603
libtpu: 0.0.44.dev20260713+nightly
codegen_flags: <defaults>
</compile_context>

<pallas_src>
import functools

import jax
import jax.numpy as jnp
from jax import lax
from jax.experimental import pallas as pl
from jax.experimental.pallas import tpu as pltpu
from jax.experimental.pallas import tpu_sc as plsc


def _sc_cnt_kernel(cha_hbm, spa_hbm, c1_hbm, c2_hbm,
                   cha_v, idx1_v, one1_v, z1_v,
                   spa_v, idx2_v, one2_v, z2_v, acc1_sp, acc2_sp):
    sid = lax.axis_index("s")

    @pl.when(lax.axis_index("c") == 0)
    def _():
        pltpu.sync_copy(cha_hbm, cha_v)
        pltpu.sync_copy(spa_hbm, spa_v)
        for i in range(8):
            off = sid * 128 + i * 16
            s = cha_v[0, pl.ds(off, 16)]
            d = cha_v[1, pl.ds(off, 16)]
            idx1_v[pl.ds(i * 16, 16)] = d * 64 + s
            one1_v[pl.ds(i * 16, 16)] = jnp.full((16,), 1.0, jnp.float32)
        for i in range(4):
            off = sid * 64 + i * 16
            s = spa_v[0, pl.ds(off, 16)]
            d = spa_v[1, pl.ds(off, 16)]
            idx2_v[pl.ds(i * 16, 16)] = d * 36 + s
            one2_v[pl.ds(i * 16, 16)] = jnp.full((16,), 1.0, jnp.float32)

        @pl.when(sid == 0)
        def _():
            for i in range(256):
                z1_v[pl.ds(i * 16, 16)] = jnp.zeros((16,), jnp.float32)
            for i in range(81):
                z2_v[pl.ds(i * 16, 16)] = jnp.zeros((16,), jnp.float32)
            pltpu.sync_copy(z1_v, acc1_sp)
            pltpu.sync_copy(z2_v, acc2_sp)

        plsc.subcore_barrier()
        pltpu.sync_copy(one1_v, acc1_sp.at[idx1_v], add=True)
        pltpu.sync_copy(one2_v, acc2_sp.at[idx2_v], add=True)
        plsc.subcore_barrier()

        @pl.when(sid == 0)
        def _():
            pltpu.sync_copy(acc1_sp, z1_v)
            pltpu.sync_copy(z1_v, c1_hbm)
            pltpu.sync_copy(acc2_sp, z2_v)
            pltpu.sync_copy(z2_v, c2_hbm)


def _sc_cnt(cha_con, spa_con):
    mesh = plsc.VectorSubcoreMesh(core_axis_name="c", subcore_axis_name="s")
    run = pl.kernel(
        _sc_cnt_kernel, mesh=mesh,
        out_type=[jax.ShapeDtypeStruct((4096,), jnp.float32),
                  jax.ShapeDtypeStruct((1296,), jnp.float32)],
        scratch_types=[
            pltpu.VMEM((2, 2048), jnp.int32),
            pltpu.VMEM((128,), jnp.int32),
            pltpu.VMEM((128,), jnp.float32),
            pltpu.VMEM((4096,), jnp.float32),
            pltpu.VMEM((2, 1024), jnp.int32),
            pltpu.VMEM((64,), jnp.int32),
            pltpu.VMEM((64,), jnp.float32),
            pltpu.VMEM((1296,), jnp.float32),
            pltpu.VMEM_SHARED((4096,), jnp.float32),
            pltpu.VMEM_SHARED((1296,), jnp.float32),
        ])
    c1, c2 = run(cha_con, spa_con)
    return c1.reshape(64, 64), c2.reshape(36, 36)

def _gat_dense(x, W, Al, Ar, SD, cnt, H, D):
    nb, n, f = x.shape
    h = jax.lax.dot_general(
        x, W, (((2,), (1,)), ((), ())), preferred_element_type=jnp.float32)
    el = jax.lax.dot_general(
        h, Al, (((2,), (0,)), ((), ())), preferred_element_type=jnp.float32)
    er = jax.lax.dot_general(
        h, Ar, (((2,), (0,)), ((), ())), preferred_element_type=jnp.float32)
    elt = el.transpose(0, 2, 1)
    ert = er.transpose(0, 2, 1)
    e = elt[:, :, None, :] + ert[:, :, :, None]
    e = jnp.maximum(e, 0.2 * e)
    ex = jnp.exp(e) * cnt[None, None, :, :]
    denom = jnp.sum(ex, axis=-1)
    rden = jnp.where(denom > 0, 1.0 / denom, 0.0)
    parts = []
    for hd in range(H):
        parts.append(rden[:, hd, :, None] * jax.lax.dot_general(
            ex[:, hd], h[:, :, hd * D:(hd + 1) * D],
            (((2,), (1,)), ((0,), (0,))),
            preferred_element_type=jnp.float32))
    return jnp.concatenate(parts, axis=-1)


def _main_kernel(nd_ref, c1_ref, c2_ref, wc_ref, alc_ref, arc_ref, bc_ref,
                 sdc_ref, ws_ref, als_ref, ars_ref, bs_ref, sds_ref, out_ref):
    cnt1 = c1_ref[...]
    cnt2 = c2_ref[...]
    x = nd_ref[...]
    r1 = _gat_dense(x, wc_ref[...], alc_ref[...], arc_ref[...],
                    sdc_ref[...], cnt1, 6, 6)
    r1 = r1 + bc_ref[...]
    y = r1.transpose(0, 2, 1)
    r2 = _gat_dense(y, ws_ref[...], als_ref[...], ars_ref[...],
                    sds_ref[...], cnt2, 8, 8)
    r2 = r2 + bs_ref[...]
    out_ref[...] = r2.transpose(0, 2, 1)


def _whole(shape):
    nd = len(shape)
    return pl.BlockSpec(shape, lambda i: (0,) * nd)


@jax.jit
def _run(ndata, cha_con, spa_con, W_cha, al_cha, ar_cha, b_cha,
         W_spa, al_spa, ar_spa, b_spa):
    nd = ndata.reshape(512, 64, 36)
    cnt1, cnt2 = _sc_cnt(cha_con.reshape(2, 2048), spa_con.reshape(2, 1024))
    eye6 = jnp.eye(6, dtype=jnp.float32)
    alc = (al_cha[0][:, :, None] * eye6[:, None, :]).reshape(36, 6)
    arc = (ar_cha[0][:, :, None] * eye6[:, None, :]).reshape(36, 6)
    eye8 = jnp.eye(8, dtype=jnp.float32)
    als = (al_spa[0][:, :, None] * eye8[:, None, :]).reshape(64, 8)
    ars = (ar_spa[0][:, :, None] * eye8[:, None, :]).reshape(64, 8)
    sdc = jnp.repeat(eye6, 6, axis=1)
    sds = jnp.repeat(eye8, 8, axis=1)

    NB = 64
    out = pl.pallas_call(
        _main_kernel,
        grid=(512 // NB,),
        in_specs=[
            pl.BlockSpec((NB, 64, 36), lambda i: (i, 0, 0)),
            _whole((64, 64)), _whole((36, 36)),
            _whole((36, 36)), _whole((36, 6)), _whole((36, 6)), _whole((1, 36)),
            _whole((6, 36)),
            _whole((64, 64)), _whole((64, 8)), _whole((64, 8)), _whole((1, 64)),
            _whole((8, 64)),
        ],
        out_specs=pl.BlockSpec((NB, 64, 36), lambda i: (i, 0, 0)),
        out_shape=jax.ShapeDtypeStruct((512, 64, 36), jnp.float32),
    )(nd, cnt1, cnt2,
      W_cha, alc, arc, b_cha.reshape(1, 36), sdc,
      W_spa, als, ars, b_spa.reshape(1, 64), sds)
    return out.reshape(4, 8, 16, 64, 36)


def kernel(ndata, cha_con, spa_con, W_cha, al_cha, ar_cha, b_cha,
           W_spa, al_spa, ar_spa, b_spa):
    return _run(ndata, cha_con, spa_con, W_cha, al_cha, ar_cha, b_cha,
                W_spa, al_spa, ar_spa, b_spa)

# --- scband reference (transcript-rebuilt; emitter-appended) ---
"""Pipeline reference for scband-channel-spatial-gatlayer-34522947125272 (READ-ONLY COPY).

The authoritative reference and input builder live on the scoring server;
editing this copy changes nothing except your own understanding.
"""

import jax, jax.numpy as jnp
import numpy as np


def _gat(feat, src, dst, W, a_l, a_r, bias, N, H, D):
    # feat: (N, A, B, C, Din); W: (H*D, Din) (nn.Linear layout)
    h = jnp.einsum('n...i,oi->n...o', feat, W)
    h = h.reshape(h.shape[:-1] + (H, D))
    el = jnp.sum(h * a_l, axis=-1, keepdims=True)  # (N, A,B,C, H, 1)
    er = jnp.sum(h * a_r, axis=-1, keepdims=True)
    e = el[src] + er[dst]                           # (E, A,B,C, H, 1)
    e = jnp.where(e > 0, e, 0.2 * e)                # leaky_relu(0.2)
    emax = jax.ops.segment_max(e, dst, num_segments=N)
    emax = jnp.where(jnp.isfinite(emax), emax, 0.0)
    ex = jnp.exp(e - emax[dst])
    denom = jax.ops.segment_sum(ex, dst, num_segments=N)
    alpha = ex / denom[dst]
    rst = jax.ops.segment_sum(alpha * h[src], dst, num_segments=N)
    rst = rst + bias.reshape((1,) * (rst.ndim - 2) + (H, D))
    return rst  # (N, A,B,C, H, D)


def setup_inputs(seed: int = 0) -> dict:
    key = jax.random.key(seed)
    ks = jax.random.split(key, 11)
    A, B, C = 4, 8, 16
    ndata = jax.random.normal(ks[0], (A, B, C, 64, 36), dtype=jnp.float32)
    cha_con = jax.random.randint(ks[1], (2, 1, 2048), 0, 64, dtype=jnp.int32)
    spa_con = jax.random.randint(ks[2], (2, 1, 1024), 0, 36, dtype=jnp.int32)
    sc = 1.0 / np.sqrt(36.0)
    W_cha = jax.random.normal(ks[3], (36, 36), dtype=jnp.float32) * sc
    al_cha = jax.random.normal(ks[4], (1, 6, 6), dtype=jnp.float32) * sc
    ar_cha = jax.random.normal(ks[5], (1, 6, 6), dtype=jnp.float32) * sc
    b_cha = jnp.zeros((36,), dtype=jnp.float32)
    sc2 = 1.0 / np.sqrt(64.0)
    W_spa = jax.random.normal(ks[6], (64, 64), dtype=jnp.float32) * sc2
    al_spa = jax.random.normal(ks[7], (1, 8, 8), dtype=jnp.float32) * sc2
    ar_spa = jax.random.normal(ks[8], (1, 8, 8), dtype=jnp.float32) * sc2
    b_spa = jnp.zeros((64,), dtype=jnp.float32)
    return {"ndata": ndata, "cha_con": cha_con, "spa_con": spa_con,
            "W_cha": W_cha, "al_cha": al_cha, "ar_cha": ar_cha, "b_cha": b_cha,
            "W_spa": W_spa, "al_spa": al_spa, "ar_spa": ar_spa, "b_spa": b_spa}


def reference(ndata, cha_con, spa_con, W_cha, al_cha, ar_cha, b_cha, W_spa, al_spa, ar_spa, b_spa):
    # ndata: (A, B, C, 64, 36)
    x = jnp.transpose(ndata, (3, 0, 1, 2, 4))                 # (64, A, B, C, 36)
    x = _gat(x, cha_con[0, 0], cha_con[1, 0], W_cha, al_cha, ar_cha, b_cha, 64, 6, 6)
    x = x.reshape(x.shape[:4] + (-1,))                        # flatten(4) -> (64, A,B,C, 36)
    x = jnp.transpose(x, (4, 1, 2, 3, 0))                     # (36, A, B, C, 64)
    x = _gat(x, spa_con[0, 0], spa_con[1, 0], W_spa, al_spa, ar_spa, b_spa, 36, 8, 8)
    x = x.reshape(x.shape[:4] + (-1,))                        # (36, A,B,C, 64)
    x = jnp.transpose(x, (1, 2, 3, 4, 0))                     # (A, B, C, 64, 36)
    return x

if __name__ == "__main__":
    import jax
    _d = setup_inputs()
    print(jax.jit(kernel)(*tuple(_d.values())))

</pallas_src>

<mosaic_0001>
#map = affine_map<(d0, d1) -> (0, 0)>
#map1 = affine_map<(d0, d1) -> (0)>
module attributes {stable_mosaic.version = 14 : i64} {
  func.func @_sc_cnt_kernel(%arg0: i32, %arg1: i32, %arg2: memref<2x2048xi32, #tpu.memory_space<hbm>>, %arg3: memref<2x1024xi32, #tpu.memory_space<hbm>>, %arg4: memref<4096xf32, #tpu.memory_space<hbm>>, %arg5: memref<1296xf32, #tpu.memory_space<hbm>>, %arg6: memref<2x2048xi32, #tpu.memory_space<vmem>>, %arg7: memref<128xi32, #tpu.memory_space<vmem>>, %arg8: memref<128xf32, #tpu.memory_space<vmem>>, %arg9: memref<4096xf32, #tpu.memory_space<vmem>>, %arg10: memref<2x1024xi32, #tpu.memory_space<vmem>>, %arg11: memref<64xi32, #tpu.memory_space<vmem>>, %arg12: memref<64xf32, #tpu.memory_space<vmem>>, %arg13: memref<1296xf32, #tpu.memory_space<vmem>>, %arg14: memref<4096xf32, #tpu.memory_space<vmem_shared>>, %arg15: memref<1296xf32, #tpu.memory_space<vmem_shared>>) attributes {dimension_semantics = [#tpu.dimension_semantics<core_parallel>, #tpu.dimension_semantics<subcore_parallel>], iteration_bounds = array<i64: 2, 16>, scalar_prefetch = 0 : i64, scratch_operands = 10 : i64, tpu.core_type = #tpu.core_type<sc_vector_subcore>, window_params = [{transform_indices = #map}, {transform_indices = #map}, {transform_indices = #map1}, {transform_indices = #map1}]} {
    %eq3A = arith.constant 0 : i32
    %eq3A_0 = arith.cmpi eq, %arg0, %eq3A : i32
    %convert_element_type3A = arith.extui %eq3A_0 : i1 to i32
    %cond3A = arith.constant 0 : i32
    %cond3A_1 = arith.cmpi ne, %convert_element_type3A, %cond3A : i32
    scf.if %cond3A_1 {
      "tpu.region"() ({
        %run_scoped3A = tpu.sem_alloc : memref<!tpu.dma_semaphore, #tpu.memory_space<semaphore_mem>>
        tpu.enqueue_dma source(%arg2 : memref<2x2048xi32, #tpu.memory_space<hbm>>) target(%arg6 : memref<2x2048xi32, #tpu.memory_space<vmem>>) target_semaphore(%run_scoped3A : memref<!tpu.dma_semaphore, #tpu.memory_space<semaphore_mem>>)
        tpu.wait_dma2 semaphore(%run_scoped3A : memref<!tpu.dma_semaphore, #tpu.memory_space<semaphore_mem>>) src(%arg2 : memref<2x2048xi32, #tpu.memory_space<hbm>>) dst(%arg6 : memref<2x2048xi32, #tpu.memory_space<vmem>>)
        tpu.yield
      }) : () -> ()
      "tpu.region"() ({
        %run_scoped3A = tpu.sem_alloc : memref<!tpu.dma_semaphore, #tpu.memory_space<semaphore_mem>>
        tpu.enqueue_dma source(%arg3 : memref<2x1024xi32, #tpu.memory_space<hbm>>) target(%arg10 : memref<2x1024xi32, #tpu.memory_space<vmem>>) target_semaphore(%run_scoped3A : memref<!tpu.dma_semaphore, #tpu.memory_space<semaphore_mem>>)
        tpu.wait_dma2 semaphore(%run_scoped3A : memref<!tpu.dma_semaphore, #tpu.memory_space<semaphore_mem>>) src(%arg3 : memref<2x1024xi32, #tpu.memory_space<hbm>>) dst(%arg10 : memref<2x1024xi32, #tpu.memory_space<vmem>>)
        tpu.yield
      }) : () -> ()
      %mul3A = arith.constant 128 : i32
      %mul3A_2 = arith.muli %arg1, %mul3A : i32
      %add3A = arith.constant 0 : i32
      %add3A_3 = arith.addi %mul3A_2, %add3A : i32
      %get3A = arith.constant 0 : i32
      %get3A_4 = arith.index_cast %get3A : i32 to index
      %get3A_5 = arith.index_cast %add3A_3 : i32 to index
      %get3A_6 = tpu.vector_load %arg6[%get3A_4, %get3A_5] {strides = array<i32>} : memref<2x2048xi32, #tpu.memory_space<vmem>>, vector<1x16xi32>,
      %get3A_7 = vector.shape_cast %get3A_6 : vector<1x16xi32> to vector<16xi32>
      %get3A_8 = arith.constant 1 : i32
      %get3A_9 = arith.index_cast %get3A_8 : i32 to index
      %get3A_10 = arith.index_cast %add3A_3 : i32 to index
      %get3A_11 = tpu.vector_load %arg6[%get3A_9, %get3A_10] {strides = array<i32>} : memref<2x2048xi32, #tpu.memory_space<vmem>>, vector<1x16xi32>,
      %get3A_12 = vector.shape_cast %get3A_11 : vector<1x16xi32> to vector<16xi32>
      %mul3A_13 = arith.constant 64 : i32
      %mul3A_14 = vector.broadcast %mul3A_13 : i32 to vector<16xi32>
      %mul3A_15 = arith.muli %get3A_12, %mul3A_14 : vector<16xi32>
      %add3A_16 = arith.addi %mul3A_15, %get3A_7 : vector<16xi32>
      %swap3A = arith.constant 0 : index
      %swap3A_17 = tpu.vector_load %arg7[%swap3A] {strides = array<i32>} : memref<128xi32, #tpu.memory_space<vmem>>, vector<16xi32>,
      %swap3A_18 = vector.shape_cast %swap3A_17 : vector<16xi32> to vector<16xi32>
      %swap3A_19 = vector.shape_cast %add3A_16 : vector<16xi32> to vector<16xi32>
      tpu.vector_store %arg7[%swap3A], %swap3A_19 {strides = array<i32>} : memref<128xi32, #tpu.memory_space<vmem>>, vector<16xi32>,
      %broadcast_in_dim3A = arith.constant 1.000000e+00 : f32
      %broadcast_in_dim3A_20 = vector.broadcast %broadcast_in_dim3A : f32 to vector<16xf32>
      %swap3A_21 = arith.constant 0 : index
      %swap3A_22 = tpu.vector_load %arg8[%swap3A_21] {strides = array<i32>} : memref<128xf32, #tpu.memory_space<vmem>>, vector<16xf32>,
      %swap3A_23 = vector.shape_cast %swap3A_22 : vector<16xf32> to vector<16xf32>
      %swap3A_24 = vector.shape_cast %broadcast_in_dim3A_20 : vector<16xf32> to vector<16xf32>
      tpu.vector_store %arg8[%swap3A_21], %swap3A_24 {strides = array<i32>} : memref<128xf32, #tpu.memory_space<vmem>>, vector<16xf32>,
      %mul3A_25 = arith.constant 128 : i32
      %mul3A_26 = arith.muli %arg1, %mul3A_25 : i32
      %add3A_27 = arith.constant 16 : i32
      %add3A_28 = arith.addi %mul3A_26, %add3A_27 : i32
      %get3A_29 = arith.constant 0 : i32
      %get3A_30 = arith.index_cast %get3A_29 : i32 to index
      %get3A_31 = arith.index_cast %add3A_28 : i32 to index
      %get3A_32 = tpu.vector_load %arg6[%get3A_30, %get3A_31] {strides = array<i32>} : memref<2x2048xi32, #tpu.memory_space<vmem>>, vector<1x16xi32>,
      %get3A_33 = vector.shape_cast %get3A_32 : vector<1x16xi32> to vector<16xi32>
      %get3A_34 = arith.constant 1 : i32
      %get3A_35 = arith.index_cast %get3A_34 : i32 to index
      %get3A_36 = arith.index_cast %add3A_28 : i32 to index
      %get3A_37 = tpu.vector_load %arg6[%get3A_35, %get3A_36] {strides = array<i32>} : memref<2x2048xi32, #tpu.memory_space<vmem>>, vector<1x16xi32>,
      %get3A_38 = vector.shape_cast %get3A_37 : vector<1x16xi32> to vector<16xi32>
      %mul3A_39 = arith.constant 64 : i32
      %mul3A_40 = vector.broadcast %mul3A_39 : i32 to vector<16xi32>
      %mul3A_41 = arith.muli %get3A_38, %mul3A_40 : vector<16xi32>
      %add3A_42 = arith.addi %mul3A_41, %get3A_33 : vector<16xi32>
      %swap3A_43 = arith.constant 16 : index
      %swap3A_44 = tpu.vector_load %arg7[%swap3A_43] {strides = array<i32>} : memref<128xi32, #tpu.memory_space<vmem>>, vector<16xi32>,
      %swap3A_45 = vector.shape_cast %swap3A_44 : vector<16xi32> to vector<16xi32>
      %swap3A_46 = vector.shape_cast %add3A_42 : vector<16xi32> to vector<16xi32>
      tpu.vector_store %arg7[%swap3A_43], %swap3A_46 {strides = array<i32>} : memref<128xi32, #tpu.memory_space<vmem>>, vector<16xi32>,
      %broadcast_in_dim3A_47 = arith.constant 1.000000e+00 : f32
      %broadcast_in_dim3A_48 = vector.broadcast %broadcast_in_dim3A_47 : f32 to vector<16xf32>
      %swap3A_49 = arith.constant 16 : index
      %swap3A_50 = tpu.vector_load %arg8[%swap3A_49] {strides = array<i32>} : memref<128xf32, #tpu.memory_space<vmem>>, vector<16xf32>,
      %swap3A_51 = vector.shape_cast %swap3A_50 : vector<16xf32> to vector<16xf32>
      %swap3A_52 = vector.shape_cast %broadcast_in_dim3A_48 : vector<16xf32> to vector<16xf32>
      tpu.vector_store %arg8[%swap3A_49], %swap3A_52 {strides = array<i32>} : memref<128xf32, #tpu.memory_space<vmem>>, vector<16xf32>,
      %mul3A_53 = arith.constant 128 : i32
      %mul3A_54 = arith.muli %arg1, %mul3A_53 : i32
      %add3A_55 = arith.constant 32 : i32
      %add3A_56 = arith.addi %mul3A_54, %add3A_55 : i32
      %get3A_57 = arith.constant 0 : i32
      %get3A_58 = arith.index_cast %get3A_57 : i32 to index
      %get3A_59 = arith.index_cast %add3A_56 : i32 to index
      %get3A_60 = tpu.vector_load %arg6[%get3A_58, %get3A_59] {strides = array<i32>} : memref<2x2048xi32, #tpu.memory_space<vmem>>, vector<1x16xi32>,
      %get3A_61 = vector.shape_cast %get3A_60 : vector<1x16xi32> to vector<16xi32>
      %get3A_62 = arith.constant 1 : i32
      %get3A_63 = arith.index_cast %get3A_62 : i32 to index
      %get3A_64 = arith.index_cast %add3A_56 : i32 to index
      %get3A_65 = tpu.vector_load %arg6[%get3A_63, %get3A_64] {strides = array<i32>} : memref<2x2048xi32, #tpu.memory_space<vmem>>, vector<1x16xi32>,
      %get3A_66 = vector.shape_cast %get3A_65 : vector<1x16xi32> to vector<16xi32>
      %mul3A_67 = arith.constant 64 : i32
      %mul3A_68 = vector.broadcast %mul3A_67 : i32 to vector<16xi32>
      %mul3A_69 = arith.muli %get3A_66, %mul3A_68 : vector<16xi32>
      %add3A_70 = arith.addi %mul3A_69, %get3A_61 : vector<16xi32>
      %swap3A_71 = arith.constant 32 : index
      %swap3A_72 = tpu.vector_load %arg7[%swap3A_71] {strides = array<i32>} : memref<128xi32, #tpu.memory_space<vmem>>, vector<16xi32>,
      %swap3A_73 = vector.shape_cast %swap3A_72 : vector<16xi32> to vector<16xi32>
      %swap3A_74 = vector.shape_cast %add3A_70 : vector<16xi32> to vector<16xi32>
      tpu.vector_store %arg7[%swap3A_71], %swap3A_74 {strides = array<i32>} : memref<128xi32, #tpu.memory_space<vmem>>, vector<16xi32>,
      %broadcast_in_dim3A_75 = arith.constant 1.000000e+00 : f32
      %broadcast_in_dim3A_76 = vector.broadcast %broadcast_in_dim3A_75 : f32 to vector<16xf32>
      %swap3A_77 = arith.constant 32 : index
      %swap3A_78 = tpu.vector_load %arg8[%swap3A_77] {strides = array<i32>} : memref<128xf32, #tpu.memory_space<vmem>>, vector<16xf32>,
      %swap3A_79 = vector.shape_cast %swap3A_78 : vector<16xf32> to vector<16xf32>
      %swap3A_80 = vector.shape_cast %broadcast_in_dim3A_76 : vector<16xf32> to vector<16xf32>
      tpu.vector_store %arg8[%swap3A_77], %swap3A_80 {strides = array<i32>} : memref<128xf32, #tpu.memory_space<vmem>>, vector<16xf32>,
      %mul3A_81 = arith.constant 128 : i32
      %mul3A_82 = arith.muli %arg1, %mul3A_81 : i32
      %add3A_83 = arith.constant 48 : i32
      %add3A_84 = arith.addi %mul3A_82, %add3A_83 : i32
      %get3A_85 = arith.constant 0 : i32
      %get3A_86 = arith.index_cast %get3A_85 : i32 to index
      %get3A_87 = arith.index_cast %add3A_84 : i32 to index
      %get3A_88 = tpu.vector_load %arg6[%get3A_86, %get3A_87] {strides = array<i32>} : memref<2x2048xi32, #tpu.memory_space<vmem>>, vector<1x16xi32>,
      %get3A_89 = vector.shape_cast %get3A_88 : vector<1x16xi32> to vector<16xi32>
      %get3A_90 = arith.constant 1 : i32
      %get3A_91 = arith.index_cast %get3A_90 : i32 to index
      %get3A_92 = arith.index_cast %add3A_84 : i32 to index
      %get3A_93 = tpu.vector_load %arg6[%get3A_91, %get3A_92] {strides = array<i32>} : memref<2x2048xi32, #tpu.memory_space<vmem>>, vector<1x16xi32>,
      %get3A_94 = vector.shape_cast %get3A_93 : vector<1x16xi32> to vector<16xi32>
      %mul3A_95 = arith.constant 64 : i32
      %mul3A_96 = vector.broadcast %mul3A_95 : i32 to vector<16xi32>
      %mul3A_97 = arith.muli %get3A_94, %mul3A_96 : vector<16xi32>
      %add3A_98 = arith.addi %mul3A_97, %get3A_89 : vector<16xi32>
      %swap3A_99 = arith.constant 48 : index
      %swap3A_100 = tpu.vector_load %arg7[%swap3A_99] {strides = array<i32>} : memref<128xi32, #tpu.memory_space<vmem>>, vector<16xi32>,
      %swap3A_101 = vector.shape_cast %swap3A_100 : vector<16xi32> to vector<16xi32>
      %swap3A_102 = vector.shape_cast %add3A_98 : vector<16xi32> to vector<16xi32>
      tpu.vector_store %arg7[%swap3A_99], %swap3A_102 {strides = array<i32>} : memref<128xi32, #tpu.memory_space<vmem>>, vector<16xi32>,
      %broadcast_in_dim3A_103 = arith.constant 1.000000e+00 : f32
      %broadcast_in_dim3A_104 = vector.broadcast %broadcast_in_dim3A_103 : f32 to vector<16xf32>
      %swap3A_105 = arith.constant 48 : index
      %swap3A_106 = tpu.vector_load %arg8[%swap3A_105] {strides = array<i32>} : memref<128xf32, #tpu.memory_space<vmem>>, vector<16xf32>,
      %swap3A_107 = vector.shape_cast %swap3A_106 : vector<16xf32> to vector<16xf32>
      %swap3A_108 = vector.shape_cast %broadcast_in_dim3A_104 : vector<16xf32> to vector<16xf32>
      tpu.vector_store %arg8[%swap3A_105], %swap3A_108 {strides = array<i32>} : memref<128xf32, #tpu.memory_space<vmem>>, vector<16xf32>,
      %mul3A_109 = arith.constant 128 : i32
      %mul3A_110 = arith.muli %arg1, %mul3A_109 : i32
      %add3A_111 = arith.constant 64 : i32
      %add3A_112 = arith.addi %mul3A_110, %add3A_111 : i32
      %get3A_113 = arith.constant 0 : i32
      %get3A_114 = arith.index_cast %get3A_113 : i32 to index
      %get3A_115 = arith.index_cast %add3A_112 : i32 to index
      %get3A_116 = tpu.vector_load %arg6[%get3A_114, %get3A_115] {strides = array<i32>} : memref<2x2048xi32, #tpu.memory_space<vmem>>, vector<1x16xi32>,
      %get3A_117 = vector.shape_cast %get3A_116 : vector<1x16xi32> to vector<16xi32>
      %get3A_118 = arith.constant 1 : i32
      %get3A_119 = arith.index_cast %get3A_118 : i32 to index
      %get3A_120 = arith.index_cast %add3A_112 : i32 to index
      %get3A_121 = tpu.vector_load %arg6[%get3A_119, %get3A_120] {strides = array<i32>} : memref<2x2048xi32, #tpu.memory_space<vmem>>, vector<1x16xi32>,
      %get3A_122 = vector.shape_cast %get3A_121 : vector<1x16xi32> to vector<16xi32>
      %mul3A_123 = arith.constant 64 : i32
      %mul3A_124 = vector.broadcast %mul3A_123 : i32 to vector<16xi32>
      %mul3A_125 = arith.muli %get3A_122, %mul3A_124 : vector<16xi32>
      %add3A_126 = arith.addi %mul3A_125, %get3A_117 : vector<16xi32>
      %swap3A_127 = arith.constant 64 : index
      %swap3A_128 = tpu.vector_load %arg7[%swap3A_127] {strides = array<i32>} : memref<128xi32, #tpu.memory_space<vmem>>, vector<16xi32>,
      %swap3A_129 = vector.shape_cast %swap3A_128 : vector<16xi32> to vector<16xi32>
      %swap3A_130 = vector.shape_cast %add3A_126 : vector<16xi32> to vector<16xi32>
      tpu.vector_store %arg7[%swap3A_127], %swap3A_130 {strides = array<i32>} : memref<128xi32, #tpu.memory_space<vmem>>, vector<16xi32>,
      %broadcast_in_dim3A_131 = arith.constant 1.000000e+00 : f32
      %broadcast_in_dim3A_132 = vector.broadcast %broadcast_in_dim3A_131 : f32 to vector<16xf32>
      %swap3A_133 = arith.constant 64 : index
      %swap3A_134 = tpu.vector_load %arg8[%swap3A_133] {strides = array<i32>} : memref<128xf32, #tpu.memory_space<vmem>>, vector<16xf32>,
      %swap3A_135 = vector.shape_cast %swap3A_134 : vector<16xf32> to vector<16xf32>
      %swap3A_136 = vector.shape_cast %broadcast_in_dim3A_132 : vector<16xf32> to vector<16xf32>
      tpu.vector_store %arg8[%swap3A_133], %swap3A_136 {strides = array<i32>} : memref<128xf32, #tpu.memory_space<vmem>>, vector<16xf32>,
      %mul3A_137 = arith.constant 128 : i32
      %mul3A_138 = arith.muli %arg1, %mul3A_137 : i32
      %add3A_139 = arith.constant 80 : i32
      %add3A_140 = arith.addi %mul3A_138, %add3A_139 : i32
      %get3A_141 = arith.constant 0 : i32
      %get3A_142 = arith.index_cast %get3A_141 : i32 to index
      %get3A_143 = arith.index_cast %add3A_140 : i32 to index
      %get3A_144 = tpu.vector_load %arg6[%get3A_142, %get3A_143] {strides = array<i32>} : memref<2x2048xi32, #tpu.memory_space<vmem>>, vector<1x16xi32>,
      %get3A_145 = vector.shape_cast %get3A_144 : vector<1x16xi32> to vector<16xi32>
      %get3A_146 = arith.constant 1 : i32
      %get3A_147 = arith.index_cast %get3A_146 : i32 to index
      %get3A_148 = arith.index_cast %add3A_140 : i32 to index
      %get3A_149 = tpu.vector_load %arg6[%get3A_147, %get3A_148] {strides = array<i32>} : memref<2x2048xi32, #tpu.memory_space<vmem>>, vector<1x16xi32>,
      %get3A_150 = vector.shape_cast %get3A_149 : vector<1x16xi32> to vector<16xi32>
      %mul3A_151 = arith.constant 64 : i32
      %mul3A_152 = vector.broadcast %mul3A_151 : i32 to vector<16xi32>
      %mul3A_153 = arith.muli %get3A_150, %mul3A_152 : vector<16xi32>
      %add3A_154 = arith.addi %mul3A_153, %get3A_145 : vector<16xi32>
      %swap3A_155 = arith.constant 80 : index
      %swap3A_156 = tpu.vector_load %arg7[%swap3A_155] {strides = array<i32>} : memref<128xi32, #tpu.memory_space<vmem>>, vector<16xi32>,
      %swap3A_157 = vector.shape_cast %swap3A_156 : vector<16xi32> to vector<16xi32>
      %swap3A_158 = vector.shape_cast %add3A_154 : vector<16xi32> to vector<16xi32>
      tpu.vector_store %arg7[%swap3A_155], %swap3A_158 {strides = array<i32>} : memref<128xi32, #tpu.memory_space<vmem>>, vector<16xi32>,
      %broadcast_in_dim3A_159 = arith.constant 1.000000e+00 : f32
      %broadcast_in_dim3A_160 = vector.broadcast %broadcast_in_dim3A_159 : f32 to vector<16xf32>
      %swap3A_161 = arith.constant 80 : index
      %swap3A_162 = tpu.vector_load %arg8[%swap3A_161] {strides = array<i32>} : memref<128xf32, #tpu.memory_space<vmem>>, vector<16xf32>,
      %swap3A_163 = vector.shape_cast %swap3A_162 : vector<16xf32> to vector<16xf32>
      %swap3A_164 = vector.shape_cast %broadcast_in_dim3A_160 : vector<16xf32> to vector<16xf32>
      tpu.vector_store %arg8[%swap3A_161], %swap3A_164 {strides = array<i32>} : memref<128xf32, #tpu.memory_space<vmem>>, vector<16xf32>,
      %mul3A_165 = arith.constant 128 : i32
      %mul3A_166 = arith.muli %arg1, %mul3A_165 : i32
      %add3A_167 = arith.constant 96 : i32
      %add3A_168 = arith.addi %mul3A_166, %add3A_167 : i32
      %get3A_169 = arith.constant 0 : i32
      %get3A_170 = arith.index_cast %get3A_169 : i32 to index
      %get3A_171 = arith.index_cast %add3A_168 : i32 to index
      %get3A_172 = tpu.vector_load %arg6[%get3A_170, %get3A_171] {strides = array<i32>} : memref<2x2048xi32, #tpu.memory_space<vmem>>, vector<1x16xi32>,
      %get3A_173 = vector.shape_cast %get3A_172 : vector<1x16xi32> to vector<16xi32>
      %get3A_174 = arith.constant 1 : i32
      %get3A_175 = arith.index_cast %get3A_174 : i32 to index
      %get3A_176 = arith.index_cast %add3A_168 : i32 to index
      %get3A_177 = tpu.vector_load %arg6[%get3A_175, %get3A_176] {strides = array<i32>} : memref<2x2048xi32, #tpu.memory_space<vmem>>, vector<1x16xi32>,
      %get3A_178 = vector.shape_cast %get3A_177 : vector<1x16xi32> to vector<16xi32>
      %mul3A_179 = arith.constant 64 : i32
      %mul3A_180 = vector.broadcast %mul3A_179 : i32 to vector<16xi32>
      %mul3A_181 = arith.muli %get3A_178, %mul3A_180 : vector<16xi32>
      %add3A_182 = arith.addi %mul3A_181, %get3A_173 : vector<16xi32>
      %swap3A_183 = arith.constant 96 : index
      %swap3A_184 = tpu.vector_load %arg7[%swap3A_183] {strides = array<i32>} : memref<128xi32, #tpu.memory_space<vmem>>, vector<16xi32>,
      %swap3A_185 = vector.shape_cast %swap3A_184 : vector<16xi32> to vector<16xi32>
      %swap3A_186 = vector.shape_cast %add3A_182 : vector<16xi32> to vector<16xi32>
      tpu.vector_store %arg7[%swap3A_183], %swap3A_186 {strides = array<i32>} : memref<128xi32, #tpu.memory_space<vmem>>, vector<16xi32>,
      %broadcast_in_dim3A_187 = arith.constant 1.000000e+00 : f32
      %broadcast_in_dim3A_188 = vector.broadcast %broadcast_in_dim3A_187 : f32 to vector<16xf32>
      %swap3A_189 = arith.constant 96 : index
      %swap3A_190 = tpu.vector_load %arg8[%swap3A_189] {strides = array<i32>} : memref<128xf32, #tpu.memory_space<vmem>>, vector<16xf32>,
      %swap3A_191 = vector.shape_cast %swap3A_190 : vector<16xf32> to vector<16xf32>
      %swap3A_192 = vector.shape_cast %broadcast_in_dim3A_188 : vector<16xf32> to vector<16xf32>
      tpu.vector_store %arg8[%swap3A_189], %swap3A_192 {strides = array<i32>} : memref<128xf32, #tpu.memory_space<vmem>>, vector<16xf32>,
      %mul3A_193 = arith.constant 128 : i32
      %mul3A_194 = arith.muli %arg1, %mul3A_193 : i32
      %add3A_195 = arith.constant 112 : i32
      %add3A_196 = arith.addi %mul3A_194, %add3A_195 : i32
      %get3A_197 = arith.constant 0 : i32
      %get3A_198 = arith.index_cast %get3A_197 : i32 to index
      %get3A_199 = arith.index_cast %add3A_196 : i32 to index
      %get3A_200 = tpu.vector_load %arg6[%get3A_198, %get3A_199] {strides = array<i32>} : memref<2x2048xi32, #tpu.memory_space<vmem>>, vector<1x16xi32>,
      %get3A_201 = vector.shape_cast %get3A_200 : vector<1x16xi32> to vector<16xi32>
      %get3A_202 = arith.constant 1 : i32
      %get3A_203 = arith.index_cast %get3A_202 : i32 to index
      %get3A_204 = arith.index_cast %add3A_196 : i32 to index
      %get3A_205 = tpu.vector_load %arg6[%get3A_203, %get3A_204] {strides = array<i32>} : memref<2x2048xi32, #tpu.memory_space<vmem>>, vector<1x16xi32>,
      %get3A_206 = vector.shape_cast %get3A_205 : vector<1x16xi32> to vector<16xi32>
      %mul3A_207 = arith.constant 64 : i32
      %mul3A_208 = vector.broadcast %mul3A_207 : i32 to vector<16xi32>
      %mul3A_209 = arith.muli %get3A_206, %mul3A_208 : vector<16xi32>
      %add3A_210 = arith.addi %mul3A_209, %get3A_201 : vector<16xi32>
      %swap3A_211 = arith.constant 112 : index
      %swap3A_212 = tpu.vector_load %arg7[%swap3A_211] {strides = array<i32>} : memref<128xi32, #tpu.memory_space<vmem>>, vector<16xi32>,
      %swap3A_213 = vector.shape_cast %swap3A_212 : vector<16xi32> to vector<16xi32>
      %swap3A_214 = vector.shape_cast %add3A_210 : vector<16xi32> to vector<16xi32>
      tpu.vector_store %arg7[%swap3A_211], %swap3A_214 {strides = array<i32>} : memref<128xi32, #tpu.memory_space<vmem>>, vector<16xi32>,
      %broadcast_in_dim3A_215 = arith.constant 1.000000e+00 : f32
      %broadcast_in_dim3A_216 = vector.broadcast %broadcast_in_dim3A_215 : f32 to vector<16xf32>
      %swap3A_217 = arith.constant 112 : index
      %swap3A_218 = tpu.vector_load %arg8[%swap3A_217] {strides = array<i32>} : memref<128xf32, #tpu.memory_space<vmem>>, vector<16xf32>,
      %swap3A_219 = vector.shape_cast %swap3A_218 : vector<16xf32> to vector<16xf32>
      %swap3A_220 = vector.shape_cast %broadcast_in_dim3A_216 : vector<16xf32> to vector<16xf32>
      tpu.vector_store %arg8[%swap3A_217], %swap3A_220 {strides = array<i32>} : memref<128xf32, #tpu.memory_space<vmem>>, vector<16xf32>,
      %mul3A_221 = arith.constant 64 : i32
      %mul3A_222 = arith.muli %arg1, %mul3A_221 : i32
      %add3A_223 = arith.constant 0 : i32
      %add3A_224 = arith.addi %mul3A_222, %add3A_223 : i32
      %get3A_225 = arith.constant 0 : i32
      %get3A_226 = arith.index_cast %get3A_225 : i32 to index
      %get3A_227 = arith.index_cast %add3A_224 : i32 to index
      %get3A_228 = tpu.vector_load %arg10[%get3A_226, %get3A_227] {strides = array<i32>} : memref<2x1024xi32, #tpu.memory_space<vmem>>, vector<1x16xi32>,
      %get3A_229 = vector.shape_cast %get3A_228 : vector<1x16xi32> to vector<16xi32>
      %get3A_230 = arith.constant 1 : i32
      %get3A_231 = arith.index_cast %get3A_230 : i32 to index
      %get3A_232 = arith.index_cast %add3A_224 : i32 to index
      %get3A_233 = tpu.vector_load %arg10[%get3A_231, %get3A_232] {strides = array<i32>} : memref<2x1024xi32, #tpu.memory_space<vmem>>, vector<1x16xi32>,
      %get3A_234 = vector.shape_cast %get3A_233 : vector<1x16xi32> to vector<16xi32>
      %mul3A_235 = arith.constant 36 : i32
      %mul3A_236 = vector.broadcast %mul3A_235 : i32 to vector<16xi32>
      %mul3A_237 = arith.muli %get3A_234, %mul3A_236 : vector<16xi32>
      %add3A_238 = arith.addi %mul3A_237, %get3A_229 : vector<16xi32>
      %swap3A_239 = arith.constant 0 : index
      %swap3A_240 = tpu.vector_load %arg11[%swap3A_239] {strides = array<i32>} : memref<64xi32, #tpu.memory_space<vmem>>, vector<16xi32>,
      %swap3A_241 = vector.shape_cast %swap3A_240 : vector<16xi32> to vector<16xi32>
      %swap3A_242 = vector.shape_cast %add3A_238 : vector<16xi32> to vector<16xi32>
      tpu.vector_store %arg11[%swap3A_239], %swap3A_242 {strides = array<i32>} : memref<64xi32, #tpu.memory_space<vmem>>, vector<16xi32>,
      %broadcast_in_dim3A_243 = arith.constant 1.000000e+00 : f32
      %broadcast_in_dim3A_244 = vector.broadcast %broadcast_in_dim3A_243 : f32 to vector<16xf32>
      %swap3A_245 = arith.constant 0 : index
      %swap3A_246 = tpu.vector_load %arg12[%swap3A_245] {strides = array<i32>} : memref<64xf32, #tpu.memory_space<vmem>>, vector<16xf32>,
      %swap3A_247 = vector.shape_cast %swap3A_246 : vector<16xf32> to vector<16xf32>
      %swap3A_248 = vector.shape_cast %broadcast_in_dim3A_244 : vector<16xf32> to vector<16xf32>
      tpu.vector_store %arg12[%swap3A_245], %swap3A_248 {strides = array<i32>} : memref<64xf32, #tpu.memory_space<vmem>>, vector<16xf32>,
      %mul3A_249 = arith.constant 64 : i32
      %mul3A_250 = arith.muli %arg1, %mul3A_249 : i32
      %add3A_251 = arith.constant 16 : i32
      %add3A_252 = arith.addi %mul3A_250, %add3A_251 : i32
      %get3A_253 = arith.constant 0 : i32
      %get3A_254 = arith.index_cast %get3A_253 : i32 to index
      %get3A_255 = arith.index_cast %add3A_252 : i32 to index
      %get3A_256 = tpu.vector_load %arg10[%get3A_254, %get3A_255] {strides = array<i32>} : memref<2x1024xi32, #tpu.memory_space<vmem>>, vector<1x16xi32>,
      %get3A_257 = vector.shape_cast %get3A_256 : vector<1x16xi32> to vector<16xi32>
      %get3A_258 = arith.constant 1 : i32
      %get3A_259 = arith.index_cast %get3A_258 : i32 to index
      %get3A_260 = arith.index_cast %add3A_252 : i32 to index
      %get3A_261 = tpu.vector_load %arg10[%get3A_259, %get3A_260] {strides = array<i32>} : memref<2x1024xi32, #tpu.memory_space<vmem>>, vector<1x16xi32>,
      %get3A_262 = vector.shape_cast %get3A_261 : vector<1x16xi32> to vector<16xi32>
      %mul3A_263 = arith.constant 36 : i32
      %mul3A_264 = vector.broadcast %mul3A_263 : i32 to vector<16xi32>
      %mul3A_265 = arith.muli %get3A_262, %mul3A_264 : vector<16xi32>
      %add3A_266 = arith.addi %mul3A_265, %get3A_257 : vector<16xi32>
      %swap3A_267 = arith.constant 16 : index
      %swap3A_268 = tpu.vector_load %arg11[%swap3A_267] {strides = array<i32>} : memref<64xi32, #tpu.memory_space<vmem>>, vector<16xi32>,
      %swap3A_269 = vector.shape_cast %swap3A_268 : vector<16xi32> to vector<16xi32>
      %swap3A_270 = vector.shape_cast %add3A_266 : vector<16xi32> to vector<16xi32>
      tpu.vector_store %arg11[%swap3A_267], %swap3A_270 {strides = array<i32>} : memref<64xi32, #tpu.memory_space<vmem>>, vector<16xi32>,
      %broadcast_in_dim3A_271 = arith.constant 1.000000e+00 : f32
      %broadcast_in_dim3A_272 = vector.broadcast %broadcast_in_dim3A_271 : f32 to vector<16xf32>
      %swap3A_273 = arith.constant 16 : index
      %swap3A_274 = tpu.vector_load %arg12[%swap3A_273] {strides = array<i32>} : memref<64xf32, #tpu.memory_space<vmem>>, vector<16xf32>,
      %swap3A_275 = vector.shape_cast %swap3A_274 : vector<16xf32> to vector<16xf32>
      %swap3A_276 = vector.shape_cast %broadcast_in_dim3A_272 : vector<16xf32> to vector<16xf32>
      tpu.vector_store %arg12[%swap3A_273], %swap3A_276 {strides = array<i32>} : memref<64xf32, #tpu.memory_space<vmem>>, vector<16xf32>,
      %mul3A_277 = arith.constant 64 : i32
      %mul3A_278 = arith.muli %arg1, %mul3A_277 : i32
      %add3A_279 = arith.constant 32 : i32
      %add3A_280 = arith.addi %mul3A_278, %add3A_279 : i32
      %get3A_281 = arith.constant 0 : i32
      %get3A_282 = arith.index_cast %get3A_281 : i32 to index
      %get3A_283 = arith.index_cast %add3A_280 : i32 to index
      %get3A_284 = tpu.vector_load %arg10[%get3A_282, %get3A_283] {strides = array<i32>} : memref<2x1024xi32, #tpu.memory_space<vmem>>, vector<1x16xi32>,
      %get3A_285 = vector.shape_cast %get3A_284 : vector<1x16xi32> to vector<16xi32>
      %get3A_286 = arith.constant 1 : i32
      %get3A_287 = arith.index_cast %get3A_286 : i32 to index
      %get3A_288 = arith.index_cast %add3A_280 : i32 to index
      %get3A_289 = tpu.vector_load %arg10[%get3A_287, %get3A_288] {strides = array<i32>} : memref<2x1024xi32, #tpu.memory_space<vmem>>, vector<1x16xi32>,
      %get3A_290 = vector.shape_cast %get3A_289 : vector<1x16xi32> to vector<16xi32>
      %mul3A_291 = arith.constant 36 : i32
      %mul3A_292 = vector.broadcast %mul3A_291 : i32 to vector<16xi32>
      %mul3A_293 = arith.muli %get3A_290, %mul3A_292 : vector<16xi32>
      %add3A_294 = arith.addi %mul3A_293, %get3A_285 : vector<16xi32>
      %swap3A_295 = arith.constant 32 : index
      %swap3A_296 = tpu.vector_load %arg11[%swap3A_295] {strides = array<i32>} : memref<64xi32, #tpu.memory_space<vmem>>, vector<16xi32>,
      %swap3A_297 = vector.shape_cast %swap3A_296 : vector<16xi32> to vector<16xi32>
      %swap3A_298 = vector.shape_cast %add3A_294 : vector<16xi32> to vector<16xi32>
      tpu.vector_store %arg11[%swap3A_295], %swap3A_298 {strides = array<i32>} : memref<64xi32, #tpu.memory_space<vmem>>, vector<16xi32>,
      %broadcast_in_dim3A_299 = arith.constant 1.000000e+00 : f32
      %broadcast_in_dim3A_300 = vector.broadcast %broadcast_in_dim3A_299 : f32 to vector<16xf32>
      %swap3A_301 = arith.constant 32 : index
      %swap3A_302 = tpu.vector_load %arg12[%swap3A_301] {strides = array<i32>} : memref<64xf32, #tpu.memory_space<vmem>>, vector<16xf32>,
      %swap3A_303 = vector.shape_cast %swap3A_302 : vector<16xf32> to vector<16xf32>
      %swap3A_304 = vector.shape_cast %broadcast_in_dim3A_300 : vector<16xf32> to vector<16xf32>
      tpu.vector_store %arg12[%swap3A_301], %swap3A_304 {strides = array<i32>} : memref<64xf32, #tpu.memory_space<vmem>>, vector<16xf32>,
      %mul3A_305 = arith.constant 64 : i32
      %mul3A_306 = arith.muli %arg1, %mul3A_305 : i32
      %add3A_307 = arith.constant 48 : i32
      %add3A_308 = arith.addi %mul3A_306, %add3A_307 : i32
      %get3A_309 = arith.constant 0 : i32
      %get3A_310 = arith.index_cast %get3A_309 : i32 to index
      %get3A_311 = arith.index_cast %add3A_308 : i32 to index
      %get3A_312 = tpu.vector_load %arg10[%get3A_310, %get3A_311] {strides = array<i32>} : memref<2x1024xi32, #tpu.memory_space<vmem>>, vector<1x16xi32>,
      %get3A_313 = vector.shape_cast %get3A_312 : vector<1x16xi32> to vector<16xi32>
      %get3A_314 = arith.constant 1 : i32
      %get3A_315 = arith.index_cast %get3A_314 : i32 to index
      %get3A_316 = arith.index_cast %add3A_308 : i32 to index
      %get3A_317 = tpu.vector_load %arg10[%get3A_315, %get3A_316] {strides = array<i32>} : memref<2x1024xi32, #tpu.memory_space<vmem>>, vector<1x16xi32>,
      %get3A_318 = vector.shape_cast %get3A_317 : vector<1x16xi32> to vector<16xi32>
      %mul3A_319 = arith.constant 36 : i32
      %mul3A_320 = vector.broadcast %mul3A_319 : i32 to vector<16xi32>
      %mul3A_321 = arith.muli %get3A_318, %mul3A_320 : vector<16xi32>
      %add3A_322 = arith.addi %mul3A_321, %get3A_313 : vector<16xi32>
      %swap3A_323 = arith.constant 48 : index
      %swap3A_324 = tpu.vector_load %arg11[%swap3A_323] {strides = array<i32>} : memref<64xi32, #tpu.memory_space<vmem>>, vector<16xi32>,
      %swap3A_325 = vector.shape_cast %swap3A_324 : vector<16xi32> to vector<16xi32>
      %swap3A_326 = vector.shape_cast %add3A_322 : vector<16xi32> to vector<16xi32>
      tpu.vector_store %arg11[%swap3A_323], %swap3A_326 {strides = array<i32>} : memref<64xi32, #tpu.memory_space<vmem>>, vector<16xi32>,
      %broadcast_in_dim3A_327 = arith.constant 1.000000e+00 : f32
      %broadcast_in_dim3A_328 = vector.broadcast %broadcast_in_dim3A_327 : f32 to vector<16xf32>
      %swap3A_329 = arith.constant 48 : index
      %swap3A_330 = tpu.vector_load %arg12[%swap3A_329] {strides = array<i32>} : memref<64xf32, #tpu.memory_space<vmem>>, vector<16xf32>,
      %swap3A_331 = vector.shape_cast %swap3A_330 : vector<16xf32> to vector<16xf32>
      %swap3A_332 = vector.shape_cast %broadcast_in_dim3A_328 : vector<16xf32> to vector<16xf32>
      tpu.vector_store %arg12[%swap3A_329], %swap3A_332 {strides = array<i32>} : memref<64xf32, #tpu.memory_space<vmem>>, vector<16xf32>,
      %eq3A_333 = arith.constant 0 : i32
      %eq3A_334 = arith.cmpi eq, %arg1, %eq3A_333 : i32
      %convert_element_type3A_335 = arith.extui %eq3A_334 : i1 to i32
      %cond3A_336 = arith.constant 0 : i32
      %cond3A_337 = arith.cmpi ne, %convert_element_type3A_335, %cond3A_336 : i32
      scf.if %cond3A_337 {
        %broadcast_in_dim3A_344 = arith.constant 0.000000e+00 : f32
        %broadcast_in_dim3A_345 = vector.broadcast %broadcast_in_dim3A_344 : f32 to vector<16xf32>
        %swap3A_346 = arith.constant 0 : index
        %swap3A_347 = tpu.vector_load %arg9[%swap3A_346] {strides = array<i32>} : memref<4096xf32, #tpu.memory_space<vmem>>, vector<16xf32>,
        %swap3A_348 = vector.shape_cast %swap3A_347 : vector<16xf32> to vector<16xf32>
        %swap3A_349 = vector.shape_cast %broadcast_in_dim3A_345 : vector<16xf32> to vector<16xf32>
        tpu.vector_store %arg9[%swap3A_346], %swap3A_349 {strides = array<i32>} : memref<4096xf32, #tpu.memory_space<vmem>>, vector<16xf32>,
        %broadcast_in_dim3A_350 = arith.constant 0.000000e+00 : f32
        %broadcast_in_dim3A_351 = vector.broadcast %broadcast_in_dim3A_350 : f32 to vector<16xf32>
        %swap3A_352 = arith.constant 16 : index
        %swap3A_353 = tpu.vector_load %arg9[%swap3A_352] {strides = array<i32>} : memref<4096xf32, #tpu.memory_space<vmem>>, vector<16xf32>,
        %swap3A_354 = vector.shape_cast %swap3A_353 : vector<16xf32> to vector<16xf32>
        %swap3A_355 = vector.shape_cast %broadcast_in_dim3A_351 : vector<16xf32> to vector<16xf32>
        tpu.vector_store %arg9[%swap3A_352], %swap3A_355 {strides = array<i32>} : memref<4096xf32, #tpu.memory_space<vmem>>, vector<16xf32>,
        %broadcast_in_dim3A_356 = arith.constant 0.000000e+00 : f32
        %broadcast_in_dim3A_357 = vector.broadcast %broadcast_in_dim3A_356 : f32 to vector<16xf32>
        %swap3A_358 = arith.constant 32 : index
        %swap3A_359 = tpu.vector_load %arg9[%swap3A_358] {strides = array<i32>} : memref<4096xf32, #tpu.memory_space<vmem>>, vector<16xf32>,
        %swap3A_360 = vector.shape_cast %swap3A_359 : vector<16xf32> to vector<16xf32>
        %swap3A_361 = vector.shape_cast %broadcast_in_dim3A_357 : vector<16xf32> to vector<16xf32>
        tpu.vector_store %arg9[%swap3A_358], %swap3A_361 {strides = array<i32>} : memref<4096xf32, #tpu.memory_space<vmem>>, vector<16xf32>,
        %broadcast_in_dim3A_362 = arith.constant 0.000000e+00 : f32
        %broadcast_in_dim3A_363 = vector.broadcast %broadcast_in_dim3A_362 : f32 to vector<16xf32>
        %swap3A_364 = arith.constant 48 : index
        %swap3A_365 = tpu.vector_load %arg9[%swap3A_364] {strides = array<i32>} : memref<4096xf32, #tpu.memory_space<vmem>>, vector<16xf32>,
        %swap3A_366 = vector.shape_cast %swap3A_365 : vector<16xf32> to vector<16xf32>
        %swap3A_367 = vector.shape_cast %broadcast_in_dim3A_363 : vector<16xf32> to vector<16xf32>
        tpu.vector_store %arg9[%swap3A_364], %swap3A_367 {strides = array<i32>} : memref<4096xf32, #tpu.memory_space<vmem>>, vector<16xf32>,
        %broadcast_in_dim3A_368 = arith.constant 0.000000e+00 : f32
        %broadcast_in_dim3A_369 = vector.broadcast %broadcast_in_dim3A_368 : f32 to vector<16xf32>
        %swap3A_370 = arith.constant 64 : index
        %swap3A_371 = tpu.vector_load %arg9[%swap3A_370] {strides = array<i32>} : memref<4096xf32, #tpu.memory_space<vmem>>, vector<16xf32>,
        %swap3A_372 = vector.shape_cast %swap3A_371 : vector<16xf32> to vector<16xf32>
        %swap3A_373 = vector.shape_cast %broadcast_in_dim3A_369 : vector<16xf32> to vector<16xf32>
        tpu.vector_store %arg9[%swap3A_370], %swap3A_373 {strides = array<i32>} : memref<4096xf32, #tpu.memory_space<vmem>>, vector<16xf32>,
        %broadcast_in_dim3A_374 = arith.constant 0.000000e+00 : f32
        %broadcast_in_dim3A_375 = vector.broadcast %broadcast_in_dim3A_374 : f32 to vector<16xf32>
        %swap3A_376 = arith.constant 80 : index
        %swap3A_377 = tpu.vector_load %arg9[%swap3A_376] {strides = array<i32>} : memref<4096xf32, #tpu.memory_space<vmem>>, vector<16xf32>,
        %swap3A_378 = vector.shape_cast %swap3A_377 : vector<16xf32> to vector<16xf32>
        %swap3A_379 = vector.shape_cast %broadcast_in_dim3A_375 : vector<16xf32> to vector<16xf32>
        tpu.vector_store %arg9[%swap3A_376], %swap3A_379 {strides = array<i32>} : memref<4096xf32, #tpu.memory_space<vmem>>, vector<16xf32>,
        %broadcast_in_dim3A_380 = arith.constant 0.000000e+00 : f32
        %broadcast_in_dim3A_381 = vector.broadcast %broadcast_in_dim3A_380 : f32 to vector<16xf32>
        %swap3A_382 = arith.constant 96 : index
        %swap3A_383 = tpu.vector_load %arg9[%swap3A_382] {strides = array<i32>} : memref<4096xf32, #tpu.memory_space<vmem>>, vector<16xf32>,
        %swap3A_384 = vector.shape_cast %swap3A_383 : vector<16xf32> to vector<16xf32>
        %swap3A_385 = vector.shape_cast %broadcast_in_dim3A_381 : vector<16xf32> to vector<16xf32>
        tpu.vector_store %arg9[%swap3A_382], %swap3A_385 {strides = array<i32>} : memref<4096xf32, #tpu.memory_space<vmem>>, vector<16xf32>,
        %broadcast_in_dim3A_386 = arith.constant 0.000000e+00 : f32
        %broadcast_in_dim3A_387 = vector.broadcast %broadcast_in_dim3A_386 : f32 to vector<16xf32>
        %swap3A_388 = arith.constant 112 : index
        %swap3A_389 = tpu.vector_load %arg9[%swap3A_388] {strides = array<i32>} : memref<4096xf32, #tpu.memory_space<vmem>>, vector<16xf32>,
        %swap3A_390 = vector.shape_cast %swap3A_389 : vector<16xf32> to vector<16xf32>
        %swap3A_391 = vector.shape_cast %broadcast_in_dim3A_387 : vector<16xf32> to vector<16xf32>
        tpu.vector_store %arg9[%swap3A_388], %swap3A_391 {strides = array<i32>} : memref<4096xf32, #tpu.memory_space<vmem>>, vector<16xf32>,
        %broadcast_in_dim3A_392 = arith.constant 0.000000e+00 : f32
        %broadcast_in_dim3A_393 = vector.broadcast %broadcast_in_dim3A_392 : f32 to vector<16xf32>
        %swap3A_394 = arith.constant 128 : index
        %swap3A_395 = tpu.vector_load %arg9[%swap3A_394] {strides = array<i32>} : memref<4096xf32, #tpu.memory_space<vmem>>, vector<16xf32>,
        %swap3A_396 = vector.shape_cast %swap3A_395 : vector<16xf32> to vector<16xf32>
        %swap3A_397 = vector.shape_cast %broadcast_in_dim3A_393 : vector<16xf32> to vector<16xf32>
        tpu.vector_store %arg9[%swap3A_394], %swap3A_397 {strides = array<i32>} : memref<4096xf32, #tpu.memory_space<vmem>>, vector<16xf32>,
        %broadcast_in_dim3A_398 = arith.constant 0.000000e+00 : f32
        %broadcast_in_dim3A_399 = vector.broadcast %broadcast_in_dim3A_398 : f32 to vector<16xf32>
        %swap3A_400 = arith.constant 144 : index
        %swap3A_401 = tpu.vector_load %arg9[%swap3A_400] {strides = array<i32>} : memref<4096xf32, #tpu.memory_space<vmem>>, vector<16xf32>,
        %swap3A_402 = vector.shape_cast %swap3A_401 : vector<16xf32> to vector<16xf32>
        %swap3A_403 = vector.shape_cast %broadcast_in_dim3A_399 : vector<16xf32> to vector<16xf32>
        tpu.vector_store %arg9[%swap3A_400], %swap3A_403 {strides = array<i32>} : memref<4096xf32, #tpu.memory_space<vmem>>, vector<16xf32>,
        %broadcast_in_dim3A_404 = arith.constant 0.000000e+00 : f32
        %broadcast_in_dim3A_405 = vector.broadcast %broadcast_in_dim3A_404 : f32 to vector<16xf32>
        %swap3A_406 = arith.constant 160 : index
        %swap3A_407 = tpu.vector_load %arg9[%swap3A_406] {strides = array<i32>} : memref<4096xf32, #tpu.memory_space<vmem>>, vector<16xf32>,
        %swap3A_408 = vector.shape_cast %swap3A_407 : vector<16xf32> to vector<16xf32>
        %swap3A_409 = vector.shape_cast %broadcast_in_dim3A_405 : vector<16xf32> to vector<16xf32>
        tpu.vector_store %arg9[%swap3A_406], %swap3A_409 {strides = array<i32>} : memref<4096xf32, #tpu.memory_space<vmem>>, vector<16xf32>,
        %broadcast_in_dim3A_410 = arith.constant 0.000000e+00 : f32
        %broadcast_in_dim3A_411 = vector.broadcast %broadcast_in_dim3A_410 : f32 to vector<16xf32>
        %swap3A_412 = arith.constant 176 : index
        %swap3A_413 = tpu.vector_load %arg9[%swap3A_412] {strides = array<i32>} : memref<4096xf32, #tpu.memory_space<vmem>>, vector<16xf32>,
        %swap3A_414 = vector.shape_cast %swap3A_413 : vector<16xf32> to vector<16xf32>
        %swap3A_415 = vector.shape_cast %broadcast_in_dim3A_411 : vector<16xf32> to vector<16xf32>
        tpu.vector_store %arg9[%swap3A_412], %swap3A_415 {strides = array<i32>} : memref<4096xf32, #tpu.memory_space<vmem>>, vector<16xf32>,
        %broadcast_in_dim3A_416 = arith.constant 0.000000e+00 : f32
        %broadcast_in_dim3A_417 = vector.broadcast %broadcast_in_dim3A_416 : f32 to vector<16xf32>
        %swap3A_418 = arith.constant 192 : index
        %swap3A_419 = tpu.vector_load %arg9[%swap3A_418] {strides = array<i32>} : memref<4096xf32, #tpu.memory_space<vmem>>, vector<16xf32>,
        %swap3A_420 = vector.shape_cast %swap3A_419 : vector<16xf32> to vector<16xf32>
        %swap3A_421 = vector.shape_cast %broadcast_in_dim3A_417 : vector<16xf32> to vector<16xf32>
        tpu.vector_store %arg9[%swap3A_418], %swap3A_421 {strides = array<i32>} : memref<4096xf32, #tpu.memory_space<vmem>>, vector<16xf32>,
        %broadcast_in_dim3A_422 = arith.constant 0.000000e+00 : f32
        %broadcast_in_dim3A_423 = vector.broadcast %broadcast_in_dim3A_422 : f32 to vector<16xf32>
        %swap3A_424 = arith.constant 208 : index
        %swap3A_425 = tpu.vector_load %arg9[%swap3A_424] {strides = array<i32>} : memref<4096xf32, #tpu.memory_space<vmem>>, vector<16xf32>,
        %swap3A_426 = vector.shape_cast %swap3A_425 : vector<16xf32> to vector<16xf32>
        %swap3A_427 = vector.shape_cast %broadcast_in_dim3A_423 : vector<16xf32> to vector<16xf32>
        tpu.vector_store %arg9[%swap3A_424], %swap3A_427 {strides = array<i32>} : memref<4096xf32, #tpu.memory_space<vmem>>, vector<16xf32>,
        %broadcast_in_dim3A_428 = arith.constant 0.000000e+00 : f32
        %broadcast_in_dim3A_429 = vector.broadcast %broadcast_in_dim3A_428 : f32 to vector<16xf32>
        %swap3A_430 = arith.constant 224 : index
        %swap3A_431 = tpu.vector_load %arg9[%swap3A_430] {strides = array<i32>} : memref<4096xf32, #tpu.memory_space<vmem>>, vector<16xf32>,
        %swap3A_432 = vector.shape_cast %swap3A_431 : vector<16xf32> to vector<16xf32>
        %swap3A_433 = vector.shape_cast %broadcast_in_dim3A_429 : vector<16xf32> to vector<16xf32>
        tpu.vector_store %arg9[%swap3A_430], %swap3A_433 {strides = array<i32>} : memref<4096xf32, #tpu.memory_space<vmem>>, vector<16xf32>,
        %broadcast_in_dim3A_434 = arith.constant 0.000000e+00 : f32
        %broadcast_in_dim3A_435 = vector.broadcast %broadcast_in_dim3A_434 : f32 to vector<16xf32>
        %swap3A_436 = arith.constant 240 : index
        %swap3A_437 = tpu.vector_load %arg9[%swap3A_436] {strides = array<i32>} : memref<4096xf32, #tpu.memory_space<vmem>>, vector<16xf32>,
        %swap3A_438 = vector.shape_cast %swap3A_437 : vector<16xf32> to vector<16xf32>
        %swap3A_439 = vector.shape_cast %broadcast_in_dim3A_435 : vector<16xf32> to vector<16xf32>
        tpu.vector_store %arg9[%swap3A_436], %swap3A_439 {strides = array<i32>} : memref<4096xf32, #tpu.memory_space<vmem>>, vector<16xf32>,
        %broadcast_in_dim3A_440 = arith.constant 0.000000e+00 : f32
        %broadcast_in_dim3A_441 = vector.broadcast %broadcast_in_dim3A_440 : f32 to vector<16xf32>
        %swap3A_442 = arith.constant 256 : index
        %swap3A_443 = tpu.vector_load %arg9[%swap3A_442] {strides = array<i32>} : memref<4096xf32, #tpu.memory_space<vmem>>, vector<16xf32>,
        %swap3A_444 = vector.shape_cast %swap3A_443 : vector<16xf32> to vector<16xf32>
        %swap3A_445 = vector.shape_cast %broadcast_in_dim3A_441 : vector<16xf32> to vector<16xf32>
        tpu.vector_store %arg9[%swap3A_442], %swap3A_445 {strides = array<i32>} : memref<4096xf32, #tpu.memory_space<vmem>>, vector<16xf32>,
        %broadcast_in_dim3A_446 = arith.constant 0.000000e+00 : f32
        %broadcast_in_dim3A_447 = vector.broadcast %broadcast_in_dim3A_446 : f32 to vector<16xf32>
        %swap3A_448 = arith.constant 272 : index
        %swap3A_449 = tpu.vector_load %arg9[%swap3A_448] {strides = array<i32>} : memref<4096xf32, #tpu.memory_space<vmem>>, vector<16xf32>,
        %swap3A_450 = vector.shape_cast %swap3A_449 : vector<16xf32> to vector<16xf32>
        %swap3A_451 = vector.shape_cast %broadcast_in_dim3A_447 : vector<16xf32> to vector<16xf32>
        tpu.vector_store %arg9[%swap3A_448], %swap3A_451 {strides = array<i32>} : memref<4096xf32, #tpu.memory_space<vmem>>, vector<16xf32>,
        %broadcast_in_dim3A_452 = arith.constant 0.000000e+00 : f32
        %broadcast_in_dim3A_453 = vector.broadcast %broadcast_in_dim3A_452 : f32 to vector<16xf32>
        %swap3A_454 = arith.constant 288 : index
        %swap3A_455 = tpu.vector_load %arg9[%swap3A_454] {strides = array<i32>} : memref<4096xf32, #tpu.memory_space<vmem>>, vector<16xf32>,
        %swap3A_456 = vector.shape_cast %swap3A_455 : vector<16xf32> to vector<16xf32>
        %swap3A_457 = vector.shape_cast %broadcast_in_dim3A_453 : vector<16xf32> to vector<16xf32>
        tpu.vector_store %arg9[%swap3A_454], %swap3A_457 {strides = array<i32>} : memref<4096xf32, #tpu.memory_space<vmem>>, vector<16xf32>,
        %broadcast_in_dim3A_458 = arith.constant 0.000000e+00 : f32
        %broadcast_in_dim3A_459 = vector.broadcast %broadcast_in_dim3A_458 : f32 to vector<16xf32>
        %swap3A_460 = arith.constant 304 : index
        %swap3A_461 = tpu.vector_load %arg9[%swap3A_460] {strides = array<i32>} : memref<4096xf32, #tpu.memory_space<vmem>>, vector<16xf32>,
        %swap3A_462 = vector.shape_cast %swap3A_461 : vector<16xf32> to vector<16xf32>
        %swap3A_463 = vector.shape_cast %broadcast_in_dim3A_459 : vector<16xf32> to vector<16xf32>
        tpu.vector_store %arg9[%swap3A_460], %swap3A_463 {strides = array<i32>} : memref<4096xf32, #tpu.memory_space<vmem>>, vector<16xf32>,
        %broadcast_in_dim3A_464 = arith.constant 0.000000e+00 : f32
        %broadcast_in_dim3A_465 = vector.broadcast %broadcast_in_dim3A_464 : f32 to vector<16xf32>
        %swap3A_466 = arith.constant 320 : index
        %swap3A_467 = tpu.vector_load %arg9[%swap3A_466] {strides = array<i32>} : memref<4096xf32, #tpu.memory_space<vmem>>, vector<16xf32>,
        %swap3A_468 = vector.shape_cast %swap3A_467 : vector<16xf32> to vector<16xf32>
        %swap3A_469 = vector.shape_cast %broadcast_in_dim3A_465 : vector<16xf32> to vector<16xf32>
        tpu.vector_store %arg9[%swap3A_466], %swap3A_469 {strides = array<i32>} : memref<4096xf32, #tpu.memory_space<vmem>>, vector<16xf32>,
        %broadcast_in_dim3A_470 = arith.constant 0.000000e+00 : f32
        %broadcast_in_dim3A_471 = vector.broadcast %broadcast_in_dim3A_470 : f32 to vector<16xf32>
        %swap3A_472 = arith.constant 336 : index
        %swap3A_473 = tpu.vector_load %arg9[%swap3A_472] {strides = array<i32>} : memref<4096xf32, #tpu.memory_space<vmem>>, vector<16xf32>,
        %swap3A_474 = vector.shape_cast %swap3A_473 : vector<16xf32> to vector<16xf32>
        %swap3A_475 = vector.shape_cast %broadcast_in_dim3A_471 : vector<16xf32> to vector<16xf32>
        tpu.vector_store %arg9[%swap3A_472], %swap3A_475 {strides = array<i32>} : memref<4096xf32, #tpu.memory_space<vmem>>, vector<16xf32>,
        %broadcast_in_dim3A_476 = arith.constant 0.000000e+00 : f32
        %broadcast_in_dim3A_477 = vector.broadcast %broadcast_in_dim3A_476 : f32 to vector<16xf32>
        %swap3A_478 = arith.constant 352 : index
        %swap3A_479 = tpu.vector_load %arg9[%swap3A_478] {strides = array<i32>} : memref<4096xf32, #tpu.memory_space<vmem>>, vector<16xf32>,
        %swap3A_480 = vector.shape_cast %swap3A_479 : vector<16xf32> to vector<16xf32>
        %swap3A_481 = vector.shape_cast %broadcast_in_dim3A_477 : vector<16xf32> to vector<16xf32>
        tpu.vector_store %arg9[%swap3A_478], %swap3A_481 {strides = array<i32>} : memref<4096xf32, #tpu.memory_space<vmem>>, vector<16xf32>,
        %broadcast_in_dim3A_482 = arith.constant 0.000000e+00 : f32
        %broadcast_in_dim3A_483 = vector.broadcast %broadcast_in_dim3A_482 : f32 to vector<16xf32>
        %swap3A_484 = arith.constant 368 : index
        %swap3A_485 = tpu.vector_load %arg9[%swap3A_484] {strides = array<i32>} : memref<4096xf32, #tpu.memory_space<vmem>>, vector<16xf32>,
        %swap3A_486 = vector.shape_cast %swap3A_485 : vector<16xf32> to vector<16xf32>
        %swap3A_487 = vector.shape_cast %broadcast_in_dim3A_483 : vector<16xf32> to vector<16xf32>
        tpu.vector_store %arg9[%swap3A_484], %swap3A_487 {strides = array<i32>} : memref<4096xf32, #tpu.memory_space<vmem>>, vector<16xf32>,
        %broadcast_in_dim3A_488 = arith.constant 0.000000e+00 : f32
        %broadcast_in_dim3A_489 = vector.broadcast %broadcast_in_dim3A_488 : f32 to vector<16xf32>
        %swap3A_490 = arith.constant 384 : index
        %swap3A_491 = tpu.vector_load %arg9[%swap3A_490] {strides = array<i32>} : memref<4096xf32, #tpu.memory_space<vmem>>, vector<16xf32>,
        %swap3A_492 = vector.shape_cast %swap3A_491 : vector<16xf32> to vector<16xf32>
        %swap3A_493 = vector.shape_cast %broadcast_in_dim3A_489 : vector<16xf32> to vector<16xf32>
        tpu.vector_store %arg9[%swap3A_490], %swap3A_493 {strides = array<i32>} : memref<4096xf32, #tpu.memory_space<vmem>>, vector<16xf32>,
        %broadcast_in_dim3A_494 = arith.constant 0.000000e+00 : f32
        %broadcast_in_dim3A_495 = vector.broadcast %broadcast_in_dim3A_494 : f32 to vector<16xf32>
        %swap3A_496 = arith.constant 400 : index
        %swap3A_497 = tpu.vector_load %arg9[%swap3A_496] {strides = array<i32>} : memref<4096xf32, #tpu.memory_space<vmem>>, vector<16xf32>,
        %swap3A_498 = vector.shape_cast %swap3A_497 : vector<16xf32> to vector<16xf32>
        %swap3A_499 = vector.shape_cast %broadcast_in_dim3A_495 : vector<16xf32> to vector<16xf32>
        tpu.vector_store %arg9[%swap3A_496], %swap3A_499 {strides = array<i32>} : memref<4096xf32, #tpu.memory_space<vmem>>, vector<16xf32>,
        %broadcast_in_dim3A_500 = arith.constant 0.000000e+00 : f32
        %broadcast_in_dim3A_501 = vector.broadcast %broadcast_in_dim3A_500 : f32 to vector<16xf32>
        %swap3A_502 = arith.constant 416 : index
        %swap3A_503 = tpu.vector_load %arg9[%swap3A_502] {strides = array<i32>} : memref<4096xf32, #tpu.memory_space<vmem>>, vector<16xf32>,
        %swap3A_504 = vector.shape_cast %swap3A_503 : vector<16xf32> to vector<16xf32>
        %swap3A_505 = vector.shape_cast %broadcast_in_dim3A_501 : vector<16xf32> to vector<16xf32>
        tpu.vector_store %arg9[%swap3A_502], %swap3A_505 {strides = array<i32>} : memref<4096xf32, #tpu.memory_space<vmem>>, vector<16xf32>,
        %broadcast_in_dim3A_506 = arith.constant 0.000000e+00 : f32
        %broadcast_in_dim3A_507 = vector.broadcast %broadcast_in_dim3A_506 : f32 to vector<16xf32>
        %swap3A_508 = arith.constant 432 : index
        %swap3A_509 = tpu.vector_load %arg9[%swap3A_508] {strides = array<i32>} : memref<4096xf32, #tpu.memory_space<vmem>>, vector<16xf32>,
        %swap3A_510 = vector.shape_cast %swap3A_509 : vector<16xf32> to vector<16xf32>
        %swap3A_511 = vector.shape_cast %broadcast_in_dim3A_507 : vector<16xf32> to vector<16xf32>
        tpu.vector_store %arg9[%swap3A_508], %swap3A_511 {strides = array<i32>} : memref<4096xf32, #tpu.memory_space<vmem>>, vector<16xf32>,
        %broadcast_in_dim3A_512 = arith.constant 0.000000e+00 : f32
        %broadcast_in_dim3A_513 = vector.broadcast %broadcast_in_dim3A_512 : f32 to vector<16xf32>
        %swap3A_514 = arith.constant 448 : index
        %swap3A_515 = tpu.vector_load %arg9[%swap3A_514] {strides = array<i32>} : memref<4096xf32, #tpu.memory_space<vmem>>, vector<16xf32>,
        %swap3A_516 = vector.shape_cast %swap3A_515 : vector<16xf32> to vector<16xf32>
        %swap3A_517 = vector.shape_cast %broadcast_in_dim3A_513 : vector<16xf32> to vector<16xf32>
        tpu.vector_store %arg9[%swap3A_514], %swap3A_517 {strides = array<i32>} : memref<4096xf32, #tpu.memory_space<vmem>>, vector<16xf32>,
        %broadcast_in_dim3A_518 = arith.constant 0.000000e+00 : f32
        %broadcast_in_dim3A_519 = vector.broadcast %broadcast_in_dim3A_518 : f32 to vector<16xf32>
        %swap3A_520 = arith.constant 464 : index
        %swap3A_521 = tpu.vector_load %arg9[%swap3A_520] {strides = array<i32>} : memref<4096xf32, #tpu.memory_space<vmem>>, vector<16xf32>,
        %swap3A_522 = vector.shape_cast %swap3A_521 : vector<16xf32> to vector<16xf32>
        %swap3A_523 = vector.shape_cast %broadcast_in_dim3A_519 : vector<16xf32> to vector<16xf32>
        tpu.vector_store %arg9[%swap3A_520], %swap3A_523 {strides = array<i32>} : memref<4096xf32, #tpu.memory_space<vmem>>, vector<16xf32>,
        %broadcast_in_dim3A_524 = arith.constant 0.000000e+00 : f32
        %broadcast_in_dim3A_525 = vector.broadcast %broadcast_in_dim3A_524 : f32 to vector<16xf32>
        %swap3A_526 = arith.constant 480 : index
        %swap3A_527 = tpu.vector_load %arg9[%swap3A_526] {strides = array<i32>} : memref<4096xf32, #tpu.memory_space<vmem>>, vector<16xf32>,
        %swap3A_528 = vector.shape_cast %swap3A_527 : vector<16xf32> to vector<16xf32>
        %swap3A_529 = vector.shape_cast %broadcast_in_dim3A_525 : vector<16xf32> to vector<16xf32>
        tpu.vector_store %arg9[%swap3A_526], %swap3A_529 {strides = array<i32>} : memref<4096xf32, #tpu.memory_space<vmem>>, vector<16xf32>,
        %broadcast_in_dim3A_530 = arith.constant 0.000000e+00 : f32
        %broadcast_in_dim3A_531 = vector.broadcast %broadcast_in_dim3A_530 : f32 to vector<16xf32>
        %swap3A_532 = arith.constant 496 : index
        %swap3A_533 = tpu.vector_load %arg9[%swap3A_532] {strides = array<i32>} : memref<4096xf32, #tpu.memory_space<vmem>>, vector<16xf32>,
        %swap3A_534 = vector.shape_cast %swap3A_533 : vector<16xf32> to vector<16xf32>
        %swap3A_535 = vector.shape_cast %broadcast_in_dim3A_531 : vector<16xf32> to vector<16xf32>
        tpu.vector_store %arg9[%swap3A_532], %swap3A_535 {strides = array<i32>} : memref<4096xf32, #tpu.memory_space<vmem>>, vector<16xf32>,
        %broadcast_in_dim3A_536 = arith.constant 0.000000e+00 : f32
        %broadcast_in_dim3A_537 = vector.broadcast %broadcast_in_dim3A_536 : f32 to vector<16xf32>
        %swap3A_538 = arith.constant 512 : index
        %swap3A_539 = tpu.vector_load %arg9[%swap3A_538] {strides = array<i32>} : memref<4096xf32, #tpu.memory_space<vmem>>, vector<16xf32>,
        %swap3A_540 = vector.shape_cast %swap3A_539 : vector<16xf32> to vector<16xf32>
        %swap3A_541 = vector.shape_cast %broadcast_in_dim3A_537 : vector<16xf32> to vector<16xf32>
        tpu.vector_store %arg9[%swap3A_538], %swap3A_541 {strides = array<i32>} : memref<4096xf32, #tpu.memory_space<vmem>>, vector<16xf32>,
        %broadcast_in_dim3A_542 = arith.constant 0.000000e+00 : f32
        %broadcast_in_dim3A_543 = vector.broadcast %broadcast_in_dim3A_542 : f32 to vector<16xf32>
        %swap3A_544 = arith.constant 528 : index
        %swap3A_545 = tpu.vector_load %arg9[%swap3A_544] {strides = array<i32>} : memref<4096xf32, #tpu.memory_space<vmem>>, vector<16xf32>,
        %swap3A_546 = vector.shape_cast %swap3A_545 : vector<16xf32> to vector<16xf32>
        %swap3A_547 = vector.shape_cast %broadcast_in_dim3A_543 : vector<16xf32> to vector<16xf32>
        tpu.vector_store %arg9[%swap3A_544], %swap3A_547 {strides = array<i32>} : memref<4096xf32, #tpu.memory_space<vmem>>, vector<16xf32>,
        %broadcast_in_dim3A_548 = arith.constant 0.000000e+00 : f32
        %broadcast_in_dim3A_549 = vector.broadcast %broadcast_in_dim3A_548 : f32 to vector<16xf32>
        %swap3A_550 = arith.constant 544 : index
        %swap3A_551 = tpu.vector_load %arg9[%swap3A_550] {strides = array<i32>} : memref<4096xf32, #tpu.memory_space<vmem>>, vector<16xf32>,
        %swap3A_552 = vector.shape_cast %swap3A_551 : vector<16xf32> to vector<16xf32>
        %swap3A_553 = vector.shape_cast %broadcast_in_dim3A_549 : vector<16xf32> to vector<16xf32>
        tpu.vector_store %arg9[%swap3A_550], %swap3A_553 {strides = array<i32>} : memref<4096xf32, #tpu.memory_space<vmem>>, vector<16xf32>,
        %broadcast_in_dim3A_554 = arith.constant 0.000000e+00 : f32
        %broadcast_in_dim3A_555 = vector.broadcast %broadcast_in_dim3A_554 : f32 to vector<16xf32>
        %swap3A_556 = arith.constant 560 : index
        %swap3A_557 = tpu.vector_load %arg9[%swap3A_556] {strides = array<i32>} : memref<4096xf32, #tpu.memory_space<vmem>>, vector<16xf32>,
        %swap3A_558 = vector.shape_cast %swap3A_557 : vector<16xf32> to vector<16xf32>
        %swap3A_559 = vector.shape_cast %broadcast_in_dim3A_555 : vector<16xf32> to vector<16xf32>
        tpu.vector_store %arg9[%swap3A_556], %swap3A_559 {strides = array<i32>} : memref<4096xf32, #tpu.memory_space<vmem>>, vector<16xf32>,
        %broadcast_in_dim3A_560 = arith.constant 0.000000e+00 : f32
        %broadcast_in_dim3A_561 = vector.broadcast %broadcast_in_dim3A_560 : f32 to vector<16xf32>
        %swap3A_562 = arith.constant 576 : index
        %swap3A_563 = tpu.vector_load %arg9[%swap3A_562] {strides = array<i32>} : memref<4096xf32, #tpu.memory_space<vmem>>, vector<16xf32>,
        %swap3A_564 = vector.shape_cast %swap3A_563 : vector<16xf32> to vector<16xf32>
        %swap3A_565 = vector.shape_cast %broadcast_in_dim3A_561 : vector<16xf32> to vector<16xf32>
        tpu.vector_store %arg9[%swap3A_562], %swap3A_565 {strides = array<i32>} : memref<4096xf32, #tpu.memory_space<vmem>>, vector<16xf32>,
        %broadcast_in_dim3A_566 = arith.constant 0.000000e+00 : f32
        %broadcast_in_dim3A_567 = vector.broadcast %broadcast_in_dim3A_566 : f32 to vector<16xf32>
        %swap3A_568 = arith.constant 592 : index
        %swap3A_569 = tpu.vector_load %arg9[%swap3A_568] {strides = array<i32>} : memref<4096xf32, #tpu.memory_space<vmem>>, vector<16xf32>,
        %swap3A_570 = vector.shape_cast %swap3A_569 : vector<16xf32> to vector<16xf32>
        %swap3A_571 = vector.shape_cast %broadcast_in_dim3A_567 : vector<16xf32> to vector<16xf32>
        tpu.vector_store %arg9[%swap3A_568], %swap3A_571 {strides = array<i32>} : memref<4096xf32, #tpu.memory_space<vmem>>, vector<16xf32>,
        %broadcast_in_dim3A_572 = arith.constant 0.000000e+00 : f32
        %broadcast_in_dim3A_573 = vector.broadcast %broadcast_in_dim3A_572 : f32 to vector<16xf32>
        %swap3A_574 = arith.constant 608 : index
        %swap3A_575 = tpu.vector_load %arg9[%swap3A_574] {strides = array<i32>} : memref<4096xf32, #tpu.memory_space<vmem>>, vector<16xf32>,
        %swap3A_576 = vector.shape_cast %swap3A_575 : vector<16xf32> to vector<16xf32>
        %swap3A_577 = vector.shape_cast %broadcast_in_dim3A_573 : vector<16xf32> to vector<16xf32>
        tpu.vector_store %arg9[%swap3A_574], %swap3A_577 {strides = array<i32>} : memref<4096xf32, #tpu.memory_space<vmem>>, vector<16xf32>,
        %broadcast_in_dim3A_578 = arith.constant 0.000000e+00 : f32
        %broadcast_in_dim3A_579 = vector.broadcast %broadcast_in_dim3A_578 : f32 to vector<16xf32>
        %swap3A_580 = arith.constant 624 : index
        %swap3A_581 = tpu.vector_load %arg9[%swap3A_580] {strides = array<i32>} : memref<4096xf32, #tpu.memory_space<vmem>>, vector<16xf32>,
        %swap3A_582 = vector.shape_cast %swap3A_581 : vector<16xf32> to vector<16xf32>
        %swap3A_583 = vector.shape_cast %broadcast_in_dim3A_579 : vector<16xf32> to vector<16xf32>
        tpu.vector_store %arg9[%swap3A_580], %swap3A_583 {strides = array<i32>} : memref<4096xf32, #tpu.memory_space<vmem>>, vector<16xf32>,
        %broadcast_in_dim3A_584 = arith.constant 0.000000e+00 : f32
        %broadcast_in_dim3A_585 = vector.broadcast %broadcast_in_dim3A_584 : f32 to vector<16xf32>
        %swap3A_586 = arith.constant 640 : index
        %swap3A_587 = tpu.vector_load %arg9[%swap3A_586] {strides = array<i32>} : memref<4096xf32, #tpu.memory_space<vmem>>, vector<16xf32>,
        %swap3A_588 = vector.shape_cast %swap3A_587 : vector<16xf32> to vector<16xf32>
        %swap3A_589 = vector.shape_cast %broadcast_in_dim3A_585 : vector<16xf32> to vector<16xf32>
        tpu.vector_store %arg9[%swap3A_586], %swap3A_589 {strides = array<i32>} : memref<4096xf32, #tpu.memory_space<vmem>>, vector<16xf32>,
        %broadcast_in_dim3A_590 = arith.constant 0.000000e+00 : f32
        %broadcast_in_dim3A_591 = vector.broadcast %broadcast_in_dim3A_590 : f32 to vector<16xf32>
        %swap3A_592 = arith.constant 656 : index
        %swap3A_593 = tpu.vector_load %arg9[%swap3A_592] {strides = array<i32>} : memref<4096xf32, #tpu.memory_space<vmem>>, vector<16xf32>,
        %swap3A_594 = vector.shape_cast %swap3A_593 : vector<16xf32> to vector<16xf32>
        %swap3A_595 = vector.shape_cast %broadcast_in_dim3A_591 : vector<16xf32> to vector<16xf32>
        tpu.vector_store %arg9[%swap3A_592], %swap3A_595 {strides = array<i32>} : memref<4096xf32, #tpu.memory_space<vmem>>, vector<16xf32>,
        %broadcast_in_dim3A_596 = arith.constant 0.000000e+00 : f32
        %broadcast_in_dim3A_597 = vector.broadcast %broadcast_in_dim3A_596 : f32 to vector<16xf32>
        %swap3A_598 = arith.constant 672 : index
        %swap3A_599 = tpu.vector_load %arg9[%swap3A_598] {strides = array<i32>} : memref<4096xf32, #tpu.memory_space<vmem>>, vector<16xf32>,
        %swap3A_600 = vector.shape_cast %swap3A_599 : vector<16xf32> to vector<16xf32>
        %swap3A_601 = vector.shape_cast %broadcast_in_dim3A_597 : vector<16xf32> to vector<16xf32>
        tpu.vector_store %arg9[%swap3A_598], %swap3A_601 {strides = array<i32>} : memref<4096xf32, #tpu.memory_space<vmem>>, vector<16xf32>,
        %broadcast_in_dim3A_602 = arith.constant 0.000000e+00 : f32
        %broadcast_in_dim3A_603 = vector.broadcast %broadcast_in_dim3A_602 : f32 to vector<16xf32>
        %swap3A_604 = arith.constant 688 : index
        %swap3A_605 = tpu.vector_load %arg9[%swap3A_604] {strides = array<i32>} : memref<4096xf32, #tpu.memory_space<vmem>>, vector<16xf32>,
        %swap3A_606 = vector.shape_cast %swap3A_605 : vector<16xf32> to vector<16xf32>
        %swap3A_607 = vector.shape_cast %broadcast_in_dim3A_603 : vector<16xf32> to vector<16xf32>
        tpu.vector_store %arg9[%swap3A_604], %swap3A_607 {strides = array<i32>} : memref<4096xf32, #tpu.memory_space<vmem>>, vector<16xf32>,
        %broadcast_in_dim3A_608 = arith.constant 0.000000e+00 : f32
        %broadcast_in_dim3A_609 = vector.broadcast %broadcast_in_dim3A_608 : f32 to vector<16xf32>
        %swap3A_610 = arith.constant 704 : index
        %swap3A_611 = tpu.vector_load %arg9[%swap3A_610] {strides = array<i32>} : memref<4096xf32, #tpu.memory_space<vmem>>, vector<16xf32>,
        %swap3A_612 = vector.shape_cast %swap3A_611 : vector<16xf32> to vector<16xf32>
        %swap3A_613 = vector.shape_cast %broadcast_in_dim3A_609 : vector<16xf32> to vector<16xf32>
        tpu.vector_store %arg9[%swap3A_610], %swap3A_613 {strides = array<i32>} : memref<4096xf32, #tpu.memory_space<vmem>>, vector<16xf32>,
        %broadcast_in_dim3A_614 = arith.constant 0.000000e+00 : f32
        %broadcast_in_dim3A_615 = vector.broadcast %broadcast_in_dim3A_614 : f32 to vector<16xf32>
        %swap3A_616 = arith.constant 720 : index
        %swap3A_617 = tpu.vector_load %arg9[%swap3A_616] {strides = array<i32>} : memref<4096xf32, #tpu.memory_space<vmem>>, vector<16xf32>,
        %swap3A_618 = vector.shape_cast %swap3A_617 : vector<16xf32> to vector<16xf32>
        %swap3A_619 = vector.shape_cast %broadcast_in_dim3A_615 : vector<16xf32> to vector<16xf32>
        tpu.vector_store %arg9[%swap3A_616], %swap3A_619 {strides = array<i32>} : memref<4096xf32, #tpu.memory_space<vmem>>, vector<16xf32>,
        %broadcast_in_dim3A_620 = arith.constant 0.000000e+00 : f32
        %broadcast_in_dim3A_621 = vector.broadcast %broadcast_in_dim3A_620 : f32 to vector<16xf32>
        %swap3A_622 = arith.constant 736 : index
        %swap3A_623 = tpu.vector_load %arg9[%swap3A_622] {strides = array<i32>} : memref<4096xf32, #tpu.memory_space<vmem>>, vector<16xf32>,
        %swap3A_624 = vector.shape_cast %swap3A_623 : vector<16xf32> to vector<16xf32>
        %swap3A_625 = vector.shape_cast %broadcast_in_dim3A_621 : vector<16xf32> to vector<16xf32>
        tpu.vector_store %arg9[%swap3A_622], %swap3A_625 {strides = array<i32>} : memref<4096xf32, #tpu.memory_space<vmem>>, vector<16xf32>,
        %broadcast_in_dim3A_626 = arith.constant 0.000000e+00 : f32
        %broadcast_in_dim3A_627 = vector.broadcast %broadcast_in_dim3A_626 : f32 to vector<16xf32>
        %swap3A_628 = arith.constant 752 : index
        %swap3A_629 = tpu.vector_load %arg9[%swap3A_628] {strides = array<i32>} : memref<4096xf32, #tpu.memory_space<vmem>>, vector<16xf32>,
        %swap3A_630 = vector.shape_cast %swap3A_629 : vector<16xf32> to vector<16xf32>
        %swap3A_631 = vector.shape_cast %broadcast_in_dim3A_627 : vector<16xf32> to vector<16xf32>
        tpu.vector_store %arg9[%swap3A_628], %swap3A_631 {strides = array<i32>} : memref<4096xf32, #tpu.memory_space<vmem>>, vector<16xf32>,
        %broadcast_in_dim3A_632 = arith.constant 0.000000e+00 : f32
        %broadcast_in_dim3A_633 = vector.broadcast %broadcast_in_dim3A_632 : f32 to vector<16xf32>
        %swap3A_634 = arith.constant 768 : index
        %swap3A_635 = tpu.vector_load %arg9[%swap3A_634] {strides = array<i32>} : memref<4096xf32, #tpu.memory_space<vmem>>, vector<16xf32>,
        %swap3A_636 = vector.shape_cast %swap3A_635 : vector<16xf32> to vector<16xf32>
        %swap3A_637 = vector.shape_cast %broadcast_in_dim3A_633 : vector<16xf32> to vector<16xf32>
        tpu.vector_store %arg9[%swap3A_634], %swap3A_637 {strides = array<i32>} : memref<4096xf32, #tpu.memory_space<vmem>>, vector<16xf32>,
        %broadcast_in_dim3A_638 = arith.constant 0.000000e+00 : f32
        %broadcast_in_dim3A_639 = vector.broadcast %broadcast_in_dim3A_638 : f32 to vector<16xf32>
        %swap3A_640 = arith.constant 784 : index
        %swap3A_641 = tpu.vector_load %arg9[%swap3A_640] {strides = array<i32>} : memref<4096xf32, #tpu.memory_space<vmem>>, vector<16xf32>,
        %swap3A_642 = vector.shape_cast %swap3A_641 : vector<16xf32> to vector<16xf32>
        %swap3A_643 = vector.shape_cast %broadcast_in_dim3A_639 : vector<16xf32> to vector<16xf32>
        tpu.vector_store %arg9[%swap3A_640], %swap3A_643 {strides = array<i32>} : memref<4096xf32, #tpu.memory_space<vmem>>, vector<16xf32>,
        %broadcast_in_dim3A_644 = arith.constant 0.000000e+00 : f32
        %broadcast_in_dim3A_645 = vector.broadcast %broadcast_in_dim3A_644 : f32 to vector<16xf32>
        %swap3A_646 = arith.constant 800 : index
        %swap3A_647 = tpu.vector_load %arg9[%swap3A_646] {strides = array<i32>} : memref<4096xf32, #tpu.memory_space<vmem>>, vector<16xf32>,
        %swap3A_648 = vector.shape_cast %swap3A_647 : vector<16xf32> to vector<16xf32>
        %swap3A_649 = vector.shape_cast %broadcast_in_dim3A_645 : vector<16xf32> to vector<16xf32>
        tpu.vector_store %arg9[%swap3A_646], %swap3A_649 {strides = array<i32>} : memref<4096xf32, #tpu.memory_space<vmem>>, vector<16xf32>,
        %broadcast_in_dim3A_650 = arith.constant 0.000000e+00 : f32
        %broadcast_in_dim3A_651 = vector.broadcast %broadcast_in_dim3A_650 : f32 to vector<16xf32>
        %swap3A_652 = arith.constant 816 : index
        %swap3A_653 = tpu.vector_load %arg9[%swap3A_652] {strides = array<i32>} : memref<4096xf32, #tpu.memory_space<vmem>>, vector<16xf32>,
        %swap3A_654 = vector.shape_cast %swap3A_653 : vector<16xf32> to vector<16xf32>
        %swap3A_655 = vector.shape_cast %broadcast_in_dim3A_651 : vector<16xf32> to vector<16xf32>
        tpu.vector_store %arg9[%swap3A_652], %swap3A_655 {strides = array<i32>} : memref<4096xf32, #tpu.memory_space<vmem>>, vector<16xf32>,
        %broadcast_in_dim3A_656 = arith.constant 0.000000e+00 : f32
        %broadcast_in_dim3A_657 = vector.broadcast %broadcast_in_dim3A_656 : f32 to vector<16xf32>
        %swap3A_658 = arith.constant 832 : index
        %swap3A_659 = tpu.vector_load %arg9[%swap3A_658] {strides = array<i32>} : memref<4096xf32, #tpu.memory_space<vmem>>, vector<16xf32>,
        %swap3A_660 = vector.shape_cast %swap3A_659 : vector<16xf32> to vector<16xf32>
        %swap3A_661 = vector.shape_cast %broadcast_in_dim3A_657 : vector<16xf32> to vector<16xf32>
        tpu.vector_store %arg9[%swap3A_658], %swap3A_661 {strides = array<i32>} : memref<4096xf32, #tpu.memory_space<vmem>>, vector<16xf32>,
        %broadcast_in_dim3A_662 = arith.constant 0.000000e+00 : f32
        %broadcast_in_dim3A_663 = vector.broadcast %broadcast_in_dim3A_662 : f32 to vector<16xf32>
        %swap3A_664 = arith.constant 848 : index
        %swap3A_665 = tpu.vector_load %arg9[%swap3A_664] {strides = array<i32>} : memref<4096xf32, #tpu.memory_space<vmem>>, vector<16xf32>,
        %swap3A_666 = vector.shape_cast %swap3A_665 : vector<16xf32> to vector<16xf32>
        %swap3A_667 = vector.shape_cast %broadcast_in_dim3A_663 : vector<16xf32> to vector<16xf32>
        tpu.vector_store %arg9[%swap3A_664], %swap3A_667 {strides = array<i32>} : memref<4096xf32, #tpu.memory_space<vmem>>, vector<16xf32>,
        %broadcast_in_dim3A_668 = arith.constant 0.000000e+00 : f32
        %broadcast_in_dim3A_669 = vector.broadcast %broadcast_in_dim3A_668 : f32 to vector<16xf32>
        %swap3A_670 = arith.constant 864 : index
        %swap3A_671 = tpu.vector_load %arg9[%swap3A_670] {strides = array<i32>} : memref<4096xf32, #tpu.memory_space<vmem>>, vector<16xf32>,
        %swap3A_672 = vector.shape_cast %swap3A_671 : vector<16xf32> to vector<16xf32>
        %swap3A_673 = vector.shape_cast %broadcast_in_dim3A_669 : vector<16xf32> to vector<16xf32>
        tpu.vector_store %arg9[%swap3A_670], %swap3A_673 {strides = array<i32>} : memref<4096xf32, #tpu.memory_space<vmem>>, vector<16xf32>,
        %broadcast_in_dim3A_674 = arith.constant 0.000000e+00 : f32
        %broadcast_in_dim3A_675 = vector.broadcast %broadcast_in_dim3A_674 : f32 to vector<16xf32>
        %swap3A_676 = arith.constant 880 : index
        %swap3A_677 = tpu.vector_load %arg9[%swap3A_676] {strides = array<i32>} : memref<4096xf32, #tpu.memory_space<vmem>>, vector<16xf32>,
        %swap3A_678 = vector.shape_cast %swap3A_677 : vector<16xf32> to vector<16xf32>
        %swap3A_679 = vector.shape_cast %broadcast_in_dim3A_675 : vector<16xf32> to vector<16xf32>
        tpu.vector_store %arg9[%swap3A_676], %swap3A_679 {strides = array<i32>} : memref<4096xf32, #tpu.memory_space<vmem>>, vector<16xf32>,
        %broadcast_in_dim3A_680 = arith.constant 0.000000e+00 : f32
        %broadcast_in_dim3A_681 = vector.broadcast %broadcast_in_dim3A_680 : f32 to vector<16xf32>
        %swap3A_682 = arith.constant 896 : index
        %swap3A_683 = tpu.vector_load %arg9[%swap3A_682] {strides = array<i32>} : memref<4096xf32, #tpu.memory_space<vmem>>, vector<16xf32>,
        %swap3A_684 = vector.shape_cast %swap3A_683 : vector<16xf32> to vector<16xf32>
        %swap3A_685 = vector.shape_cast %broadcast_in_dim3A_681 : vector<16xf32> to vector<16xf32>
        tpu.vector_store %arg9[%swap3A_682], %swap3A_685 {strides = array<i32>} : memref<4096xf32, #tpu.memory_space<vmem>>, vector<16xf32>,
        %broadcast_in_dim3A_686 = arith.constant 0.000000e+00 : f32
        %broadcast_in_dim3A_687 = vector.broadcast %broadcast_in_dim3A_686 : f32 to vector<16xf32>
        %swap3A_688 = arith.constant 912 : index
        %swap3A_689 = tpu.vector_load %arg9[%swap3A_688] {strides = array<i32>} : memref<4096xf32, #tpu.memory_space<vmem>>, vector<16xf32>,
        %swap3A_690 = vector.shape_cast %swap3A_689 : vector<16xf32> to vector<16xf32>
        %swap3A_691 = vector.shape_cast %broadcast_in_dim3A_687 : vector<16xf32> to vector<16xf32>
        tpu.vector_store %arg9[%swap3A_688], %swap3A_691 {strides = array<i32>} : memref<4096xf32, #tpu.memory_space<vmem>>, vector<16xf32>,
        %broadcast_in_dim3A_692 = arith.constant 0.000000e+00 : f32
        %broadcast_in_dim3A_693 = vector.broadcast %broadcast_in_dim3A_692 : f32 to vector<16xf32>
        %swap3A_694 = arith.constant 928 : index
        %swap3A_695 = tpu.vector_load %arg9[%swap3A_694] {strides = array<i32>} : memref<4096xf32, #tpu.memory_space<vmem>>, vector<16xf32>,
        %swap3A_696 = vector.shape_cast %swap3A_695 : vector<16xf32> to vector<16xf32>
        %swap3A_697 = vector.shape_cast %broadcast_in_dim3A_693 : vector<16xf32> to vector<16xf32>
        tpu.vector_store %arg9[%swap3A_694], %swap3A_697 {strides = array<i32>} : memref<4096xf32, #tpu.memory_space<vmem>>, vector<16xf32>,
        %broadcast_in_dim3A_698 = arith.constant 0.000000e+00 : f32
        %broadcast_in_dim3A_699 = vector.broadcast %broadcast_in_dim3A_698 : f32 to vector<16xf32>
        %swap3A_700 = arith.constant 944 : index
        %swap3A_701 = tpu.vector_load %arg9[%swap3A_700] {strides = array<i32>} : memref<4096xf32, #tpu.memory_space<vmem>>, vector<16xf32>,
        %swap3A_702 = vector.shape_cast %swap3A_701 : vector<16xf32> to vector<16xf32>
        %swap3A_703 = vector.shape_cast %broadcast_in_dim3A_699 : vector<16xf32> to vector<16xf32>
        tpu.vector_store %arg9[%swap3A_700], %swap3A_703 {strides = array<i32>} : memref<4096xf32, #tpu.memory_space<vmem>>, vector<16xf32>,
        %broadcast_in_dim3A_704 = arith.constant 0.000000e+00 : f32
        %broadcast_in_dim3A_705 = vector.broadcast %broadcast_in_dim3A_704 : f32 to vector<16xf32>
        %swap3A_706 = arith.constant 960 : index
        %swap3A_707 = tpu.vector_load %arg9[%swap3A_706] {strides = array<i32>} : memref<4096xf32, #tpu.memory_space<vmem>>, vector<16xf32>,
        %swap3A_708 = vector.shape_cast %swap3A_707 : vector<16xf32> to vector<16xf32>
        %swap3A_709 = vector.shape_cast %broadcast_in_dim3A_705 : vector<16xf32> to vector<16xf32>
        tpu.vector_store %arg9[%swap3A_706], %swap3A_709 {strides = array<i32>} : memref<4096xf32, #tpu.memory_space<vmem>>, vector<16xf32>,
        %broadcast_in_dim3A_710 = arith.constant 0.000000e+00 : f32
        %broadcast_in_dim3A_711 = vector.broadcast %broadcast_in_dim3A_710 : f32 to vector<16xf32>
        %swap3A_712 = arith.constant 976 : index
        %swap3A_713 = tpu.vector_load %arg9[%swap3A_712] {strides = array<i32>} : memref<4096xf32, #tpu.memory_space<vmem>>, vector<16xf32>,
        %swap3A_714 = vector.shape_cast %swap3A_713 : vector<16xf32> to vector<16xf32>
        %swap3A_715 = vector.shape_cast %broadcast_in_dim3A_711 : vector<16xf32> to vector<16xf32>
        tpu.vector_store %arg9[%swap3A_712], %swap3A_715 {strides = array<i32>} : memref<4096xf32, #tpu.memory_space<vmem>>, vector<16xf32>,
        %broadcast_in_dim3A_716 = arith.constant 0.000000e+00 : f32
        %broadcast_in_dim3A_717 = vector.broadcast %broadcast_in_dim3A_716 : f32 to vector<16xf32>
        %swap3A_718 = arith.constant 992 : index
        %swap3A_719 = tpu.vector_load %arg9[%swap3A_718] {strides = array<i32>} : memref<4096xf32, #tpu.memory_space<vmem>>, vector<16xf32>,
        %swap3A_720 = vector.shape_cast %swap3A_719 : vector<16xf32> to vector<16xf32>
        %swap3A_721 = vector.shape_cast %broadcast_in_dim3A_717 : vector<16xf32> to vector<16xf32>
        tpu.vector_store %arg9[%swap3A_718], %swap3A_721 {strides = array<i32>} : memref<4096xf32, #tpu.memory_space<vmem>>, vector<16xf32>,
        %broadcast_in_dim3A_722 = arith.constant 0.000000e+00 : f32
        %broadcast_in_dim3A_723 = vector.broadcast %broadcast_in_dim3A_722 : f32 to vector<16xf32>
        %swap3A_724 = arith.constant 1008 : index
        %swap3A_725 = tpu.vector_load %arg9[%swap3A_724] {strides = array<i32>} : memref<4096xf32, #tpu.memory_space<vmem>>, vector<16xf32>,
        %swap3A_726 = vector.shape_cast %swap3A_725 : vector<16xf32> to vector<16xf32>
        %swap3A_727 = vector.shape_cast %broadcast_in_dim3A_723 : vector<16xf32> to vector<16xf32>
        tpu.vector_store %arg9[%swap3A_724], %swap3A_727 {strides = array<i32>} : memref<4096xf32, #tpu.memory_space<vmem>>, vector<16xf32>,
        %broadcast_in_dim3A_728 = arith.constant 0.000000e+00 : f32
        %broadcast_in_dim3A_729 = vector.broadcast %broadcast_in_dim3A_728 : f32 to vector<16xf32>
        %swap3A_730 = arith.constant 1024 : index
        %swap3A_731 = tpu.vector_load %arg9[%swap3A_730] {strides = array<i32>} : memref<4096xf32, #tpu.memory_space<vmem>>, vector<16xf32>,
        %swap3A_732 = vector.shape_cast %swap3A_731 : vector<16xf32> to vector<16xf32>
        %swap3A_733 = vector.shape_cast %broadcast_in_dim3A_729 : vector<16xf32> to vector<16xf32>
        tpu.vector_store %arg9[%swap3A_730], %swap3A_733 {strides = array<i32>} : memref<4096xf32, #tpu.memory_space<vmem>>, vector<16xf32>,
        %broadcast_in_dim3A_734 = arith.constant 0.000000e+00 : f32
        %broadcast_in_dim3A_735 = vector.broadcast %broadcast_in_dim3A_734 : f32 to vector<16xf32>
        %swap3A_736 = arith.constant 1040 : index
        %swap3A_737 = tpu.vector_load %arg9[%swap3A_736] {strides = array<i32>} : memref<4096xf32, #tpu.memory_space<vmem>>, vector<16xf32>,
        %swap3A_738 = vector.shape_cast %swap3A_737 : vector<16xf32> to vector<16xf32>
        %swap3A_739 = vector.shape_cast %broadcast_in_dim3A_735 : vector<16xf32> to vector<16xf32>
        tpu.vector_store %arg9[%swap3A_736], %swap3A_739 {strides = array<i32>} : memref<4096xf32, #tpu.memory_space<vmem>>, vector<16xf32>,
        %broadcast_in_dim3A_740 = arith.constant 0.000000e+00 : f32
        %broadcast_in_dim3A_741 = vector.broadcast %broadcast_in_dim3A_740 : f32 to vector<16xf32>
        %swap3A_742 = arith.constant 1056 : index
        %swap3A_743 = tpu.vector_load %arg9[%swap3A_742] {strides = array<i32>} : memref<4096xf32, #tpu.memory_space<vmem>>, vector<16xf32>,
        %swap3A_744 = vector.shape_cast %swap3A_743 : vector<16xf32> to vector<16xf32>
        %swap3A_745 = vector.shape_cast %broadcast_in_dim3A_741 : vector<16xf32> to vector<16xf32>
        tpu.vector_store %arg9[%swap3A_742], %swap3A_745 {strides = array<i32>} : memref<4096xf32, #tpu.memory_space<vmem>>, vector<16xf32>,
        %broadcast_in_dim3A_746 = arith.constant 0.000000e+00 : f32
        %broadcast_in_dim3A_747 = vector.broadcast %broadcast_in_dim3A_746 : f32 to vector<16xf32>
        %swap3A_748 = arith.constant 1072 : index
        %swap3A_749 = tpu.vector_load %arg9[%swap3A_748] {strides = array<i32>} : memref<4096xf32, #tpu.memory_space<vmem>>, vector<16xf32>,
        %swap3A_750 = vector.shape_cast %swap3A_749 : vector<16xf32> to vector<16xf32>
        %swap3A_751 = vector.shape_cast %broadcast_in_dim3A_747 : vector<16xf32> to vector<16xf32>
        tpu.vector_store %arg9[%swap3A_748], %swap3A_751 {strides = array<i32>} : memref<4096xf32, #tpu.memory_space<vmem>>, vector<16xf32>,
        %broadcast_in_dim3A_752 = arith.constant 0.000000e+00 : f32
        %broadcast_in_dim3A_753 = vector.broadcast %broadcast_in_dim3A_752 : f32 to vector<16xf32>
        %swap3A_754 = arith.constant 1088 : index
        %swap3A_755 = tpu.vector_load %arg9[%swap3A_754] {strides = array<i32>} : memref<4096xf32, #tpu.memory_space<vmem>>, vector<16xf32>,
        %swap3A_756 = vector.shape_cast %swap3A_755 : vector<16xf32> to vector<16xf32>
        %swap3A_757 = vector.shape_cast %broadcast_in_dim3A_753 : vector<16xf32> to vector<16xf32>
        tpu.vector_store %arg9[%swap3A_754], %swap3A_757 {strides = array<i32>} : memref<4096xf32, #tpu.memory_space<vmem>>, vector<16xf32>,
        %broadcast_in_dim3A_758 = arith.constant 0.000000e+00 : f32
        %broadcast_in_dim3A_759 = vector.broadcast %broadcast_in_dim3A_758 : f32 to vector<16xf32>
        %swap3A_760 = arith.constant 1104 : index
        %swap3A_761 = tpu.vector_load %arg9[%swap3A_760] {strides = array<i32>} : memref<4096xf32, #tpu.memory_space<vmem>>, vector<16xf32>,
        %swap3A_762 = vector.shape_cast %swap3A_761 : vector<16xf32> to vector<16xf32>
        %swap3A_763 = vector.shape_cast %broadcast_in_dim3A_759 : vector<16xf32> to vector<16xf32>
        tpu.vector_store %arg9[%swap3A_760], %swap3A_763 {strides = array<i32>} : memref<4096xf32, #tpu.memory_space<vmem>>, vector<16xf32>,
        %broadcast_in_dim3A_764 = arith.constant 0.000000e+00 : f32
        %broadcast_in_dim3A_765 = vector.broadcast %broadcast_in_dim3A_764 : f32 to vector<16xf32>
        %swap3A_766 = arith.constant 1120 : index
        %swap3A_767 = tpu.vector_load %arg9[%swap3A_766] {strides = array<i32>} : memref<4096xf32, #tpu.memory_space<vmem>>, vector<16xf32>,
        %swap3A_768 = vector.shape_cast %swap3A_767 : vector<16xf32> to vector<16xf32>
        %swap3A_769 = vector.shape_cast %broadcast_in_dim3A_765 : vector<16xf32> to vector<16xf32>
        tpu.vector_store %arg9[%swap3A_766], %swap3A_769 {strides = array<i32>} : memref<4096xf32, #tpu.memory_space<vmem>>, vector<16xf32>,
        %broadcast_in_dim3A_770 = arith.constant 0.000000e+00 : f32
        %broadcast_in_dim3A_771 = vector.broadcast %broadcast_in_dim3A_770 : f32 to vector<16xf32>
        %swap3A_772 = arith.constant 1136 : index
        %swap3A_773 = tpu.vector_load %arg9[%swap3A_772] {strides = array<i32>} : memref<4096xf32, #tpu.memory_space<vmem>>, vector<16xf32>,
        %swap3A_774 = vector.shape_cast %swap3A_773 : vector<16xf32> to vector<16xf32>
        %swap3A_775 = vector.shape_cast %broadcast_in_dim3A_771 : vector<16xf32> to vector<16xf32>
        tpu.vector_store %arg9[%swap3A_772], %swap3A_775 {strides = array<i32>} : memref<4096xf32, #tpu.memory_space<vmem>>, vector<16xf32>,
        %broadcast_in_dim3A_776 = arith.constant 0.000000e+00 : f32
        %broadcast_in_dim3A_777 = vector.broadcast %broadcast_in_dim3A_776 : f32 to vector<16xf32>
        %swap3A_778 = arith.constant 1152 : index
        %swap3A_779 = tpu.vector_load %arg9[%swap3A_778] {strides = array<i32>} : memref<4096xf32, #tpu.memory_space<vmem>>, vector<16xf32>,
        %swap3A_780 = vector.shape_cast %swap3A_779 : vector<16xf32> to vector<16xf32>
        %swap3A_781 = vector.shape_cast %broadcast_in_dim3A_777 : vector<16xf32> to vector<16xf32>
        tpu.vector_store %arg9[%swap3A_778], %swap3A_781 {strides = array<i32>} : memref<4096xf32, #tpu.memory_space<vmem>>, vector<16xf32>,
        %broadcast_in_dim3A_782 = arith.constant 0.000000e+00 : f32
        %broadcast_in_dim3A_783 = vector.broadcast %broadcast_in_dim3A_782 : f32 to vector<16xf32>
        %swap3A_784 = arith.constant 1168 : index
        %swap3A_785 = tpu.vector_load %arg9[%swap3A_784] {strides = array<i32>} : memref<4096xf32, #tpu.memory_space<vmem>>, vector<16xf32>,
        %swap3A_786 = vector.shape_cast %swap3A_785 : vector<16xf32> to vector<16xf32>
        %swap3A_787 = vector.shape_cast %broadcast_in_dim3A_783 : vector<16xf32> to vector<16xf32>
        tpu.vector_store %arg9[%swap3A_784], %swap3A_787 {strides = array<i32>} : memref<4096xf32, #tpu.memory_space<vmem>>, vector<16xf32>,
        %broadcast_in_dim3A_788 = arith.constant 0.000000e+00 : f32
        %broadcast_in_dim3A_789 = vector.broadcast %broadcast_in_dim3A_788 : f32 to vector<16xf32>
        %swap3A_790 = arith.constant 1184 : index
        %swap3A_791 = tpu.vector_load %arg9[%swap3A_790] {strides = array<i32>} : memref<4096xf32, #tpu.memory_space<vmem>>, vector<16xf32>,
        %swap3A_792 = vector.shape_cast %swap3A_791 : vector<16xf32> to vector<16xf32>
        %swap3A_793 = vector.shape_cast %broadcast_in_dim3A_789 : vector<16xf32> to vector<16xf32>
        tpu.vector_store %arg9[%swap3A_790], %swap3A_793 {strides = array<i32>} : memref<4096xf32, #tpu.memory_space<vmem>>, vector<16xf32>,
        %broadcast_in_dim3A_794 = arith.constant 0.000000e+00 : f32
        %broadcast_in_dim3A_795 = vector.broadcast %broadcast_in_dim3A_794 : f32 to vector<16xf32>
        %swap3A_796 = arith.constant 1200 : index
        %swap3A_797 = tpu.vector_load %arg9[%swap3A_796] {strides = array<i32>} : memref<4096xf32, #tpu.memory_space<vmem>>, vector<16xf32>,
        %swap3A_798 = vector.shape_cast %swap3A_797 : vector<16xf32> to vector<16xf32>
        %swap3A_799 = vector.shape_cast %broadcast_in_dim3A_795 : vector<16xf32> to vector<16xf32>
        tpu.vector_store %arg9[%swap3A_796], %swap3A_799 {strides = array<i32>} : memref<4096xf32, #tpu.memory_space<vmem>>, vector<16xf32>,
        %broadcast_in_dim3A_800 = arith.constant 0.000000e+00 : f32
        %broadcast_in_dim3A_801 = vector.broadcast %broadcast_in_dim3A_800 : f32 to vector<16xf32>
        %swap3A_802 = arith.constant 1216 : index
        %swap3A_803 = tpu.vector_load %arg9[%swap3A_802] {strides = array<i32>} : memref<4096xf32, #tpu.memory_space<vmem>>, vector<16xf32>,
        %swap3A_804 = vector.shape_cast %swap3A_803 : vector<16xf32> to vector<16xf32>
        %swap3A_805 = vector.shape_cast %broadcast_in_dim3A_801 : vector<16xf32> to vector<16xf32>
        tpu.vector_store %arg9[%swap3A_802], %swap3A_805 {strides = array<i32>} : memref<4096xf32, #tpu.memory_space<vmem>>, vector<16xf32>,
        %broadcast_in_dim3A_806 = arith.constant 0.000000e+00 : f32
        %broadcast_in_dim3A_807 = vector.broadcast %broadcast_in_dim3A_806 : f32 to vector<16xf32>
        %swap3A_808 = arith.constant 1232 : index
        %swap3A_809 = tpu.vector_load %arg9[%swap3A_808] {strides = array<i32>} : memref<4096xf32, #tpu.memory_space<vmem>>, vector<16xf32>,
        %swap3A_810 = vector.shape_cast %swap3A_809 : vector<16xf32> to vector<16xf32>
        %swap3A_811 = vector.shape_cast %broadcast_in_dim3A_807 : vector<16xf32> to vector<16xf32>
        tpu.vector_store %arg9[%swap3A_808], %swap3A_811 {strides = array<i32>} : memref<4096xf32, #tpu.memory_space<vmem>>, vector<16xf32>,
        %broadcast_in_dim3A_812 = arith.constant 0.000000e+00 : f32
        %broadcast_in_dim3A_813 = vector.broadcast %broadcast_in_dim3A_812 : f32 to vector<16xf32>
        %swap3A_814 = arith.constant 1248 : index
        %swap3A_815 = tpu.vector_load %arg9[%swap3A_814] {strides = array<i32>} : memref<4096xf32, #tpu.memory_space<vmem>>, vector<16xf32>,
        %swap3A_816 = vector.shape_cast %swap3A_815 : vector<16xf32> to vector<16xf32>
        %swap3A_817 = vector.shape_cast %broadcast_in_dim3A_813 : vector<16xf32> to vector<16xf32>
        tpu.vector_store %arg9[%swap3A_814], %swap3A_817 {strides = array<i32>} : memref<4096xf32, #tpu.memory_space<vmem>>, vector<16xf32>,
        %broadcast_in_dim3A_818 = arith.constant 0.000000e+00 : f32
        %broadcast_in_dim3A_819 = vector.broadcast %broadcast_in_dim3A_818 : f32 to vector<16xf32>
        %swap3A_820 = arith.constant 1264 : index
        %swap3A_821 = tpu.vector_load %arg9[%swap3A_820] {strides = array<i32>} : memref<4096xf32, #tpu.memory_space<vmem>>, vector<16xf32>,
        %swap3A_822 = vector.shape_cast %swap3A_821 : vector<16xf32> to vector<16xf32>
        %swap3A_823 = vector.shape_cast %broadcast_in_dim3A_819 : vector<16xf32> to vector<16xf32>
        tpu.vector_store %arg9[%swap3A_820], %swap3A_823 {strides = array<i32>} : memref<4096xf32, #tpu.memory_space<vmem>>, vector<16xf32>,
        %broadcast_in_dim3A_824 = arith.constant 0.000000e+00 : f32
        %broadcast_in_dim3A_825 = vector.broadcast %broadcast_in_dim3A_824 : f32 to vector<16xf32>
        %swap3A_826 = arith.constant 1280 : index
        %swap3A_827 = tpu.vector_load %arg9[%swap3A_826] {strides = array<i32>} : memref<4096xf32, #tpu.memory_space<vmem>>, vector<16xf32>,
        %swap3A_828 = vector.shape_cast %swap3A_827 : vector<16xf32> to vector<16xf32>
        %swap3A_829 = vector.shape_cast %broadcast_in_dim3A_825 : vector<16xf32> to vector<16xf32>
        tpu.vector_store %arg9[%swap3A_826], %swap3A_829 {strides = array<i32>} : memref<4096xf32, #tpu.memory_space<vmem>>, vector<16xf32>,
        %broadcast_in_dim3A_830 = arith.constant 0.000000e+00 : f32
        %broadcast_in_dim3A_831 = vector.broadcast %broadcast_in_dim3A_830 : f32 to vector<16xf32>
        %swap3A_832 = arith.constant 1296 : index
        %swap3A_833 = tpu.vector_load %arg9[%swap3A_832] {strides = array<i32>} : memref<4096xf32, #tpu.memory_space<vmem>>, vector<16xf32>,
        %swap3A_834 = vector.shape_cast %swap3A_833 : vector<16xf32> to vector<16xf32>
        %swap3A_835 = vector.shape_cast %broadcast_in_dim3A_831 : vector<16xf32> to vector<16xf32>
        tpu.vector_store %arg9[%swap3A_832], %swap3A_835 {strides = array<i32>} : memref<4096xf32, #tpu.memory_space<vmem>>, vector<16xf32>,
        %broadcast_in_dim3A_836 = arith.constant 0.000000e+00 : f32
        %broadcast_in_dim3A_837 = vector.broadcast %broadcast_in_dim3A_836 : f32 to vector<16xf32>
        %swap3A_838 = arith.constant 1312 : index
        %swap3A_839 = tpu.vector_load %arg9[%swap3A_838] {strides = array<i32>} : memref<4096xf32, #tpu.memory_space<vmem>>, vector<16xf32>,
        %swap3A_840 = vector.shape_cast %swap3A_839 : vector<16xf32> to vector<16xf32>
        %swap3A_841 = vector.shape_cast %broadcast_in_dim3A_837 : vector<16xf32> to vector<16xf32>
        tpu.vector_store %arg9[%swap3A_838], %swap3A_841 {strides = array<i32>} : memref<4096xf32, #tpu.memory_space<vmem>>, vector<16xf32>,
        %broadcast_in_dim3A_842 = arith.constant 0.000000e+00 : f32
        %broadcast_in_dim3A_843 = vector.broadcast %broadcast_in_dim3A_842 : f32 to vector<16xf32>
        %swap3A_844 = arith.constant 1328 : index
        %swap3A_845 = tpu.vector_load %arg9[%swap3A_844] {strides = array<i32>} : memref<4096xf32, #tpu.memory_space<vmem>>, vector<16xf32>,
        %swap3A_846 = vector.shape_cast %swap3A_845 : vector<16xf32> to vector<16xf32>
        %swap3A_847 = vector.shape_cast %broadcast_in_dim3A_843 : vector<16xf32> to vector<16xf32>
        tpu.vector_store %arg9[%swap3A_844], %swap3A_847 {strides = array<i32>} : memref<4096xf32, #tpu.memory_space<vmem>>, vector<16xf32>,
        %broadcast_in_dim3A_848 = arith.constant 0.000000e+00 : f32
        %broadcast_in_dim3A_849 = vector.broadcast %broadcast_in_dim3A_848 : f32 to vector<16xf32>
        %swap3A_850 = arith.constant 1344 : index
        %swap3A_851 = tpu.vector_load %arg9[%swap3A_850] {strides = array<i32>} : memref<4096xf32, #tpu.memory_space<vmem>>, vector<16xf32>,
        %swap3A_852 = vector.shape_cast %swap3A_851 : vector<16xf32> to vector<16xf32>
        %swap3A_853 = vector.shape_cast %broadcast_in_dim3A_849 : vector<16xf32> to vector<16xf32>
        tpu.vector_store %arg9[%swap3A_850], %swap3A_853 {strides = array<i32>} : memref<4096xf32, #tpu.memory_space<vmem>>, vector<16xf32>,
        %broadcast_in_dim3A_854 = arith.constant 0.000000e+00 : f32
        %broadcast_in_dim3A_855 = vector.broadcast %broadcast_in_dim3A_854 : f32 to vector<16xf32>
        %swap3A_856 = arith.constant 1360 : index
        %swap3A_857 = tpu.vector_load %arg9[%swap3A_856] {strides = array<i32>} : memref<4096xf32, #tpu.memory_space<vmem>>, vector<16xf32>,
        %swap3A_858 = vector.shape_cast %swap3A_857 : vector<16xf32> to vector<16xf32>
        %swap3A_859 = vector.shape_cast %broadcast_in_dim3A_855 : vector<16xf32> to vector<16xf32>
        tpu.vector_store %arg9[%swap3A_856], %swap3A_859 {strides = array<i32>} : memref<4096xf32, #tpu.memory_space<vmem>>, vector<16xf32>,
        %broadcast_in_dim3A_860 = arith.constant 0.000000e+00 : f32
        %broadcast_in_dim3A_861 = vector.broadcast %broadcast_in_dim3A_860 : f32 to vector<16xf32>
        %swap3A_862 = arith.constant 1376 : index
        %swap3A_863 = tpu.vector_load %arg9[%swap3A_862] {strides = array<i32>} : memref<4096xf32, #tpu.memory_space<vmem>>, vector<16xf32>,
        %swap3A_864 = vector.shape_cast %swap3A_863 : vector<16xf32> to vector<16xf32>
        %swap3A_865 = vector.shape_cast %broadcast_in_dim3A_861 : vector<16xf32> to vector<16xf32>
        tpu.vector_store %arg9[%swap3A_862], %swap3A_865 {strides = array<i32>} : memref<4096xf32, #tpu.memory_space<vmem>>, vector<16xf32>,
        %broadcast_in_dim3A_866 = arith.constant 0.000000e+00 : f32
        %broadcast_in_dim3A_867 = vector.broadcast %broadcast_in_dim3A_866 : f32 to vector<16xf32>
        %swap3A_868 = arith.constant 1392 : index
        %swap3A_869 = tpu.vector_load %arg9[%swap3A_868] {strides = array<i32>} : memref<4096xf32, #tpu.memory_space<vmem>>, vector<16xf32>,
        %swap3A_870 = vector.shape_cast %swap3A_869 : vector<16xf32> to vector<16xf32>
        %swap3A_871 = vector.shape_cast %broadcast_in_dim3A_867 : vector<16xf32> to vector<16xf32>
        tpu.vector_store %arg9[%swap3A_868], %swap3A_871 {strides = array<i32>} : memref<4096xf32, #tpu.memory_space<vmem>>, vector<16xf32>,
        %broadcast_in_dim3A_872 = arith.constant 0.000000e+00 : f32
        %broadcast_in_dim3A_873 = vector.broadcast %broadcast_in_dim3A_872 : f32 to vector<16xf32>
        %swap3A_874 = arith.constant 1408 : index
        %swap3A_875 = tpu.vector_load %arg9[%swap3A_874] {strides = array<i32>} : memref<4096xf32, #tpu.memory_space<vmem>>, vector<16xf32>,
        %swap3A_876 = vector.shape_cast %swap3A_875 : vector<16xf32> to vector<16xf32>
        %swap3A_877 = vector.shape_cast %broadcast_in_dim3A_873 : vector<16xf32> to vector<16xf32>
        tpu.vector_store %arg9[%swap3A_874], %swap3A_877 {strides = array<i32>} : memref<4096xf32, #tpu.memory_space<vmem>>, vector<16xf32>,
        %broadcast_in_dim3A_878 = arith.constant 0.000000e+00 : f32
        %broadcast_in_dim3A_879 = vector.broadcast %broadcast_in_dim3A_878 : f32 to vector<16xf32>
        %swap3A_880 = arith.constant 1424 : index
        %swap3A_881 = tpu.vector_load %arg9[%swap3A_880] {strides = array<i32>} : memref<4096xf32, #tpu.memory_space<vmem>>, vector<16xf32>,
        %swap3A_882 = vector.shape_cast %swap3A_881 : vector<16xf32> to vector<16xf32>
        %swap3A_883 = vector.shape_cast %broadcast_in_dim3A_879 : vector<16xf32> to vector<16xf32>
        tpu.vector_store %arg9[%swap3A_880], %swap3A_883 {strides = array<i32>} : memref<4096xf32, #tpu.memory_space<vmem>>, vector<16xf32>,
        %broadcast_in_dim3A_884 = arith.constant 0.000000e+00 : f32
        %broadcast_in_dim3A_885 = vector.broadcast %broadcast_in_dim3A_884 : f32 to vector<16xf32>
        %swap3A_886 = arith.constant 1440 : index
        %swap3A_887 = tpu.vector_load %arg9[%swap3A_886] {strides = array<i32>} : memref<4096xf32, #tpu.memory_space<vmem>>, vector<16xf32>,
        %swap3A_888 = vector.shape_cast %swap3A_887 : vector<16xf32> to vector<16xf32>
        %swap3A_889 = vector.shape_cast %broadcast_in_dim3A_885 : vector<16xf32> to vector<16xf32>
        tpu.vector_store %arg9[%swap3A_886], %swap3A_889 {strides = array<i32>} : memref<4096xf32, #tpu.memory_space<vmem>>, vector<16xf32>,
        %broadcast_in_dim3A_890 = arith.constant 0.000000e+00 : f32
        %broadcast_in_dim3A_891 = vector.broadcast %broadcast_in_dim3A_890 : f32 to vector<16xf32>
        %swap3A_892 = arith.constant 1456 : index
        %swap3A_893 = tpu.vector_load %arg9[%swap3A_892] {strides = array<i32>} : memref<4096xf32, #tpu.memory_space<vmem>>, vector<16xf32>,
        %swap3A_894 = vector.shape_cast %swap3A_893 : vector<16xf32> to vector<16xf32>
        %swap3A_895 = vector.shape_cast %broadcast_in_dim3A_891 : vector<16xf32> to vector<16xf32>
        tpu.vector_store %arg9[%swap3A_892], %swap3A_895 {strides = array<i32>} : memref<4096xf32, #tpu.memory_space<vmem>>, vector<16xf32>,
        %broadcast_in_dim3A_896 = arith.constant 0.000000e+00 : f32
        %broadcast_in_dim3A_897 = vector.broadcast %broadcast_in_dim3A_896 : f32 to vector<16xf32>
        %swap3A_898 = arith.constant 1472 : index
        %swap3A_899 = tpu.vector_load %arg9[%swap3A_898] {strides = array<i32>} : memref<4096xf32, #tpu.memory_space<vmem>>, vector<16xf32>,
        %swap3A_900 = vector.shape_cast %swap3A_899 : vector<16xf32> to vector<16xf32>
        %swap3A_901 = vector.shape_cast %broadcast_in_dim3A_897 : vector<16xf32> to vector<16xf32>
        tpu.vector_store %arg9[%swap3A_898], %swap3A_901 {strides = array<i32>} : memref<4096xf32, #tpu.memory_space<vmem>>, vector<16xf32>,
        %broadcast_in_dim3A_902 = arith.constant 0.000000e+00 : f32
        %broadcast_in_dim3A_903 = vector.broadcast %broadcast_in_dim3A_902 : f32 to vector<16xf32>
        %swap3A_904 = arith.constant 1488 : index
        %swap3A_905 = tpu.vector_load %arg9[%swap3A_904] {strides = array<i32>} : memref<4096xf32, #tpu.memory_space<vmem>>, vector<16xf32>,
        %swap3A_906 = vector.shape_cast %swap3A_905 : vector<16xf32> to vector<16xf32>
        %swap3A_907 = vector.shape_cast %broadcast_in_dim3A_903 : vector<16xf32> to vector<16xf32>
        tpu.vector_store %arg9[%swap3A_904], %swap3A_907 {strides = array<i32>} : memref<4096xf32, #tpu.memory_space<vmem>>, vector<16xf32>,
        %broadcast_in_dim3A_908 = arith.constant 0.000000e+00 : f32
        %broadcast_in_dim3A_909 = vector.broadcast %broadcast_in_dim3A_908 : f32 to vector<16xf32>
        %swap3A_910 = arith.constant 1504 : index
        %swap3A_911 = tpu.vector_load %arg9[%swap3A_910] {strides = array<i32>} : memref<4096xf32, #tpu.memory_space<vmem>>, vector<16xf32>,
        %swap3A_912 = vector.shape_cast %swap3A_911 : vector<16xf32> to vector<16xf32>
        %swap3A_913 = vector.shape_cast %broadcast_in_dim3A_909 : vector<16xf32> to vector<16xf32>
        tpu.vector_store %arg9[%swap3A_910], %swap3A_913 {strides = array<i32>} : memref<4096xf32, #tpu.memory_space<vmem>>, vector<16xf32>,
        %broadcast_in_dim3A_914 = arith.constant 0.000000e+00 : f32
        %broadcast_in_dim3A_915 = vector.broadcast %broadcast_in_dim3A_914 : f32 to vector<16xf32>
        %swap3A_916 = arith.constant 1520 : index
        %swap3A_917 = tpu.vector_load %arg9[%swap3A_916] {strides = array<i32>} : memref<4096xf32, #tpu.memory_space<vmem>>, vector<16xf32>,
        %swap3A_918 = vector.shape_cast %swap3A_917 : vector<16xf32> to vector<16xf32>
        %swap3A_919 = vector.shape_cast %broadcast_in_dim3A_915 : vector<16xf32> to vector<16xf32>
        tpu.vector_store %arg9[%swap3A_916], %swap3A_919 {strides = array<i32>} : memref<4096xf32, #tpu.memory_space<vmem>>, vector<16xf32>,
        %broadcast_in_dim3A_920 = arith.constant 0.000000e+00 : f32
        %broadcast_in_dim3A_921 = vector.broadcast %broadcast_in_dim3A_920 : f32 to vector<16xf32>
        %swap3A_922 = arith.constant 1536 : index
        %swap3A_923 = tpu.vector_load %arg9[%swap3A_922] {strides = array<i32>} : memref<4096xf32, #tpu.memory_space<vmem>>, vector<16xf32>,
        %swap3A_924 = vector.shape_cast %swap3A_923 : vector<16xf32> to vector<16xf32>
        %swap3A_925 = vector.shape_cast %broadcast_in_dim3A_921 : vector<16xf32> to vector<16xf32>
        tpu.vector_store %arg9[%swap3A_922], %swap3A_925 {strides = array<i32>} : memref<4096xf32, #tpu.memory_space<vmem>>, vector<16xf32>,
        %broadcast_in_dim3A_926 = arith.constant 0.000000e+00 : f32
        %broadcast_in_dim3A_927 = vector.broadcast %broadcast_in_dim3A_926 : f32 to vector<16xf32>
        %swap3A_928 = arith.constant 1552 : index
        %swap3A_929 = tpu.vector_load %arg9[%swap3A_928] {strides = array<i32>} : memref<4096xf32, #tpu.memory_space<vmem>>, vector<16xf32>,
        %swap3A_930 = vector.shape_cast %swap3A_929 : vector<16xf32> to vector<16xf32>
        %swap3A_931 = vector.shape_cast %broadcast_in_dim3A_927 : vector<16xf32> to vector<16xf32>
        tpu.vector_store %arg9[%swap3A_928], %swap3A_931 {strides = array<i32>} : memref<4096xf32, #tpu.memory_space<vmem>>, vector<16xf32>,
        %broadcast_in_dim3A_932 = arith.constant 0.000000e+00 : f32
        %broadcast_in_dim3A_933 = vector.broadcast %broadcast_in_dim3A_932 : f32 to vector<16xf32>
        %swap3A_934 = arith.constant 1568 : index
        %swap3A_935 = tpu.vector_load %arg9[%swap3A_934] {strides = array<i32>} : memref<4096xf32, #tpu.memory_space<vmem>>, vector<16xf32>,
        %swap3A_936 = vector.shape_cast %swap3A_935 : vector<16xf32> to vector<16xf32>
        %swap3A_937 = vector.shape_cast %broadcast_in_dim3A_933 : vector<16xf32> to vector<16xf32>
        tpu.vector_store %arg9[%swap3A_934], %swap3A_937 {strides = array<i32>} : memref<4096xf32, #tpu.memory_space<vmem>>, vector<16xf32>,
        %broadcast_in_dim3A_938 = arith.constant 0.000000e+00 : f32
        %broadcast_in_dim3A_939 = vector.broadcast %broadcast_in_dim3A_938 : f32 to vector<16xf32>
        %swap3A_940 = arith.constant 1584 : index
        %swap3A_941 = tpu.vector_load %arg9[%swap3A_940] {strides = array<i32>} : memref<4096xf32, #tpu.memory_space<vmem>>, vector<16xf32>,
        %swap3A_942 = vector.shape_cast %swap3A_941 : vector<16xf32> to vector<16xf32>
        %swap3A_943 = vector.shape_cast %broadcast_in_dim3A_939 : vector<16xf32> to vector<16xf32>
        tpu.vector_store %arg9[%swap3A_940], %swap3A_943 {strides = array<i32>} : memref<4096xf32, #tpu.memory_space<vmem>>, vector<16xf32>,
        %broadcast_in_dim3A_944 = arith.constant 0.000000e+00 : f32
        %broadcast_in_dim3A_945 = vector.broadcast %broadcast_in_dim3A_944 : f32 to vector<16xf32>
        %swap3A_946 = arith.constant 1600 : index
        %swap3A_947 = tpu.vector_load %arg9[%swap3A_946] {strides = array<i32>} : memref<4096xf32, #tpu.memory_space<vmem>>, vector<16xf32>,
        %swap3A_948 = vector.shape_cast %swap3A_947 : vector<16xf32> to vector<16xf32>
        %swap3A_949 = vector.shape_cast %broadcast_in_dim3A_945 : vector<16xf32> to vector<16xf32>
        tpu.vector_store %arg9[%swap3A_946], %swap3A_949 {strides = array<i32>} : memref<4096xf32, #tpu.memory_space<vmem>>, vector<16xf32>,
        %broadcast_in_dim3A_950 = arith.constant 0.000000e+00 : f32
        %broadcast_in_dim3A_951 = vector.broadcast %broadcast_in_dim3A_950 : f32 to vector<16xf32>
        %swap3A_952 = arith.constant 1616 : index
        %swap3A_953 = tpu.vector_load %arg9[%swap3A_952] {strides = array<i32>} : memref<4096xf32, #tpu.memory_space<vmem>>, vector<16xf32>,
        %swap3A_954 = vector.shape_cast %swap3A_953 : vector<16xf32> to vector<16xf32>
        %swap3A_955 = vector.shape_cast %broadcast_in_dim3A_951 : vector<16xf32> to vector<16xf32>
        tpu.vector_store %arg9[%swap3A_952], %swap3A_955 {strides = array<i32>} : memref<4096xf32, #tpu.memory_space<vmem>>, vector<16xf32>,
        %broadcast_in_dim3A_956 = arith.constant 0.000000e+00 : f32
        %broadcast_in_dim3A_957 = vector.broadcast %broadcast_in_dim3A_956 : f32 to vector<16xf32>
        %swap3A_958 = arith.constant 1632 : index
        %swap3A_959 = tpu.vector_load %arg9[%swap3A_958] {strides = array<i32>} : memref<4096xf32, #tpu.memory_space<vmem>>, vector<16xf32>,
        %swap3A_960 = vector.shape_cast %swap3A_959 : vector<16xf32> to vector<16xf32>
        %swap3A_961 = vector.shape_cast %broadcast_in_dim3A_957 : vector<16xf32> to vector<16xf32>
        tpu.vector_store %arg9[%swap3A_958], %swap3A_961 {strides = array<i32>} : memref<4096xf32, #tpu.memory_space<vmem>>, vector<16xf32>,
        %broadcast_in_dim3A_962 = arith.constant 0.000000e+00 : f32
        %broadcast_in_dim3A_963 = vector.broadcast %broadcast_in_dim3A_962 : f32 to vector<16xf32>
        %swap3A_964 = arith.constant 1648 : index
        %swap3A_965 = tpu.vector_load %arg9[%swap3A_964] {strides = array<i32>} : memref<4096xf32, #tpu.memory_space<vmem>>, vector<16xf32>,
        %swap3A_966 = vector.shape_cast %swap3A_965 : vector<16xf32> to vector<16xf32>
        %swap3A_967 = vector.shape_cast %broadcast_in_dim3A_963 : vector<16xf32> to vector<16xf32>
        tpu.vector_store %arg9[%swap3A_964], %swap3A_967 {strides = array<i32>} : memref<4096xf32, #tpu.memory_space<vmem>>, vector<16xf32>,
        %broadcast_in_dim3A_968 = arith.constant 0.000000e+00 : f32
        %broadcast_in_dim3A_969 = vector.broadcast %broadcast_in_dim3A_968 : f32 to vector<16xf32>
        %swap3A_970 = arith.constant 1664 : index
        %swap3A_971 = tpu.vector_load %arg9[%swap3A_970] {strides = array<i32>} : memref<4096xf32, #tpu.memory_space<vmem>>, vector<16xf32>,
        %swap3A_972 = vector.shape_cast %swap3A_971 : vector<16xf32> to vector<16xf32>
        %swap3A_973 = vector.shape_cast %broadcast_in_dim3A_969 : vector<16xf32> to vector<16xf32>
        tpu.vector_store %arg9[%swap3A_970], %swap3A_973 {strides = array<i32>} : memref<4096xf32, #tpu.memory_space<vmem>>, vector<16xf32>,
        %broadcast_in_dim3A_974 = arith.constant 0.000000e+00 : f32
        %broadcast_in_dim3A_975 = vector.broadcast %broadcast_in_dim3A_974 : f32 to vector<16xf32>
        %swap3A_976 = arith.constant 1680 : index
        %swap3A_977 = tpu.vector_load %arg9[%swap3A_976] {strides = array<i32>} : memref<4096xf32, #tpu.memory_space<vmem>>, vector<16xf32>,
        %swap3A_978 = vector.shape_cast %swap3A_977 : vector<16xf32> to vector<16xf32>
        %swap3A_979 = vector.shape_cast %broadcast_in_dim3A_975 : vector<16xf32> to vector<16xf32>
        tpu.vector_store %arg9[%swap3A_976], %swap3A_979 {strides = array<i32>} : memref<4096xf32, #tpu.memory_space<vmem>>, vector<16xf32>,
        %broadcast_in_dim3A_980 = arith.constant 0.000000e+00 : f32
        %broadcast_in_dim3A_981 = vector.broadcast %broadcast_in_dim3A_980 : f32 to vector<16xf32>
        %swap3A_982 = arith.constant 1696 : index
        %swap3A_983 = tpu.vector_load %arg9[%swap3A_982] {strides = array<i32>} : memref<4096xf32, #tpu.memory_space<vmem>>, vector<16xf32>,
        %swap3A_984 = vector.shape_cast %swap3A_983 : vector<16xf32> to vector<16xf32>
        %swap3A_985 = vector.shape_cast %broadcast_in_dim3A_981 : vector<16xf32> to vector<16xf32>
        tpu.vector_store %arg9[%swap3A_982], %swap3A_985 {strides = array<i32>} : memref<4096xf32, #tpu.memory_space<vmem>>, vector<16xf32>,
        %broadcast_in_dim3A_986 = arith.constant 0.000000e+00 : f32
        %broadcast_in_dim3A_987 = vector.broadcast %broadcast_in_dim3A_986 : f32 to vector<16xf32>
        %swap3A_988 = arith.constant 1712 : index
        %swap3A_989 = tpu.vector_load %arg9[%swap3A_988] {strides = array<i32>} : memref<4096xf32, #tpu.memory_space<vmem>>, vector<16xf32>,
        %swap3A_990 = vector.shape_cast %swap3A_989 : vector<16xf32> to vector<16xf32>
        %swap3A_991 = vector.shape_cast %broadcast_in_dim3A_987 : vector<16xf32> to vector<16xf32>
        tpu.vector_store %arg9[%swap3A_988], %swap3A_991 {strides = array<i32>} : memref<4096xf32, #tpu.memory_space<vmem>>, vector<16xf32>,
        %broadcast_in_dim3A_992 = arith.constant 0.000000e+00 : f32
        %broadcast_in_dim3A_993 = vector.broadcast %broadcast_in_dim3A_992 : f32 to vector<16xf32>
        %swap3A_994 = arith.constant 1728 : index
        %swap3A_995 = tpu.vector_load %arg9[%swap3A_994] {strides = array<i32>} : memref<4096xf32, #tpu.memory_space<vmem>>, vector<16xf32>,
        %swap3A_996 = vector.shape_cast %swap3A_995 : vector<16xf32> to vector<16xf32>
        %swap3A_997 = vector.shape_cast %broadcast_in_dim3A_993 : vector<16xf32> to vector<16xf32>
        tpu.vector_store %arg9[%swap3A_994], %swap3A_997 {strides = array<i32>} : memref<4096xf32, #tpu.memory_space<vmem>>, vector<16xf32>,
        %broadcast_in_dim3A_998 = arith.constant 0.000000e+00 : f32
        %broadcast_in_dim3A_999 = vector.broadcast %broadcast_in_dim3A_998 : f32 to vector<16xf32>
        %swap3A_1000 = arith.constant 1744 : index
        %swap3A_1001 = tpu.vector_load %arg9[%swap3A_1000] {strides = array<i32>} : memref<4096xf32, #tpu.memory_space<vmem>>, vector<16xf32>,
        %swap3A_1002 = vector.shape_cast %swap3A_1001 : vector<16xf32> to vector<16xf32>
        %swap3A_1003 = vector.shape_cast %broadcast_in_dim3A_999 : vector<16xf32> to vector<16xf32>
        tpu.vector_store %arg9[%swap3A_1000], %swap3A_1003 {strides = array<i32>} : memref<4096xf32, #tpu.memory_space<vmem>>, vector<16xf32>,
        %broadcast_in_dim3A_1004 = arith.constant 0.000000e+00 : f32
        %broadcast_in_dim3A_1005 = vector.broadcast %broadcast_in_dim3A_1004 : f32 to vector<16xf32>
        %swap3A_1006 = arith.constant 1760 : index
        %swap3A_1007 = tpu.vector_load %arg9[%swap3A_1006] {strides = array<i32>} : memref<4096xf32, #tpu.memory_space<vmem>>, vector<16xf32>,
        %swap3A_1008 = vector.shape_cast %swap3A_1007 : vector<16xf32> to vector<16xf32>
        %swap3A_1009 = vector.shape_cast %broadcast_in_dim3A_1005 : vector<16xf32> to vector<16xf32>
        tpu.vector_store %arg9[%swap3A_1006], %swap3A_1009 {strides = array<i32>} : memref<4096xf32, #tpu.memory_space<vmem>>, vector<16xf32>,
        %broadcast_in_dim3A_1010 = arith.constant 0.000000e+00 : f32
        %broadcast_in_dim3A_1011 = vector.broadcast %broadcast_in_dim3A_1010 : f32 to vector<16xf32>
        %swap3A_1012 = arith.constant 1776 : index
        %swap3A_1013 = tpu.vector_load %arg9[%swap3A_1012] {strides = array<i32>} : memref<4096xf32, #tpu.memory_space<vmem>>, vector<16xf32>,
        %swap3A_1014 = vector.shape_cast %swap3A_1013 : vector<16xf32> to vector<16xf32>
        %swap3A_1015 = vector.shape_cast %broadcast_in_dim3A_1011 : vector<16xf32> to vector<16xf32>
        tpu.vector_store %arg9[%swap3A_1012], %swap3A_1015 {strides = array<i32>} : memref<4096xf32, #tpu.memory_space<vmem>>, vector<16xf32>,
        %broadcast_in_dim3A_1016 = arith.constant 0.000000e+00 : f32
        %broadcast_in_dim3A_1017 = vector.broadcast %broadcast_in_dim3A_1016 : f32 to vector<16xf32>
        %swap3A_1018 = arith.constant 1792 : index
        %swap3A_1019 = tpu.vector_load %arg9[%swap3A_1018] {strides = array<i32>} : memref<4096xf32, #tpu.memory_space<vmem>>, vector<16xf32>,
        %swap3A_1020 = vector.shape_cast %swap3A_1019 : vector<16xf32> to vector<16xf32>
        %swap3A_1021 = vector.shape_cast %broadcast_in_dim3A_1017 : vector<16xf32> to vector<16xf32>
        tpu.vector_store %arg9[%swap3A_1018], %swap3A_1021 {strides = array<i32>} : memref<4096xf32, #tpu.memory_space<vmem>>, vector<16xf32>,
        %broadcast_in_dim3A_1022 = arith.constant 0.000000e+00 : f32
        %broadcast_in_dim3A_1023 = vector.broadcast %broadcast_in_dim3A_1022 : f32 to vector<16xf32>
        %swap3A_1024 = arith.constant 1808 : index
        %swap3A_1025 = tpu.vector_load %arg9[%swap3A_1024] {strides = array<i32>} : memref<4096xf32, #tpu.memory_space<vmem>>, vector<16xf32>,
        %swap3A_1026 = vector.shape_cast %swap3A_1025 : vector<16xf32> to vector<16xf32>
        %swap3A_1027 = vector.shape_cast %broadcast_in_dim3A_1023 : vector<16xf32> to vector<16xf32>
        tpu.vector_store %arg9[%swap3A_1024], %swap3A_1027 {strides = array<i32>} : memref<4096xf32, #tpu.memory_space<vmem>>, vector<16xf32>,
        %broadcast_in_dim3A_1028 = arith.constant 0.000000e+00 : f32
        %broadcast_in_dim3A_1029 = vector.broadcast %broadcast_in_dim3A_1028 : f32 to vector<16xf32>
        %swap3A_1030 = arith.constant 1824 : index
        %swap3A_1031 = tpu.vector_load %arg9[%swap3A_1030] {strides = array<i32>} : memref<4096xf32, #tpu.memory_space<vmem>>, vector<16xf32>,
        %swap3A_1032 = vector.shape_cast %swap3A_1031 : vector<16xf32> to vector<16xf32>
        %swap3A_1033 = vector.shape_cast %broadcast_in_dim3A_1029 : vector<16xf32> to vector<16xf32>
        tpu.vector_store %arg9[%swap3A_1030], %swap3A_1033 {strides = array<i32>} : memref<4096xf32, #tpu.memory_space<vmem>>, vector<16xf32>,
        %broadcast_in_dim3A_1034 = arith.constant 0.000000e+00 : f32
        %broadcast_in_dim3A_1035 = vector.broadcast %broadcast_in_dim3A_1034 : f32 to vector<16xf32>
        %swap3A_1036 = arith.constant 1840 : index
        %swap3A_1037 = tpu.vector_load %arg9[%swap3A_1036] {strides = array<i32>} : memref<4096xf32, #tpu.memory_space<vmem>>, vector<16xf32>,
        %swap3A_1038 = vector.shape_cast %swap3A_1037 : vector<16xf32> to vector<16xf32>
        %swap3A_1039 = vector.shape_cast %broadcast_in_dim3A_1035 : vector<16xf32> to vector<16xf32>
        tpu.vector_store %arg9[%swap3A_1036], %swap3A_1039 {strides = array<i32>} : memref<4096xf32, #tpu.memory_space<vmem>>, vector<16xf32>,
        %broadcast_in_dim3A_1040 = arith.constant 0.000000e+00 : f32
        %broadcast_in_dim3A_1041 = vector.broadcast %broadcast_in_dim3A_1040 : f32 to vector<16xf32>
        %swap3A_1042 = arith.constant 1856 : index
        %swap3A_1043 = tpu.vector_load %arg9[%swap3A_1042] {strides = array<i32>} : memref<4096xf32, #tpu.memory_space<vmem>>, vector<16xf32>,
        %swap3A_1044 = vector.shape_cast %swap3A_1043 : vector<16xf32> to vector<16xf32>
        %swap3A_1045 = vector.shape_cast %broadcast_in_dim3A_1041 : vector<16xf32> to vector<16xf32>
        tpu.vector_store %arg9[%swap3A_1042], %swap3A_1045 {strides = array<i32>} : memref<4096xf32, #tpu.memory_space<vmem>>, vector<16xf32>,
        %broadcast_in_dim3A_1046 = arith.constant 0.000000e+00 : f32
        %broadcast_in_dim3A_1047 = vector.broadcast %broadcast_in_dim3A_1046 : f32 to vector<16xf32>
        %swap3A_1048 = arith.constant 1872 : index
        %swap3A_1049 = tpu.vector_load %arg9[%swap3A_1048] {strides = array<i32>} : memref<4096xf32, #tpu.memory_space<vmem>>, vector<16xf32>,
        %swap3A_1050 = vector.shape_cast %swap3A_1049 : vector<16xf32> to vector<16xf32>
        %swap3A_1051 = vector.shape_cast %broadcast_in_dim3A_1047 : vector<16xf32> to vector<16xf32>
        tpu.vector_store %arg9[%swap3A_1048], %swap3A_1051 {strides = array<i32>} : memref<4096xf32, #tpu.memory_space<vmem>>, vector<16xf32>,
        %broadcast_in_dim3A_1052 = arith.constant 0.000000e+00 : f32
        %broadcast_in_dim3A_1053 = vector.broadcast %broadcast_in_dim3A_1052 : f32 to vector<16xf32>
        %swap3A_1054 = arith.constant 1888 : index
        %swap3A_1055 = tpu.vector_load %arg9[%swap3A_1054] {strides = array<i32>} : memref<4096xf32, #tpu.memory_space<vmem>>, vector<16xf32>,
        %swap3A_1056 = vector.shape_cast %swap3A_1055 : vector<16xf32> to vector<16xf32>
        %swap3A_1057 = vector.shape_cast %broadcast_in_dim3A_1053 : vector<16xf32> to vector<16xf32>
        tpu.vector_store %arg9[%swap3A_1054], %swap3A_1057 {strides = array<i32>} : memref<4096xf32, #tpu.memory_space<vmem>>, vector<16xf32>,
        %broadcast_in_dim3A_1058 = arith.constant 0.000000e+00 : f32
        %broadcast_in_dim3A_1059 = vector.broadcast %broadcast_in_dim3A_1058 : f32 to vector<16xf32>
        %swap3A_1060 = arith.constant 1904 : index
        %swap3A_1061 = tpu.vector_load %arg9[%swap3A_1060] {strides = array<i32>} : memref<4096xf32, #tpu.memory_space<vmem>>, vector<16xf32>,
        %swap3A_1062 = vector.shape_cast %swap3A_1061 : vector<16xf32> to vector<16xf32>
        %swap3A_1063 = vector.shape_cast %broadcast_in_dim3A_1059 : vector<16xf32> to vector<16xf32>
        tpu.vector_store %arg9[%swap3A_1060], %swap3A_1063 {strides = array<i32>} : memref<4096xf32, #tpu.memory_space<vmem>>, vector<16xf32>,
        %broadcast_in_dim3A_1064 = arith.constant 0.000000e+00 : f32
        %broadcast_in_dim3A_1065 = vector.broadcast %broadcast_in_dim3A_1064 : f32 to vector<16xf32>
        %swap3A_1066 = arith.constant 1920 : index
        %swap3A_1067 = tpu.vector_load %arg9[%swap3A_1066] {strides = array<i32>} : memref<4096xf32, #tpu.memory_space<vmem>>, vector<16xf32>,
        %swap3A_1068 = vector.shape_cast %swap3A_1067 : vector<16xf32> to vector<16xf32>
        %swap3A_1069 = vector.shape_cast %broadcast_in_dim3A_1065 : vector<16xf32> to vector<16xf32>
        tpu.vector_store %arg9[%swap3A_1066], %swap3A_1069 {strides = array<i32>} : memref<4096xf32, #tpu.memory_space<vmem>>, vector<16xf32>,
        %broadcast_in_dim3A_1070 = arith.constant 0.000000e+00 : f32
        %broadcast_in_dim3A_1071 = vector.broadcast %broadcast_in_dim3A_1070 : f32 to vector<16xf32>
        %swap3A_1072 = arith.constant 1936 : index
        %swap3A_1073 = tpu.vector_load %arg9[%swap3A_1072] {strides = array<i32>} : memref<4096xf32, #tpu.memory_space<vmem>>, vector<16xf32>,
        %swap3A_1074 = vector.shape_cast %swap3A_1073 : vector<16xf32> to vector<16xf32>
        %swap3A_1075 = vector.shape_cast %broadcast_in_dim3A_1071 : vector<16xf32> to vector<16xf32>
        tpu.vector_store %arg9[%swap3A_1072], %swap3A_1075 {strides = array<i32>} : memref<4096xf32, #tpu.memory_space<vmem>>, vector<16xf32>,
        %broadcast_in_dim3A_1076 = arith.constant 0.000000e+00 : f32
        %broadcast_in_dim3A_1077 = vector.broadcast %broadcast_in_dim3A_1076 : f32 to vector<16xf32>
        %swap3A_1078 = arith.constant 1952 : index
        %swap3A_1079 = tpu.vector_load %arg9[%swap3A_1078] {strides = array<i32>} : memref<4096xf32, #tpu.memory_space<vmem>>, vector<16xf32>,
        %swap3A_1080 = vector.shape_cast %swap3A_1079 : vector<16xf32> to vector<16xf32>
        %swap3A_1081 = vector.shape_cast %broadcast_in_dim3A_1077 : vector<16xf32> to vector<16xf32>
        tpu.vector_store %arg9[%swap3A_1078], %swap3A_1081 {strides = array<i32>} : memref<4096xf32, #tpu.memory_space<vmem>>, vector<16xf32>,
        %broadcast_in_dim3A_1082 = arith.constant 0.000000e+00 : f32
        %broadcast_in_dim3A_1083 = vector.broadcast %broadcast_in_dim3A_1082 : f32 to vector<16xf32>
        %swap3A_1084 = arith.constant 1968 : index
        %swap3A_1085 = tpu.vector_load %arg9[%swap3A_1084] {strides = array<i32>} : memref<4096xf32, #tpu.memory_space<vmem>>, vector<16xf32>,
        %swap3A_1086 = vector.shape_cast %swap3A_1085 : vector<16xf32> to vector<16xf32>
        %swap3A_1087 = vector.shape_cast %broadcast_in_dim3A_1083 : vector<16xf32> to vector<16xf32>
        tpu.vector_store %arg9[%swap3A_1084], %swap3A_1087 {strides = array<i32>} : memref<4096xf32, #tpu.memory_space<vmem>>, vector<16xf32>,
        %broadcast_in_dim3A_1088 = arith.constant 0.000000e+00 : f32
        %broadcast_in_dim3A_1089 = vector.broadcast %broadcast_in_dim3A_1088 : f32 to vector<16xf32>
        %swap3A_1090 = arith.constant 1984 : index
        %swap3A_1091 = tpu.vector_load %arg9[%swap3A_1090] {strides = array<i32>} : memref<4096xf32, #tpu.memory_space<vmem>>, vector<16xf32>,
        %swap3A_1092 = vector.shape_cast %swap3A_1091 : vector<16xf32> to vector<16xf32>
        %swap3A_1093 = vector.shape_cast %broadcast_in_dim3A_1089 : vector<16xf32> to vector<16xf32>
        tpu.vector_store %arg9[%swap3A_1090], %swap3A_1093 {strides = array<i32>} : memref<4096xf32, #tpu.memory_space<vmem>>, vector<16xf32>,
        %broadcast_in_dim3A_1094 = arith.constant 0.000000e+00 : f32
        %broadcast_in_dim3A_1095 = vector.broadcast %broadcast_in_dim3A_1094 : f32 to vector<16xf32>
        %swap3A_1096 = arith.constant 2000 : index
        %swap3A_1097 = tpu.vector_load %arg9[%swap3A_1096] {strides = array<i32>} : memref<4096xf32, #tpu.memory_space<vmem>>, vector<16xf32>,
        %swap3A_1098 = vector.shape_cast %swap3A_1097 : vector<16xf32> to vector<16xf32>
        %swap3A_1099 = vector.shape_cast %broadcast_in_dim3A_1095 : vector<16xf32> to vector<16xf32>
        tpu.vector_store %arg9[%swap3A_1096], %swap3A_1099 {strides = array<i32>} : memref<4096xf32, #tpu.memory_space<vmem>>, vector<16xf32>,
        %broadcast_in_dim3A_1100 = arith.constant 0.000000e+00 : f32
        %broadcast_in_dim3A_1101 = vector.broadcast %broadcast_in_dim3A_1100 : f32 to vector<16xf32>
        %swap3A_1102 = arith.constant 2016 : index
        %swap3A_1103 = tpu.vector_load %arg9[%swap3A_1102] {strides = array<i32>} : memref<4096xf32, #tpu.memory_space<vmem>>, vector<16xf32>,
        %swap3A_1104 = vector.shape_cast %swap3A_1103 : vector<16xf32> to vector<16xf32>
        %swap3A_1105 = vector.shape_cast %broadcast_in_dim3A_1101 : vector<16xf32> to vector<16xf32>
        tpu.vector_store %arg9[%swap3A_1102], %swap3A_1105 {strides = array<i32>} : memref<4096xf32, #tpu.memory_space<vmem>>, vector<16xf32>,
        %broadcast_in_dim3A_1106 = arith.constant 0.000000e+00 : f32
        %broadcast_in_dim3A_1107 = vector.broadcast %broadcast_in_dim3A_1106 : f32 to vector<16xf32>
        %swap3A_1108 = arith.constant 2032 : index
        %swap3A_1109 = tpu.vector_load %arg9[%swap3A_1108] {strides = array<i32>} : memref<4096xf32, #tpu.memory_space<vmem>>, vector<16xf32>,
        %swap3A_1110 = vector.shape_cast %swap3A_1109 : vector<16xf32> to vector<16xf32>
        %swap3A_1111 = vector.shape_cast %broadcast_in_dim3A_1107 : vector<16xf32> to vector<16xf32>
        tpu.vector_store %arg9[%swap3A_1108], %swap3A_1111 {strides = array<i32>} : memref<4096xf32, #tpu.memory_space<vmem>>, vector<16xf32>,
        %broadcast_in_dim3A_1112 = arith.constant 0.000000e+00 : f32
        %broadcast_in_dim3A_1113 = vector.broadcast %broadcast_in_dim3A_1112 : f32 to vector<16xf32>
        %swap3A_1114 = arith.constant 2048 : index
        %swap3A_1115 = tpu.vector_load %arg9[%swap3A_1114] {strides = array<i32>} : memref<4096xf32, #tpu.memory_space<vmem>>, vector<16xf32>,
        %swap3A_1116 = vector.shape_cast %swap3A_1115 : vector<16xf32> to vector<16xf32>
        %swap3A_1117 = vector.shape_cast %broadcast_in_dim3A_1113 : vector<16xf32> to vector<16xf32>
        tpu.vector_store %arg9[%swap3A_1114], %swap3A_1117 {strides = array<i32>} : memref<4096xf32, #tpu.memory_space<vmem>>, vector<16xf32>,
        %broadcast_in_dim3A_1118 = arith.constant 0.000000e+00 : f32
        %broadcast_in_dim3A_1119 = vector.broadcast %broadcast_in_dim3A_1118 : f32 to vector<16xf32>
        %swap3A_1120 = arith.constant 2064 : index
        %swap3A_1121 = tpu.vector_load %arg9[%swap3A_1120] {strides = array<i32>} : memref<4096xf32, #tpu.memory_space<vmem>>, vector<16xf32>,
        %swap3A_1122 = vector.shape_cast %swap3A_1121 : vector<16xf32> to vector<16xf32>
        %swap3A_1123 = vector.shape_cast %broadcast_in_dim3A_1119 : vector<16xf32> to vector<16xf32>
        tpu.vector_store %arg9[%swap3A_1120], %swap3A_1123 {strides = array<i32>} : memref<4096xf32, #tpu.memory_space<vmem>>, vector<16xf32>,
        %broadcast_in_dim3A_1124 = arith.constant 0.000000e+00 : f32
        %broadcast_in_dim3A_1125 = vector.broadcast %broadcast_in_dim3A_1124 : f32 to vector<16xf32>
        %swap3A_1126 = arith.constant 2080 : index
        %swap3A_1127 = tpu.vector_load %arg9[%swap3A_1126] {strides = array<i32>} : memref<4096xf32, #tpu.memory_space<vmem>>, vector<16xf32>,
        %swap3A_1128 = vector.shape_cast %swap3A_1127 : vector<16xf32> to vector<16xf32>
        %swap3A_1129 = vector.shape_cast %broadcast_in_dim3A_1125 : vector<16xf32> to vector<16xf32>
        tpu.vector_store %arg9[%swap3A_1126], %swap3A_1129 {strides = array<i32>} : memref<4096xf32, #tpu.memory_space<vmem>>, vector<16xf32>,
        %broadcast_in_dim3A_1130 = arith.constant 0.000000e+00 : f32
        %broadcast_in_dim3A_1131 = vector.broadcast %broadcast_in_dim3A_1130 : f32 to vector<16xf32>
        %swap3A_1132 = arith.constant 2096 : index
        %swap3A_1133 = tpu.vector_load %arg9[%swap3A_1132] {strides = array<i32>} : memref<4096xf32, #tpu.memory_space<vmem>>, vector<16xf32>,
        %swap3A_1134 = vector.shape_cast %swap3A_1133 : vector<16xf32> to vector<16xf32>
        %swap3A_1135 = vector.shape_cast %broadcast_in_dim3A_1131 : vector<16xf32> to vector<16xf32>
        tpu.vector_store %arg9[%swap3A_1132], %swap3A_1135 {strides = array<i32>} : memref<4096xf32, #tpu.memory_space<vmem>>, vector<16xf32>,
        %broadcast_in_dim3A_1136 = arith.constant 0.000000e+00 : f32
        %broadcast_in_dim3A_1137 = vector.broadcast %broadcast_in_dim3A_1136 : f32 to vector<16xf32>
        %swap3A_1138 = arith.constant 2112 : index
        %swap3A_1139 = tpu.vector_load %arg9[%swap3A_1138] {strides = array<i32>} : memref<4096xf32, #tpu.memory_space<vmem>>, vector<16xf32>,
        %swap3A_1140 = vector.shape_cast %swap3A_1139 : vector<16xf32> to vector<16xf32>
        %swap3A_1141 = vector.shape_cast %broadcast_in_dim3A_1137 : vector<16xf32> to vector<16xf32>
        tpu.vector_store %arg9[%swap3A_1138], %swap3A_1141 {strides = array<i32>} : memref<4096xf32, #tpu.memory_space<vmem>>, vector<16xf32>,
        %broadcast_in_dim3A_1142 = arith.constant 0.000000e+00 : f32
        %broadcast_in_dim3A_1143 = vector.broadcast %broadcast_in_dim3A_1142 : f32 to vector<16xf32>
        %swap3A_1144 = arith.constant 2128 : index
        %swap3A_1145 = tpu.vector_load %arg9[%swap3A_1144] {strides = array<i32>} : memref<4096xf32, #tpu.memory_space<vmem>>, vector<16xf32>,
        %swap3A_1146 = vector.shape_cast %swap3A_1145 : vector<16xf32> to vector<16xf32>
        %swap3A_1147 = vector.shape_cast %broadcast_in_dim3A_1143 : vector<16xf32> to vector<16xf32>
        tpu.vector_store %arg9[%swap3A_1144], %swap3A_1147 {strides = array<i32>} : memref<4096xf32, #tpu.memory_space<vmem>>, vector<16xf32>,
        %broadcast_in_dim3A_1148 = arith.constant 0.000000e+00 : f32
        %broadcast_in_dim3A_1149 = vector.broadcast %broadcast_in_dim3A_1148 : f32 to vector<16xf32>
        %swap3A_1150 = arith.constant 2144 : index
        %swap3A_1151 = tpu.vector_load %arg9[%swap3A_1150] {strides = array<i32>} : memref<4096xf32, #tpu.memory_space<vmem>>, vector<16xf32>,
        %swap3A_1152 = vector.shape_cast %swap3A_1151 : vector<16xf32> to vector<16xf32>
        %swap3A_1153 = vector.shape_cast %broadcast_in_dim3A_1149 : vector<16xf32> to vector<16xf32>
        tpu.vector_store %arg9[%swap3A_1150], %swap3A_1153 {strides = array<i32>} : memref<4096xf32, #tpu.memory_space<vmem>>, vector<16xf32>,
        %broadcast_in_dim3A_1154 = arith.constant 0.000000e+00 : f32
        %broadcast_in_dim3A_1155 = vector.broadcast %broadcast_in_dim3A_1154 : f32 to vector<16xf32>
        %swap3A_1156 = arith.constant 2160 : index
        %swap3A_1157 = tpu.vector_load %arg9[%swap3A_1156] {strides = array<i32>} : memref<4096xf32, #tpu.memory_space<vmem>>, vector<16xf32>,
        %swap3A_1158 = vector.shape_cast %swap3A_1157 : vector<16xf32> to vector<16xf32>
        %swap3A_1159 = vector.shape_cast %broadcast_in_dim3A_1155 : vector<16xf32> to vector<16xf32>
        tpu.vector_store %arg9[%swap3A_1156], %swap3A_1159 {strides = array<i32>} : memref<4096xf32, #tpu.memory_space<vmem>>, vector<16xf32>,
        %broadcast_in_dim3A_1160 = arith.constant 0.000000e+00 : f32
        %broadcast_in_dim3A_1161 = vector.broadcast %broadcast_in_dim3A_1160 : f32 to vector<16xf32>
        %swap3A_1162 = arith.constant 2176 : index
        %swap3A_1163 = tpu.vector_load %arg9[%swap3A_1162] {strides = array<i32>} : memref<4096xf32, #tpu.memory_space<vmem>>, vector<16xf32>,
        %swap3A_1164 = vector.shape_cast %swap3A_1163 : vector<16xf32> to vector<16xf32>
        %swap3A_1165 = vector.shape_cast %broadcast_in_dim3A_1161 : vector<16xf32> to vector<16xf32>
        tpu.vector_store %arg9[%swap3A_1162], %swap3A_1165 {strides = array<i32>} : memref<4096xf32, #tpu.memory_space<vmem>>, vector<16xf32>,
        %broadcast_in_dim3A_1166 = arith.constant 0.000000e+00 : f32
        %broadcast_in_dim3A_1167 = vector.broadcast %broadcast_in_dim3A_1166 : f32 to vector<16xf32>
        %swap3A_1168 = arith.constant 2192 : index
        %swap3A_1169 = tpu.vector_load %arg9[%swap3A_1168] {strides = array<i32>} : memref<4096xf32, #tpu.memory_space<vmem>>, vector<16xf32>,
        %swap3A_1170 = vector.shape_cast %swap3A_1169 : vector<16xf32> to vector<16xf32>
        %swap3A_1171 = vector.shape_cast %broadcast_in_dim3A_1167 : vector<16xf32> to vector<16xf32>
        tpu.vector_store %arg9[%swap3A_1168], %swap3A_1171 {strides = array<i32>} : memref<4096xf32, #tpu.memory_space<vmem>>, vector<16xf32>,
        %broadcast_in_dim3A_1172 = arith.constant 0.000000e+00 : f32
        %broadcast_in_dim3A_1173 = vector.broadcast %broadcast_in_dim3A_1172 : f32 to vector<16xf32>
        %swap3A_1174 = arith.constant 2208 : index
        %swap3A_1175 = tpu.vector_load %arg9[%swap3A_1174] {strides = array<i32>} : memref<4096xf32, #tpu.memory_space<vmem>>, vector<16xf32>,
        %swap3A_1176 = vector.shape_cast %swap3A_1175 : vector<16xf32> to vector<16xf32>
        %swap3A_1177 = vector.shape_cast %broadcast_in_dim3A_1173 : vector<16xf32> to vector<16xf32>
        tpu.vector_store %arg9[%swap3A_1174], %swap3A_1177 {strides = array<i32>} : memref<4096xf32, #tpu.memory_space<vmem>>, vector<16xf32>,
        %broadcast_in_dim3A_1178 = arith.constant 0.000000e+00 : f32
        %broadcast_in_dim3A_1179 = vector.broadcast %broadcast_in_dim3A_1178 : f32 to vector<16xf32>
        %swap3A_1180 = arith.constant 2224 : index
        %swap3A_1181 = tpu.vector_load %arg9[%swap3A_1180] {strides = array<i32>} : memref<4096xf32, #tpu.memory_space<vmem>>, vector<16xf32>,
        %swap3A_1182 = vector.shape_cast %swap3A_1181 : vector<16xf32> to vector<16xf32>
        %swap3A_1183 = vector.shape_cast %broadcast_in_dim3A_1179 : vector<16xf32> to vector<16xf32>
        tpu.vector_store %arg9[%swap3A_1180], %swap3A_1183 {strides = array<i32>} : memref<4096xf32, #tpu.memory_space<vmem>>, vector<16xf32>,
        %broadcast_in_dim3A_1184 = arith.constant 0.000000e+00 : f32
        %broadcast_in_dim3A_1185 = vector.broadcast %broadcast_in_dim3A_1184 : f32 to vector<16xf32>
        %swap3A_1186 = arith.constant 2240 : index
        %swap3A_1187 = tpu.vector_load %arg9[%swap3A_1186] {strides = array<i32>} : memref<4096xf32, #tpu.memory_space<vmem>>, vector<16xf32>,
        %swap3A_1188 = vector.shape_cast %swap3A_1187 : vector<16xf32> to vector<16xf32>
        %swap3A_1189 = vector.shape_cast %broadcast_in_dim3A_1185 : vector<16xf32> to vector<16xf32>
        tpu.vector_store %arg9[%swap3A_1186], %swap3A_1189 {strides = array<i32>} : memref<4096xf32, #tpu.memory_space<vmem>>, vector<16xf32>,
        %broadcast_in_dim3A_1190 = arith.constant 0.000000e+00 : f32
        %broadcast_in_dim3A_1191 = vector.broadcast %broadcast_in_dim3A_1190 : f32 to vector<16xf32>
        %swap3A_1192 = arith.constant 2256 : index
        %swap3A_1193 = tpu.vector_load %arg9[%swap3A_1192] {strides = array<i32>} : memref<4096xf32, #tpu.memory_space<vmem>>, vector<16xf32>,
        %swap3A_1194 = vector.shape_cast %swap3A_1193 : vector<16xf32> to vector<16xf32>
        %swap3A_1195 = vector.shape_cast %broadcast_in_dim3A_1191 : vector<16xf32> to vector<16xf32>
        tpu.vector_store %arg9[%swap3A_1192], %swap3A_1195 {strides = array<i32>} : memref<4096xf32, #tpu.memory_space<vmem>>, vector<16xf32>,
        %broadcast_in_dim3A_1196 = arith.constant 0.000000e+00 : f32
        %broadcast_in_dim3A_1197 = vector.broadcast %broadcast_in_dim3A_1196 : f32 to vector<16xf32>
        %swap3A_1198 = arith.constant 2272 : index
        %swap3A_1199 = tpu.vector_load %arg9[%swap3A_1198] {strides = array<i32>} : memref<4096xf32, #tpu.memory_space<vmem>>, vector<16xf32>,
        %swap3A_1200 = vector.shape_cast %swap3A_1199 : vector<16xf32> to vector<16xf32>
        %swap3A_1201 = vector.shape_cast %broadcast_in_dim3A_1197 : vector<16xf32> to vector<16xf32>
        tpu.vector_store %arg9[%swap3A_1198], %swap3A_1201 {strides = array<i32>} : memref<4096xf32, #tpu.memory_space<vmem>>, vector<16xf32>,
        %broadcast_in_dim3A_1202 = arith.constant 0.000000e+00 : f32
        %broadcast_in_dim3A_1203 = vector.broadcast %broadcast_in_dim3A_1202 : f32 to vector<16xf32>
        %swap3A_1204 = arith.constant 2288 : index
        %swap3A_1205 = tpu.vector_load %arg9[%swap3A_1204] {strides = array<i32>} : memref<4096xf32, #tpu.memory_space<vmem>>, vector<16xf32>,
        %swap3A_1206 = vector.shape_cast %swap3A_1205 : vector<16xf32> to vector<16xf32>
        %swap3A_1207 = vector.shape_cast %broadcast_in_dim3A_1203 : vector<16xf32> to vector<16xf32>
        tpu.vector_store %arg9[%swap3A_1204], %swap3A_1207 {strides = array<i32>} : memref<4096xf32, #tpu.memory_space<vmem>>, vector<16xf32>,
        %broadcast_in_dim3A_1208 = arith.constant 0.000000e+00 : f32
        %broadcast_in_dim3A_1209 = vector.broadcast %broadcast_in_dim3A_1208 : f32 to vector<16xf32>
        %swap3A_1210 = arith.constant 2304 : index
        %swap3A_1211 = tpu.vector_load %arg9[%swap3A_1210] {strides = array<i32>} : memref<4096xf32, #tpu.memory_space<vmem>>, vector<16xf32>,
        %swap3A_1212 = vector.shape_cast %swap3A_1211 : vector<16xf32> to vector<16xf32>
        %swap3A_1213 = vector.shape_cast %broadcast_in_dim3A_1209 : vector<16xf32> to vector<16xf32>
        tpu.vector_store %arg9[%swap3A_1210], %swap3A_1213 {strides = array<i32>} : memref<4096xf32, #tpu.memory_space<vmem>>, vector<16xf32>,
        %broadcast_in_dim3A_1214 = arith.constant 0.000000e+00 : f32
        %broadcast_in_dim3A_1215 = vector.broadcast %broadcast_in_dim3A_1214 : f32 to vector<16xf32>
        %swap3A_1216 = arith.constant 2320 : index
        %swap3A_1217 = tpu.vector_load %arg9[%swap3A_1216] {strides = array<i32>} : memref<4096xf32, #tpu.memory_space<vmem>>, vector<16xf32>,
        %swap3A_1218 = vector.shape_cast %swap3A_1217 : vector<16xf32> to vector<16xf32>
        %swap3A_1219 = vector.shape_cast %broadcast_in_dim3A_1215 : vector<16xf32> to vector<16xf32>
        tpu.vector_store %arg9[%swap3A_1216], %swap3A_1219 {strides = array<i32>} : memref<4096xf32, #tpu.memory_space<vmem>>, vector<16xf32>,
        %broadcast_in_dim3A_1220 = arith.constant 0.000000e+00 : f32
        %broadcast_in_dim3A_1221 = vector.broadcast %broadcast_in_dim3A_1220 : f32 to vector<16xf32>
        %swap3A_1222 = arith.constant 2336 : index
        %swap3A_1223 = tpu.vector_load %arg9[%swap3A_1222] {strides = array<i32>} : memref<4096xf32, #tpu.memory_space<vmem>>, vector<16xf32>,
        %swap3A_1224 = vector.shape_cast %swap3A_1223 : vector<16xf32> to vector<16xf32>
        %swap3A_1225 = vector.shape_cast %broadcast_in_dim3A_1221 : vector<16xf32> to vector<16xf32>
        tpu.vector_store %arg9[%swap3A_1222], %swap3A_1225 {strides = array<i32>} : memref<4096xf32, #tpu.memory_space<vmem>>, vector<16xf32>,
        %broadcast_in_dim3A_1226 = arith.constant 0.000000e+00 : f32
        %broadcast_in_dim3A_1227 = vector.broadcast %broadcast_in_dim3A_1226 : f32 to vector<16xf32>
        %swap3A_1228 = arith.constant 2352 : index
        %swap3A_1229 = tpu.vector_load %arg9[%swap3A_1228] {strides = array<i32>} : memref<4096xf32, #tpu.memory_space<vmem>>, vector<16xf32>,
        %swap3A_1230 = vector.shape_cast %swap3A_1229 : vector<16xf32> to vector<16xf32>
        %swap3A_1231 = vector.shape_cast %broadcast_in_dim3A_1227 : vector<16xf32> to vector<16xf32>
        tpu.vector_store %arg9[%swap3A_1228], %swap3A_1231 {strides = array<i32>} : memref<4096xf32, #tpu.memory_space<vmem>>, vector<16xf32>,
        %broadcast_in_dim3A_1232 = arith.constant 0.000000e+00 : f32
        %broadcast_in_dim3A_1233 = vector.broadcast %broadcast_in_dim3A_1232 : f32 to vector<16xf32>
        %swap3A_1234 = arith.constant 2368 : index
        %swap3A_1235 = tpu.vector_load %arg9[%swap3A_1234] {strides = array<i32>} : memref<4096xf32, #tpu.memory_space<vmem>>, vector<16xf32>,
        %swap3A_1236 = vector.shape_cast %swap3A_1235 : vector<16xf32> to vector<16xf32>
        %swap3A_1237 = vector.shape_cast %broadcast_in_dim3A_1233 : vector<16xf32> to vector<16xf32>
        tpu.vector_store %arg9[%swap3A_1234], %swap3A_1237 {strides = array<i32>} : memref<4096xf32, #tpu.memory_space<vmem>>, vector<16xf32>,
        %broadcast_in_dim3A_1238 = arith.constant 0.000000e+00 : f32
        %broadcast_in_dim3A_1239 = vector.broadcast %broadcast_in_dim3A_1238 : f32 to vector<16xf32>
        %swap3A_1240 = arith.constant 2384 : index
        %swap3A_1241 = tpu.vector_load %arg9[%swap3A_1240] {strides = array<i32>} : memref<4096xf32, #tpu.memory_space<vmem>>, vector<16xf32>,
        %swap3A_1242 = vector.shape_cast %swap3A_1241 : vector<16xf32> to vector<16xf32>
        %swap3A_1243 = vector.shape_cast %broadcast_in_dim3A_1239 : vector<16xf32> to vector<16xf32>
        tpu.vector_store %arg9[%swap3A_1240], %swap3A_1243 {strides = array<i32>} : memref<4096xf32, #tpu.memory_space<vmem>>, vector<16xf32>,
        %broadcast_in_dim3A_1244 = arith.constant 0.000000e+00 : f32
        %broadcast_in_dim3A_1245 = vector.broadcast %broadcast_in_dim3A_1244 : f32 to vector<16xf32>
        %swap3A_1246 = arith.constant 2400 : index
        %swap3A_1247 = tpu.vector_load %arg9[%swap3A_1246] {strides = array<i32>} : memref<4096xf32, #tpu.memory_space<vmem>>, vector<16xf32>,
        %swap3A_1248 = vector.shape_cast %swap3A_1247 : vector<16xf32> to vector<16xf32>
        %swap3A_1249 = vector.shape_cast %broadcast_in_dim3A_1245 : vector<16xf32> to vector<16xf32>
        tpu.vector_store %arg9[%swap3A_1246], %swap3A_1249 {strides = array<i32>} : memref<4096xf32, #tpu.memory_space<vmem>>, vector<16xf32>,
        %broadcast_in_dim3A_1250 = arith.constant 0.000000e+00 : f32
        %broadcast_in_dim3A_1251 = vector.broadcast %broadcast_in_dim3A_1250 : f32 to vector<16xf32>
        %swap3A_1252 = arith.constant 2416 : index
        %swap3A_1253 = tpu.vector_load %arg9[%swap3A_1252] {strides = array<i32>} : memref<4096xf32, #tpu.memory_space<vmem>>, vector<16xf32>,
        %swap3A_1254 = vector.shape_cast %swap3A_1253 : vector<16xf32> to vector<16xf32>
        %swap3A_1255 = vector.shape_cast %broadcast_in_dim3A_1251 : vector<16xf32> to vector<16xf32>
        tpu.vector_store %arg9[%swap3A_1252], %swap3A_1255 {strides = array<i32>} : memref<4096xf32, #tpu.memory_space<vmem>>, vector<16xf32>,
        %broadcast_in_dim3A_1256 = arith.constant 0.000000e+00 : f32
        %broadcast_in_dim3A_1257 = vector.broadcast %broadcast_in_dim3A_1256 : f32 to vector<16xf32>
        %swap3A_1258 = arith.constant 2432 : index
        %swap3A_1259 = tpu.vector_load %arg9[%swap3A_1258] {strides = array<i32>} : memref<4096xf32, #tpu.memory_space<vmem>>, vector<16xf32>,
        %swap3A_1260 = vector.shape_cast %swap3A_1259 : vector<16xf32> to vector<16xf32>
        %swap3A_1261 = vector.shape_cast %broadcast_in_dim3A_1257 : vector<16xf32> to vector<16xf32>
        tpu.vector_store %arg9[%swap3A_1258], %swap3A_1261 {strides = array<i32>} : memref<4096xf32, #tpu.memory_space<vmem>>, vector<16xf32>,
        %broadcast_in_dim3A_1262 = arith.constant 0.000000e+00 : f32
        %broadcast_in_dim3A_1263 = vector.broadcast %broadcast_in_dim3A_1262 : f32 to vector<16xf32>
        %swap3A_1264 = arith.constant 2448 : index
        %swap3A_1265 = tpu.vector_load %arg9[%swap3A_1264] {strides = array<i32>} : memref<4096xf32, #tpu.memory_space<vmem>>, vector<16xf32>,
        %swap3A_1266 = vector.shape_cast %swap3A_1265 : vector<16xf32> to vector<16xf32>
        %swap3A_1267 = vector.shape_cast %broadcast_in_dim3A_1263 : vector<16xf32> to vector<16xf32>
        tpu.vector_store %arg9[%swap3A_1264], %swap3A_1267 {strides = array<i32>} : memref<4096xf32, #tpu.memory_space<vmem>>, vector<16xf32>,
        %broadcast_in_dim3A_1268 = arith.constant 0.000000e+00 : f32
        %broadcast_in_dim3A_1269 = vector.broadcast %broadcast_in_dim3A_1268 : f32 to vector<16xf32>
        %swap3A_1270 = arith.constant 2464 : index
        %swap3A_1271 = tpu.vector_load %arg9[%swap3A_1270] {strides = array<i32>} : memref<4096xf32, #tpu.memory_space<vmem>>, vector<16xf32>,
        %swap3A_1272 = vector.shape_cast %swap3A_1271 : vector<16xf32> to vector<16xf32>
        %swap3A_1273 = vector.shape_cast %broadcast_in_dim3A_1269 : vector<16xf32> to vector<16xf32>
        tpu.vector_store %arg9[%swap3A_1270], %swap3A_1273 {strides = array<i32>} : memref<4096xf32, #tpu.memory_space<vmem>>, vector<16xf32>,
        %broadcast_in_dim3A_1274 = arith.constant 0.000000e+00 : f32
        %broadcast_in_dim3A_1275 = vector.broadcast %broadcast_in_dim3A_1274 : f32 to vector<16xf32>
        %swap3A_1276 = arith.constant 2480 : index
        %swap3A_1277 = tpu.vector_load %arg9[%swap3A_1276] {strides = array<i32>} : memref<4096xf32, #tpu.memory_space<vmem>>, vector<16xf32>,
        %swap3A_1278 = vector.shape_cast %swap3A_1277 : vector<16xf32> to vector<16xf32>
        %swap3A_1279 = vector.shape_cast %broadcast_in_dim3A_1275 : vector<16xf32> to vector<16xf32>
        tpu.vector_store %arg9[%swap3A_1276], %swap3A_1279 {strides = array<i32>} : memref<4096xf32, #tpu.memory_space<vmem>>, vector<16xf32>,
        %broadcast_in_dim3A_1280 = arith.constant 0.000000e+00 : f32
        %broadcast_in_dim3A_1281 = vector.broadcast %broadcast_in_dim3A_1280 : f32 to vector<16xf32>
        %swap3A_1282 = arith.constant 2496 : index
        %swap3A_1283 = tpu.vector_load %arg9[%swap3A_1282] {strides = array<i32>} : memref<4096xf32, #tpu.memory_space<vmem>>, vector<16xf32>,
        %swap3A_1284 = vector.shape_cast %swap3A_1283 : vector<16xf32> to vector<16xf32>
        %swap3A_1285 = vector.shape_cast %broadcast_in_dim3A_1281 : vector<16xf32> to vector<16xf32>
        tpu.vector_store %arg9[%swap3A_1282], %swap3A_1285 {strides = array<i32>} : memref<4096xf32, #tpu.memory_space<vmem>>, vector<16xf32>,
        %broadcast_in_dim3A_1286 = arith.constant 0.000000e+00 : f32
        %broadcast_in_dim3A_1287 = vector.broadcast %broadcast_in_dim3A_1286 : f32 to vector<16xf32>
        %swap3A_1288 = arith.constant 2512 : index
        %swap3A_1289 = tpu.vector_load %arg9[%swap3A_1288] {strides = array<i32>} : memref<4096xf32, #tpu.memory_space<vmem>>, vector<16xf32>,
        %swap3A_1290 = vector.shape_cast %swap3A_1289 : vector<16xf32> to vector<16xf32>
        %swap3A_1291 = vector.shape_cast %broadcast_in_dim3A_1287 : vector<16xf32> to vector<16xf32>
        tpu.vector_store %arg9[%swap3A_1288], %swap3A_1291 {strides = array<i32>} : memref<4096xf32, #tpu.memory_space<vmem>>, vector<16xf32>,
        %broadcast_in_dim3A_1292 = arith.constant 0.000000e+00 : f32
        %broadcast_in_dim3A_1293 = vector.broadcast %broadcast_in_dim3A_1292 : f32 to vector<16xf32>
        %swap3A_1294 = arith.constant 2528 : index
        %swap3A_1295 = tpu.vector_load %arg9[%swap3A_1294] {strides = array<i32>} : memref<4096xf32, #tpu.memory_space<vmem>>, vector<16xf32>,
        %swap3A_1296 = vector.shape_cast %swap3A_1295 : vector<16xf32> to vector<16xf32>
        %swap3A_1297 = vector.shape_cast %broadcast_in_dim3A_1293 : vector<16xf32> to vector<16xf32>
        tpu.vector_store %arg9[%swap3A_1294], %swap3A_1297 {strides = array<i32>} : memref<4096xf32, #tpu.memory_space<vmem>>, vector<16xf32>,
        %broadcast_in_dim3A_1298 = arith.constant 0.000000e+00 : f32
        %broadcast_in_dim3A_1299 = vector.broadcast %broadcast_in_dim3A_1298 : f32 to vector<16xf32>
        %swap3A_1300 = arith.constant 2544 : index
        %swap3A_1301 = tpu.vector_load %arg9[%swap3A_1300] {strides = array<i32>} : memref<4096xf32, #tpu.memory_space<vmem>>, vector<16xf32>,
        %swap3A_1302 = vector.shape_cast %swap3A_1301 : vector<16xf32> to vector<16xf32>
        %swap3A_1303 = vector.shape_cast %broadcast_in_dim3A_1299 : vector<16xf32> to vector<16xf32>
        tpu.vector_store %arg9[%swap3A_1300], %swap3A_1303 {strides = array<i32>} : memref<4096xf32, #tpu.memory_space<vmem>>, vector<16xf32>,
        %broadcast_in_dim3A_1304 = arith.constant 0.000000e+00 : f32
        %broadcast_in_dim3A_1305 = vector.broadcast %broadcast_in_dim3A_1304 : f32 to vector<16xf32>
        %swap3A_1306 = arith.constant 2560 : index
        %swap3A_1307 = tpu.vector_load %arg9[%swap3A_1306] {strides = array<i32>} : memref<4096xf32, #tpu.memory_space<vmem>>, vector<16xf32>,
        %swap3A_1308 = vector.shape_cast %swap3A_1307 : vector<16xf32> to vector<16xf32>
        %swap3A_1309 = vector.shape_cast %broadcast_in_dim3A_1305 : vector<16xf32> to vector<16xf32>
        tpu.vector_store %arg9[%swap3A_1306], %swap3A_1309 {strides = array<i32>} : memref<4096xf32, #tpu.memory_space<vmem>>, vector<16xf32>,
        %broadcast_in_dim3A_1310 = arith.constant 0.000000e+00 : f32
        %broadcast_in_dim3A_1311 = vector.broadcast %broadcast_in_dim3A_1310 : f32 to vector<16xf32>
        %swap3A_1312 = arith.constant 2576 : index
        %swap3A_1313 = tpu.vector_load %arg9[%swap3A_1312] {strides = array<i32>} : memref<4096xf32, #tpu.memory_space<vmem>>, vector<16xf32>,
        %swap3A_1314 = vector.shape_cast %swap3A_1313 : vector<16xf32> to vector<16xf32>
        %swap3A_1315 = vector.shape_cast %broadcast_in_dim3A_1311 : vector<16xf32> to vector<16xf32>
        tpu.vector_store %arg9[%swap3A_1312], %swap3A_1315 {strides = array<i32>} : memref<4096xf32, #tpu.memory_space<vmem>>, vector<16xf32>,
        %broadcast_in_dim3A_1316 = arith.constant 0.000000e+00 : f32
        %broadcast_in_dim3A_1317 = vector.broadcast %broadcast_in_dim3A_1316 : f32 to vector<16xf32>
        %swap3A_1318 = arith.constant 2592 : index
        %swap3A_1319 = tpu.vector_load %arg9[%swap3A_1318] {strides = array<i32>} : memref<4096xf32, #tpu.memory_space<vmem>>, vector<16xf32>,
        %swap3A_1320 = vector.shape_cast %swap3A_1319 : vector<16xf32> to vector<16xf32>
        %swap3A_1321 = vector.shape_cast %broadcast_in_dim3A_1317 : vector<16xf32> to vector<16xf32>
        tpu.vector_store %arg9[%swap3A_1318], %swap3A_1321 {strides = array<i32>} : memref<4096xf32, #tpu.memory_space<vmem>>, vector<16xf32>,
        %broadcast_in_dim3A_1322 = arith.constant 0.000000e+00 : f32
        %broadcast_in_dim3A_1323 = vector.broadcast %broadcast_in_dim3A_1322 : f32 to vector<16xf32>
        %swap3A_1324 = arith.constant 2608 : index
        %swap3A_1325 = tpu.vector_load %arg9[%swap3A_1324] {strides = array<i32>} : memref<4096xf32, #tpu.memory_space<vmem>>, vector<16xf32>,
        %swap3A_1326 = vector.shape_cast %swap3A_1325 : vector<16xf32> to vector<16xf32>
        %swap3A_1327 = vector.shape_cast %broadcast_in_dim3A_1323 : vector<16xf32> to vector<16xf32>
        tpu.vector_store %arg9[%swap3A_1324], %swap3A_1327 {strides = array<i32>} : memref<4096xf32, #tpu.memory_space<vmem>>, vector<16xf32>,
        %broadcast_in_dim3A_1328 = arith.constant 0.000000e+00 : f32
        %broadcast_in_dim3A_1329 = vector.broadcast %broadcast_in_dim3A_1328 : f32 to vector<16xf32>
        %swap3A_1330 = arith.constant 2624 : index
        %swap3A_1331 = tpu.vector_load %arg9[%swap3A_1330] {strides = array<i32>} : memref<4096xf32, #tpu.memory_space<vmem>>, vector<16xf32>,
        %swap3A_1332 = vector.shape_cast %swap3A_1331 : vector<16xf32> to vector<16xf32>
        %swap3A_1333 = vector.shape_cast %broadcast_in_dim3A_1329 : vector<16xf32> to vector<16xf32>
        tpu.vector_store %arg9[%swap3A_1330], %swap3A_1333 {strides = array<i32>} : memref<4096xf32, #tpu.memory_space<vmem>>, vector<16xf32>,
        %broadcast_in_dim3A_1334 = arith.constant 0.000000e+00 : f32
        %broadcast_in_dim3A_1335 = vector.broadcast %broadcast_in_dim3A_1334 : f32 to vector<16xf32>
        %swap3A_1336 = arith.constant 2640 : index
        %swap3A_1337 = tpu.vector_load %arg9[%swap3A_1336] {strides = array<i32>} : memref<4096xf32, #tpu.memory_space<vmem>>, vector<16xf32>,
        %swap3A_1338 = vector.shape_cast %swap3A_1337 : vector<16xf32> to vector<16xf32>
        %swap3A_1339 = vector.shape_cast %broadcast_in_dim3A_1335 : vector<16xf32> to vector<16xf32>
        tpu.vector_store %arg9[%swap3A_1336], %swap3A_1339 {strides = array<i32>} : memref<4096xf32, #tpu.memory_space<vmem>>, vector<16xf32>,
        %broadcast_in_dim3A_1340 = arith.constant 0.000000e+00 : f32
        %broadcast_in_dim3A_1341 = vector.broadcast %broadcast_in_dim3A_1340 : f32 to vector<16xf32>
        %swap3A_1342 = arith.constant 2656 : index
        %swap3A_1343 = tpu.vector_load %arg9[%swap3A_1342] {strides = array<i32>} : memref<4096xf32, #tpu.memory_space<vmem>>, vector<16xf32>,
        %swap3A_1344 = vector.shape_cast %swap3A_1343 : vector<16xf32> to vector<16xf32>
        %swap3A_1345 = vector.shape_cast %broadcast_in_dim3A_1341 : vector<16xf32> to vector<16xf32>
        tpu.vector_store %arg9[%swap3A_1342], %swap3A_1345 {strides = array<i32>} : memref<4096xf32, #tpu.memory_space<vmem>>, vector<16xf32>,
        %broadcast_in_dim3A_1346 = arith.constant 0.000000e+00 : f32
        %broadcast_in_dim3A_1347 = vector.broadcast %broadcast_in_dim3A_1346 : f32 to vector<16xf32>
        %swap3A_1348 = arith.constant 2672 : index
        %swap3A_1349 = tpu.vector_load %arg9[%swap3A_1348] {strides = array<i32>} : memref<4096xf32, #tpu.memory_space<vmem>>, vector<16xf32>,
        %swap3A_1350 = vector.shape_cast %swap3A_1349 : vector<16xf32> to vector<16xf32>
        %swap3A_1351 = vector.shape_cast %broadcast_in_dim3A_1347 : vector<16xf32> to vector<16xf32>
        tpu.vector_store %arg9[%swap3A_1348], %swap3A_1351 {strides = array<i32>} : memref<4096xf32, #tpu.memory_space<vmem>>, vector<16xf32>,
        %broadcast_in_dim3A_1352 = arith.constant 0.000000e+00 : f32
        %broadcast_in_dim3A_1353 = vector.broadcast %broadcast_in_dim3A_1352 : f32 to vector<16xf32>
        %swap3A_1354 = arith.constant 2688 : index
        %swap3A_1355 = tpu.vector_load %arg9[%swap3A_1354] {strides = array<i32>} : memref<4096xf32, #tpu.memory_space<vmem>>, vector<16xf32>,
        %swap3A_1356 = vector.shape_cast %swap3A_1355 : vector<16xf32> to vector<16xf32>
        %swap3A_1357 = vector.shape_cast %broadcast_in_dim3A_1353 : vector<16xf32> to vector<16xf32>
        tpu.vector_store %arg9[%swap3A_1354], %swap3A_1357 {strides = array<i32>} : memref<4096xf32, #tpu.memory_space<vmem>>, vector<16xf32>,
        %broadcast_in_dim3A_1358 = arith.constant 0.000000e+00 : f32
        %broadcast_in_dim3A_1359 = vector.broadcast %broadcast_in_dim3A_1358 : f32 to vector<16xf32>
        %swap3A_1360 = arith.constant 2704 : index
        %swap3A_1361 = tpu.vector_load %arg9[%swap3A_1360] {strides = array<i32>} : memref<4096xf32, #tpu.memory_space<vmem>>, vector<16xf32>,
        %swap3A_1362 = vector.shape_cast %swap3A_1361 : vector<16xf32> to vector<16xf32>
        %swap3A_1363 = vector.shape_cast %broadcast_in_dim3A_1359 : vector<16xf32> to vector<16xf32>
        tpu.vector_store %arg9[%swap3A_1360], %swap3A_1363 {strides = array<i32>} : memref<4096xf32, #tpu.memory_space<vmem>>, vector<16xf32>,
        %broadcast_in_dim3A_1364 = arith.constant 0.000000e+00 : f32
        %broadcast_in_dim3A_1365 = vector.broadcast %broadcast_in_dim3A_1364 : f32 to vector<16xf32>
        %swap3A_1366 = arith.constant 2720 : index
        %swap3A_1367 = tpu.vector_load %arg9[%swap3A_1366] {strides = array<i32>} : memref<4096xf32, #tpu.memory_space<vmem>>, vector<16xf32>,
        %swap3A_1368 = vector.shape_cast %swap3A_1367 : vector<16xf32> to vector<16xf32>
        %swap3A_1369 = vector.shape_cast %broadcast_in_dim3A_1365 : vector<16xf32> to vector<16xf32>
        tpu.vector_store %arg9[%swap3A_1366], %swap3A_1369 {strides = array<i32>} : memref<4096xf32, #tpu.memory_space<vmem>>, vector<16xf32>,
        %broadcast_in_dim3A_1370 = arith.constant 0.000000e+00 : f32
        %broadcast_in_dim3A_1371 = vector.broadcast %broadcast_in_dim3A_1370 : f32 to vector<16xf32>
        %swap3A_1372 = arith.constant 2736 : index
        %swap3A_1373 = tpu.vector_load %arg9[%swap3A_1372] {strides = array<i32>} : memref<4096xf32, #tpu.memory_space<vmem>>, vector<16xf32>,
        %swap3A_1374 = vector.shape_cast %swap3A_1373 : vector<16xf32> to vector<16xf32>
        %swap3A_1375 = vector.shape_cast %broadcast_in_dim3A_1371 : vector<16xf32> to vector<16xf32>
        tpu.vector_store %arg9[%swap3A_1372], %swap3A_1375 {strides = array<i32>} : memref<4096xf32, #tpu.memory_space<vmem>>, vector<16xf32>,
        %broadcast_in_dim3A_1376 = arith.constant 0.000000e+00 : f32
        %broadcast_in_dim3A_1377 = vector.broadcast %broadcast_in_dim3A_1376 : f32 to vector<16xf32>
        %swap3A_1378 = arith.constant 2752 : index
        %swap3A_1379 = tpu.vector_load %arg9[%swap3A_1378] {strides = array<i32>} : memref<4096xf32, #tpu.memory_space<vmem>>, vector<16xf32>,
        %swap3A_1380 = vector.shape_cast %swap3A_1379 : vector<16xf32> to vector<16xf32>
        %swap3A_1381 = vector.shape_cast %broadcast_in_dim3A_1377 : vector<16xf32> to vector<16xf32>
        tpu.vector_store %arg9[%swap3A_1378], %swap3A_1381 {strides = array<i32>} : memref<4096xf32, #tpu.memory_space<vmem>>, vector<16xf32>,
        %broadcast_in_dim3A_1382 = arith.constant 0.000000e+00 : f32
        %broadcast_in_dim3A_1383 = vector.broadcast %broadcast_in_dim3A_1382 : f32 to vector<16xf32>
        %swap3A_1384 = arith.constant 2768 : index
        %swap3A_1385 = tpu.vector_load %arg9[%swap3A_1384] {strides = array<i32>} : memref<4096xf32, #tpu.memory_space<vmem>>, vector<16xf32>,
        %swap3A_1386 = vector.shape_cast %swap3A_1385 : vector<16xf32> to vector<16xf32>
        %swap3A_1387 = vector.shape_cast %broadcast_in_dim3A_1383 : vector<16xf32> to vector<16xf32>
        tpu.vector_store %arg9[%swap3A_1384], %swap3A_1387 {strides = array<i32>} : memref<4096xf32, #tpu.memory_space<vmem>>, vector<16xf32>,
        %broadcast_in_dim3A_1388 = arith.constant 0.000000e+00 : f32
        %broadcast_in_dim3A_1389 = vector.broadcast %broadcast_in_dim3A_1388 : f32 to vector<16xf32>
        %swap3A_1390 = arith.constant 2784 : index
        %swap3A_1391 = tpu.vector_load %arg9[%swap3A_1390] {strides = array<i32>} : memref<4096xf32, #tpu.memory_space<vmem>>, vector<16xf32>,
        %swap3A_1392 = vector.shape_cast %swap3A_1391 : vector<16xf32> to vector<16xf32>
        %swap3A_1393 = vector.shape_cast %broadcast_in_dim3A_1389 : vector<16xf32> to vector<16xf32>
        tpu.vector_store %arg9[%swap3A_1390], %swap3A_1393 {strides = array<i32>} : memref<4096xf32, #tpu.memory_space<vmem>>, vector<16xf32>,
        %broadcast_in_dim3A_1394 = arith.constant 0.000000e+00 : f32
        %broadcast_in_dim3A_1395 = vector.broadcast %broadcast_in_dim3A_1394 : f32 to vector<16xf32>
        %swap3A_1396 = arith.constant 2800 : index
        %swap3A_1397 = tpu.vector_load %arg9[%swap3A_1396] {strides = array<i32>} : memref<4096xf32, #tpu.memory_space<vmem>>, vector<16xf32>,
        %swap3A_1398 = vector.shape_cast %swap3A_1397 : vector<16xf32> to vector<16xf32>
        %swap3A_1399 = vector.shape_cast %broadcast_in_dim3A_1395 : vector<16xf32> to vector<16xf32>
        tpu.vector_store %arg9[%swap3A_1396], %swap3A_1399 {strides = array<i32>} : memref<4096xf32, #tpu.memory_space<vmem>>, vector<16xf32>,
        %broadcast_in_dim3A_1400 = arith.constant 0.000000e+00 : f32
        %broadcast_in_dim3A_1401 = vector.broadcast %broadcast_in_dim3A_1400 : f32 to vector<16xf32>
        %swap3A_1402 = arith.constant 2816 : index
        %swap3A_1403 = tpu.vector_load %arg9[%swap3A_1402] {strides = array<i32>} : memref<4096xf32, #tpu.memory_space<vmem>>, vector<16xf32>,
        %swap3A_1404 = vector.shape_cast %swap3A_1403 : vector<16xf32> to vector<16xf32>
        %swap3A_1405 = vector.shape_cast %broadcast_in_dim3A_1401 : vector<16xf32> to vector<16xf32>
        tpu.vector_store %arg9[%swap3A_1402], %swap3A_1405 {strides = array<i32>} : memref<4096xf32, #tpu.memory_space<vmem>>, vector<16xf32>,
        %broadcast_in_dim3A_1406 = arith.constant 0.000000e+00 : f32
        %broadcast_in_dim3A_1407 = vector.broadcast %broadcast_in_dim3A_1406 : f32 to vector<16xf32>
        %swap3A_1408 = arith.constant 2832 : index
        %swap3A_1409 = tpu.vector_load %arg9[%swap3A_1408] {strides = array<i32>} : memref<4096xf32, #tpu.memory_space<vmem>>, vector<16xf32>,
        %swap3A_1410 = vector.shape_cast %swap3A_1409 : vector<16xf32> to vector<16xf32>
        %swap3A_1411 = vector.shape_cast %broadcast_in_dim3A_1407 : vector<16xf32> to vector<16xf32>
        tpu.vector_store %arg9[%swap3A_1408], %swap3A_1411 {strides = array<i32>} : memref<4096xf32, #tpu.memory_space<vmem>>, vector<16xf32>,
        %broadcast_in_dim3A_1412 = arith.constant 0.000000e+00 : f32
        %broadcast_in_dim3A_1413 = vector.broadcast %broadcast_in_dim3A_1412 : f32 to vector<16xf32>
        %swap3A_1414 = arith.constant 2848 : index
        %swap3A_1415 = tpu.vector_load %arg9[%swap3A_1414] {strides = array<i32>} : memref<4096xf32, #tpu.memory_space<vmem>>, vector<16xf32>,
        %swap3A_1416 = vector.shape_cast %swap3A_1415 : vector<16xf32> to vector<16xf32>
        %swap3A_1417 = vector.shape_cast %broadcast_in_dim3A_1413 : vector<16xf32> to vector<16xf32>
        tpu.vector_store %arg9[%swap3A_1414], %swap3A_1417 {strides = array<i32>} : memref<4096xf32, #tpu.memory_space<vmem>>, vector<16xf32>,
        %broadcast_in_dim3A_1418 = arith.constant 0.000000e+00 : f32
        %broadcast_in_dim3A_1419 = vector.broadcast %broadcast_in_dim3A_1418 : f32 to vector<16xf32>
        %swap3A_1420 = arith.constant 2864 : index
        %swap3A_1421 = tpu.vector_load %arg9[%swap3A_1420] {strides = array<i32>} : memref<4096xf32, #tpu.memory_space<vmem>>, vector<16xf32>,
        %swap3A_1422 = vector.shape_cast %swap3A_1421 : vector<16xf32> to vector<16xf32>
        %swap3A_1423 = vector.shape_cast %broadcast_in_dim3A_1419 : vector<16xf32> to vector<16xf32>
        tpu.vector_store %arg9[%swap3A_1420], %swap3A_1423 {strides = array<i32>} : memref<4096xf32, #tpu.memory_space<vmem>>, vector<16xf32>,
        %broadcast_in_dim3A_1424 = arith.constant 0.000000e+00 : f32
        %broadcast_in_dim3A_1425 = vector.broadcast %broadcast_in_dim3A_1424 : f32 to vector<16xf32>
        %swap3A_1426 = arith.constant 2880 : index
        %swap3A_1427 = tpu.vector_load %arg9[%swap3A_1426] {strides = array<i32>} : memref<4096xf32, #tpu.memory_space<vmem>>, vector<16xf32>,
        %swap3A_1428 = vector.shape_cast %swap3A_1427 : vector<16xf32> to vector<16xf32>
        %swap3A_1429 = vector.shape_cast %broadcast_in_dim3A_1425 : vector<16xf32> to vector<16xf32>
        tpu.vector_store %arg9[%swap3A_1426], %swap3A_1429 {strides = array<i32>} : memref<4096xf32, #tpu.memory_space<vmem>>, vector<16xf32>,
        %broadcast_in_dim3A_1430 = arith.constant 0.000000e+00 : f32
        %broadcast_in_dim3A_1431 = vector.broadcast %broadcast_in_dim3A_1430 : f32 to vector<16xf32>
        %swap3A_1432 = arith.constant 2896 : index
        %swap3A_1433 = tpu.vector_load %arg9[%swap3A_1432] {strides = array<i32>} : memref<4096xf32, #tpu.memory_space<vmem>>, vector<16xf32>,
        %swap3A_1434 = vector.shape_cast %swap3A_1433 : vector<16xf32> to vector<16xf32>
        %swap3A_1435 = vector.shape_cast %broadcast_in_dim3A_1431 : vector<16xf32> to vector<16xf32>
        tpu.vector_store %arg9[%swap3A_1432], %swap3A_1435 {strides = array<i32>} : memref<4096xf32, #tpu.memory_space<vmem>>, vector<16xf32>,
        %broadcast_in_dim3A_1436 = arith.constant 0.000000e+00 : f32
        %broadcast_in_dim3A_1437 = vector.broadcast %broadcast_in_dim3A_1436 : f32 to vector<16xf32>
        %swap3A_1438 = arith.constant 2912 : index
        %swap3A_1439 = tpu.vector_load %arg9[%swap3A_1438] {strides = array<i32>} : memref<4096xf32, #tpu.memory_space<vmem>>, vector<16xf32>,
        %swap3A_1440 = vector.shape_cast %swap3A_1439 : vector<16xf32> to vector<16xf32>
        %swap3A_1441 = vector.shape_cast %broadcast_in_dim3A_1437 : vector<16xf32> to vector<16xf32>
        tpu.vector_store %arg9[%swap3A_1438], %swap3A_1441 {strides = array<i32>} : memref<4096xf32, #tpu.memory_space<vmem>>, vector<16xf32>,
        %broadcast_in_dim3A_1442 = arith.constant 0.000000e+00 : f32
        %broadcast_in_dim3A_1443 = vector.broadcast %broadcast_in_dim3A_1442 : f32 to vector<16xf32>
        %swap3A_1444 = arith.constant 2928 : index
        %swap3A_1445 = tpu.vector_load %arg9[%swap3A_1444] {strides = array<i32>} : memref<4096xf32, #tpu.memory_space<vmem>>, vector<16xf32>,
        %swap3A_1446 = vector.shape_cast %swap3A_1445 : vector<16xf32> to vector<16xf32>
        %swap3A_1447 = vector.shape_cast %broadcast_in_dim3A_1443 : vector<16xf32> to vector<16xf32>
        tpu.vector_store %arg9[%swap3A_1444], %swap3A_1447 {strides = array<i32>} : memref<4096xf32, #tpu.memory_space<vmem>>, vector<16xf32>,
        %broadcast_in_dim3A_1448 = arith.constant 0.000000e+00 : f32
        %broadcast_in_dim3A_1449 = vector.broadcast %broadcast_in_dim3A_1448 : f32 to vector<16xf32>
        %swap3A_1450 = arith.constant 2944 : index
        %swap3A_1451 = tpu.vector_load %arg9[%swap3A_1450] {strides = array<i32>} : memref<4096xf32, #tpu.memory_space<vmem>>, vector<16xf32>,
        %swap3A_1452 = vector.shape_cast %swap3A_1451 : vector<16xf32> to vector<16xf32>
        %swap3A_1453 = vector.shape_cast %broadcast_in_dim3A_1449 : vector<16xf32> to vector<16xf32>
        tpu.vector_store %arg9[%swap3A_1450], %swap3A_1453 {strides = array<i32>} : memref<4096xf32, #tpu.memory_space<vmem>>, vector<16xf32>,
        %broadcast_in_dim3A_1454 = arith.constant 0.000000e+00 : f32
        %broadcast_in_dim3A_1455 = vector.broadcast %broadcast_in_dim3A_1454 : f32 to vector<16xf32>
        %swap3A_1456 = arith.constant 2960 : index
        %swap3A_1457 = tpu.vector_load %arg9[%swap3A_1456] {strides = array<i32>} : memref<4096xf32, #tpu.memory_space<vmem>>, vector<16xf32>,
        %swap3A_1458 = vector.shape_cast %swap3A_1457 : vector<16xf32> to vector<16xf32>
        %swap3A_1459 = vector.shape_cast %broadcast_in_dim3A_1455 : vector<16xf32> to vector<16xf32>
        tpu.vector_store %arg9[%swap3A_1456], %swap3A_1459 {strides = array<i32>} : memref<4096xf32, #tpu.memory_space<vmem>>, vector<16xf32>,
        %broadcast_in_dim3A_1460 = arith.constant 0.000000e+00 : f32
        %broadcast_in_dim3A_1461 = vector.broadcast %broadcast_in_dim3A_1460 : f32 to vector<16xf32>
        %swap3A_1462 = arith.constant 2976 : index
        %swap3A_1463 = tpu.vector_load %arg9[%swap3A_1462] {strides = array<i32>} : memref<4096xf32, #tpu.memory_space<vmem>>, vector<16xf32>,
        %swap3A_1464 = vector.shape_cast %swap3A_1463 : vector<16xf32> to vector<16xf32>
        %swap3A_1465 = vector.shape_cast %broadcast_in_dim3A_1461 : vector<16xf32> to vector<16xf32>
        tpu.vector_store %arg9[%swap3A_1462], %swap3A_1465 {strides = array<i32>} : memref<4096xf32, #tpu.memory_space<vmem>>, vector<16xf32>,
        %broadcast_in_dim3A_1466 = arith.constant 0.000000e+00 : f32
        %broadcast_in_dim3A_1467 = vector.broadcast %broadcast_in_dim3A_1466 : f32 to vector<16xf32>
        %swap3A_1468 = arith.constant 2992 : index
        %swap3A_1469 = tpu.vector_load %arg9[%swap3A_1468] {strides = array<i32>} : memref<4096xf32, #tpu.memory_space<vmem>>, vector<16xf32>,
        %swap3A_1470 = vector.shape_cast %swap3A_1469 : vector<16xf32> to vector<16xf32>
        %swap3A_1471 = vector.shape_cast %broadcast_in_dim3A_1467 : vector<16xf32> to vector<16xf32>
        tpu.vector_store %arg9[%swap3A_1468], %swap3A_1471 {strides = array<i32>} : memref<4096xf32, #tpu.memory_space<vmem>>, vector<16xf32>,
        %broadcast_in_dim3A_1472 = arith.constant 0.000000e+00 : f32
        %broadcast_in_dim3A_1473 = vector.broadcast %broadcast_in_dim3A_1472 : f32 to vector<16xf32>
        %swap3A_1474 = arith.constant 3008 : index
        %swap3A_1475 = tpu.vector_load %arg9[%swap3A_1474] {strides = array<i32>} : memref<4096xf32, #tpu.memory_space<vmem>>, vector<16xf32>,
        %swap3A_1476 = vector.shape_cast %swap3A_1475 : vector<16xf32> to vector<16xf32>
        %swap3A_1477 = vector.shape_cast %broadcast_in_dim3A_1473 : vector<16xf32> to vector<16xf32>
        tpu.vector_store %arg9[%swap3A_1474], %swap3A_1477 {strides = array<i32>} : memref<4096xf32, #tpu.memory_space<vmem>>, vector<16xf32>,
        %broadcast_in_dim3A_1478 = arith.constant 0.000000e+00 : f32
        %broadcast_in_dim3A_1479 = vector.broadcast %broadcast_in_dim3A_1478 : f32 to vector<16xf32>
        %swap3A_1480 = arith.constant 3024 : index
        %swap3A_1481 = tpu.vector_load %arg9[%swap3A_1480] {strides = array<i32>} : memref<4096xf32, #tpu.memory_space<vmem>>, vector<16xf32>,
        %swap3A_1482 = vector.shape_cast %swap3A_1481 : vector<16xf32> to vector<16xf32>
        %swap3A_1483 = vector.shape_cast %broadcast_in_dim3A_1479 : vector<16xf32> to vector<16xf32>
        tpu.vector_store %arg9[%swap3A_1480], %swap3A_1483 {strides = array<i32>} : memref<4096xf32, #tpu.memory_space<vmem>>, vector<16xf32>,
        %broadcast_in_dim3A_1484 = arith.constant 0.000000e+00 : f32
        %broadcast_in_dim3A_1485 = vector.broadcast %broadcast_in_dim3A_1484 : f32 to vector<16xf32>
        %swap3A_1486 = arith.constant 3040 : index
        %swap3A_1487 = tpu.vector_load %arg9[%swap3A_1486] {strides = array<i32>} : memref<4096xf32, #tpu.memory_space<vmem>>, vector<16xf32>,
        %swap3A_1488 = vector.shape_cast %swap3A_1487 : vector<16xf32> to vector<16xf32>
        %swap3A_1489 = vector.shape_cast %broadcast_in_dim3A_1485 : vector<16xf32> to vector<16xf32>
        tpu.vector_store %arg9[%swap3A_1486], %swap3A_1489 {strides = array<i32>} : memref<4096xf32, #tpu.memory_space<vmem>>, vector<16xf32>,
        %broadcast_in_dim3A_1490 = arith.constant 0.000000e+00 : f32
        %broadcast_in_dim3A_1491 = vector.broadcast %broadcast_in_dim3A_1490 : f32 to vector<16xf32>
        %swap3A_1492 = arith.constant 3056 : index
        %swap3A_1493 = tpu.vector_load %arg9[%swap3A_1492] {strides = array<i32>} : memref<4096xf32, #tpu.memory_space<vmem>>, vector<16xf32>,
        %swap3A_1494 = vector.shape_cast %swap3A_1493 : vector<16xf32> to vector<16xf32>
        %swap3A_1495 = vector.shape_cast %broadcast_in_dim3A_1491 : vector<16xf32> to vector<16xf32>
        tpu.vector_store %arg9[%swap3A_1492], %swap3A_1495 {strides = array<i32>} : memref<4096xf32, #tpu.memory_space<vmem>>, vector<16xf32>,
        %broadcast_in_dim3A_1496 = arith.constant 0.000000e+00 : f32
        %broadcast_in_dim3A_1497 = vector.broadcast %broadcast_in_dim3A_1496 : f32 to vector<16xf32>
        %swap3A_1498 = arith.constant 3072 : index
        %swap3A_1499 = tpu.vector_load %arg9[%swap3A_1498] {strides = array<i32>} : memref<4096xf32, #tpu.memory_space<vmem>>, vector<16xf32>,
        %swap3A_1500 = vector.shape_cast %swap3A_1499 : vector<16xf32> to vector<16xf32>
        %swap3A_1501 = vector.shape_cast %broadcast_in_dim3A_1497 : vector<16xf32> to vector<16xf32>
        tpu.vector_store %arg9[%swap3A_1498], %swap3A_1501 {strides = array<i32>} : memref<4096xf32, #tpu.memory_space<vmem>>, vector<16xf32>,
        %broadcast_in_dim3A_1502 = arith.constant 0.000000e+00 : f32
        %broadcast_in_dim3A_1503 = vector.broadcast %broadcast_in_dim3A_1502 : f32 to vector<16xf32>
        %swap3A_1504 = arith.constant 3088 : index
        %swap3A_1505 = tpu.vector_load %arg9[%swap3A_1504] {strides = array<i32>} : memref<4096xf32, #tpu.memory_space<vmem>>, vector<16xf32>,
        %swap3A_1506 = vector.shape_cast %swap3A_1505 : vector<16xf32> to vector<16xf32>
        %swap3A_1507 = vector.shape_cast %broadcast_in_dim3A_1503 : vector<16xf32> to vector<16xf32>
        tpu.vector_store %arg9[%swap3A_1504], %swap3A_1507 {strides = array<i32>} : memref<4096xf32, #tpu.memory_space<vmem>>, vector<16xf32>,
        %broadcast_in_dim3A_1508 = arith.constant 0.000000e+00 : f32
        %broadcast_in_dim3A_1509 = vector.broadcast %broadcast_in_dim3A_1508 : f32 to vector<16xf32>
        %swap3A_1510 = arith.constant 3104 : index
        %swap3A_1511 = tpu.vector_load %arg9[%swap3A_1510] {strides = array<i32>} : memref<4096xf32, #tpu.memory_space<vmem>>, vector<16xf32>,
        %swap3A_1512 = vector.shape_cast %swap3A_1511 : vector<16xf32> to vector<16xf32>
        %swap3A_1513 = vector.shape_cast %broadcast_in_dim3A_1509 : vector<16xf32> to vector<16xf32>
        tpu.vector_store %arg9[%swap3A_1510], %swap3A_1513 {strides = array<i32>} : memref<4096xf32, #tpu.memory_space<vmem>>, vector<16xf32>,
        %broadcast_in_dim3A_1514 = arith.constant 0.000000e+00 : f32
        %broadcast_in_dim3A_1515 = vector.broadcast %broadcast_in_dim3A_1514 : f32 to vector<16xf32>
        %swap3A_1516 = arith.constant 3120 : index
        %swap3A_1517 = tpu.vector_load %arg9[%swap3A_1516] {strides = array<i32>} : memref<4096xf32, #tpu.memory_space<vmem>>, vector<16xf32>,
        %swap3A_1518 = vector.shape_cast %swap3A_1517 : vector<16xf32> to vector<16xf32>
        %swap3A_1519 = vector.shape_cast %broadcast_in_dim3A_1515 : vector<16xf32> to vector<16xf32>
        tpu.vector_store %arg9[%swap3A_1516], %swap3A_1519 {strides = array<i32>} : memref<4096xf32, #tpu.memory_space<vmem>>, vector<16xf32>,
        %broadcast_in_dim3A_1520 = arith.constant 0.000000e+00 : f32
        %broadcast_in_dim3A_1521 = vector.broadcast %broadcast_in_dim3A_1520 : f32 to vector<16xf32>
        %swap3A_1522 = arith.constant 3136 : index
        %swap3A_1523 = tpu.vector_load %arg9[%swap3A_1522] {strides = array<i32>} : memref<4096xf32, #tpu.memory_space<vmem>>, vector<16xf32>,
        %swap3A_1524 = vector.shape_cast %swap3A_1523 : vector<16xf32> to vector<16xf32>
        %swap3A_1525 = vector.shape_cast %broadcast_in_dim3A_1521 : vector<16xf32> to vector<16xf32>
        tpu.vector_store %arg9[%swap3A_1522], %swap3A_1525 {strides = array<i32>} : memref<4096xf32, #tpu.memory_space<vmem>>, vector<16xf32>,
        %broadcast_in_dim3A_1526 = arith.constant 0.000000e+00 : f32
        %broadcast_in_dim3A_1527 = vector.broadcast %broadcast_in_dim3A_1526 : f32 to vector<16xf32>
        %swap3A_1528 = arith.constant 3152 : index
        %swap3A_1529 = tpu.vector_load %arg9[%swap3A_1528] {strides = array<i32>} : memref<4096xf32, #tpu.memory_space<vmem>>, vector<16xf32>,
        %swap3A_1530 = vector.shape_cast %swap3A_1529 : vector<16xf32> to vector<16xf32>
        %swap3A_1531 = vector.shape_cast %broadcast_in_dim3A_1527 : vector<16xf32> to vector<16xf32>
        tpu.vector_store %arg9[%swap3A_1528], %swap3A_1531 {strides = array<i32>} : memref<4096xf32, #tpu.memory_space<vmem>>, vector<16xf32>,
        %broadcast_in_dim3A_1532 = arith.constant 0.000000e+00 : f32
        %broadcast_in_dim3A_1533 = vector.broadcast %broadcast_in_dim3A_1532 : f32 to vector<16xf32>
        %swap3A_1534 = arith.constant 3168 : index
        %swap3A_1535 = tpu.vector_load %arg9[%swap3A_1534] {strides = array<i32>} : memref<4096xf32, #tpu.memory_space<vmem>>, vector<16xf32>,
        %swap3A_1536 = vector.shape_cast %swap3A_1535 : vector<16xf32> to vector<16xf32>
        %swap3A_1537 = vector.shape_cast %broadcast_in_dim3A_1533 : vector<16xf32> to vector<16xf32>
        tpu.vector_store %arg9[%swap3A_1534], %swap3A_1537 {strides = array<i32>} : memref<4096xf32, #tpu.memory_space<vmem>>, vector<16xf32>,
        %broadcast_in_dim3A_1538 = arith.constant 0.000000e+00 : f32
        %broadcast_in_dim3A_1539 = vector.broadcast %broadcast_in_dim3A_1538 : f32 to vector<16xf32>
        %swap3A_1540 = arith.constant 3184 : index
        %swap3A_1541 = tpu.vector_load %arg9[%swap3A_1540] {strides = array<i32>} : memref<4096xf32, #tpu.memory_space<vmem>>, vector<16xf32>,
        %swap3A_1542 = vector.shape_cast %swap3A_1541 : vector<16xf32> to vector<16xf32>
        %swap3A_1543 = vector.shape_cast %broadcast_in_dim3A_1539 : vector<16xf32> to vector<16xf32>
        tpu.vector_store %arg9[%swap3A_1540], %swap3A_1543 {strides = array<i32>} : memref<4096xf32, #tpu.memory_space<vmem>>, vector<16xf32>,
        %broadcast_in_dim3A_1544 = arith.constant 0.000000e+00 : f32
        %broadcast_in_dim3A_1545 = vector.broadcast %broadcast_in_dim3A_1544 : f32 to vector<16xf32>
        %swap3A_1546 = arith.constant 3200 : index
        %swap3A_1547 = tpu.vector_load %arg9[%swap3A_1546] {strides = array<i32>} : memref<4096xf32, #tpu.memory_space<vmem>>, vector<16xf32>,
        %swap3A_1548 = vector.shape_cast %swap3A_1547 : vector<16xf32> to vector<16xf32>
        %swap3A_1549 = vector.shape_cast %broadcast_in_dim3A_1545 : vector<16xf32> to vector<16xf32>
        tpu.vector_store %arg9[%swap3A_1546], %swap3A_1549 {strides = array<i32>} : memref<4096xf32, #tpu.memory_space<vmem>>, vector<16xf32>,
        %broadcast_in_dim3A_1550 = arith.constant 0.000000e+00 : f32
        %broadcast_in_dim3A_1551 = vector.broadcast %broadcast_in_dim3A_1550 : f32 to vector<16xf32>
        %swap3A_1552 = arith.constant 3216 : index
        %swap3A_1553 = tpu.vector_load %arg9[%swap3A_1552] {strides = array<i32>} : memref<4096xf32, #tpu.memory_space<vmem>>, vector<16xf32>,
        %swap3A_1554 = vector.shape_cast %swap3A_1553 : vector<16xf32> to vector<16xf32>
        %swap3A_1555 = vector.shape_cast %broadcast_in_dim3A_1551 : vector<16xf32> to vector<16xf32>
        tpu.vector_store %arg9[%swap3A_1552], %swap3A_1555 {strides = array<i32>} : memref<4096xf32, #tpu.memory_space<vmem>>, vector<16xf32>,
        %broadcast_in_dim3A_1556 = arith.constant 0.000000e+00 : f32
        %broadcast_in_dim3A_1557 = vector.broadcast %broadcast_in_dim3A_1556 : f32 to vector<16xf32>
        %swap3A_1558 = arith.constant 3232 : index
        %swap3A_1559 = tpu.vector_load %arg9[%swap3A_1558] {strides = array<i32>} : memref<4096xf32, #tpu.memory_space<vmem>>, vector<16xf32>,
        %swap3A_1560 = vector.shape_cast %swap3A_1559 : vector<16xf32> to vector<16xf32>
        %swap3A_1561 = vector.shape_cast %broadcast_in_dim3A_1557 : vector<16xf32> to vector<16xf32>
        tpu.vector_store %arg9[%swap3A_1558], %swap3A_1561 {strides = array<i32>} : memref<4096xf32, #tpu.memory_space<vmem>>, vector<16xf32>,
        %broadcast_in_dim3A_1562 = arith.constant 0.000000e+00 : f32
        %broadcast_in_dim3A_1563 = vector.broadcast %broadcast_in_dim3A_1562 : f32 to vector<16xf32>
        %swap3A_1564 = arith.constant 3248 : index
        %swap3A_1565 = tpu.vector_load %arg9[%swap3A_1564] {strides = array<i32>} : memref<4096xf32, #tpu.memory_space<vmem>>, vector<16xf32>,
        %swap3A_1566 = vector.shape_cast %swap3A_1565 : vector<16xf32> to vector<16xf32>
        %swap3A_1567 = vector.shape_cast %broadcast_in_dim3A_1563 : vector<16xf32> to vector<16xf32>
        tpu.vector_store %arg9[%swap3A_1564], %swap3A_1567 {strides = array<i32>} : memref<4096xf32, #tpu.memory_space<vmem>>, vector<16xf32>,
        %broadcast_in_dim3A_1568 = arith.constant 0.000000e+00 : f32
        %broadcast_in_dim3A_1569 = vector.broadcast %broadcast_in_dim3A_1568 : f32 to vector<16xf32>
        %swap3A_1570 = arith.constant 3264 : index
        %swap3A_1571 = tpu.vector_load %arg9[%swap3A_1570] {strides = array<i32>} : memref<4096xf32, #tpu.memory_space<vmem>>, vector<16xf32>,
        %swap3A_1572 = vector.shape_cast %swap3A_1571 : vector<16xf32> to vector<16xf32>
        %swap3A_1573 = vector.shape_cast %broadcast_in_dim3A_1569 : vector<16xf32> to vector<16xf32>
        tpu.vector_store %arg9[%swap3A_1570], %swap3A_1573 {strides = array<i32>} : memref<4096xf32, #tpu.memory_space<vmem>>, vector<16xf32>,
        %broadcast_in_dim3A_1574 = arith.constant 0.000000e+00 : f32
        %broadcast_in_dim3A_1575 = vector.broadcast %broadcast_in_dim3A_1574 : f32 to vector<16xf32>
        %swap3A_1576 = arith.constant 3280 : index
        %swap3A_1577 = tpu.vector_load %arg9[%swap3A_1576] {strides = array<i32>} : memref<4096xf32, #tpu.memory_space<vmem>>, vector<16xf32>,
        %swap3A_1578 = vector.shape_cast %swap3A_1577 : vector<16xf32> to vector<16xf32>
        %swap3A_1579 = vector.shape_cast %broadcast_in_dim3A_1575 : vector<16xf32> to vector<16xf32>
        tpu.vector_store %arg9[%swap3A_1576], %swap3A_1579 {strides = array<i32>} : memref<4096xf32, #tpu.memory_space<vmem>>, vector<16xf32>,
        %broadcast_in_dim3A_1580 = arith.constant 0.000000e+00 : f32
        %broadcast_in_dim3A_1581 = vector.broadcast %broadcast_in_dim3A_1580 : f32 to vector<16xf32>
        %swap3A_1582 = arith.constant 3296 : index
        %swap3A_1583 = tpu.vector_load %arg9[%swap3A_1582] {strides = array<i32>} : memref<4096xf32, #tpu.memory_space<vmem>>, vector<16xf32>,
        %swap3A_1584 = vector.shape_cast %swap3A_1583 : vector<16xf32> to vector<16xf32>
        %swap3A_1585 = vector.shape_cast %broadcast_in_dim3A_1581 : vector<16xf32> to vector<16xf32>
        tpu.vector_store %arg9[%swap3A_1582], %swap3A_1585 {strides = array<i32>} : memref<4096xf32, #tpu.memory_space<vmem>>, vector<16xf32>,
        %broadcast_in_dim3A_1586 = arith.constant 0.000000e+00 : f32
        %broadcast_in_dim3A_1587 = vector.broadcast %broadcast_in_dim3A_1586 : f32 to vector<16xf32>
        %swap3A_1588 = arith.constant 3312 : index
        %swap3A_1589 = tpu.vector_load %arg9[%swap3A_1588] {strides = array<i32>} : memref<4096xf32, #tpu.memory_space<vmem>>, vector<16xf32>,
        %swap3A_1590 = vector.shape_cast %swap3A_1589 : vector<16xf32> to vector<16xf32>
        %swap3A_1591 = vector.shape_cast %broadcast_in_dim3A_1587 : vector<16xf32> to vector<16xf32>
        tpu.vector_store %arg9[%swap3A_1588], %swap3A_1591 {strides = array<i32>} : memref<4096xf32, #tpu.memory_space<vmem>>, vector<16xf32>,
        %broadcast_in_dim3A_1592 = arith.constant 0.000000e+00 : f32
        %broadcast_in_dim3A_1593 = vector.broadcast %broadcast_in_dim3A_1592 : f32 to vector<16xf32>
        %swap3A_1594 = arith.constant 3328 : index
        %swap3A_1595 = tpu.vector_load %arg9[%swap3A_1594] {strides = array<i32>} : memref<4096xf32, #tpu.memory_space<vmem>>, vector<16xf32>,
        %swap3A_1596 = vector.shape_cast %swap3A_1595 : vector<16xf32> to vector<16xf32>
        %swap3A_1597 = vector.shape_cast %broadcast_in_dim3A_1593 : vector<16xf32> to vector<16xf32>
        tpu.vector_store %arg9[%swap3A_1594], %swap3A_1597 {strides = array<i32>} : memref<4096xf32, #tpu.memory_space<vmem>>, vector<16xf32>,
        %broadcast_in_dim3A_1598 = arith.constant 0.000000e+00 : f32
        %broadcast_in_dim3A_1599 = vector.broadcast %broadcast_in_dim3A_1598 : f32 to vector<16xf32>
        %swap3A_1600 = arith.constant 3344 : index
        %swap3A_1601 = tpu.vector_load %arg9[%swap3A_1600] {strides = array<i32>} : memref<4096xf32, #tpu.memory_space<vmem>>, vector<16xf32>,
        %swap3A_1602 = vector.shape_cast %swap3A_1601 : vector<16xf32> to vector<16xf32>
        %swap3A_1603 = vector.shape_cast %broadcast_in_dim3A_1599 : vector<16xf32> to vector<16xf32>
        tpu.vector_store %arg9[%swap3A_1600], %swap3A_1603 {strides = array<i32>} : memref<4096xf32, #tpu.memory_space<vmem>>, vector<16xf32>,
        %broadcast_in_dim3A_1604 = arith.constant 0.000000e+00 : f32
        %broadcast_in_dim3A_1605 = vector.broadcast %broadcast_in_dim3A_1604 : f32 to vector<16xf32>
        %swap3A_1606 = arith.constant 3360 : index
        %swap3A_1607 = tpu.vector_load %arg9[%swap3A_1606] {strides = array<i32>} : memref<4096xf32, #tpu.memory_space<vmem>>, vector<16xf32>,
        %swap3A_1608 = vector.shape_cast %swap3A_1607 : vector<16xf32> to vector<16xf32>
        %swap3A_1609 = vector.shape_cast %broadcast_in_dim3A_1605 : vector<16xf32> to vector<16xf32>
        tpu.vector_store %arg9[%swap3A_1606], %swap3A_1609 {strides = array<i32>} : memref<4096xf32, #tpu.memory_space<vmem>>, vector<16xf32>,
        %broadcast_in_dim3A_1610 = arith.constant 0.000000e+00 : f32
        %broadcast_in_dim3A_1611 = vector.broadcast %broadcast_in_dim3A_1610 : f32 to vector<16xf32>
        %swap3A_1612 = arith.constant 3376 : index
        %swap3A_1613 = tpu.vector_load %arg9[%swap3A_1612] {strides = array<i32>} : memref<4096xf32, #tpu.memory_space<vmem>>, vector<16xf32>,
        %swap3A_1614 = vector.shape_cast %swap3A_1613 : vector<16xf32> to vector<16xf32>
        %swap3A_1615 = vector.shape_cast %broadcast_in_dim3A_1611 : vector<16xf32> to vector<16xf32>
        tpu.vector_store %arg9[%swap3A_1612], %swap3A_1615 {strides = array<i32>} : memref<4096xf32, #tpu.memory_space<vmem>>, vector<16xf32>,
        %broadcast_in_dim3A_1616 = arith.constant 0.000000e+00 : f32
        %broadcast_in_dim3A_1617 = vector.broadcast %broadcast_in_dim3A_1616 : f32 to vector<16xf32>
        %swap3A_1618 = arith.constant 3392 : index
        %swap3A_1619 = tpu.vector_load %arg9[%swap3A_1618] {strides = array<i32>} : memref<4096xf32, #tpu.memory_space<vmem>>, vector<16xf32>,
        %swap3A_1620 = vector.shape_cast %swap3A_1619 : vector<16xf32> to vector<16xf32>
        %swap3A_1621 = vector.shape_cast %broadcast_in_dim3A_1617 : vector<16xf32> to vector<16xf32>
        tpu.vector_store %arg9[%swap3A_1618], %swap3A_1621 {strides = array<i32>} : memref<4096xf32, #tpu.memory_space<vmem>>, vector<16xf32>,
        %broadcast_in_dim3A_1622 = arith.constant 0.000000e+00 : f32
        %broadcast_in_dim3A_1623 = vector.broadcast %broadcast_in_dim3A_1622 : f32 to vector<16xf32>
        %swap3A_1624 = arith.constant 3408 : index
        %swap3A_1625 = tpu.vector_load %arg9[%swap3A_1624] {strides = array<i32>} : memref<4096xf32, #tpu.memory_space<vmem>>, vector<16xf32>,
        %swap3A_1626 = vector.shape_cast %swap3A_1625 : vector<16xf32> to vector<16xf32>
        %swap3A_1627 = vector.shape_cast %broadcast_in_dim3A_1623 : vector<16xf32> to vector<16xf32>
        tpu.vector_store %arg9[%swap3A_1624], %swap3A_1627 {strides = array<i32>} : memref<4096xf32, #tpu.memory_space<vmem>>, vector<16xf32>,
        %broadcast_in_dim3A_1628 = arith.constant 0.000000e+00 : f32
        %broadcast_in_dim3A_1629 = vector.broadcast %broadcast_in_dim3A_1628 : f32 to vector<16xf32>
        %swap3A_1630 = arith.constant 3424 : index
        %swap3A_1631 = tpu.vector_load %arg9[%swap3A_1630] {strides = array<i32>} : memref<4096xf32, #tpu.memory_space<vmem>>, vector<16xf32>,
        %swap3A_1632 = vector.shape_cast %swap3A_1631 : vector<16xf32> to vector<16xf32>
        %swap3A_1633 = vector.shape_cast %broadcast_in_dim3A_1629 : vector<16xf32> to vector<16xf32>
        tpu.vector_store %arg9[%swap3A_1630], %swap3A_1633 {strides = array<i32>} : memref<4096xf32, #tpu.memory_space<vmem>>, vector<16xf32>,
        %broadcast_in_dim3A_1634 = arith.constant 0.000000e+00 : f32
        %broadcast_in_dim3A_1635 = vector.broadcast %broadcast_in_dim3A_1634 : f32 to vector<16xf32>
        %swap3A_1636 = arith.constant 3440 : index
        %swap3A_1637 = tpu.vector_load %arg9[%swap3A_1636] {strides = array<i32>} : memref<4096xf32, #tpu.memory_space<vmem>>, vector<16xf32>,
        %swap3A_1638 = vector.shape_cast %swap3A_1637 : vector<16xf32> to vector<16xf32>
        %swap3A_1639 = vector.shape_cast %broadcast_in_dim3A_1635 : vector<16xf32> to vector<16xf32>
        tpu.vector_store %arg9[%swap3A_1636], %swap3A_1639 {strides = array<i32>} : memref<4096xf32, #tpu.memory_space<vmem>>, vector<16xf32>,
        %broadcast_in_dim3A_1640 = arith.constant 0.000000e+00 : f32
        %broadcast_in_dim3A_1641 = vector.broadcast %broadcast_in_dim3A_1640 : f32 to vector<16xf32>
        %swap3A_1642 = arith.constant 3456 : index
        %swap3A_1643 = tpu.vector_load %arg9[%swap3A_1642] {strides = array<i32>} : memref<4096xf32, #tpu.memory_space<vmem>>, vector<16xf32>,
        %swap3A_1644 = vector.shape_cast %swap3A_1643 : vector<16xf32> to vector<16xf32>
        %swap3A_1645 = vector.shape_cast %broadcast_in_dim3A_1641 : vector<16xf32> to vector<16xf32>
        tpu.vector_store %arg9[%swap3A_1642], %swap3A_1645 {strides = array<i32>} : memref<4096xf32, #tpu.memory_space<vmem>>, vector<16xf32>,
        %broadcast_in_dim3A_1646 = arith.constant 0.000000e+00 : f32
        %broadcast_in_dim3A_1647 = vector.broadcast %broadcast_in_dim3A_1646 : f32 to vector<16xf32>
        %swap3A_1648 = arith.constant 3472 : index
        %swap3A_1649 = tpu.vector_load %arg9[%swap3A_1648] {strides = array<i32>} : memref<4096xf32, #tpu.memory_space<vmem>>, vector<16xf32>,
        %swap3A_1650 = vector.shape_cast %swap3A_1649 : vector<16xf32> to vector<16xf32>
        %swap3A_1651 = vector.shape_cast %broadcast_in_dim3A_1647 : vector<16xf32> to vector<16xf32>
        tpu.vector_store %arg9[%swap3A_1648], %swap3A_1651 {strides = array<i32>} : memref<4096xf32, #tpu.memory_space<vmem>>, vector<16xf32>,
        %broadcast_in_dim3A_1652 = arith.constant 0.000000e+00 : f32
        %broadcast_in_dim3A_1653 = vector.broadcast %broadcast_in_dim3A_1652 : f32 to vector<16xf32>
        %swap3A_1654 = arith.constant 3488 : index
        %swap3A_1655 = tpu.vector_load %arg9[%swap3A_1654] {strides = array<i32>} : memref<4096xf32, #tpu.memory_space<vmem>>, vector<16xf32>,
        %swap3A_1656 = vector.shape_cast %swap3A_1655 : vector<16xf32> to vector<16xf32>
        %swap3A_1657 = vector.shape_cast %broadcast_in_dim3A_1653 : vector<16xf32> to vector<16xf32>
        tpu.vector_store %arg9[%swap3A_1654], %swap3A_1657 {strides = array<i32>} : memref<4096xf32, #tpu.memory_space<vmem>>, vector<16xf32>,
        %broadcast_in_dim3A_1658 = arith.constant 0.000000e+00 : f32
        %broadcast_in_dim3A_1659 = vector.broadcast %broadcast_in_dim3A_1658 : f32 to vector<16xf32>
        %swap3A_1660 = arith.constant 3504 : index
        %swap3A_1661 = tpu.vector_load %arg9[%swap3A_1660] {strides = array<i32>} : memref<4096xf32, #tpu.memory_space<vmem>>, vector<16xf32>,
        %swap3A_1662 = vector.shape_cast %swap3A_1661 : vector<16xf32> to vector<16xf32>
        %swap3A_1663 = vector.shape_cast %broadcast_in_dim3A_1659 : vector<16xf32> to vector<16xf32>
        tpu.vector_store %arg9[%swap3A_1660], %swap3A_1663 {strides = array<i32>} : memref<4096xf32, #tpu.memory_space<vmem>>, vector<16xf32>,
        %broadcast_in_dim3A_1664 = arith.constant 0.000000e+00 : f32
        %broadcast_in_dim3A_1665 = vector.broadcast %broadcast_in_dim3A_1664 : f32 to vector<16xf32>
        %swap3A_1666 = arith.constant 3520 : index
        %swap3A_1667 = tpu.vector_load %arg9[%swap3A_1666] {strides = array<i32>} : memref<4096xf32, #tpu.memory_space<vmem>>, vector<16xf32>,
        %swap3A_1668 = vector.shape_cast %swap3A_1667 : vector<16xf32> to vector<16xf32>
        %swap3A_1669 = vector.shape_cast %broadcast_in_dim3A_1665 : vector<16xf32> to vector<16xf32>
        tpu.vector_store %arg9[%swap3A_1666], %swap3A_1669 {strides = array<i32>} : memref<4096xf32, #tpu.memory_space<vmem>>, vector<16xf32>,
        %broadcast_in_dim3A_1670 = arith.constant 0.000000e+00 : f32
        %broadcast_in_dim3A_1671 = vector.broadcast %broadcast_in_dim3A_1670 : f32 to vector<16xf32>
        %swap3A_1672 = arith.constant 3536 : index
        %swap3A_1673 = tpu.vector_load %arg9[%swap3A_1672] {strides = array<i32>} : memref<4096xf32, #tpu.memory_space<vmem>>, vector<16xf32>,
        %swap3A_1674 = vector.shape_cast %swap3A_1673 : vector<16xf32> to vector<16xf32>
        %swap3A_1675 = vector.shape_cast %broadcast_in_dim3A_1671 : vector<16xf32> to vector<16xf32>
        tpu.vector_store %arg9[%swap3A_1672], %swap3A_1675 {strides = array<i32>} : memref<4096xf32, #tpu.memory_space<vmem>>, vector<16xf32>,
        %broadcast_in_dim3A_1676 = arith.constant 0.000000e+00 : f32
        %broadcast_in_dim3A_1677 = vector.broadcast %broadcast_in_dim3A_1676 : f32 to vector<16xf32>
        %swap3A_1678 = arith.constant 3552 : index
        %swap3A_1679 = tpu.vector_load %arg9[%swap3A_1678] {strides = array<i32>} : memref<4096xf32, #tpu.memory_space<vmem>>, vector<16xf32>,
        %swap3A_1680 = vector.shape_cast %swap3A_1679 : vector<16xf32> to vector<16xf32>
        %swap3A_1681 = vector.shape_cast %broadcast_in_dim3A_1677 : vector<16xf32> to vector<16xf32>
        tpu.vector_store %arg9[%swap3A_1678], %swap3A_1681 {strides = array<i32>} : memref<4096xf32, #tpu.memory_space<vmem>>, vector<16xf32>,
        %broadcast_in_dim3A_1682 = arith.constant 0.000000e+00 : f32
        %broadcast_in_dim3A_1683 = vector.broadcast %broadcast_in_dim3A_1682 : f32 to vector<16xf32>
        %swap3A_1684 = arith.constant 3568 : index
        %swap3A_1685 = tpu.vector_load %arg9[%swap3A_1684] {strides = array<i32>} : memref<4096xf32, #tpu.memory_space<vmem>>, vector<16xf32>,
        %swap3A_1686 = vector.shape_cast %swap3A_1685 : vector<16xf32> to vector<16xf32>
        %swap3A_1687 = vector.shape_cast %broadcast_in_dim3A_1683 : vector<16xf32> to vector<16xf32>
        tpu.vector_store %arg9[%swap3A_1684], %swap3A_1687 {strides = array<i32>} : memref<4096xf32, #tpu.memory_space<vmem>>, vector<16xf32>,
        %broadcast_in_dim3A_1688 = arith.constant 0.000000e+00 : f32
        %broadcast_in_dim3A_1689 = vector.broadcast %broadcast_in_dim3A_1688 : f32 to vector<16xf32>
        %swap3A_1690 = arith.constant 3584 : index
        %swap3A_1691 = tpu.vector_load %arg9[%swap3A_1690] {strides = array<i32>} : memref<4096xf32, #tpu.memory_space<vmem>>, vector<16xf32>,
        %swap3A_1692 = vector.shape_cast %swap3A_1691 : vector<16xf32> to vector<16xf32>
        %swap3A_1693 = vector.shape_cast %broadcast_in_dim3A_1689 : vector<16xf32> to vector<16xf32>
        tpu.vector_store %arg9[%swap3A_1690], %swap3A_1693 {strides = array<i32>} : memref<4096xf32, #tpu.memory_space<vmem>>, vector<16xf32>,
        %broadcast_in_dim3A_1694 = arith.constant 0.000000e+00 : f32
        %broadcast_in_dim3A_1695 = vector.broadcast %broadcast_in_dim3A_1694 : f32 to vector<16xf32>
        %swap3A_1696 = arith.constant 3600 : index
        %swap3A_1697 = tpu.vector_load %arg9[%swap3A_1696] {strides = array<i32>} : memref<4096xf32, #tpu.memory_space<vmem>>, vector<16xf32>,
        %swap3A_1698 = vector.shape_cast %swap3A_1697 : vector<16xf32> to vector<16xf32>
        %swap3A_1699 = vector.shape_cast %broadcast_in_dim3A_1695 : vector<16xf32> to vector<16xf32>
        tpu.vector_store %arg9[%swap3A_1696], %swap3A_1699 {strides = array<i32>} : memref<4096xf32, #tpu.memory_space<vmem>>, vector<16xf32>,
        %broadcast_in_dim3A_1700 = arith.constant 0.000000e+00 : f32
        %broadcast_in_dim3A_1701 = vector.broadcast %broadcast_in_dim3A_1700 : f32 to vector<16xf32>
        %swap3A_1702 = arith.constant 3616 : index
        %swap3A_1703 = tpu.vector_load %arg9[%swap3A_1702] {strides = array<i32>} : memref<4096xf32, #tpu.memory_space<vmem>>, vector<16xf32>,
        %swap3A_1704 = vector.shape_cast %swap3A_1703 : vector<16xf32> to vector<16xf32>
        %swap3A_1705 = vector.shape_cast %broadcast_in_dim3A_1701 : vector<16xf32> to vector<16xf32>
        tpu.vector_store %arg9[%swap3A_1702], %swap3A_1705 {strides = array<i32>} : memref<4096xf32, #tpu.memory_space<vmem>>, vector<16xf32>,
        %broadcast_in_dim3A_1706 = arith.constant 0.000000e+00 : f32
        %broadcast_in_dim3A_1707 = vector.broadcast %broadcast_in_dim3A_1706 : f32 to vector<16xf32>
        %swap3A_1708 = arith.constant 3632 : index
        %swap3A_1709 = tpu.vector_load %arg9[%swap3A_1708] {strides = array<i32>} : memref<4096xf32, #tpu.memory_space<vmem>>, vector<16xf32>,
        %swap3A_1710 = vector.shape_cast %swap3A_1709 : vector<16xf32> to vector<16xf32>
        %swap3A_1711 = vector.shape_cast %broadcast_in_dim3A_1707 : vector<16xf32> to vector<16xf32>
        tpu.vector_store %arg9[%swap3A_1708], %swap3A_1711 {strides = array<i32>} : memref<4096xf32, #tpu.memory_space<vmem>>, vector<16xf32>,
        %broadcast_in_dim3A_1712 = arith.constant 0.000000e+00 : f32
        %broadcast_in_dim3A_1713 = vector.broadcast %broadcast_in_dim3A_1712 : f32 to vector<16xf32>
        %swap3A_1714 = arith.constant 3648 : index
        %swap3A_1715 = tpu.vector_load %arg9[%swap3A_1714] {strides = array<i32>} : memref<4096xf32, #tpu.memory_space<vmem>>, vector<16xf32>,
        %swap3A_1716 = vector.shape_cast %swap3A_1715 : vector<16xf32> to vector<16xf32>
        %swap3A_1717 = vector.shape_cast %broadcast_in_dim3A_1713 : vector<16xf32> to vector<16xf32>
        tpu.vector_store %arg9[%swap3A_1714], %swap3A_1717 {strides = array<i32>} : memref<4096xf32, #tpu.memory_space<vmem>>, vector<16xf32>,
        %broadcast_in_dim3A_1718 = arith.constant 0.000000e+00 : f32
        %broadcast_in_dim3A_1719 = vector.broadcast %broadcast_in_dim3A_1718 : f32 to vector<16xf32>
        %swap3A_1720 = arith.constant 3664 : index
        %swap3A_1721 = tpu.vector_load %arg9[%swap3A_1720] {strides = array<i32>} : memref<4096xf32, #tpu.memory_space<vmem>>, vector<16xf32>,
        %swap3A_1722 = vector.shape_cast %swap3A_1721 : vector<16xf32> to vector<16xf32>
        %swap3A_1723 = vector.shape_cast %broadcast_in_dim3A_1719 : vector<16xf32> to vector<16xf32>
        tpu.vector_store %arg9[%swap3A_1720], %swap3A_1723 {strides = array<i32>} : memref<4096xf32, #tpu.memory_space<vmem>>, vector<16xf32>,
        %broadcast_in_dim3A_1724 = arith.constant 0.000000e+00 : f32
        %broadcast_in_dim3A_1725 = vector.broadcast %broadcast_in_dim3A_1724 : f32 to vector<16xf32>
        %swap3A_1726 = arith.constant 3680 : index
        %swap3A_1727 = tpu.vector_load %arg9[%swap3A_1726] {strides = array<i32>} : memref<4096xf32, #tpu.memory_space<vmem>>, vector<16xf32>,
        %swap3A_1728 = vector.shape_cast %swap3A_1727 : vector<16xf32> to vector<16xf32>
        %swap3A_1729 = vector.shape_cast %broadcast_in_dim3A_1725 : vector<16xf32> to vector<16xf32>
        tpu.vector_store %arg9[%swap3A_1726], %swap3A_1729 {strides = array<i32>} : memref<4096xf32, #tpu.memory_space<vmem>>, vector<16xf32>,
        %broadcast_in_dim3A_1730 = arith.constant 0.000000e+00 : f32
        %broadcast_in_dim3A_1731 = vector.broadcast %broadcast_in_dim3A_1730 : f32 to vector<16xf32>
        %swap3A_1732 = arith.constant 3696 : index
        %swap3A_1733 = tpu.vector_load %arg9[%swap3A_1732] {strides = array<i32>} : memref<4096xf32, #tpu.memory_space<vmem>>, vector<16xf32>,
        %swap3A_1734 = vector.shape_cast %swap3A_1733 : vector<16xf32> to vector<16xf32>
        %swap3A_1735 = vector.shape_cast %broadcast_in_dim3A_1731 : vector<16xf32> to vector<16xf32>
        tpu.vector_store %arg9[%swap3A_1732], %swap3A_1735 {strides = array<i32>} : memref<4096xf32, #tpu.memory_space<vmem>>, vector<16xf32>,
        %broadcast_in_dim3A_1736 = arith.constant 0.000000e+00 : f32
        %broadcast_in_dim3A_1737 = vector.broadcast %broadcast_in_dim3A_1736 : f32 to vector<16xf32>
        %swap3A_1738 = arith.constant 3712 : index
        %swap3A_1739 = tpu.vector_load %arg9[%swap3A_1738] {strides = array<i32>} : memref<4096xf32, #tpu.memory_space<vmem>>, vector<16xf32>,
        %swap3A_1740 = vector.shape_cast %swap3A_1739 : vector<16xf32> to vector<16xf32>
        %swap3A_1741 = vector.shape_cast %broadcast_in_dim3A_1737 : vector<16xf32> to vector<16xf32>
        tpu.vector_store %arg9[%swap3A_1738], %swap3A_1741 {strides = array<i32>} : memref<4096xf32, #tpu.memory_space<vmem>>, vector<16xf32>,
        %broadcast_in_dim3A_1742 = arith.constant 0.000000e+00 : f32
        %broadcast_in_dim3A_1743 = vector.broadcast %broadcast_in_dim3A_1742 : f32 to vector<16xf32>
        %swap3A_1744 = arith.constant 3728 : index
        %swap3A_1745 = tpu.vector_load %arg9[%swap3A_1744] {strides = array<i32>} : memref<4096xf32, #tpu.memory_space<vmem>>, vector<16xf32>,
        %swap3A_1746 = vector.shape_cast %swap3A_1745 : vector<16xf32> to vector<16xf32>
        %swap3A_1747 = vector.shape_cast %broadcast_in_dim3A_1743 : vector<16xf32> to vector<16xf32>
        tpu.vector_store %arg9[%swap3A_1744], %swap3A_1747 {strides = array<i32>} : memref<4096xf32, #tpu.memory_space<vmem>>, vector<16xf32>,
        %broadcast_in_dim3A_1748 = arith.constant 0.000000e+00 : f32
        %broadcast_in_dim3A_1749 = vector.broadcast %broadcast_in_dim3A_1748 : f32 to vector<16xf32>
        %swap3A_1750 = arith.constant 3744 : index
        %swap3A_1751 = tpu.vector_load %arg9[%swap3A_1750] {strides = array<i32>} : memref<4096xf32, #tpu.memory_space<vmem>>, vector<16xf32>,
        %swap3A_1752 = vector.shape_cast %swap3A_1751 : vector<16xf32> to vector<16xf32>
        %swap3A_1753 = vector.shape_cast %broadcast_in_dim3A_1749 : vector<16xf32> to vector<16xf32>
        tpu.vector_store %arg9[%swap3A_1750], %swap3A_1753 {strides = array<i32>} : memref<4096xf32, #tpu.memory_space<vmem>>, vector<16xf32>,
        %broadcast_in_dim3A_1754 = arith.constant 0.000000e+00 : f32
        %broadcast_in_dim3A_1755 = vector.broadcast %broadcast_in_dim3A_1754 : f32 to vector<16xf32>
        %swap3A_1756 = arith.constant 3760 : index
        %swap3A_1757 = tpu.vector_load %arg9[%swap3A_1756] {strides = array<i32>} : memref<4096xf32, #tpu.memory_space<vmem>>, vector<16xf32>,
        %swap3A_1758 = vector.shape_cast %swap3A_1757 : vector<16xf32> to vector<16xf32>
        %swap3A_1759 = vector.shape_cast %broadcast_in_dim3A_1755 : vector<16xf32> to vector<16xf32>
        tpu.vector_store %arg9[%swap3A_1756], %swap3A_1759 {strides = array<i32>} : memref<4096xf32, #tpu.memory_space<vmem>>, vector<16xf32>,
        %broadcast_in_dim3A_1760 = arith.constant 0.000000e+00 : f32
        %broadcast_in_dim3A_1761 = vector.broadcast %broadcast_in_dim3A_1760 : f32 to vector<16xf32>
        %swap3A_1762 = arith.constant 3776 : index
        %swap3A_1763 = tpu.vector_load %arg9[%swap3A_1762] {strides = array<i32>} : memref<4096xf32, #tpu.memory_space<vmem>>, vector<16xf32>,
        %swap3A_1764 = vector.shape_cast %swap3A_1763 : vector<16xf32> to vector<16xf32>
        %swap3A_1765 = vector.shape_cast %broadcast_in_dim3A_1761 : vector<16xf32> to vector<16xf32>
        tpu.vector_store %arg9[%swap3A_1762], %swap3A_1765 {strides = array<i32>} : memref<4096xf32, #tpu.memory_space<vmem>>, vector<16xf32>,
        %broadcast_in_dim3A_1766 = arith.constant 0.000000e+00 : f32
        %broadcast_in_dim3A_1767 = vector.broadcast %broadcast_in_dim3A_1766 : f32 to vector<16xf32>
        %swap3A_1768 = arith.constant 3792 : index
        %swap3A_1769 = tpu.vector_load %arg9[%swap3A_1768] {strides = array<i32>} : memref<4096xf32, #tpu.memory_space<vmem>>, vector<16xf32>,
        %swap3A_1770 = vector.shape_cast %swap3A_1769 : vector<16xf32> to vector<16xf32>
        %swap3A_1771 = vector.shape_cast %broadcast_in_dim3A_1767 : vector<16xf32> to vector<16xf32>
        tpu.vector_store %arg9[%swap3A_1768], %swap3A_1771 {strides = array<i32>} : memref<4096xf32, #tpu.memory_space<vmem>>, vector<16xf32>,
        %broadcast_in_dim3A_1772 = arith.constant 0.000000e+00 : f32
        %broadcast_in_dim3A_1773 = vector.broadcast %broadcast_in_dim3A_1772 : f32 to vector<16xf32>
        %swap3A_1774 = arith.constant 3808 : index
        %swap3A_1775 = tpu.vector_load %arg9[%swap3A_1774] {strides = array<i32>} : memref<4096xf32, #tpu.memory_space<vmem>>, vector<16xf32>,
        %swap3A_1776 = vector.shape_cast %swap3A_1775 : vector<16xf32> to vector<16xf32>
        %swap3A_1777 = vector.shape_cast %broadcast_in_dim3A_1773 : vector<16xf32> to vector<16xf32>
        tpu.vector_store %arg9[%swap3A_1774], %swap3A_1777 {strides = array<i32>} : memref<4096xf32, #tpu.memory_space<vmem>>, vector<16xf32>,
        %broadcast_in_dim3A_1778 = arith.constant 0.000000e+00 : f32
        %broadcast_in_dim3A_1779 = vector.broadcast %broadcast_in_dim3A_1778 : f32 to vector<16xf32>
        %swap3A_1780 = arith.constant 3824 : index
        %swap3A_1781 = tpu.vector_load %arg9[%swap3A_1780] {strides = array<i32>} : memref<4096xf32, #tpu.memory_space<vmem>>, vector<16xf32>,
        %swap3A_1782 = vector.shape_cast %swap3A_1781 : vector<16xf32> to vector<16xf32>
        %swap3A_1783 = vector.shape_cast %broadcast_in_dim3A_1779 : vector<16xf32> to vector<16xf32>
        tpu.vector_store %arg9[%swap3A_1780], %swap3A_1783 {strides = array<i32>} : memref<4096xf32, #tpu.memory_space<vmem>>, vector<16xf32>,
        %broadcast_in_dim3A_1784 = arith.constant 0.000000e+00 : f32
        %broadcast_in_dim3A_1785 = vector.broadcast %broadcast_in_dim3A_1784 : f32 to vector<16xf32>
        %swap3A_1786 = arith.constant 3840 : index
        %swap3A_1787 = tpu.vector_load %arg9[%swap3A_1786] {strides = array<i32>} : memref<4096xf32, #tpu.memory_space<vmem>>, vector<16xf32>,
        %swap3A_1788 = vector.shape_cast %swap3A_1787 : vector<16xf32> to vector<16xf32>
        %swap3A_1789 = vector.shape_cast %broadcast_in_dim3A_1785 : vector<16xf32> to vector<16xf32>
        tpu.vector_store %arg9[%swap3A_1786], %swap3A_1789 {strides = array<i32>} : memref<4096xf32, #tpu.memory_space<vmem>>, vector<16xf32>,
        %broadcast_in_dim3A_1790 = arith.constant 0.000000e+00 : f32
        %broadcast_in_dim3A_1791 = vector.broadcast %broadcast_in_dim3A_1790 : f32 to vector<16xf32>
        %swap3A_1792 = arith.constant 3856 : index
        %swap3A_1793 = tpu.vector_load %arg9[%swap3A_1792] {strides = array<i32>} : memref<4096xf32, #tpu.memory_space<vmem>>, vector<16xf32>,
        %swap3A_1794 = vector.shape_cast %swap3A_1793 : vector<16xf32> to vector<16xf32>
        %swap3A_1795 = vector.shape_cast %broadcast_in_dim3A_1791 : vector<16xf32> to vector<16xf32>
        tpu.vector_store %arg9[%swap3A_1792], %swap3A_1795 {strides = array<i32>} : memref<4096xf32, #tpu.memory_space<vmem>>, vector<16xf32>,
        %broadcast_in_dim3A_1796 = arith.constant 0.000000e+00 : f32
        %broadcast_in_dim3A_1797 = vector.broadcast %broadcast_in_dim3A_1796 : f32 to vector<16xf32>
        %swap3A_1798 = arith.constant 3872 : index
        %swap3A_1799 = tpu.vector_load %arg9[%swap3A_1798] {strides = array<i32>} : memref<4096xf32, #tpu.memory_space<vmem>>, vector<16xf32>,
        %swap3A_1800 = vector.shape_cast %swap3A_1799 : vector<16xf32> to vector<16xf32>
        %swap3A_1801 = vector.shape_cast %broadcast_in_dim3A_1797 : vector<16xf32> to vector<16xf32>
        tpu.vector_store %arg9[%swap3A_1798], %swap3A_1801 {strides = array<i32>} : memref<4096xf32, #tpu.memory_space<vmem>>, vector<16xf32>,
        %broadcast_in_dim3A_1802 = arith.constant 0.000000e+00 : f32
        %broadcast_in_dim3A_1803 = vector.broadcast %broadcast_in_dim3A_1802 : f32 to vector<16xf32>
        %swap3A_1804 = arith.constant 3888 : index
        %swap3A_1805 = tpu.vector_load %arg9[%swap3A_1804] {strides = array<i32>} : memref<4096xf32, #tpu.memory_space<vmem>>, vector<16xf32>,
        %swap3A_1806 = vector.shape_cast %swap3A_1805 : vector<16xf32> to vector<16xf32>
        %swap3A_1807 = vector.shape_cast %broadcast_in_dim3A_1803 : vector<16xf32> to vector<16xf32>
        tpu.vector_store %arg9[%swap3A_1804], %swap3A_1807 {strides = array<i32>} : memref<4096xf32, #tpu.memory_space<vmem>>, vector<16xf32>,
        %broadcast_in_dim3A_1808 = arith.constant 0.000000e+00 : f32
        %broadcast_in_dim3A_1809 = vector.broadcast %broadcast_in_dim3A_1808 : f32 to vector<16xf32>
        %swap3A_1810 = arith.constant 3904 : index
        %swap3A_1811 = tpu.vector_load %arg9[%swap3A_1810] {strides = array<i32>} : memref<4096xf32, #tpu.memory_space<vmem>>, vector<16xf32>,
        %swap3A_1812 = vector.shape_cast %swap3A_1811 : vector<16xf32> to vector<16xf32>
        %swap3A_1813 = vector.shape_cast %broadcast_in_dim3A_1809 : vector<16xf32> to vector<16xf32>
        tpu.vector_store %arg9[%swap3A_1810], %swap3A_1813 {strides = array<i32>} : memref<4096xf32, #tpu.memory_space<vmem>>, vector<16xf32>,
        %broadcast_in_dim3A_1814 = arith.constant 0.000000e+00 : f32
        %broadcast_in_dim3A_1815 = vector.broadcast %broadcast_in_dim3A_1814 : f32 to vector<16xf32>
        %swap3A_1816 = arith.constant 3920 : index
        %swap3A_1817 = tpu.vector_load %arg9[%swap3A_1816] {strides = array<i32>} : memref<4096xf32, #tpu.memory_space<vmem>>, vector<16xf32>,
        %swap3A_1818 = vector.shape_cast %swap3A_1817 : vector<16xf32> to vector<16xf32>
        %swap3A_1819 = vector.shape_cast %broadcast_in_dim3A_1815 : vector<16xf32> to vector<16xf32>
        tpu.vector_store %arg9[%swap3A_1816], %swap3A_1819 {strides = array<i32>} : memref<4096xf32, #tpu.memory_space<vmem>>, vector<16xf32>,
        %broadcast_in_dim3A_1820 = arith.constant 0.000000e+00 : f32
        %broadcast_in_dim3A_1821 = vector.broadcast %broadcast_in_dim3A_1820 : f32 to vector<16xf32>
        %swap3A_1822 = arith.constant 3936 : index
        %swap3A_1823 = tpu.vector_load %arg9[%swap3A_1822] {strides = array<i32>} : memref<4096xf32, #tpu.memory_space<vmem>>, vector<16xf32>,
        %swap3A_1824 = vector.shape_cast %swap3A_1823 : vector<16xf32> to vector<16xf32>
        %swap3A_1825 = vector.shape_cast %broadcast_in_dim3A_1821 : vector<16xf32> to vector<16xf32>
        tpu.vector_store %arg9[%swap3A_1822], %swap3A_1825 {strides = array<i32>} : memref<4096xf32, #tpu.memory_space<vmem>>, vector<16xf32>,
        %broadcast_in_dim3A_1826 = arith.constant 0.000000e+00 : f32
        %broadcast_in_dim3A_1827 = vector.broadcast %broadcast_in_dim3A_1826 : f32 to vector<16xf32>
        %swap3A_1828 = arith.constant 3952 : index
        %swap3A_1829 = tpu.vector_load %arg9[%swap3A_1828] {strides = array<i32>} : memref<4096xf32, #tpu.memory_space<vmem>>, vector<16xf32>,
        %swap3A_1830 = vector.shape_cast %swap3A_1829 : vector<16xf32> to vector<16xf32>
        %swap3A_1831 = vector.shape_cast %broadcast_in_dim3A_1827 : vector<16xf32> to vector<16xf32>
        tpu.vector_store %arg9[%swap3A_1828], %swap3A_1831 {strides = array<i32>} : memref<4096xf32, #tpu.memory_space<vmem>>, vector<16xf32>,
        %broadcast_in_dim3A_1832 = arith.constant 0.000000e+00 : f32
        %broadcast_in_dim3A_1833 = vector.broadcast %broadcast_in_dim3A_1832 : f32 to vector<16xf32>
        %swap3A_1834 = arith.constant 3968 : index
        %swap3A_1835 = tpu.vector_load %arg9[%swap3A_1834] {strides = array<i32>} : memref<4096xf32, #tpu.memory_space<vmem>>, vector<16xf32>,
        %swap3A_1836 = vector.shape_cast %swap3A_1835 : vector<16xf32> to vector<16xf32>
        %swap3A_1837 = vector.shape_cast %broadcast_in_dim3A_1833 : vector<16xf32> to vector<16xf32>
        tpu.vector_store %arg9[%swap3A_1834], %swap3A_1837 {strides = array<i32>} : memref<4096xf32, #tpu.memory_space<vmem>>, vector<16xf32>,
        %broadcast_in_dim3A_1838 = arith.constant 0.000000e+00 : f32
        %broadcast_in_dim3A_1839 = vector.broadcast %broadcast_in_dim3A_1838 : f32 to vector<16xf32>
        %swap3A_1840 = arith.constant 3984 : index
        %swap3A_1841 = tpu.vector_load %arg9[%swap3A_1840] {strides = array<i32>} : memref<4096xf32, #tpu.memory_space<vmem>>, vector<16xf32>,
        %swap3A_1842 = vector.shape_cast %swap3A_1841 : vector<16xf32> to vector<16xf32>
        %swap3A_1843 = vector.shape_cast %broadcast_in_dim3A_1839 : vector<16xf32> to vector<16xf32>
        tpu.vector_store %arg9[%swap3A_1840], %swap3A_1843 {strides = array<i32>} : memref<4096xf32, #tpu.memory_space<vmem>>, vector<16xf32>,
        %broadcast_in_dim3A_1844 = arith.constant 0.000000e+00 : f32
        %broadcast_in_dim3A_1845 = vector.broadcast %broadcast_in_dim3A_1844 : f32 to vector<16xf32>
        %swap3A_1846 = arith.constant 4000 : index
        %swap3A_1847 = tpu.vector_load %arg9[%swap3A_1846] {strides = array<i32>} : memref<4096xf32, #tpu.memory_space<vmem>>, vector<16xf32>,
        %swap3A_1848 = vector.shape_cast %swap3A_1847 : vector<16xf32> to vector<16xf32>
        %swap3A_1849 = vector.shape_cast %broadcast_in_dim3A_1845 : vector<16xf32> to vector<16xf32>
        tpu.vector_store %arg9[%swap3A_1846], %swap3A_1849 {strides = array<i32>} : memref<4096xf32, #tpu.memory_space<vmem>>, vector<16xf32>,
        %broadcast_in_dim3A_1850 = arith.constant 0.000000e+00 : f32
        %broadcast_in_dim3A_1851 = vector.broadcast %broadcast_in_dim3A_1850 : f32 to vector<16xf32>
        %swap3A_1852 = arith.constant 4016 : index
        %swap3A_1853 = tpu.vector_load %arg9[%swap3A_1852] {strides = array<i32>} : memref<4096xf32, #tpu.memory_space<vmem>>, vector<16xf32>,
        %swap3A_1854 = vector.shape_cast %swap3A_1853 : vector<16xf32> to vector<16xf32>
        %swap3A_1855 = vector.shape_cast %broadcast_in_dim3A_1851 : vector<16xf32> to vector<16xf32>
        tpu.vector_store %arg9[%swap3A_1852], %swap3A_1855 {strides = array<i32>} : memref<4096xf32, #tpu.memory_space<vmem>>, vector<16xf32>,
        %broadcast_in_dim3A_1856 = arith.constant 0.000000e+00 : f32
        %broadcast_in_dim3A_1857 = vector.broadcast %broadcast_in_dim3A_1856 : f32 to vector<16xf32>
        %swap3A_1858 = arith.constant 4032 : index
        %swap3A_1859 = tpu.vector_load %arg9[%swap3A_1858] {strides = array<i32>} : memref<4096xf32, #tpu.memory_space<vmem>>, vector<16xf32>,
        %swap3A_1860 = vector.shape_cast %swap3A_1859 : vector<16xf32> to vector<16xf32>
        %swap3A_1861 = vector.shape_cast %broadcast_in_dim3A_1857 : vector<16xf32> to vector<16xf32>
        tpu.vector_store %arg9[%swap3A_1858], %swap3A_1861 {strides = array<i32>} : memref<4096xf32, #tpu.memory_space<vmem>>, vector<16xf32>,
        %broadcast_in_dim3A_1862 = arith.constant 0.000000e+00 : f32
        %broadcast_in_dim3A_1863 = vector.broadcast %broadcast_in_dim3A_1862 : f32 to vector<16xf32>
        %swap3A_1864 = arith.constant 4048 : index
        %swap3A_1865 = tpu.vector_load %arg9[%swap3A_1864] {strides = array<i32>} : memref<4096xf32, #tpu.memory_space<vmem>>, vector<16xf32>,
        %swap3A_1866 = vector.shape_cast %swap3A_1865 : vector<16xf32> to vector<16xf32>
        %swap3A_1867 = vector.shape_cast %broadcast_in_dim3A_1863 : vector<16xf32> to vector<16xf32>
        tpu.vector_store %arg9[%swap3A_1864], %swap3A_1867 {strides = array<i32>} : memref<4096xf32, #tpu.memory_space<vmem>>, vector<16xf32>,
        %broadcast_in_dim3A_1868 = arith.constant 0.000000e+00 : f32
        %broadcast_in_dim3A_1869 = vector.broadcast %broadcast_in_dim3A_1868 : f32 to vector<16xf32>
        %swap3A_1870 = arith.constant 4064 : index
        %swap3A_1871 = tpu.vector_load %arg9[%swap3A_1870] {strides = array<i32>} : memref<4096xf32, #tpu.memory_space<vmem>>, vector<16xf32>,
        %swap3A_1872 = vector.shape_cast %swap3A_1871 : vector<16xf32> to vector<16xf32>
        %swap3A_1873 = vector.shape_cast %broadcast_in_dim3A_1869 : vector<16xf32> to vector<16xf32>
        tpu.vector_store %arg9[%swap3A_1870], %swap3A_1873 {strides = array<i32>} : memref<4096xf32, #tpu.memory_space<vmem>>, vector<16xf32>,
        %broadcast_in_dim3A_1874 = arith.constant 0.000000e+00 : f32
        %broadcast_in_dim3A_1875 = vector.broadcast %broadcast_in_dim3A_1874 : f32 to vector<16xf32>
        %swap3A_1876 = arith.constant 4080 : index
        %swap3A_1877 = tpu.vector_load %arg9[%swap3A_1876] {strides = array<i32>} : memref<4096xf32, #tpu.memory_space<vmem>>, vector<16xf32>,
        %swap3A_1878 = vector.shape_cast %swap3A_1877 : vector<16xf32> to vector<16xf32>
        %swap3A_1879 = vector.shape_cast %broadcast_in_dim3A_1875 : vector<16xf32> to vector<16xf32>
        tpu.vector_store %arg9[%swap3A_1876], %swap3A_1879 {strides = array<i32>} : memref<4096xf32, #tpu.memory_space<vmem>>, vector<16xf32>,
        %broadcast_in_dim3A_1880 = arith.constant 0.000000e+00 : f32
        %broadcast_in_dim3A_1881 = vector.broadcast %broadcast_in_dim3A_1880 : f32 to vector<16xf32>
        %swap3A_1882 = arith.constant 0 : index
        %swap3A_1883 = tpu.vector_load %arg13[%swap3A_1882] {strides = array<i32>} : memref<1296xf32, #tpu.memory_space<vmem>>, vector<16xf32>,
        %swap3A_1884 = vector.shape_cast %swap3A_1883 : vector<16xf32> to vector<16xf32>
        %swap3A_1885 = vector.shape_cast %broadcast_in_dim3A_1881 : vector<16xf32> to vector<16xf32>
        tpu.vector_store %arg13[%swap3A_1882], %swap3A_1885 {strides = array<i32>} : memref<1296xf32, #tpu.memory_space<vmem>>, vector<16xf32>,
        %broadcast_in_dim3A_1886 = arith.constant 0.000000e+00 : f32
        %broadcast_in_dim3A_1887 = vector.broadcast %broadcast_in_dim3A_1886 : f32 to vector<16xf32>
        %swap3A_1888 = arith.constant 16 : index
        %swap3A_1889 = tpu.vector_load %arg13[%swap3A_1888] {strides = array<i32>} : memref<1296xf32, #tpu.memory_space<vmem>>, vector<16xf32>,
        %swap3A_1890 = vector.shape_cast %swap3A_1889 : vector<16xf32> to vector<16xf32>
        %swap3A_1891 = vector.shape_cast %broadcast_in_dim3A_1887 : vector<16xf32> to vector<16xf32>
        tpu.vector_store %arg13[%swap3A_1888], %swap3A_1891 {strides = array<i32>} : memref<1296xf32, #tpu.memory_space<vmem>>, vector<16xf32>,
        %broadcast_in_dim3A_1892 = arith.constant 0.000000e+00 : f32
        %broadcast_in_dim3A_1893 = vector.broadcast %broadcast_in_dim3A_1892 : f32 to vector<16xf32>
        %swap3A_1894 = arith.constant 32 : index
        %swap3A_1895 = tpu.vector_load %arg13[%swap3A_1894] {strides = array<i32>} : memref<1296xf32, #tpu.memory_space<vmem>>, vector<16xf32>,
        %swap3A_1896 = vector.shape_cast %swap3A_1895 : vector<16xf32> to vector<16xf32>
        %swap3A_1897 = vector.shape_cast %broadcast_in_dim3A_1893 : vector<16xf32> to vector<16xf32>
        tpu.vector_store %arg13[%swap3A_1894], %swap3A_1897 {strides = array<i32>} : memref<1296xf32, #tpu.memory_space<vmem>>, vector<16xf32>,
        %broadcast_in_dim3A_1898 = arith.constant 0.000000e+00 : f32
        %broadcast_in_dim3A_1899 = vector.broadcast %broadcast_in_dim3A_1898 : f32 to vector<16xf32>
        %swap3A_1900 = arith.constant 48 : index
        %swap3A_1901 = tpu.vector_load %arg13[%swap3A_1900] {strides = array<i32>} : memref<1296xf32, #tpu.memory_space<vmem>>, vector<16xf32>,
        %swap3A_1902 = vector.shape_cast %swap3A_1901 : vector<16xf32> to vector<16xf32>
        %swap3A_1903 = vector.shape_cast %broadcast_in_dim3A_1899 : vector<16xf32> to vector<16xf32>
        tpu.vector_store %arg13[%swap3A_1900], %swap3A_1903 {strides = array<i32>} : memref<1296xf32, #tpu.memory_space<vmem>>, vector<16xf32>,
        %broadcast_in_dim3A_1904 = arith.constant 0.000000e+00 : f32
        %broadcast_in_dim3A_1905 = vector.broadcast %broadcast_in_dim3A_1904 : f32 to vector<16xf32>
        %swap3A_1906 = arith.constant 64 : index
        %swap3A_1907 = tpu.vector_load %arg13[%swap3A_1906] {strides = array<i32>} : memref<1296xf32, #tpu.memory_space<vmem>>, vector<16xf32>,
        %swap3A_1908 = vector.shape_cast %swap3A_1907 : vector<16xf32> to vector<16xf32>
        %swap3A_1909 = vector.shape_cast %broadcast_in_dim3A_1905 : vector<16xf32> to vector<16xf32>
        tpu.vector_store %arg13[%swap3A_1906], %swap3A_1909 {strides = array<i32>} : memref<1296xf32, #tpu.memory_space<vmem>>, vector<16xf32>,
        %broadcast_in_dim3A_1910 = arith.constant 0.000000e+00 : f32
        %broadcast_in_dim3A_1911 = vector.broadcast %broadcast_in_dim3A_1910 : f32 to vector<16xf32>
        %swap3A_1912 = arith.constant 80 : index
        %swap3A_1913 = tpu.vector_load %arg13[%swap3A_1912] {strides = array<i32>} : memref<1296xf32, #tpu.memory_space<vmem>>, vector<16xf32>,
        %swap3A_1914 = vector.shape_cast %swap3A_1913 : vector<16xf32> to vector<16xf32>
        %swap3A_1915 = vector.shape_cast %broadcast_in_dim3A_1911 : vector<16xf32> to vector<16xf32>
        tpu.vector_store %arg13[%swap3A_1912], %swap3A_1915 {strides = array<i32>} : memref<1296xf32, #tpu.memory_space<vmem>>, vector<16xf32>,
        %broadcast_in_dim3A_1916 = arith.constant 0.000000e+00 : f32
        %broadcast_in_dim3A_1917 = vector.broadcast %broadcast_in_dim3A_1916 : f32 to vector<16xf32>
        %swap3A_1918 = arith.constant 96 : index
        %swap3A_1919 = tpu.vector_load %arg13[%swap3A_1918] {strides = array<i32>} : memref<1296xf32, #tpu.memory_space<vmem>>, vector<16xf32>,
        %swap3A_1920 = vector.shape_cast %swap3A_1919 : vector<16xf32> to vector<16xf32>
        %swap3A_1921 = vector.shape_cast %broadcast_in_dim3A_1917 : vector<16xf32> to vector<16xf32>
        tpu.vector_store %arg13[%swap3A_1918], %swap3A_1921 {strides = array<i32>} : memref<1296xf32, #tpu.memory_space<vmem>>, vector<16xf32>,
        %broadcast_in_dim3A_1922 = arith.constant 0.000000e+00 : f32
        %broadcast_in_dim3A_1923 = vector.broadcast %broadcast_in_dim3A_1922 : f32 to vector<16xf32>
        %swap3A_1924 = arith.constant 112 : index
        %swap3A_1925 = tpu.vector_load %arg13[%swap3A_1924] {strides = array<i32>} : memref<1296xf32, #tpu.memory_space<vmem>>, vector<16xf32>,
        %swap3A_1926 = vector.shape_cast %swap3A_1925 : vector<16xf32> to vector<16xf32>
        %swap3A_1927 = vector.shape_cast %broadcast_in_dim3A_1923 : vector<16xf32> to vector<16xf32>
        tpu.vector_store %arg13[%swap3A_1924], %swap3A_1927 {strides = array<i32>} : memref<1296xf32, #tpu.memory_space<vmem>>, vector<16xf32>,
        %broadcast_in_dim3A_1928 = arith.constant 0.000000e+00 : f32
        %broadcast_in_dim3A_1929 = vector.broadcast %broadcast_in_dim3A_1928 : f32 to vector<16xf32>
        %swap3A_1930 = arith.constant 128 : index
        %swap3A_1931 = tpu.vector_load %arg13[%swap3A_1930] {strides = array<i32>} : memref<1296xf32, #tpu.memory_space<vmem>>, vector<16xf32>,
        %swap3A_1932 = vector.shape_cast %swap3A_1931 : vector<16xf32> to vector<16xf32>
        %swap3A_1933 = vector.shape_cast %broadcast_in_dim3A_1929 : vector<16xf32> to vector<16xf32>
        tpu.vector_store %arg13[%swap3A_1930], %swap3A_1933 {strides = array<i32>} : memref<1296xf32, #tpu.memory_space<vmem>>, vector<16xf32>,
        %broadcast_in_dim3A_1934 = arith.constant 0.000000e+00 : f32
        %broadcast_in_dim3A_1935 = vector.broadcast %broadcast_in_dim3A_1934 : f32 to vector<16xf32>
        %swap3A_1936 = arith.constant 144 : index
        %swap3A_1937 = tpu.vector_load %arg13[%swap3A_1936] {strides = array<i32>} : memref<1296xf32, #tpu.memory_space<vmem>>, vector<16xf32>,
        %swap3A_1938 = vector.shape_cast %swap3A_1937 : vector<16xf32> to vector<16xf32>
        %swap3A_1939 = vector.shape_cast %broadcast_in_dim3A_1935 : vector<16xf32> to vector<16xf32>
        tpu.vector_store %arg13[%swap3A_1936], %swap3A_1939 {strides = array<i32>} : memref<1296xf32, #tpu.memory_space<vmem>>, vector<16xf32>,
        %broadcast_in_dim3A_1940 = arith.constant 0.000000e+00 : f32
        %broadcast_in_dim3A_1941 = vector.broadcast %broadcast_in_dim3A_1940 : f32 to vector<16xf32>
        %swap3A_1942 = arith.constant 160 : index
        %swap3A_1943 = tpu.vector_load %arg13[%swap3A_1942] {strides = array<i32>} : memref<1296xf32, #tpu.memory_space<vmem>>, vector<16xf32>,
        %swap3A_1944 = vector.shape_cast %swap3A_1943 : vector<16xf32> to vector<16xf32>
        %swap3A_1945 = vector.shape_cast %broadcast_in_dim3A_1941 : vector<16xf32> to vector<16xf32>
        tpu.vector_store %arg13[%swap3A_1942], %swap3A_1945 {strides = array<i32>} : memref<1296xf32, #tpu.memory_space<vmem>>, vector<16xf32>,
        %broadcast_in_dim3A_1946 = arith.constant 0.000000e+00 : f32
        %broadcast_in_dim3A_1947 = vector.broadcast %broadcast_in_dim3A_1946 : f32 to vector<16xf32>
        %swap3A_1948 = arith.constant 176 : index
        %swap3A_1949 = tpu.vector_load %arg13[%swap3A_1948] {strides = array<i32>} : memref<1296xf32, #tpu.memory_space<vmem>>, vector<16xf32>,
        %swap3A_1950 = vector.shape_cast %swap3A_1949 : vector<16xf32> to vector<16xf32>
        %swap3A_1951 = vector.shape_cast %broadcast_in_dim3A_1947 : vector<16xf32> to vector<16xf32>
        tpu.vector_store %arg13[%swap3A_1948], %swap3A_1951 {strides = array<i32>} : memref<1296xf32, #tpu.memory_space<vmem>>, vector<16xf32>,
        %broadcast_in_dim3A_1952 = arith.constant 0.000000e+00 : f32
        %broadcast_in_dim3A_1953 = vector.broadcast %broadcast_in_dim3A_1952 : f32 to vector<16xf32>
        %swap3A_1954 = arith.constant 192 : index
        %swap3A_1955 = tpu.vector_load %arg13[%swap3A_1954] {strides = array<i32>} : memref<1296xf32, #tpu.memory_space<vmem>>, vector<16xf32>,
        %swap3A_1956 = vector.shape_cast %swap3A_1955 : vector<16xf32> to vector<16xf32>
        %swap3A_1957 = vector.shape_cast %broadcast_in_dim3A_1953 : vector<16xf32> to vector<16xf32>
        tpu.vector_store %arg13[%swap3A_1954], %swap3A_1957 {strides = array<i32>} : memref<1296xf32, #tpu.memory_space<vmem>>, vector<16xf32>,
        %broadcast_in_dim3A_1958 = arith.constant 0.000000e+00 : f32
        %broadcast_in_dim3A_1959 = vector.broadcast %broadcast_in_dim3A_1958 : f32 to vector<16xf32>
        %swap3A_1960 = arith.constant 208 : index
        %swap3A_1961 = tpu.vector_load %arg13[%swap3A_1960] {strides = array<i32>} : memref<1296xf32, #tpu.memory_space<vmem>>, vector<16xf32>,
        %swap3A_1962 = vector.shape_cast %swap3A_1961 : vector<16xf32> to vector<16xf32>
        %swap3A_1963 = vector.shape_cast %broadcast_in_dim3A_1959 : vector<16xf32> to vector<16xf32>
        tpu.vector_store %arg13[%swap3A_1960], %swap3A_1963 {strides = array<i32>} : memref<1296xf32, #tpu.memory_space<vmem>>, vector<16xf32>,
        %broadcast_in_dim3A_1964 = arith.constant 0.000000e+00 : f32
        %broadcast_in_dim3A_1965 = vector.broadcast %broadcast_in_dim3A_1964 : f32 to vector<16xf32>
        %swap3A_1966 = arith.constant 224 : index
        %swap3A_1967 = tpu.vector_load %arg13[%swap3A_1966] {strides = array<i32>} : memref<1296xf32, #tpu.memory_space<vmem>>, vector<16xf32>,
        %swap3A_1968 = vector.shape_cast %swap3A_1967 : vector<16xf32> to vector<16xf32>
        %swap3A_1969 = vector.shape_cast %broadcast_in_dim3A_1965 : vector<16xf32> to vector<16xf32>
        tpu.vector_store %arg13[%swap3A_1966], %swap3A_1969 {strides = array<i32>} : memref<1296xf32, #tpu.memory_space<vmem>>, vector<16xf32>,
        %broadcast_in_dim3A_1970 = arith.constant 0.000000e+00 : f32
        %broadcast_in_dim3A_1971 = vector.broadcast %broadcast_in_dim3A_1970 : f32 to vector<16xf32>
        %swap3A_1972 = arith.constant 240 : index
        %swap3A_1973 = tpu.vector_load %arg13[%swap3A_1972] {strides = array<i32>} : memref<1296xf32, #tpu.memory_space<vmem>>, vector<16xf32>,
        %swap3A_1974 = vector.shape_cast %swap3A_1973 : vector<16xf32> to vector<16xf32>
        %swap3A_1975 = vector.shape_cast %broadcast_in_dim3A_1971 : vector<16xf32> to vector<16xf32>
        tpu.vector_store %arg13[%swap3A_1972], %swap3A_1975 {strides = array<i32>} : memref<1296xf32, #tpu.memory_space<vmem>>, vector<16xf32>,
        %broadcast_in_dim3A_1976 = arith.constant 0.000000e+00 : f32
        %broadcast_in_dim3A_1977 = vector.broadcast %broadcast_in_dim3A_1976 : f32 to vector<16xf32>
        %swap3A_1978 = arith.constant 256 : index
        %swap3A_1979 = tpu.vector_load %arg13[%swap3A_1978] {strides = array<i32>} : memref<1296xf32, #tpu.memory_space<vmem>>, vector<16xf32>,
        %swap3A_1980 = vector.shape_cast %swap3A_1979 : vector<16xf32> to vector<16xf32>
        %swap3A_1981 = vector.shape_cast %broadcast_in_dim3A_1977 : vector<16xf32> to vector<16xf32>
        tpu.vector_store %arg13[%swap3A_1978], %swap3A_1981 {strides = array<i32>} : memref<1296xf32, #tpu.memory_space<vmem>>, vector<16xf32>,
        %broadcast_in_dim3A_1982 = arith.constant 0.000000e+00 : f32
        %broadcast_in_dim3A_1983 = vector.broadcast %broadcast_in_dim3A_1982 : f32 to vector<16xf32>
        %swap3A_1984 = arith.constant 272 : index
        %swap3A_1985 = tpu.vector_load %arg13[%swap3A_1984] {strides = array<i32>} : memref<1296xf32, #tpu.memory_space<vmem>>, vector<16xf32>,
        %swap3A_1986 = vector.shape_cast %swap3A_1985 : vector<16xf32> to vector<16xf32>
        %swap3A_1987 = vector.shape_cast %broadcast_in_dim3A_1983 : vector<16xf32> to vector<16xf32>
        tpu.vector_store %arg13[%swap3A_1984], %swap3A_1987 {strides = array<i32>} : memref<1296xf32, #tpu.memory_space<vmem>>, vector<16xf32>,
        %broadcast_in_dim3A_1988 = arith.constant 0.000000e+00 : f32
        %broadcast_in_dim3A_1989 = vector.broadcast %broadcast_in_dim3A_1988 : f32 to vector<16xf32>
        %swap3A_1990 = arith.constant 288 : index
        %swap3A_1991 = tpu.vector_load %arg13[%swap3A_1990] {strides = array<i32>} : memref<1296xf32, #tpu.memory_space<vmem>>, vector<16xf32>,
        %swap3A_1992 = vector.shape_cast %swap3A_1991 : vector<16xf32> to vector<16xf32>
        %swap3A_1993 = vector.shape_cast %broadcast_in_dim3A_1989 : vector<16xf32> to vector<16xf32>
        tpu.vector_store %arg13[%swap3A_1990], %swap3A_1993 {strides = array<i32>} : memref<1296xf32, #tpu.memory_space<vmem>>, vector<16xf32>,
        %broadcast_in_dim3A_1994 = arith.constant 0.000000e+00 : f32
        %broadcast_in_dim3A_1995 = vector.broadcast %broadcast_in_dim3A_1994 : f32 to vector<16xf32>
        %swap3A_1996 = arith.constant 304 : index
        %swap3A_1997 = tpu.vector_load %arg13[%swap3A_1996] {strides = array<i32>} : memref<1296xf32, #tpu.memory_space<vmem>>, vector<16xf32>,
        %swap3A_1998 = vector.shape_cast %swap3A_1997 : vector<16xf32> to vector<16xf32>
        %swap3A_1999 = vector.shape_cast %broadcast_in_dim3A_1995 : vector<16xf32> to vector<16xf32>
        tpu.vector_store %arg13[%swap3A_1996], %swap3A_1999 {strides = array<i32>} : memref<1296xf32, #tpu.memory_space<vmem>>, vector<16xf32>,
        %broadcast_in_dim3A_2000 = arith.constant 0.000000e+00 : f32
        %broadcast_in_dim3A_2001 = vector.broadcast %broadcast_in_dim3A_2000 : f32 to vector<16xf32>
        %swap3A_2002 = arith.constant 320 : index
        %swap3A_2003 = tpu.vector_load %arg13[%swap3A_2002] {strides = array<i32>} : memref<1296xf32, #tpu.memory_space<vmem>>, vector<16xf32>,
        %swap3A_2004 = vector.shape_cast %swap3A_2003 : vector<16xf32> to vector<16xf32>
        %swap3A_2005 = vector.shape_cast %broadcast_in_dim3A_2001 : vector<16xf32> to vector<16xf32>
        tpu.vector_store %arg13[%swap3A_2002], %swap3A_2005 {strides = array<i32>} : memref<1296xf32, #tpu.memory_space<vmem>>, vector<16xf32>,
        %broadcast_in_dim3A_2006 = arith.constant 0.000000e+00 : f32
        %broadcast_in_dim3A_2007 = vector.broadcast %broadcast_in_dim3A_2006 : f32 to vector<16xf32>
        %swap3A_2008 = arith.constant 336 : index
        %swap3A_2009 = tpu.vector_load %arg13[%swap3A_2008] {strides = array<i32>} : memref<1296xf32, #tpu.memory_space<vmem>>, vector<16xf32>,
        %swap3A_2010 = vector.shape_cast %swap3A_2009 : vector<16xf32> to vector<16xf32>
        %swap3A_2011 = vector.shape_cast %broadcast_in_dim3A_2007 : vector<16xf32> to vector<16xf32>
        tpu.vector_store %arg13[%swap3A_2008], %swap3A_2011 {strides = array<i32>} : memref<1296xf32, #tpu.memory_space<vmem>>, vector<16xf32>,
        %broadcast_in_dim3A_2012 = arith.constant 0.000000e+00 : f32
        %broadcast_in_dim3A_2013 = vector.broadcast %broadcast_in_dim3A_2012 : f32 to vector<16xf32>
        %swap3A_2014 = arith.constant 352 : index
        %swap3A_2015 = tpu.vector_load %arg13[%swap3A_2014] {strides = array<i32>} : memref<1296xf32, #tpu.memory_space<vmem>>, vector<16xf32>,
        %swap3A_2016 = vector.shape_cast %swap3A_2015 : vector<16xf32> to vector<16xf32>
        %swap3A_2017 = vector.shape_cast %broadcast_in_dim3A_2013 : vector<16xf32> to vector<16xf32>
        tpu.vector_store %arg13[%swap3A_2014], %swap3A_2017 {strides = array<i32>} : memref<1296xf32, #tpu.memory_space<vmem>>, vector<16xf32>,
        %broadcast_in_dim3A_2018 = arith.constant 0.000000e+00 : f32
        %broadcast_in_dim3A_2019 = vector.broadcast %broadcast_in_dim3A_2018 : f32 to vector<16xf32>
        %swap3A_2020 = arith.constant 368 : index
        %swap3A_2021 = tpu.vector_load %arg13[%swap3A_2020] {strides = array<i32>} : memref<1296xf32, #tpu.memory_space<vmem>>, vector<16xf32>,
        %swap3A_2022 = vector.shape_cast %swap3A_2021 : vector<16xf32> to vector<16xf32>
        %swap3A_2023 = vector.shape_cast %broadcast_in_dim3A_2019 : vector<16xf32> to vector<16xf32>
        tpu.vector_store %arg13[%swap3A_2020], %swap3A_2023 {strides = array<i32>} : memref<1296xf32, #tpu.memory_space<vmem>>, vector<16xf32>,
        %broadcast_in_dim3A_2024 = arith.constant 0.000000e+00 : f32
        %broadcast_in_dim3A_2025 = vector.broadcast %broadcast_in_dim3A_2024 : f32 to vector<16xf32>
        %swap3A_2026 = arith.constant 384 : index
        %swap3A_2027 = tpu.vector_load %arg13[%swap3A_2026] {strides = array<i32>} : memref<1296xf32, #tpu.memory_space<vmem>>, vector<16xf32>,
        %swap3A_2028 = vector.shape_cast %swap3A_2027 : vector<16xf32> to vector<16xf32>
        %swap3A_2029 = vector.shape_cast %broadcast_in_dim3A_2025 : vector<16xf32> to vector<16xf32>
        tpu.vector_store %arg13[%swap3A_2026], %swap3A_2029 {strides = array<i32>} : memref<1296xf32, #tpu.memory_space<vmem>>, vector<16xf32>,
        %broadcast_in_dim3A_2030 = arith.constant 0.000000e+00 : f32
        %broadcast_in_dim3A_2031 = vector.broadcast %broadcast_in_dim3A_2030 : f32 to vector<16xf32>
        %swap3A_2032 = arith.constant 400 : index
        %swap3A_2033 = tpu.vector_load %arg13[%swap3A_2032] {strides = array<i32>} : memref<1296xf32, #tpu.memory_space<vmem>>, vector<16xf32>,
        %swap3A_2034 = vector.shape_cast %swap3A_2033 : vector<16xf32> to vector<16xf32>
        %swap3A_2035 = vector.shape_cast %broadcast_in_dim3A_2031 : vector<16xf32> to vector<16xf32>
        tpu.vector_store %arg13[%swap3A_2032], %swap3A_2035 {strides = array<i32>} : memref<1296xf32, #tpu.memory_space<vmem>>, vector<16xf32>,
        %broadcast_in_dim3A_2036 = arith.constant 0.000000e+00 : f32
        %broadcast_in_dim3A_2037 = vector.broadcast %broadcast_in_dim3A_2036 : f32 to vector<16xf32>
        %swap3A_2038 = arith.constant 416 : index
        %swap3A_2039 = tpu.vector_load %arg13[%swap3A_2038] {strides = array<i32>} : memref<1296xf32, #tpu.memory_space<vmem>>, vector<16xf32>,
        %swap3A_2040 = vector.shape_cast %swap3A_2039 : vector<16xf32> to vector<16xf32>
        %swap3A_2041 = vector.shape_cast %broadcast_in_dim3A_2037 : vector<16xf32> to vector<16xf32>
        tpu.vector_store %arg13[%swap3A_2038], %swap3A_2041 {strides = array<i32>} : memref<1296xf32, #tpu.memory_space<vmem>>, vector<16xf32>,
        %broadcast_in_dim3A_2042 = arith.constant 0.000000e+00 : f32
        %broadcast_in_dim3A_2043 = vector.broadcast %broadcast_in_dim3A_2042 : f32 to vector<16xf32>
        %swap3A_2044 = arith.constant 432 : index
        %swap3A_2045 = tpu.vector_load %arg13[%swap3A_2044] {strides = array<i32>} : memref<1296xf32, #tpu.memory_space<vmem>>, vector<16xf32>,
        %swap3A_2046 = vector.shape_cast %swap3A_2045 : vector<16xf32> to vector<16xf32>
        %swap3A_2047 = vector.shape_cast %broadcast_in_dim3A_2043 : vector<16xf32> to vector<16xf32>
        tpu.vector_store %arg13[%swap3A_2044], %swap3A_2047 {strides = array<i32>} : memref<1296xf32, #tpu.memory_space<vmem>>, vector<16xf32>,
        %broadcast_in_dim3A_2048 = arith.constant 0.000000e+00 : f32
        %broadcast_in_dim3A_2049 = vector.broadcast %broadcast_in_dim3A_2048 : f32 to vector<16xf32>
        %swap3A_2050 = arith.constant 448 : index
        %swap3A_2051 = tpu.vector_load %arg13[%swap3A_2050] {strides = array<i32>} : memref<1296xf32, #tpu.memory_space<vmem>>, vector<16xf32>,
        %swap3A_2052 = vector.shape_cast %swap3A_2051 : vector<16xf32> to vector<16xf32>
        %swap3A_2053 = vector.shape_cast %broadcast_in_dim3A_2049 : vector<16xf32> to vector<16xf32>
        tpu.vector_store %arg13[%swap3A_2050], %swap3A_2053 {strides = array<i32>} : memref<1296xf32, #tpu.memory_space<vmem>>, vector<16xf32>,
        %broadcast_in_dim3A_2054 = arith.constant 0.000000e+00 : f32
        %broadcast_in_dim3A_2055 = vector.broadcast %broadcast_in_dim3A_2054 : f32 to vector<16xf32>
        %swap3A_2056 = arith.constant 464 : index
        %swap3A_2057 = tpu.vector_load %arg13[%swap3A_2056] {strides = array<i32>} : memref<1296xf32, #tpu.memory_space<vmem>>, vector<16xf32>,
        %swap3A_2058 = vector.shape_cast %swap3A_2057 : vector<16xf32> to vector<16xf32>
        %swap3A_2059 = vector.shape_cast %broadcast_in_dim3A_2055 : vector<16xf32> to vector<16xf32>
        tpu.vector_store %arg13[%swap3A_2056], %swap3A_2059 {strides = array<i32>} : memref<1296xf32, #tpu.memory_space<vmem>>, vector<16xf32>,
        %broadcast_in_dim3A_2060 = arith.constant 0.000000e+00 : f32
        %broadcast_in_dim3A_2061 = vector.broadcast %broadcast_in_dim3A_2060 : f32 to vector<16xf32>
        %swap3A_2062 = arith.constant 480 : index
        %swap3A_2063 = tpu.vector_load %arg13[%swap3A_2062] {strides = array<i32>} : memref<1296xf32, #tpu.memory_space<vmem>>, vector<16xf32>,
        %swap3A_2064 = vector.shape_cast %swap3A_2063 : vector<16xf32> to vector<16xf32>
        %swap3A_2065 = vector.shape_cast %broadcast_in_dim3A_2061 : vector<16xf32> to vector<16xf32>
        tpu.vector_store %arg13[%swap3A_2062], %swap3A_2065 {strides = array<i32>} : memref<1296xf32, #tpu.memory_space<vmem>>, vector<16xf32>,
        %broadcast_in_dim3A_2066 = arith.constant 0.000000e+00 : f32
        %broadcast_in_dim3A_2067 = vector.broadcast %broadcast_in_dim3A_2066 : f32 to vector<16xf32>
        %swap3A_2068 = arith.constant 496 : index
        %swap3A_2069 = tpu.vector_load %arg13[%swap3A_2068] {strides = array<i32>} : memref<1296xf32, #tpu.memory_space<vmem>>, vector<16xf32>,
        %swap3A_2070 = vector.shape_cast %swap3A_2069 : vector<16xf32> to vector<16xf32>
        %swap3A_2071 = vector.shape_cast %broadcast_in_dim3A_2067 : vector<16xf32> to vector<16xf32>
        tpu.vector_store %arg13[%swap3A_2068], %swap3A_2071 {strides = array<i32>} : memref<1296xf32, #tpu.memory_space<vmem>>, vector<16xf32>,
        %broadcast_in_dim3A_2072 = arith.constant 0.000000e+00 : f32
        %broadcast_in_dim3A_2073 = vector.broadcast %broadcast_in_dim3A_2072 : f32 to vector<16xf32>
        %swap3A_2074 = arith.constant 512 : index
        %swap3A_2075 = tpu.vector_load %arg13[%swap3A_2074] {strides = array<i32>} : memref<1296xf32, #tpu.memory_space<vmem>>, vector<16xf32>,
        %swap3A_2076 = vector.shape_cast %swap3A_2075 : vector<16xf32> to vector<16xf32>
        %swap3A_2077 = vector.shape_cast %broadcast_in_dim3A_2073 : vector<16xf32> to vector<16xf32>
        tpu.vector_store %arg13[%swap3A_2074], %swap3A_2077 {strides = array<i32>} : memref<1296xf32, #tpu.memory_space<vmem>>, vector<16xf32>,
        %broadcast_in_dim3A_2078 = arith.constant 0.000000e+00 : f32
        %broadcast_in_dim3A_2079 = vector.broadcast %broadcast_in_dim3A_2078 : f32 to vector<16xf32>
        %swap3A_2080 = arith.constant 528 : index
        %swap3A_2081 = tpu.vector_load %arg13[%swap3A_2080] {strides = array<i32>} : memref<1296xf32, #tpu.memory_space<vmem>>, vector<16xf32>,
        %swap3A_2082 = vector.shape_cast %swap3A_2081 : vector<16xf32> to vector<16xf32>
        %swap3A_2083 = vector.shape_cast %broadcast_in_dim3A_2079 : vector<16xf32> to vector<16xf32>
        tpu.vector_store %arg13[%swap3A_2080], %swap3A_2083 {strides = array<i32>} : memref<1296xf32, #tpu.memory_space<vmem>>, vector<16xf32>,
        %broadcast_in_dim3A_2084 = arith.constant 0.000000e+00 : f32
        %broadcast_in_dim3A_2085 = vector.broadcast %broadcast_in_dim3A_2084 : f32 to vector<16xf32>
        %swap3A_2086 = arith.constant 544 : index
        %swap3A_2087 = tpu.vector_load %arg13[%swap3A_2086] {strides = array<i32>} : memref<1296xf32, #tpu.memory_space<vmem>>, vector<16xf32>,
        %swap3A_2088 = vector.shape_cast %swap3A_2087 : vector<16xf32> to vector<16xf32>
        %swap3A_2089 = vector.shape_cast %broadcast_in_dim3A_2085 : vector<16xf32> to vector<16xf32>
        tpu.vector_store %arg13[%swap3A_2086], %swap3A_2089 {strides = array<i32>} : memref<1296xf32, #tpu.memory_space<vmem>>, vector<16xf32>,
        %broadcast_in_dim3A_2090 = arith.constant 0.000000e+00 : f32
        %broadcast_in_dim3A_2091 = vector.broadcast %broadcast_in_dim3A_2090 : f32 to vector<16xf32>
        %swap3A_2092 = arith.constant 560 : index
        %swap3A_2093 = tpu.vector_load %arg13[%swap3A_2092] {strides = array<i32>} : memref<1296xf32, #tpu.memory_space<vmem>>, vector<16xf32>,
        %swap3A_2094 = vector.shape_cast %swap3A_2093 : vector<16xf32> to vector<16xf32>
        %swap3A_2095 = vector.shape_cast %broadcast_in_dim3A_2091 : vector<16xf32> to vector<16xf32>
        tpu.vector_store %arg13[%swap3A_2092], %swap3A_2095 {strides = array<i32>} : memref<1296xf32, #tpu.memory_space<vmem>>, vector<16xf32>,
        %broadcast_in_dim3A_2096 = arith.constant 0.000000e+00 : f32
        %broadcast_in_dim3A_2097 = vector.broadcast %broadcast_in_dim3A_2096 : f32 to vector<16xf32>
        %swap3A_2098 = arith.constant 576 : index
        %swap3A_2099 = tpu.vector_load %arg13[%swap3A_2098] {strides = array<i32>} : memref<1296xf32, #tpu.memory_space<vmem>>, vector<16xf32>,
        %swap3A_2100 = vector.shape_cast %swap3A_2099 : vector<16xf32> to vector<16xf32>
        %swap3A_2101 = vector.shape_cast %broadcast_in_dim3A_2097 : vector<16xf32> to vector<16xf32>
        tpu.vector_store %arg13[%swap3A_2098], %swap3A_2101 {strides = array<i32>} : memref<1296xf32, #tpu.memory_space<vmem>>, vector<16xf32>,
        %broadcast_in_dim3A_2102 = arith.constant 0.000000e+00 : f32
        %broadcast_in_dim3A_2103 = vector.broadcast %broadcast_in_dim3A_2102 : f32 to vector<16xf32>
        %swap3A_2104 = arith.constant 592 : index
        %swap3A_2105 = tpu.vector_load %arg13[%swap3A_2104] {strides = array<i32>} : memref<1296xf32, #tpu.memory_space<vmem>>, vector<16xf32>,
        %swap3A_2106 = vector.shape_cast %swap3A_2105 : vector<16xf32> to vector<16xf32>
        %swap3A_2107 = vector.shape_cast %broadcast_in_dim3A_2103 : vector<16xf32> to vector<16xf32>
        tpu.vector_store %arg13[%swap3A_2104], %swap3A_2107 {strides = array<i32>} : memref<1296xf32, #tpu.memory_space<vmem>>, vector<16xf32>,
        %broadcast_in_dim3A_2108 = arith.constant 0.000000e+00 : f32
        %broadcast_in_dim3A_2109 = vector.broadcast %broadcast_in_dim3A_2108 : f32 to vector<16xf32>
        %swap3A_2110 = arith.constant 608 : index
        %swap3A_2111 = tpu.vector_load %arg13[%swap3A_2110] {strides = array<i32>} : memref<1296xf32, #tpu.memory_space<vmem>>, vector<16xf32>,
        %swap3A_2112 = vector.shape_cast %swap3A_2111 : vector<16xf32> to vector<16xf32>
        %swap3A_2113 = vector.shape_cast %broadcast_in_dim3A_2109 : vector<16xf32> to vector<16xf32>
        tpu.vector_store %arg13[%swap3A_2110], %swap3A_2113 {strides = array<i32>} : memref<1296xf32, #tpu.memory_space<vmem>>, vector<16xf32>,
        %broadcast_in_dim3A_2114 = arith.constant 0.000000e+00 : f32
        %broadcast_in_dim3A_2115 = vector.broadcast %broadcast_in_dim3A_2114 : f32 to vector<16xf32>
        %swap3A_2116 = arith.constant 624 : index
        %swap3A_2117 = tpu.vector_load %arg13[%swap3A_2116] {strides = array<i32>} : memref<1296xf32, #tpu.memory_space<vmem>>, vector<16xf32>,
        %swap3A_2118 = vector.shape_cast %swap3A_2117 : vector<16xf32> to vector<16xf32>
        %swap3A_2119 = vector.shape_cast %broadcast_in_dim3A_2115 : vector<16xf32> to vector<16xf32>
        tpu.vector_store %arg13[%swap3A_2116], %swap3A_2119 {strides = array<i32>} : memref<1296xf32, #tpu.memory_space<vmem>>, vector<16xf32>,
        %broadcast_in_dim3A_2120 = arith.constant 0.000000e+00 : f32
        %broadcast_in_dim3A_2121 = vector.broadcast %broadcast_in_dim3A_2120 : f32 to vector<16xf32>
        %swap3A_2122 = arith.constant 640 : index
        %swap3A_2123 = tpu.vector_load %arg13[%swap3A_2122] {strides = array<i32>} : memref<1296xf32, #tpu.memory_space<vmem>>, vector<16xf32>,
        %swap3A_2124 = vector.shape_cast %swap3A_2123 : vector<16xf32> to vector<16xf32>
        %swap3A_2125 = vector.shape_cast %broadcast_in_dim3A_2121 : vector<16xf32> to vector<16xf32>
        tpu.vector_store %arg13[%swap3A_2122], %swap3A_2125 {strides = array<i32>} : memref<1296xf32, #tpu.memory_space<vmem>>, vector<16xf32>,
        %broadcast_in_dim3A_2126 = arith.constant 0.000000e+00 : f32
        %broadcast_in_dim3A_2127 = vector.broadcast %broadcast_in_dim3A_2126 : f32 to vector<16xf32>
        %swap3A_2128 = arith.constant 656 : index
        %swap3A_2129 = tpu.vector_load %arg13[%swap3A_2128] {strides = array<i32>} : memref<1296xf32, #tpu.memory_space<vmem>>, vector<16xf32>,
        %swap3A_2130 = vector.shape_cast %swap3A_2129 : vector<16xf32> to vector<16xf32>
        %swap3A_2131 = vector.shape_cast %broadcast_in_dim3A_2127 : vector<16xf32> to vector<16xf32>
        tpu.vector_store %arg13[%swap3A_2128], %swap3A_2131 {strides = array<i32>} : memref<1296xf32, #tpu.memory_space<vmem>>, vector<16xf32>,
        %broadcast_in_dim3A_2132 = arith.constant 0.000000e+00 : f32
        %broadcast_in_dim3A_2133 = vector.broadcast %broadcast_in_dim3A_2132 : f32 to vector<16xf32>
        %swap3A_2134 = arith.constant 672 : index
        %swap3A_2135 = tpu.vector_load %arg13[%swap3A_2134] {strides = array<i32>} : memref<1296xf32, #tpu.memory_space<vmem>>, vector<16xf32>,
        %swap3A_2136 = vector.shape_cast %swap3A_2135 : vector<16xf32> to vector<16xf32>
        %swap3A_2137 = vector.shape_cast %broadcast_in_dim3A_2133 : vector<16xf32> to vector<16xf32>
        tpu.vector_store %arg13[%swap3A_2134], %swap3A_2137 {strides = array<i32>} : memref<1296xf32, #tpu.memory_space<vmem>>, vector<16xf32>,
        %broadcast_in_dim3A_2138 = arith.constant 0.000000e+00 : f32
        %broadcast_in_dim3A_2139 = vector.broadcast %broadcast_in_dim3A_2138 : f32 to vector<16xf32>
        %swap3A_2140 = arith.constant 688 : index
        %swap3A_2141 = tpu.vector_load %arg13[%swap3A_2140] {strides = array<i32>} : memref<1296xf32, #tpu.memory_space<vmem>>, vector<16xf32>,
        %swap3A_2142 = vector.shape_cast %swap3A_2141 : vector<16xf32> to vector<16xf32>
        %swap3A_2143 = vector.shape_cast %broadcast_in_dim3A_2139 : vector<16xf32> to vector<16xf32>
        tpu.vector_store %arg13[%swap3A_2140], %swap3A_2143 {strides = array<i32>} : memref<1296xf32, #tpu.memory_space<vmem>>, vector<16xf32>,
        %broadcast_in_dim3A_2144 = arith.constant 0.000000e+00 : f32
        %broadcast_in_dim3A_2145 = vector.broadcast %broadcast_in_dim3A_2144 : f32 to vector<16xf32>
        %swap3A_2146 = arith.constant 704 : index
        %swap3A_2147 = tpu.vector_load %arg13[%swap3A_2146] {strides = array<i32>} : memref<1296xf32, #tpu.memory_space<vmem>>, vector<16xf32>,
        %swap3A_2148 = vector.shape_cast %swap3A_2147 : vector<16xf32> to vector<16xf32>
        %swap3A_2149 = vector.shape_cast %broadcast_in_dim3A_2145 : vector<16xf32> to vector<16xf32>
        tpu.vector_store %arg13[%swap3A_2146], %swap3A_2149 {strides = array<i32>} : memref<1296xf32, #tpu.memory_space<vmem>>, vector<16xf32>,
        %broadcast_in_dim3A_2150 = arith.constant 0.000000e+00 : f32
        %broadcast_in_dim3A_2151 = vector.broadcast %broadcast_in_dim3A_2150 : f32 to vector<16xf32>
        %swap3A_2152 = arith.constant 720 : index
        %swap3A_2153 = tpu.vector_load %arg13[%swap3A_2152] {strides = array<i32>} : memref<1296xf32, #tpu.memory_space<vmem>>, vector<16xf32>,
        %swap3A_2154 = vector.shape_cast %swap3A_2153 : vector<16xf32> to vector<16xf32>
        %swap3A_2155 = vector.shape_cast %broadcast_in_dim3A_2151 : vector<16xf32> to vector<16xf32>
        tpu.vector_store %arg13[%swap3A_2152], %swap3A_2155 {strides = array<i32>} : memref<1296xf32, #tpu.memory_space<vmem>>, vector<16xf32>,
        %broadcast_in_dim3A_2156 = arith.constant 0.000000e+00 : f32
        %broadcast_in_dim3A_2157 = vector.broadcast %broadcast_in_dim3A_2156 : f32 to vector<16xf32>
        %swap3A_2158 = arith.constant 736 : index
        %swap3A_2159 = tpu.vector_load %arg13[%swap3A_2158] {strides = array<i32>} : memref<1296xf32, #tpu.memory_space<vmem>>, vector<16xf32>,
        %swap3A_2160 = vector.shape_cast %swap3A_2159 : vector<16xf32> to vector<16xf32>
        %swap3A_2161 = vector.shape_cast %broadcast_in_dim3A_2157 : vector<16xf32> to vector<16xf32>
        tpu.vector_store %arg13[%swap3A_2158], %swap3A_2161 {strides = array<i32>} : memref<1296xf32, #tpu.memory_space<vmem>>, vector<16xf32>,
        %broadcast_in_dim3A_2162 = arith.constant 0.000000e+00 : f32
        %broadcast_in_dim3A_2163 = vector.broadcast %broadcast_in_dim3A_2162 : f32 to vector<16xf32>
        %swap3A_2164 = arith.constant 752 : index
        %swap3A_2165 = tpu.vector_load %arg13[%swap3A_2164] {strides = array<i32>} : memref<1296xf32, #tpu.memory_space<vmem>>, vector<16xf32>,
        %swap3A_2166 = vector.shape_cast %swap3A_2165 : vector<16xf32> to vector<16xf32>
        %swap3A_2167 = vector.shape_cast %broadcast_in_dim3A_2163 : vector<16xf32> to vector<16xf32>
        tpu.vector_store %arg13[%swap3A_2164], %swap3A_2167 {strides = array<i32>} : memref<1296xf32, #tpu.memory_space<vmem>>, vector<16xf32>,
        %broadcast_in_dim3A_2168 = arith.constant 0.000000e+00 : f32
        %broadcast_in_dim3A_2169 = vector.broadcast %broadcast_in_dim3A_2168 : f32 to vector<16xf32>
        %swap3A_2170 = arith.constant 768 : index
        %swap3A_2171 = tpu.vector_load %arg13[%swap3A_2170] {strides = array<i32>} : memref<1296xf32, #tpu.memory_space<vmem>>, vector<16xf32>,
        %swap3A_2172 = vector.shape_cast %swap3A_2171 : vector<16xf32> to vector<16xf32>
        %swap3A_2173 = vector.shape_cast %broadcast_in_dim3A_2169 : vector<16xf32> to vector<16xf32>
        tpu.vector_store %arg13[%swap3A_2170], %swap3A_2173 {strides = array<i32>} : memref<1296xf32, #tpu.memory_space<vmem>>, vector<16xf32>,
        %broadcast_in_dim3A_2174 = arith.constant 0.000000e+00 : f32
        %broadcast_in_dim3A_2175 = vector.broadcast %broadcast_in_dim3A_2174 : f32 to vector<16xf32>
        %swap3A_2176 = arith.constant 784 : index
        %swap3A_2177 = tpu.vector_load %arg13[%swap3A_2176] {strides = array<i32>} : memref<1296xf32, #tpu.memory_space<vmem>>, vector<16xf32>,
        %swap3A_2178 = vector.shape_cast %swap3A_2177 : vector<16xf32> to vector<16xf32>
        %swap3A_2179 = vector.shape_cast %broadcast_in_dim3A_2175 : vector<16xf32> to vector<16xf32>
        tpu.vector_store %arg13[%swap3A_2176], %swap3A_2179 {strides = array<i32>} : memref<1296xf32, #tpu.memory_space<vmem>>, vector<16xf32>,
        %broadcast_in_dim3A_2180 = arith.constant 0.000000e+00 : f32
        %broadcast_in_dim3A_2181 = vector.broadcast %broadcast_in_dim3A_2180 : f32 to vector<16xf32>
        %swap3A_2182 = arith.constant 800 : index
        %swap3A_2183 = tpu.vector_load %arg13[%swap3A_2182] {strides = array<i32>} : memref<1296xf32, #tpu.memory_space<vmem>>, vector<16xf32>,
        %swap3A_2184 = vector.shape_cast %swap3A_2183 : vector<16xf32> to vector<16xf32>
        %swap3A_2185 = vector.shape_cast %broadcast_in_dim3A_2181 : vector<16xf32> to vector<16xf32>
        tpu.vector_store %arg13[%swap3A_2182], %swap3A_2185 {strides = array<i32>} : memref<1296xf32, #tpu.memory_space<vmem>>, vector<16xf32>,
        %broadcast_in_dim3A_2186 = arith.constant 0.000000e+00 : f32
        %broadcast_in_dim3A_2187 = vector.broadcast %broadcast_in_dim3A_2186 : f32 to vector<16xf32>
        %swap3A_2188 = arith.constant 816 : index
        %swap3A_2189 = tpu.vector_load %arg13[%swap3A_2188] {strides = array<i32>} : memref<1296xf32, #tpu.memory_space<vmem>>, vector<16xf32>,
        %swap3A_2190 = vector.shape_cast %swap3A_2189 : vector<16xf32> to vector<16xf32>
        %swap3A_2191 = vector.shape_cast %broadcast_in_dim3A_2187 : vector<16xf32> to vector<16xf32>
        tpu.vector_store %arg13[%swap3A_2188], %swap3A_2191 {strides = array<i32>} : memref<1296xf32, #tpu.memory_space<vmem>>, vector<16xf32>,
        %broadcast_in_dim3A_2192 = arith.constant 0.000000e+00 : f32
        %broadcast_in_dim3A_2193 = vector.broadcast %broadcast_in_dim3A_2192 : f32 to vector<16xf32>
        %swap3A_2194 = arith.constant 832 : index
        %swap3A_2195 = tpu.vector_load %arg13[%swap3A_2194] {strides = array<i32>} : memref<1296xf32, #tpu.memory_space<vmem>>, vector<16xf32>,
        %swap3A_2196 = vector.shape_cast %swap3A_2195 : vector<16xf32> to vector<16xf32>
        %swap3A_2197 = vector.shape_cast %broadcast_in_dim3A_2193 : vector<16xf32> to vector<16xf32>
        tpu.vector_store %arg13[%swap3A_2194], %swap3A_2197 {strides = array<i32>} : memref<1296xf32, #tpu.memory_space<vmem>>, vector<16xf32>,
        %broadcast_in_dim3A_2198 = arith.constant 0.000000e+00 : f32
        %broadcast_in_dim3A_2199 = vector.broadcast %broadcast_in_dim3A_2198 : f32 to vector<16xf32>
        %swap3A_2200 = arith.constant 848 : index
        %swap3A_2201 = tpu.vector_load %arg13[%swap3A_2200] {strides = array<i32>} : memref<1296xf32, #tpu.memory_space<vmem>>, vector<16xf32>,
        %swap3A_2202 = vector.shape_cast %swap3A_2201 : vector<16xf32> to vector<16xf32>
        %swap3A_2203 = vector.shape_cast %broadcast_in_dim3A_2199 : vector<16xf32> to vector<16xf32>
        tpu.vector_store %arg13[%swap3A_2200], %swap3A_2203 {strides = array<i32>} : memref<1296xf32, #tpu.memory_space<vmem>>, vector<16xf32>,
        %broadcast_in_dim3A_2204 = arith.constant 0.000000e+00 : f32
        %broadcast_in_dim3A_2205 = vector.broadcast %broadcast_in_dim3A_2204 : f32 to vector<16xf32>
        %swap3A_2206 = arith.constant 864 : index
        %swap3A_2207 = tpu.vector_load %arg13[%swap3A_2206] {strides = array<i32>} : memref<1296xf32, #tpu.memory_space<vmem>>, vector<16xf32>,
        %swap3A_2208 = vector.shape_cast %swap3A_2207 : vector<16xf32> to vector<16xf32>
        %swap3A_2209 = vector.shape_cast %broadcast_in_dim3A_2205 : vector<16xf32> to vector<16xf32>
        tpu.vector_store %arg13[%swap3A_2206], %swap3A_2209 {strides = array<i32>} : memref<1296xf32, #tpu.memory_space<vmem>>, vector<16xf32>,
        %broadcast_in_dim3A_2210 = arith.constant 0.000000e+00 : f32
        %broadcast_in_dim3A_2211 = vector.broadcast %broadcast_in_dim3A_2210 : f32 to vector<16xf32>
        %swap3A_2212 = arith.constant 880 : index
        %swap3A_2213 = tpu.vector_load %arg13[%swap3A_2212] {strides = array<i32>} : memref<1296xf32, #tpu.memory_space<vmem>>, vector<16xf32>,
        %swap3A_2214 = vector.shape_cast %swap3A_2213 : vector<16xf32> to vector<16xf32>
        %swap3A_2215 = vector.shape_cast %broadcast_in_dim3A_2211 : vector<16xf32> to vector<16xf32>
        tpu.vector_store %arg13[%swap3A_2212], %swap3A_2215 {strides = array<i32>} : memref<1296xf32, #tpu.memory_space<vmem>>, vector<16xf32>,
        %broadcast_in_dim3A_2216 = arith.constant 0.000000e+00 : f32
        %broadcast_in_dim3A_2217 = vector.broadcast %broadcast_in_dim3A_2216 : f32 to vector<16xf32>
        %swap3A_2218 = arith.constant 896 : index
        %swap3A_2219 = tpu.vector_load %arg13[%swap3A_2218] {strides = array<i32>} : memref<1296xf32, #tpu.memory_space<vmem>>, vector<16xf32>,
        %swap3A_2220 = vector.shape_cast %swap3A_2219 : vector<16xf32> to vector<16xf32>
        %swap3A_2221 = vector.shape_cast %broadcast_in_dim3A_2217 : vector<16xf32> to vector<16xf32>
        tpu.vector_store %arg13[%swap3A_2218], %swap3A_2221 {strides = array<i32>} : memref<1296xf32, #tpu.memory_space<vmem>>, vector<16xf32>,
        %broadcast_in_dim3A_2222 = arith.constant 0.000000e+00 : f32
        %broadcast_in_dim3A_2223 = vector.broadcast %broadcast_in_dim3A_2222 : f32 to vector<16xf32>
        %swap3A_2224 = arith.constant 912 : index
        %swap3A_2225 = tpu.vector_load %arg13[%swap3A_2224] {strides = array<i32>} : memref<1296xf32, #tpu.memory_space<vmem>>, vector<16xf32>,
        %swap3A_2226 = vector.shape_cast %swap3A_2225 : vector<16xf32> to vector<16xf32>
        %swap3A_2227 = vector.shape_cast %broadcast_in_dim3A_2223 : vector<16xf32> to vector<16xf32>
        tpu.vector_store %arg13[%swap3A_2224], %swap3A_2227 {strides = array<i32>} : memref<1296xf32, #tpu.memory_space<vmem>>, vector<16xf32>,
        %broadcast_in_dim3A_2228 = arith.constant 0.000000e+00 : f32
        %broadcast_in_dim3A_2229 = vector.broadcast %broadcast_in_dim3A_2228 : f32 to vector<16xf32>
        %swap3A_2230 = arith.constant 928 : index
        %swap3A_2231 = tpu.vector_load %arg13[%swap3A_2230] {strides = array<i32>} : memref<1296xf32, #tpu.memory_space<vmem>>, vector<16xf32>,
        %swap3A_2232 = vector.shape_cast %swap3A_2231 : vector<16xf32> to vector<16xf32>
        %swap3A_2233 = vector.shape_cast %broadcast_in_dim3A_2229 : vector<16xf32> to vector<16xf32>
        tpu.vector_store %arg13[%swap3A_2230], %swap3A_2233 {strides = array<i32>} : memref<1296xf32, #tpu.memory_space<vmem>>, vector<16xf32>,
        %broadcast_in_dim3A_2234 = arith.constant 0.000000e+00 : f32
        %broadcast_in_dim3A_2235 = vector.broadcast %broadcast_in_dim3A_2234 : f32 to vector<16xf32>
        %swap3A_2236 = arith.constant 944 : index
        %swap3A_2237 = tpu.vector_load %arg13[%swap3A_2236] {strides = array<i32>} : memref<1296xf32, #tpu.memory_space<vmem>>, vector<16xf32>,
        %swap3A_2238 = vector.shape_cast %swap3A_2237 : vector<16xf32> to vector<16xf32>
        %swap3A_2239 = vector.shape_cast %broadcast_in_dim3A_2235 : vector<16xf32> to vector<16xf32>
        tpu.vector_store %arg13[%swap3A_2236], %swap3A_2239 {strides = array<i32>} : memref<1296xf32, #tpu.memory_space<vmem>>, vector<16xf32>,
        %broadcast_in_dim3A_2240 = arith.constant 0.000000e+00 : f32
        %broadcast_in_dim3A_2241 = vector.broadcast %broadcast_in_dim3A_2240 : f32 to vector<16xf32>
        %swap3A_2242 = arith.constant 960 : index
        %swap3A_2243 = tpu.vector_load %arg13[%swap3A_2242] {strides = array<i32>} : memref<1296xf32, #tpu.memory_space<vmem>>, vector<16xf32>,
        %swap3A_2244 = vector.shape_cast %swap3A_2243 : vector<16xf32> to vector<16xf32>
        %swap3A_2245 = vector.shape_cast %broadcast_in_dim3A_2241 : vector<16xf32> to vector<16xf32>
        tpu.vector_store %arg13[%swap3A_2242], %swap3A_2245 {strides = array<i32>} : memref<1296xf32, #tpu.memory_space<vmem>>, vector<16xf32>,
        %broadcast_in_dim3A_2246 = arith.constant 0.000000e+00 : f32
        %broadcast_in_dim3A_2247 = vector.broadcast %broadcast_in_dim3A_2246 : f32 to vector<16xf32>
        %swap3A_2248 = arith.constant 976 : index
        %swap3A_2249 = tpu.vector_load %arg13[%swap3A_2248] {strides = array<i32>} : memref<1296xf32, #tpu.memory_space<vmem>>, vector<16xf32>,
        %swap3A_2250 = vector.shape_cast %swap3A_2249 : vector<16xf32> to vector<16xf32>
        %swap3A_2251 = vector.shape_cast %broadcast_in_dim3A_2247 : vector<16xf32> to vector<16xf32>
        tpu.vector_store %arg13[%swap3A_2248], %swap3A_2251 {strides = array<i32>} : memref<1296xf32, #tpu.memory_space<vmem>>, vector<16xf32>,
        %broadcast_in_dim3A_2252 = arith.constant 0.000000e+00 : f32
        %broadcast_in_dim3A_2253 = vector.broadcast %broadcast_in_dim3A_2252 : f32 to vector<16xf32>
        %swap3A_2254 = arith.constant 992 : index
        %swap3A_2255 = tpu.vector_load %arg13[%swap3A_2254] {strides = array<i32>} : memref<1296xf32, #tpu.memory_space<vmem>>, vector<16xf32>,
        %swap3A_2256 = vector.shape_cast %swap3A_2255 : vector<16xf32> to vector<16xf32>
        %swap3A_2257 = vector.shape_cast %broadcast_in_dim3A_2253 : vector<16xf32> to vector<16xf32>
        tpu.vector_store %arg13[%swap3A_2254], %swap3A_2257 {strides = array<i32>} : memref<1296xf32, #tpu.memory_space<vmem>>, vector<16xf32>,
        %broadcast_in_dim3A_2258 = arith.constant 0.000000e+00 : f32
        %broadcast_in_dim3A_2259 = vector.broadcast %broadcast_in_dim3A_2258 : f32 to vector<16xf32>
        %swap3A_2260 = arith.constant 1008 : index
        %swap3A_2261 = tpu.vector_load %arg13[%swap3A_2260] {strides = array<i32>} : memref<1296xf32, #tpu.memory_space<vmem>>, vector<16xf32>,
        %swap3A_2262 = vector.shape_cast %swap3A_2261 : vector<16xf32> to vector<16xf32>
        %swap3A_2263 = vector.shape_cast %broadcast_in_dim3A_2259 : vector<16xf32> to vector<16xf32>
        tpu.vector_store %arg13[%swap3A_2260], %swap3A_2263 {strides = array<i32>} : memref<1296xf32, #tpu.memory_space<vmem>>, vector<16xf32>,
        %broadcast_in_dim3A_2264 = arith.constant 0.000000e+00 : f32
        %broadcast_in_dim3A_2265 = vector.broadcast %broadcast_in_dim3A_2264 : f32 to vector<16xf32>
        %swap3A_2266 = arith.constant 1024 : index
        %swap3A_2267 = tpu.vector_load %arg13[%swap3A_2266] {strides = array<i32>} : memref<1296xf32, #tpu.memory_space<vmem>>, vector<16xf32>,
        %swap3A_2268 = vector.shape_cast %swap3A_2267 : vector<16xf32> to vector<16xf32>
        %swap3A_2269 = vector.shape_cast %broadcast_in_dim3A_2265 : vector<16xf32> to vector<16xf32>
        tpu.vector_store %arg13[%swap3A_2266], %swap3A_2269 {strides = array<i32>} : memref<1296xf32, #tpu.memory_space<vmem>>, vector<16xf32>,
        %broadcast_in_dim3A_2270 = arith.constant 0.000000e+00 : f32
        %broadcast_in_dim3A_2271 = vector.broadcast %broadcast_in_dim3A_2270 : f32 to vector<16xf32>
        %swap3A_2272 = arith.constant 1040 : index
        %swap3A_2273 = tpu.vector_load %arg13[%swap3A_2272] {strides = array<i32>} : memref<1296xf32, #tpu.memory_space<vmem>>, vector<16xf32>,
        %swap3A_2274 = vector.shape_cast %swap3A_2273 : vector<16xf32> to vector<16xf32>
        %swap3A_2275 = vector.shape_cast %broadcast_in_dim3A_2271 : vector<16xf32> to vector<16xf32>
        tpu.vector_store %arg13[%swap3A_2272], %swap3A_2275 {strides = array<i32>} : memref<1296xf32, #tpu.memory_space<vmem>>, vector<16xf32>,
        %broadcast_in_dim3A_2276 = arith.constant 0.000000e+00 : f32
        %broadcast_in_dim3A_2277 = vector.broadcast %broadcast_in_dim3A_2276 : f32 to vector<16xf32>
        %swap3A_2278 = arith.constant 1056 : index
        %swap3A_2279 = tpu.vector_load %arg13[%swap3A_2278] {strides = array<i32>} : memref<1296xf32, #tpu.memory_space<vmem>>, vector<16xf32>,
        %swap3A_2280 = vector.shape_cast %swap3A_2279 : vector<16xf32> to vector<16xf32>
        %swap3A_2281 = vector.shape_cast %broadcast_in_dim3A_2277 : vector<16xf32> to vector<16xf32>
        tpu.vector_store %arg13[%swap3A_2278], %swap3A_2281 {strides = array<i32>} : memref<1296xf32, #tpu.memory_space<vmem>>, vector<16xf32>,
        %broadcast_in_dim3A_2282 = arith.constant 0.000000e+00 : f32
        %broadcast_in_dim3A_2283 = vector.broadcast %broadcast_in_dim3A_2282 : f32 to vector<16xf32>
        %swap3A_2284 = arith.constant 1072 : index
        %swap3A_2285 = tpu.vector_load %arg13[%swap3A_2284] {strides = array<i32>} : memref<1296xf32, #tpu.memory_space<vmem>>, vector<16xf32>,
        %swap3A_2286 = vector.shape_cast %swap3A_2285 : vector<16xf32> to vector<16xf32>
        %swap3A_2287 = vector.shape_cast %broadcast_in_dim3A_2283 : vector<16xf32> to vector<16xf32>
        tpu.vector_store %arg13[%swap3A_2284], %swap3A_2287 {strides = array<i32>} : memref<1296xf32, #tpu.memory_space<vmem>>, vector<16xf32>,
        %broadcast_in_dim3A_2288 = arith.constant 0.000000e+00 : f32
        %broadcast_in_dim3A_2289 = vector.broadcast %broadcast_in_dim3A_2288 : f32 to vector<16xf32>
        %swap3A_2290 = arith.constant 1088 : index
        %swap3A_2291 = tpu.vector_load %arg13[%swap3A_2290] {strides = array<i32>} : memref<1296xf32, #tpu.memory_space<vmem>>, vector<16xf32>,
        %swap3A_2292 = vector.shape_cast %swap3A_2291 : vector<16xf32> to vector<16xf32>
        %swap3A_2293 = vector.shape_cast %broadcast_in_dim3A_2289 : vector<16xf32> to vector<16xf32>
        tpu.vector_store %arg13[%swap3A_2290], %swap3A_2293 {strides = array<i32>} : memref<1296xf32, #tpu.memory_space<vmem>>, vector<16xf32>,
        %broadcast_in_dim3A_2294 = arith.constant 0.000000e+00 : f32
        %broadcast_in_dim3A_2295 = vector.broadcast %broadcast_in_dim3A_2294 : f32 to vector<16xf32>
        %swap3A_2296 = arith.constant 1104 : index
        %swap3A_2297 = tpu.vector_load %arg13[%swap3A_2296] {strides = array<i32>} : memref<1296xf32, #tpu.memory_space<vmem>>, vector<16xf32>,
        %swap3A_2298 = vector.shape_cast %swap3A_2297 : vector<16xf32> to vector<16xf32>
        %swap3A_2299 = vector.shape_cast %broadcast_in_dim3A_2295 : vector<16xf32> to vector<16xf32>
        tpu.vector_store %arg13[%swap3A_2296], %swap3A_2299 {strides = array<i32>} : memref<1296xf32, #tpu.memory_space<vmem>>, vector<16xf32>,
        %broadcast_in_dim3A_2300 = arith.constant 0.000000e+00 : f32
        %broadcast_in_dim3A_2301 = vector.broadcast %broadcast_in_dim3A_2300 : f32 to vector<16xf32>
        %swap3A_2302 = arith.constant 1120 : index
        %swap3A_2303 = tpu.vector_load %arg13[%swap3A_2302] {strides = array<i32>} : memref<1296xf32, #tpu.memory_space<vmem>>, vector<16xf32>,
        %swap3A_2304 = vector.shape_cast %swap3A_2303 : vector<16xf32> to vector<16xf32>
        %swap3A_2305 = vector.shape_cast %broadcast_in_dim3A_2301 : vector<16xf32> to vector<16xf32>
        tpu.vector_store %arg13[%swap3A_2302], %swap3A_2305 {strides = array<i32>} : memref<1296xf32, #tpu.memory_space<vmem>>, vector<16xf32>,
        %broadcast_in_dim3A_2306 = arith.constant 0.000000e+00 : f32
        %broadcast_in_dim3A_2307 = vector.broadcast %broadcast_in_dim3A_2306 : f32 to vector<16xf32>
        %swap3A_2308 = arith.constant 1136 : index
        %swap3A_2309 = tpu.vector_load %arg13[%swap3A_2308] {strides = array<i32>} : memref<1296xf32, #tpu.memory_space<vmem>>, vector<16xf32>,
        %swap3A_2310 = vector.shape_cast %swap3A_2309 : vector<16xf32> to vector<16xf32>
        %swap3A_2311 = vector.shape_cast %broadcast_in_dim3A_2307 : vector<16xf32> to vector<16xf32>
        tpu.vector_store %arg13[%swap3A_2308], %swap3A_2311 {strides = array<i32>} : memref<1296xf32, #tpu.memory_space<vmem>>, vector<16xf32>,
        %broadcast_in_dim3A_2312 = arith.constant 0.000000e+00 : f32
        %broadcast_in_dim3A_2313 = vector.broadcast %broadcast_in_dim3A_2312 : f32 to vector<16xf32>
        %swap3A_2314 = arith.constant 1152 : index
        %swap3A_2315 = tpu.vector_load %arg13[%swap3A_2314] {strides = array<i32>} : memref<1296xf32, #tpu.memory_space<vmem>>, vector<16xf32>,
        %swap3A_2316 = vector.shape_cast %swap3A_2315 : vector<16xf32> to vector<16xf32>
        %swap3A_2317 = vector.shape_cast %broadcast_in_dim3A_2313 : vector<16xf32> to vector<16xf32>
        tpu.vector_store %arg13[%swap3A_2314], %swap3A_2317 {strides = array<i32>} : memref<1296xf32, #tpu.memory_space<vmem>>, vector<16xf32>,
        %broadcast_in_dim3A_2318 = arith.constant 0.000000e+00 : f32
        %broadcast_in_dim3A_2319 = vector.broadcast %broadcast_in_dim3A_2318 : f32 to vector<16xf32>
        %swap3A_2320 = arith.constant 1168 : index
        %swap3A_2321 = tpu.vector_load %arg13[%swap3A_2320] {strides = array<i32>} : memref<1296xf32, #tpu.memory_space<vmem>>, vector<16xf32>,
        %swap3A_2322 = vector.shape_cast %swap3A_2321 : vector<16xf32> to vector<16xf32>
        %swap3A_2323 = vector.shape_cast %broadcast_in_dim3A_2319 : vector<16xf32> to vector<16xf32>
        tpu.vector_store %arg13[%swap3A_2320], %swap3A_2323 {strides = array<i32>} : memref<1296xf32, #tpu.memory_space<vmem>>, vector<16xf32>,
        %broadcast_in_dim3A_2324 = arith.constant 0.000000e+00 : f32
        %broadcast_in_dim3A_2325 = vector.broadcast %broadcast_in_dim3A_2324 : f32 to vector<16xf32>
        %swap3A_2326 = arith.constant 1184 : index
        %swap3A_2327 = tpu.vector_load %arg13[%swap3A_2326] {strides = array<i32>} : memref<1296xf32, #tpu.memory_space<vmem>>, vector<16xf32>,
        %swap3A_2328 = vector.shape_cast %swap3A_2327 : vector<16xf32> to vector<16xf32>
        %swap3A_2329 = vector.shape_cast %broadcast_in_dim3A_2325 : vector<16xf32> to vector<16xf32>
        tpu.vector_store %arg13[%swap3A_2326], %swap3A_2329 {strides = array<i32>} : memref<1296xf32, #tpu.memory_space<vmem>>, vector<16xf32>,
        %broadcast_in_dim3A_2330 = arith.constant 0.000000e+00 : f32
        %broadcast_in_dim3A_2331 = vector.broadcast %broadcast_in_dim3A_2330 : f32 to vector<16xf32>
        %swap3A_2332 = arith.constant 1200 : index
        %swap3A_2333 = tpu.vector_load %arg13[%swap3A_2332] {strides = array<i32>} : memref<1296xf32, #tpu.memory_space<vmem>>, vector<16xf32>,
        %swap3A_2334 = vector.shape_cast %swap3A_2333 : vector<16xf32> to vector<16xf32>
        %swap3A_2335 = vector.shape_cast %broadcast_in_dim3A_2331 : vector<16xf32> to vector<16xf32>
        tpu.vector_store %arg13[%swap3A_2332], %swap3A_2335 {strides = array<i32>} : memref<1296xf32, #tpu.memory_space<vmem>>, vector<16xf32>,
        %broadcast_in_dim3A_2336 = arith.constant 0.000000e+00 : f32
        %broadcast_in_dim3A_2337 = vector.broadcast %broadcast_in_dim3A_2336 : f32 to vector<16xf32>
        %swap3A_2338 = arith.constant 1216 : index
        %swap3A_2339 = tpu.vector_load %arg13[%swap3A_2338] {strides = array<i32>} : memref<1296xf32, #tpu.memory_space<vmem>>, vector<16xf32>,
        %swap3A_2340 = vector.shape_cast %swap3A_2339 : vector<16xf32> to vector<16xf32>
        %swap3A_2341 = vector.shape_cast %broadcast_in_dim3A_2337 : vector<16xf32> to vector<16xf32>
        tpu.vector_store %arg13[%swap3A_2338], %swap3A_2341 {strides = array<i32>} : memref<1296xf32, #tpu.memory_space<vmem>>, vector<16xf32>,
        %broadcast_in_dim3A_2342 = arith.constant 0.000000e+00 : f32
        %broadcast_in_dim3A_2343 = vector.broadcast %broadcast_in_dim3A_2342 : f32 to vector<16xf32>
        %swap3A_2344 = arith.constant 1232 : index
        %swap3A_2345 = tpu.vector_load %arg13[%swap3A_2344] {strides = array<i32>} : memref<1296xf32, #tpu.memory_space<vmem>>, vector<16xf32>,
        %swap3A_2346 = vector.shape_cast %swap3A_2345 : vector<16xf32> to vector<16xf32>
        %swap3A_2347 = vector.shape_cast %broadcast_in_dim3A_2343 : vector<16xf32> to vector<16xf32>
        tpu.vector_store %arg13[%swap3A_2344], %swap3A_2347 {strides = array<i32>} : memref<1296xf32, #tpu.memory_space<vmem>>, vector<16xf32>,
        %broadcast_in_dim3A_2348 = arith.constant 0.000000e+00 : f32
        %broadcast_in_dim3A_2349 = vector.broadcast %broadcast_in_dim3A_2348 : f32 to vector<16xf32>
        %swap3A_2350 = arith.constant 1248 : index
        %swap3A_2351 = tpu.vector_load %arg13[%swap3A_2350] {strides = array<i32>} : memref<1296xf32, #tpu.memory_space<vmem>>, vector<16xf32>,
        %swap3A_2352 = vector.shape_cast %swap3A_2351 : vector<16xf32> to vector<16xf32>
        %swap3A_2353 = vector.shape_cast %broadcast_in_dim3A_2349 : vector<16xf32> to vector<16xf32>
        tpu.vector_store %arg13[%swap3A_2350], %swap3A_2353 {strides = array<i32>} : memref<1296xf32, #tpu.memory_space<vmem>>, vector<16xf32>,
        %broadcast_in_dim3A_2354 = arith.constant 0.000000e+00 : f32
        %broadcast_in_dim3A_2355 = vector.broadcast %broadcast_in_dim3A_2354 : f32 to vector<16xf32>
        %swap3A_2356 = arith.constant 1264 : index
        %swap3A_2357 = tpu.vector_load %arg13[%swap3A_2356] {strides = array<i32>} : memref<1296xf32, #tpu.memory_space<vmem>>, vector<16xf32>,
        %swap3A_2358 = vector.shape_cast %swap3A_2357 : vector<16xf32> to vector<16xf32>
        %swap3A_2359 = vector.shape_cast %broadcast_in_dim3A_2355 : vector<16xf32> to vector<16xf32>
        tpu.vector_store %arg13[%swap3A_2356], %swap3A_2359 {strides = array<i32>} : memref<1296xf32, #tpu.memory_space<vmem>>, vector<16xf32>,
        %broadcast_in_dim3A_2360 = arith.constant 0.000000e+00 : f32
        %broadcast_in_dim3A_2361 = vector.broadcast %broadcast_in_dim3A_2360 : f32 to vector<16xf32>
        %swap3A_2362 = arith.constant 1280 : index
        %swap3A_2363 = tpu.vector_load %arg13[%swap3A_2362] {strides = array<i32>} : memref<1296xf32, #tpu.memory_space<vmem>>, vector<16xf32>,
        %swap3A_2364 = vector.shape_cast %swap3A_2363 : vector<16xf32> to vector<16xf32>
        %swap3A_2365 = vector.shape_cast %broadcast_in_dim3A_2361 : vector<16xf32> to vector<16xf32>
        tpu.vector_store %arg13[%swap3A_2362], %swap3A_2365 {strides = array<i32>} : memref<1296xf32, #tpu.memory_space<vmem>>, vector<16xf32>,
        "tpu.region"() ({
          %run_scoped3A = tpu.sem_alloc : memref<!tpu.dma_semaphore, #tpu.memory_space<semaphore_mem>>
          tpu.enqueue_dma source(%arg9 : memref<4096xf32, #tpu.memory_space<vmem>>) target(%arg14 : memref<4096xf32, #tpu.memory_space<vmem_shared>>) target_semaphore(%run_scoped3A : memref<!tpu.dma_semaphore, #tpu.memory_space<semaphore_mem>>)
          tpu.wait_dma2 semaphore(%run_scoped3A : memref<!tpu.dma_semaphore, #tpu.memory_space<semaphore_mem>>) src(%arg9 : memref<4096xf32, #tpu.memory_space<vmem>>) dst(%arg14 : memref<4096xf32, #tpu.memory_space<vmem_shared>>)
          tpu.yield
        }) : () -> ()
        "tpu.region"() ({
          %run_scoped3A = tpu.sem_alloc : memref<!tpu.dma_semaphore, #tpu.memory_space<semaphore_mem>>
          tpu.enqueue_dma source(%arg13 : memref<1296xf32, #tpu.memory_space<vmem>>) target(%arg15 : memref<1296xf32, #tpu.memory_space<vmem_shared>>) target_semaphore(%run_scoped3A : memref<!tpu.dma_semaphore, #tpu.memory_space<semaphore_mem>>)
          tpu.wait_dma2 semaphore(%run_scoped3A : memref<!tpu.dma_semaphore, #tpu.memory_space<semaphore_mem>>) src(%arg13 : memref<1296xf32, #tpu.memory_space<vmem>>) dst(%arg15 : memref<1296xf32, #tpu.memory_space<vmem_shared>>)
          tpu.yield
        }) : () -> ()
      } else {
      }
      %barrier3A = arith.constant 0 : index
      tpu.barrier barrier_id(%barrier3A)
      "tpu.region"() ({
        %run_scoped3A = tpu.sem_alloc : memref<!tpu.dma_semaphore, #tpu.memory_space<semaphore_mem>>
        %dma_start3A = arith.constant 0 : i32
        %dma_start3A_344 = tpu.memref_slice %arg14[%dma_start3A] : memref<4096xf32, #tpu.memory_space<vmem_shared>> -> memref<4096xf32, #tpu.memory_space<vmem_shared>>
        tpu.enqueue_indirect_dma source(%arg8 : memref<128xf32, #tpu.memory_space<vmem>>) target(%dma_start3A_344 : memref<4096xf32, #tpu.memory_space<vmem_shared>>) offsets(%arg7 : memref<128xi32, #tpu.memory_space<vmem>>) semaphore(%run_scoped3A : memref<!tpu.dma_semaphore, #tpu.memory_space<semaphore_mem>>) {add = true}
        %dma_wait3A = arith.constant 0 : i32
        %dma_wait3A_345 = tpu.memref_slice %arg14[%dma_wait3A] : memref<4096xf32, #tpu.memory_space<vmem_shared>> -> memref<4096xf32, #tpu.memory_space<vmem_shared>>
        tpu.wait_indirect_dma semaphore(%run_scoped3A : memref<!tpu.dma_semaphore, #tpu.memory_space<semaphore_mem>>) src(%arg8 : memref<128xf32, #tpu.memory_space<vmem>>) dst(%dma_wait3A_345 : memref<4096xf32, #tpu.memory_space<vmem_shared>>)
        tpu.yield
      }) : () -> ()
      "tpu.region"() ({
        %run_scoped3A = tpu.sem_alloc : memref<!tpu.dma_semaphore, #tpu.memory_space<semaphore_mem>>
        %dma_start3A = arith.constant 0 : i32
        %dma_start3A_344 = tpu.memref_slice %arg15[%dma_start3A] : memref<1296xf32, #tpu.memory_space<vmem_shared>> -> memref<1296xf32, #tpu.memory_space<vmem_shared>>
        tpu.enqueue_indirect_dma source(%arg12 : memref<64xf32, #tpu.memory_space<vmem>>) target(%dma_start3A_344 : memref<1296xf32, #tpu.memory_space<vmem_shared>>) offsets(%arg11 : memref<64xi32, #tpu.memory_space<vmem>>) semaphore(%run_scoped3A : memref<!tpu.dma_semaphore, #tpu.memory_space<semaphore_mem>>) {add = true}
        %dma_wait3A = arith.constant 0 : i32
        %dma_wait3A_345 = tpu.memref_slice %arg15[%dma_wait3A] : memref<1296xf32, #tpu.memory_space<vmem_shared>> -> memref<1296xf32, #tpu.memory_space<vmem_shared>>
        tpu.wait_indirect_dma semaphore(%run_scoped3A : memref<!tpu.dma_semaphore, #tpu.memory_space<semaphore_mem>>) src(%arg12 : memref<64xf32, #tpu.memory_space<vmem>>) dst(%dma_wait3A_345 : memref<1296xf32, #tpu.memory_space<vmem_shared>>)
        tpu.yield
      }) : () -> ()
      %barrier3A_338 = arith.constant 0 : index
      tpu.barrier barrier_id(%barrier3A_338)
      %eq3A_339 = arith.constant 0 : i32
      %eq3A_340 = arith.cmpi eq, %arg1, %eq3A_339 : i32
      %convert_element_type3A_341 = arith.extui %eq3A_340 : i1 to i32
      %cond3A_342 = arith.constant 0 : i32
      %cond3A_343 = arith.cmpi ne, %convert_element_type3A_341, %cond3A_342 : i32
      scf.if %cond3A_343 {
        "tpu.region"() ({
          %run_scoped3A = tpu.sem_alloc : memref<!tpu.dma_semaphore, #tpu.memory_space<semaphore_mem>>
          tpu.enqueue_dma source(%arg14 : memref<4096xf32, #tpu.memory_space<vmem_shared>>) target(%arg9 : memref<4096xf32, #tpu.memory_space<vmem>>) target_semaphore(%run_scoped3A : memref<!tpu.dma_semaphore, #tpu.memory_space<semaphore_mem>>)
          tpu.wait_dma2 semaphore(%run_scoped3A : memref<!tpu.dma_semaphore, #tpu.memory_space<semaphore_mem>>) src(%arg14 : memref<4096xf32, #tpu.memory_space<vmem_shared>>) dst(%arg9 : memref<4096xf32, #tpu.memory_space<vmem>>)
          tpu.yield
        }) : () -> ()
        "tpu.region"() ({
          %run_scoped3A = tpu.sem_alloc : memref<!tpu.dma_semaphore, #tpu.memory_space<semaphore_mem>>
          tpu.enqueue_dma source(%arg9 : memref<4096xf32, #tpu.memory_space<vmem>>) target(%arg4 : memref<4096xf32, #tpu.memory_space<hbm>>) target_semaphore(%run_scoped3A : memref<!tpu.dma_semaphore, #tpu.memory_space<semaphore_mem>>)
          tpu.wait_dma2 semaphore(%run_scoped3A : memref<!tpu.dma_semaphore, #tpu.memory_space<semaphore_mem>>) src(%arg9 : memref<4096xf32, #tpu.memory_space<vmem>>) dst(%arg4 : memref<4096xf32, #tpu.memory_space<hbm>>)
          tpu.yield
        }) : () -> ()
        "tpu.region"() ({
          %run_scoped3A = tpu.sem_alloc : memref<!tpu.dma_semaphore, #tpu.memory_space<semaphore_mem>>
          tpu.enqueue_dma source(%arg15 : memref<1296xf32, #tpu.memory_space<vmem_shared>>) target(%arg13 : memref<1296xf32, #tpu.memory_space<vmem>>) target_semaphore(%run_scoped3A : memref<!tpu.dma_semaphore, #tpu.memory_space<semaphore_mem>>)
          tpu.wait_dma2 semaphore(%run_scoped3A : memref<!tpu.dma_semaphore, #tpu.memory_space<semaphore_mem>>) src(%arg15 : memref<1296xf32, #tpu.memory_space<vmem_shared>>) dst(%arg13 : memref<1296xf32, #tpu.memory_space<vmem>>)
          tpu.yield
        }) : () -> ()
        "tpu.region"() ({
          %run_scoped3A = tpu.sem_alloc : memref<!tpu.dma_semaphore, #tpu.memory_space<semaphore_mem>>
          tpu.enqueue_dma source(%arg13 : memref<1296xf32, #tpu.memory_space<vmem>>) target(%arg5 : memref<1296xf32, #tpu.memory_space<hbm>>) target_semaphore(%run_scoped3A : memref<!tpu.dma_semaphore, #tpu.memory_space<semaphore_mem>>)
          tpu.wait_dma2 semaphore(%run_scoped3A : memref<!tpu.dma_semaphore, #tpu.memory_space<semaphore_mem>>) src(%arg13 : memref<1296xf32, #tpu.memory_space<vmem>>) dst(%arg5 : memref<1296xf32, #tpu.memory_space<hbm>>)
          tpu.yield
        }) : () -> ()
      } else {
      }
    } else {
    }
    return
  }
}

module attributes {stable_mosaic.version = 14 : i64} {
  func.func @_main_kernel(%arg0: i32, %arg1: memref<64x64x36xf32, #tpu.memory_space<vmem>>, %arg2: memref<64x64xf32, #tpu.memory_space<vmem>>, %arg3: memref<36x36xf32, #tpu.memory_space<vmem>>, %arg4: memref<36x36xf32, #tpu.memory_space<vmem>>, %arg5: memref<36x6xf32, #tpu.memory_space<vmem>>, %arg6: memref<36x6xf32, #tpu.memory_space<vmem>>, %arg7: memref<1x36xf32, #tpu.memory_space<vmem>>, %arg8: memref<6x36xf32, #tpu.memory_space<vmem>>, %arg9: memref<64x64xf32, #tpu.memory_space<vmem>>, %arg10: memref<64x8xf32, #tpu.memory_space<vmem>>, %arg11: memref<64x8xf32, #tpu.memory_space<vmem>>, %arg12: memref<1x64xf32, #tpu.memory_space<vmem>>, %arg13: memref<8x64xf32, #tpu.memory_space<vmem>>, %arg14: memref<64x64x36xf32, #tpu.memory_space<vmem>>) attributes {dimension_semantics = [#tpu.dimension_semantics<arbitrary>], iteration_bounds = array<i64: 8>, scalar_prefetch = 0 : i64, scratch_operands = 0 : i64, tpu.core_type = #tpu.core_type<tc>, window_params = [{transform_indices = @transform_0, window_bounds = array<i64: 64, 64, 36>}, {pipeline_mode = #tpu.pipeline_mode<synchronous>, transform_indices = @transform_1, window_bounds = array<i64: 64, 64>}, {pipeline_mode = #tpu.pipeline_mode<synchronous>, transform_indices = @transform_2, window_bounds = array<i64: 36, 36>}, {pipeline_mode = #tpu.pipeline_mode<synchronous>, transform_indices = @transform_3, window_bounds = array<i64: 36, 36>}, {pipeline_mode = #tpu.pipeline_mode<synchronous>, transform_indices = @transform_4, window_bounds = array<i64: 36, 6>}, {pipeline_mode = #tpu.pipeline_mode<synchronous>, transform_indices = @transform_5, window_bounds = array<i64: 36, 6>}, {pipeline_mode = #tpu.pipeline_mode<synchronous>, transform_indices = @transform_6, window_bounds = array<i64: 1, 36>}, {pipeline_mode = #tpu.pipeline_mode<synchronous>, transform_indices = @transform_7, window_bounds = array<i64: 6, 36>}, {pipeline_mode = #tpu.pipeline_mode<synchronous>, transform_indices = @transform_8, window_bounds = array<i64: 64, 64>}, {pipeline_mode = #tpu.pipeline_mode<synchronous>, transform_indices = @transform_9, window_bounds = array<i64: 64, 8>}, {pipeline_mode = #tpu.pipeline_mode<synchronous>, transform_indices = @transform_10, window_bounds = array<i64: 64, 8>}, {pipeline_mode = #tpu.pipeline_mode<synchronous>, transform_indices = @transform_11, window_bounds = array<i64: 1, 64>}, {pipeline_mode = #tpu.pipeline_mode<synchronous>, transform_indices = @transform_12, window_bounds = array<i64: 8, 64>}, {transform_indices = @transform_13, window_bounds = array<i64: 64, 64, 36>}]} {
    %get3A = arith.constant 0 : index
    %get3A_0 = arith.constant 0 : index
    %get3A_1 = vector.load %arg2[%get3A, %get3A_0] : memref<64x64xf32, #tpu.memory_space<vmem>>, vector<64x64xf32>
    %get3A_2 = arith.constant 0 : index
    %get3A_3 = arith.constant 0 : index
    %get3A_4 = vector.load %arg3[%get3A_2, %get3A_3] : memref<36x36xf32, #tpu.memory_space<vmem>>, vector<36x36xf32>
    %get3A_5 = arith.constant 0 : index
    %get3A_6 = arith.constant 0 : index
    %get3A_7 = arith.constant 0 : index
    %get3A_8 = vector.load %arg1[%get3A_5, %get3A_6, %get3A_7] : memref<64x64x36xf32, #tpu.memory_space<vmem>>, vector<64x64x36xf32>
    %get3A_9 = arith.constant 0 : index
    %get3A_10 = arith.constant 0 : index
    %get3A_11 = vector.load %arg4[%get3A_9, %get3A_10] : memref<36x36xf32, #tpu.memory_space<vmem>>, vector<36x36xf32>
    %get3A_12 = arith.constant 0 : index
    %get3A_13 = arith.constant 0 : index
    %get3A_14 = vector.load %arg5[%get3A_12, %get3A_13] : memref<36x6xf32, #tpu.memory_space<vmem>>, vector<36x6xf32>
    %get3A_15 = arith.constant 0 : index
    %get3A_16 = arith.constant 0 : index
    %get3A_17 = vector.load %arg6[%get3A_15, %get3A_16] : memref<36x6xf32, #tpu.memory_space<vmem>>, vector<36x6xf32>
    %dot_general3A = arith.constant dense<0.000000e+00> : vector<64x64x36xf32>
    %dot_general3A_18 = tpu.matmul %get3A_8, %get3A_11, %dot_general3A {dimension_numbers = #tpu.dot_dimension_numbers<[2], [1], [0, 1], [0], [0, 0, 0, 1, 1, 0], [], []>, transpose_lhs_hint = false} : vector<64x64x36xf32>, vector<36x36xf32>, vector<64x64x36xf32> -> vector<64x64x36xf32>
    %dot_general3A_19 = arith.constant dense<0.000000e+00> : vector<64x64x6xf32>
    %dot_general3A_20 = tpu.matmul %dot_general3A_18, %get3A_14, %dot_general3A_19 {dimension_numbers = #tpu.dot_dimension_numbers<[2], [0], [0, 1], [1], [0, 0, 0, 1, 1, 1], [], []>, transpose_lhs_hint = false} : vector<64x64x36xf32>, vector<36x6xf32>, vector<64x64x6xf32> -> vector<64x64x6xf32>
    %dot_general3A_21 = arith.constant dense<0.000000e+00> : vector<64x64x6xf32>
    %dot_general3A_22 = tpu.matmul %dot_general3A_18, %get3A_17, %dot_general3A_21 {dimension_numbers = #tpu.dot_dimension_numbers<[2], [0], [0, 1], [1], [0, 0, 0, 1, 1, 1], [], []>, transpose_lhs_hint = false} : vector<64x64x36xf32>, vector<36x6xf32>, vector<64x64x6xf32> -> vector<64x64x6xf32>
    %transpose3A = tpu.transpose %dot_general3A_20, [0, 2, 1] : vector<64x64x6xf32> -> vector<64x6x64xf32>
    %transpose3A_23 = tpu.transpose %dot_general3A_22, [0, 2, 1] : vector<64x64x6xf32> -> vector<64x6x64xf32>
    %broadcast_in_dim3A = vector.shape_cast %transpose3A : vector<64x6x64xf32> to vector<64x6x1x64xf32>
    %broadcast_in_dim3A_24 = vector.shape_cast %transpose3A_23 : vector<64x6x64xf32> to vector<64x6x64x1xf32>
    %add3A = vector.broadcast %broadcast_in_dim3A : vector<64x6x1x64xf32> to vector<64x6x64x64xf32>
    %add3A_25 = vector.broadcast %broadcast_in_dim3A_24 : vector<64x6x64x1xf32> to vector<64x6x64x64xf32>
    %add3A_26 = arith.addf %add3A, %add3A_25 : vector<64x6x64x64xf32>
    %mul3A = arith.constant 2.000000e-01 : f32
    %mul3A_27 = vector.broadcast %mul3A : f32 to vector<64x6x64x64xf32>
    %mul3A_28 = arith.mulf %mul3A_27, %add3A_26 : vector<64x6x64x64xf32>
    %max3A = arith.maximumf %add3A_26, %mul3A_28 : vector<64x6x64x64xf32>
    %exp3A = math.exp %max3A : vector<64x6x64x64xf32>
    %broadcast_in_dim3A_29 = vector.shape_cast %get3A_1 : vector<64x64xf32> to vector<1x1x64x64xf32>
    %mul3A_30 = vector.broadcast %broadcast_in_dim3A_29 : vector<1x1x64x64xf32> to vector<64x6x64x64xf32>
    %mul3A_31 = arith.mulf %exp3A, %mul3A_30 : vector<64x6x64x64xf32>
    %reduce_sum3A = arith.constant dense<0.000000e+00> : vector<64x6x64xf32>
    %reduce_sum3A_32 = vector.multi_reduction <add>, %mul3A_31, %reduce_sum3A [3] : vector<64x6x64x64xf32> to vector<64x6x64xf32>
    %gt3A = arith.constant 0.000000e+00 : f32
    %gt3A_33 = vector.broadcast %gt3A : f32 to vector<64x6x64xf32>
    %gt3A_34 = arith.cmpf ogt, %reduce_sum3A_32, %gt3A_33 : vector<64x6x64xf32>
    %div3A = arith.constant 1.000000e+00 : f32
    %div3A_35 = vector.broadcast %div3A : f32 to vector<64x6x64xf32>
    %div3A_36 = arith.divf %div3A_35, %reduce_sum3A_32 : vector<64x6x64xf32>
    %jit3A = arith.constant 0.000000e+00 : f32
    %broadcast_in_dim3A_37 = vector.broadcast %jit3A : f32 to vector<64x6x64xf32>
    %select_n3A = arith.select %gt3A_34, %div3A_36, %broadcast_in_dim3A_37 : vector<64x6x64xi1>, vector<64x6x64xf32>
    %slice3A = vector.extract_strided_slice %select_n3A {offsets = [0, 0, 0], sizes = [64, 1, 64], strides = [1, 1, 1]} : vector<64x6x64xf32> to vector<64x1x64xf32>
    %squeeze3A = vector.shape_cast %slice3A : vector<64x1x64xf32> to vector<64x64xf32>
    %broadcast_in_dim3A_38 = vector.shape_cast %squeeze3A : vector<64x64xf32> to vector<64x64x1xf32>
    %slice3A_39 = vector.extract_strided_slice %mul3A_31 {offsets = [0, 0, 0, 0], sizes = [64, 1, 64, 64], strides = [1, 1, 1, 1]} : vector<64x6x64x64xf32> to vector<64x1x64x64xf32>
    %squeeze3A_40 = vector.shape_cast %slice3A_39 : vector<64x1x64x64xf32> to vector<64x64x64xf32>
    %slice3A_41 = vector.extract_strided_slice %dot_general3A_18 {offsets = [0, 0, 0], sizes = [64, 64, 6], strides = [1, 1, 1]} : vector<64x64x36xf32> to vector<64x64x6xf32>
    %dot_general3A_42 = arith.constant dense<0.000000e+00> : vector<64x64x6xf32>
    %dot_general3A_43 = tpu.matmul %squeeze3A_40, %slice3A_41, %dot_general3A_42 {dimension_numbers = #tpu.dot_dimension_numbers<[2], [1], [1], [2], [0, 0, 0, 1, 1, 2], [0], [0]>, transpose_lhs_hint = false} : vector<64x64x64xf32>, vector<64x64x6xf32>, vector<64x64x6xf32> -> vector<64x64x6xf32>
    %mul3A_44 = vector.broadcast %broadcast_in_dim3A_38 : vector<64x64x1xf32> to vector<64x64x6xf32>
    %mul3A_45 = arith.mulf %mul3A_44, %dot_general3A_43 : vector<64x64x6xf32>
    %slice3A_46 = vector.extract_strided_slice %select_n3A {offsets = [0, 1, 0], sizes = [64, 1, 64], strides = [1, 1, 1]} : vector<64x6x64xf32> to vector<64x1x64xf32>
    %squeeze3A_47 = vector.shape_cast %slice3A_46 : vector<64x1x64xf32> to vector<64x64xf32>
    %broadcast_in_dim3A_48 = vector.shape_cast %squeeze3A_47 : vector<64x64xf32> to vector<64x64x1xf32>
    %slice3A_49 = vector.extract_strided_slice %mul3A_31 {offsets = [0, 1, 0, 0], sizes = [64, 1, 64, 64], strides = [1, 1, 1, 1]} : vector<64x6x64x64xf32> to vector<64x1x64x64xf32>
    %squeeze3A_50 = vector.shape_cast %slice3A_49 : vector<64x1x64x64xf32> to vector<64x64x64xf32>
    %slice3A_51 = vector.extract_strided_slice %dot_general3A_18 {offsets = [0, 0, 6], sizes = [64, 64, 6], strides = [1, 1, 1]} : vector<64x64x36xf32> to vector<64x64x6xf32>
    %dot_general3A_52 = arith.constant dense<0.000000e+00> : vector<64x64x6xf32>
    %dot_general3A_53 = tpu.matmul %squeeze3A_50, %slice3A_51, %dot_general3A_52 {dimension_numbers = #tpu.dot_dimension_numbers<[2], [1], [1], [2], [0, 0, 0, 1, 1, 2], [0], [0]>, transpose_lhs_hint = false} : vector<64x64x64xf32>, vector<64x64x6xf32>, vector<64x64x6xf32> -> vector<64x64x6xf32>
    %mul3A_54 = vector.broadcast %broadcast_in_dim3A_48 : vector<64x64x1xf32> to vector<64x64x6xf32>
    %mul3A_55 = arith.mulf %mul3A_54, %dot_general3A_53 : vector<64x64x6xf32>
    %slice3A_56 = vector.extract_strided_slice %select_n3A {offsets = [0, 2, 0], sizes = [64, 1, 64], strides = [1, 1, 1]} : vector<64x6x64xf32> to vector<64x1x64xf32>
    %squeeze3A_57 = vector.shape_cast %slice3A_56 : vector<64x1x64xf32> to vector<64x64xf32>
    %broadcast_in_dim3A_58 = vector.shape_cast %squeeze3A_57 : vector<64x64xf32> to vector<64x64x1xf32>
    %slice3A_59 = vector.extract_strided_slice %mul3A_31 {offsets = [0, 2, 0, 0], sizes = [64, 1, 64, 64], strides = [1, 1, 1, 1]} : vector<64x6x64x64xf32> to vector<64x1x64x64xf32>
    %squeeze3A_60 = vector.shape_cast %slice3A_59 : vector<64x1x64x64xf32> to vector<64x64x64xf32>
    %slice3A_61 = vector.extract_strided_slice %dot_general3A_18 {offsets = [0, 0, 12], sizes = [64, 64, 6], strides = [1, 1, 1]} : vector<64x64x36xf32> to vector<64x64x6xf32>
    %dot_general3A_62 = arith.constant dense<0.000000e+00> : vector<64x64x6xf32>
    %dot_general3A_63 = tpu.matmul %squeeze3A_60, %slice3A_61, %dot_general3A_62 {dimension_numbers = #tpu.dot_dimension_numbers<[2], [1], [1], [2], [0, 0, 0, 1, 1, 2], [0], [0]>, transpose_lhs_hint = false} : vector<64x64x64xf32>, vector<64x64x6xf32>, vector<64x64x6xf32> -> vector<64x64x6xf32>
    %mul3A_64 = vector.broadcast %broadcast_in_dim3A_58 : vector<64x64x1xf32> to vector<64x64x6xf32>
    %mul3A_65 = arith.mulf %mul3A_64, %dot_general3A_63 : vector<64x64x6xf32>
    %slice3A_66 = vector.extract_strided_slice %select_n3A {offsets = [0, 3, 0], sizes = [64, 1, 64], strides = [1, 1, 1]} : vector<64x6x64xf32> to vector<64x1x64xf32>
    %squeeze3A_67 = vector.shape_cast %slice3A_66 : vector<64x1x64xf32> to vector<64x64xf32>
    %broadcast_in_dim3A_68 = vector.shape_cast %squeeze3A_67 : vector<64x64xf32> to vector<64x64x1xf32>
    %slice3A_69 = vector.extract_strided_slice %mul3A_31 {offsets = [0, 3, 0, 0], sizes = [64, 1, 64, 64], strides = [1, 1, 1, 1]} : vector<64x6x64x64xf32> to vector<64x1x64x64xf32>
    %squeeze3A_70 = vector.shape_cast %slice3A_69 : vector<64x1x64x64xf32> to vector<64x64x64xf32>
    %slice3A_71 = vector.extract_strided_slice %dot_general3A_18 {offsets = [0, 0, 18], sizes = [64, 64, 6], strides = [1, 1, 1]} : vector<64x64x36xf32> to vector<64x64x6xf32>
    %dot_general3A_72 = arith.constant dense<0.000000e+00> : vector<64x64x6xf32>
    %dot_general3A_73 = tpu.matmul %squeeze3A_70, %slice3A_71, %dot_general3A_72 {dimension_numbers = #tpu.dot_dimension_numbers<[2], [1], [1], [2], [0, 0, 0, 1, 1, 2], [0], [0]>, transpose_lhs_hint = false} : vector<64x64x64xf32>, vector<64x64x6xf32>, vector<64x64x6xf32> -> vector<64x64x6xf32>
    %mul3A_74 = vector.broadcast %broadcast_in_dim3A_68 : vector<64x64x1xf32> to vector<64x64x6xf32>
    %mul3A_75 = arith.mulf %mul3A_74, %dot_general3A_73 : vector<64x64x6xf32>
    %slice3A_76 = vector.extract_strided_slice %select_n3A {offsets = [0, 4, 0], sizes = [64, 1, 64], strides = [1, 1, 1]} : vector<64x6x64xf32> to vector<64x1x64xf32>
    %squeeze3A_77 = vector.shape_cast %slice3A_76 : vector<64x1x64xf32> to vector<64x64xf32>
    %broadcast_in_dim3A_78 = vector.shape_cast %squeeze3A_77 : vector<64x64xf32> to vector<64x64x1xf32>
    %slice3A_79 = vector.extract_strided_slice %mul3A_31 {offsets = [0, 4, 0, 0], sizes = [64, 1, 64, 64], strides = [1, 1, 1, 1]} : vector<64x6x64x64xf32> to vector<64x1x64x64xf32>
    %squeeze3A_80 = vector.shape_cast %slice3A_79 : vector<64x1x64x64xf32> to vector<64x64x64xf32>
    %slice3A_81 = vector.extract_strided_slice %dot_general3A_18 {offsets = [0, 0, 24], sizes = [64, 64, 6], strides = [1, 1, 1]} : vector<64x64x36xf32> to vector<64x64x6xf32>
    %dot_general3A_82 = arith.constant dense<0.000000e+00> : vector<64x64x6xf32>
    %dot_general3A_83 = tpu.matmul %squeeze3A_80, %slice3A_81, %dot_general3A_82 {dimension_numbers = #tpu.dot_dimension_numbers<[2], [1], [1], [2], [0, 0, 0, 1, 1, 2], [0], [0]>, transpose_lhs_hint = false} : vector<64x64x64xf32>, vector<64x64x6xf32>, vector<64x64x6xf32> -> vector<64x64x6xf32>
    %mul3A_84 = vector.broadcast %broadcast_in_dim3A_78 : vector<64x64x1xf32> to vector<64x64x6xf32>
    %mul3A_85 = arith.mulf %mul3A_84, %dot_general3A_83 : vector<64x64x6xf32>
    %slice3A_86 = vector.extract_strided_slice %select_n3A {offsets = [0, 5, 0], sizes = [64, 1, 64], strides = [1, 1, 1]} : vector<64x6x64xf32> to vector<64x1x64xf32>
    %squeeze3A_87 = vector.shape_cast %slice3A_86 : vector<64x1x64xf32> to vector<64x64xf32>
    %broadcast_in_dim3A_88 = vector.shape_cast %squeeze3A_87 : vector<64x64xf32> to vector<64x64x1xf32>
    %slice3A_89 = vector.extract_strided_slice %mul3A_31 {offsets = [0, 5, 0, 0], sizes = [64, 1, 64, 64], strides = [1, 1, 1, 1]} : vector<64x6x64x64xf32> to vector<64x1x64x64xf32>
    %squeeze3A_90 = vector.shape_cast %slice3A_89 : vector<64x1x64x64xf32> to vector<64x64x64xf32>
    %slice3A_91 = vector.extract_strided_slice %dot_general3A_18 {offsets = [0, 0, 30], sizes = [64, 64, 6], strides = [1, 1, 1]} : vector<64x64x36xf32> to vector<64x64x6xf32>
    %dot_general3A_92 = arith.constant dense<0.000000e+00> : vector<64x64x6xf32>
    %dot_general3A_93 = tpu.matmul %squeeze3A_90, %slice3A_91, %dot_general3A_92 {dimension_numbers = #tpu.dot_dimension_numbers<[2], [1], [1], [2], [0, 0, 0, 1, 1, 2], [0], [0]>, transpose_lhs_hint = false} : vector<64x64x64xf32>, vector<64x64x6xf32>, vector<64x64x6xf32> -> vector<64x64x6xf32>
    %mul3A_94 = vector.broadcast %broadcast_in_dim3A_88 : vector<64x64x1xf32> to vector<64x64x6xf32>
    %mul3A_95 = arith.mulf %mul3A_94, %dot_general3A_93 : vector<64x64x6xf32>
    %concatenate3A = tpu.concatenate %mul3A_45, %mul3A_55, %mul3A_65, %mul3A_75, %mul3A_85, %mul3A_95 in 2 : vector<64x64x6xf32>, vector<64x64x6xf32>, vector<64x64x6xf32>, vector<64x64x6xf32>, vector<64x64x6xf32>, vector<64x64x6xf32> -> vector<64x64x36xf32>
    %get3A_96 = arith.constant 0 : index
    %get3A_97 = arith.constant 0 : index
    %get3A_98 = vector.load %arg7[%get3A_96, %get3A_97] : memref<1x36xf32, #tpu.memory_space<vmem>>, vector<1x36xf32>
    %broadcast_in_dim3A_99 = vector.shape_cast %get3A_98 : vector<1x36xf32> to vector<1x1x36xf32>
    %add3A_100 = vector.broadcast %broadcast_in_dim3A_99 : vector<1x1x36xf32> to vector<64x64x36xf32>
    %add3A_101 = arith.addf %concatenate3A, %add3A_100 : vector<64x64x36xf32>
    %transpose3A_102 = tpu.transpose %add3A_101, [0, 2, 1] : vector<64x64x36xf32> -> vector<64x36x64xf32>
    %get3A_103 = arith.constant 0 : index
    %get3A_104 = arith.constant 0 : index
    %get3A_105 = vector.load %arg9[%get3A_103, %get3A_104] : memref<64x64xf32, #tpu.memory_space<vmem>>, vector<64x64xf32>
    %get3A_106 = arith.constant 0 : index
    %get3A_107 = arith.constant 0 : index
    %get3A_108 = vector.load %arg10[%get3A_106, %get3A_107] : memref<64x8xf32, #tpu.memory_space<vmem>>, vector<64x8xf32>
    %get3A_109 = arith.constant 0 : index
    %get3A_110 = arith.constant 0 : index
    %get3A_111 = vector.load %arg11[%get3A_109, %get3A_110] : memref<64x8xf32, #tpu.memory_space<vmem>>, vector<64x8xf32>
    %dot_general3A_112 = arith.constant dense<0.000000e+00> : vector<64x36x64xf32>
    %dot_general3A_113 = tpu.matmul %transpose3A_102, %get3A_105, %dot_general3A_112 {dimension_numbers = #tpu.dot_dimension_numbers<[2], [1], [0, 1], [0], [0, 0, 0, 1, 1, 0], [], []>, transpose_lhs_hint = false} : vector<64x36x64xf32>, vector<64x64xf32>, vector<64x36x64xf32> -> vector<64x36x64xf32>
    %dot_general3A_114 = arith.constant dense<0.000000e+00> : vector<64x36x8xf32>
    %dot_general3A_115 = tpu.matmul %dot_general3A_113, %get3A_108, %dot_general3A_114 {dimension_numbers = #tpu.dot_dimension_numbers<[2], [0], [0, 1], [1], [0, 0, 0, 1, 1, 1], [], []>, transpose_lhs_hint = false} : vector<64x36x64xf32>, vector<64x8xf32>, vector<64x36x8xf32> -> vector<64x36x8xf32>
    %dot_general3A_116 = arith.constant dense<0.000000e+00> : vector<64x36x8xf32>
    %dot_general3A_117 = tpu.matmul %dot_general3A_113, %get3A_111, %dot_general3A_116 {dimension_numbers = #tpu.dot_dimension_numbers<[2], [0], [0, 1], [1], [0, 0, 0, 1, 1, 1], [], []>, transpose_lhs_hint = false} : vector<64x36x64xf32>, vector<64x8xf32>, vector<64x36x8xf32> -> vector<64x36x8xf32>
    %transpose3A_118 = tpu.transpose %dot_general3A_115, [0, 2, 1] : vector<64x36x8xf32> -> vector<64x8x36xf32>
    %transpose3A_119 = tpu.transpose %dot_general3A_117, [0, 2, 1] : vector<64x36x8xf32> -> vector<64x8x36xf32>
    %broadcast_in_dim3A_120 = vector.shape_cast %transpose3A_118 : vector<64x8x36xf32> to vector<64x8x1x36xf32>
    %broadcast_in_dim3A_121 = vector.shape_cast %transpose3A_119 : vector<64x8x36xf32> to vector<64x8x36x1xf32>
    %add3A_122 = vector.broadcast %broadcast_in_dim3A_120 : vector<64x8x1x36xf32> to vector<64x8x36x36xf32>
    %add3A_123 = vector.broadcast %broadcast_in_dim3A_121 : vector<64x8x36x1xf32> to vector<64x8x36x36xf32>
    %add3A_124 = arith.addf %add3A_122, %add3A_123 : vector<64x8x36x36xf32>
    %mul3A_125 = arith.constant 2.000000e-01 : f32
    %mul3A_126 = vector.broadcast %mul3A_125 : f32 to vector<64x8x36x36xf32>
    %mul3A_127 = arith.mulf %mul3A_126, %add3A_124 : vector<64x8x36x36xf32>
    %max3A_128 = arith.maximumf %add3A_124, %mul3A_127 : vector<64x8x36x36xf32>
    %exp3A_129 = math.exp %max3A_128 : vector<64x8x36x36xf32>
    %broadcast_in_dim3A_130 = vector.shape_cast %get3A_4 : vector<36x36xf32> to vector<1x1x36x36xf32>
    %mul3A_131 = vector.broadcast %broadcast_in_dim3A_130 : vector<1x1x36x36xf32> to vector<64x8x36x36xf32>
    %mul3A_132 = arith.mulf %exp3A_129, %mul3A_131 : vector<64x8x36x36xf32>
    %reduce_sum3A_133 = arith.constant dense<0.000000e+00> : vector<64x8x36xf32>
    %reduce_sum3A_134 = vector.multi_reduction <add>, %mul3A_132, %reduce_sum3A_133 [3] : vector<64x8x36x36xf32> to vector<64x8x36xf32>
    %gt3A_135 = arith.constant 0.000000e+00 : f32
    %gt3A_136 = vector.broadcast %gt3A_135 : f32 to vector<64x8x36xf32>
    %gt3A_137 = arith.cmpf ogt, %reduce_sum3A_134, %gt3A_136 : vector<64x8x36xf32>
    %div3A_138 = arith.constant 1.000000e+00 : f32
    %div3A_139 = vector.broadcast %div3A_138 : f32 to vector<64x8x36xf32>
    %div3A_140 = arith.divf %div3A_139, %reduce_sum3A_134 : vector<64x8x36xf32>
    %jit3A_141 = arith.constant 0.000000e+00 : f32
    %broadcast_in_dim3A_142 = vector.broadcast %jit3A_141 : f32 to vector<64x8x36xf32>
    %select_n3A_143 = arith.select %gt3A_137, %div3A_140, %broadcast_in_dim3A_142 : vector<64x8x36xi1>, vector<64x8x36xf32>
    %slice3A_144 = vector.extract_strided_slice %select_n3A_143 {offsets = [0, 0, 0], sizes = [64, 1, 36], strides = [1, 1, 1]} : vector<64x8x36xf32> to vector<64x1x36xf32>
    %squeeze3A_145 = vector.shape_cast %slice3A_144 : vector<64x1x36xf32> to vector<64x36xf32>
    %broadcast_in_dim3A_146 = vector.shape_cast %squeeze3A_145 : vector<64x36xf32> to vector<64x36x1xf32>
    %slice3A_147 = vector.extract_strided_slice %mul3A_132 {offsets = [0, 0, 0, 0], sizes = [64, 1, 36, 36], strides = [1, 1, 1, 1]} : vector<64x8x36x36xf32> to vector<64x1x36x36xf32>
    %squeeze3A_148 = vector.shape_cast %slice3A_147 : vector<64x1x36x36xf32> to vector<64x36x36xf32>
    %slice3A_149 = vector.extract_strided_slice %dot_general3A_113 {offsets = [0, 0, 0], sizes = [64, 36, 8], strides = [1, 1, 1]} : vector<64x36x64xf32> to vector<64x36x8xf32>
    %dot_general3A_150 = arith.constant dense<0.000000e+00> : vector<64x36x8xf32>
    %dot_general3A_151 = tpu.matmul %squeeze3A_148, %slice3A_149, %dot_general3A_150 {dimension_numbers = #tpu.dot_dimension_numbers<[2], [1], [1], [2], [0, 0, 0, 1, 1, 2], [0], [0]>, transpose_lhs_hint = false} : vector<64x36x36xf32>, vector<64x36x8xf32>, vector<64x36x8xf32> -> vector<64x36x8xf32>
    %mul3A_152 = vector.broadcast %broadcast_in_dim3A_146 : vector<64x36x1xf32> to vector<64x36x8xf32>
    %mul3A_153 = arith.mulf %mul3A_152, %dot_general3A_151 : vector<64x36x8xf32>
    %slice3A_154 = vector.extract_strided_slice %select_n3A_143 {offsets = [0, 1, 0], sizes = [64, 1, 36], strides = [1, 1, 1]} : vector<64x8x36xf32> to vector<64x1x36xf32>
    %squeeze3A_155 = vector.shape_cast %slice3A_154 : vector<64x1x36xf32> to vector<64x36xf32>
    %broadcast_in_dim3A_156 = vector.shape_cast %squeeze3A_155 : vector<64x36xf32> to vector<64x36x1xf32>
    %slice3A_157 = vector.extract_strided_slice %mul3A_132 {offsets = [0, 1, 0, 0], sizes = [64, 1, 36, 36], strides = [1, 1, 1, 1]} : vector<64x8x36x36xf32> to vector<64x1x36x36xf32>
    %squeeze3A_158 = vector.shape_cast %slice3A_157 : vector<64x1x36x36xf32> to vector<64x36x36xf32>
    %slice3A_159 = vector.extract_strided_slice %dot_general3A_113 {offsets = [0, 0, 8], sizes = [64, 36, 8], strides = [1, 1, 1]} : vector<64x36x64xf32> to vector<64x36x8xf32>
    %dot_general3A_160 = arith.constant dense<0.000000e+00> : vector<64x36x8xf32>
    %dot_general3A_161 = tpu.matmul %squeeze3A_158, %slice3A_159, %dot_general3A_160 {dimension_numbers = #tpu.dot_dimension_numbers<[2], [1], [1], [2], [0, 0, 0, 1, 1, 2], [0], [0]>, transpose_lhs_hint = false} : vector<64x36x36xf32>, vector<64x36x8xf32>, vector<64x36x8xf32> -> vector<64x36x8xf32>
    %mul3A_162 = vector.broadcast %broadcast_in_dim3A_156 : vector<64x36x1xf32> to vector<64x36x8xf32>
    %mul3A_163 = arith.mulf %mul3A_162, %dot_general3A_161 : vector<64x36x8xf32>
    %slice3A_164 = vector.extract_strided_slice %select_n3A_143 {offsets = [0, 2, 0], sizes = [64, 1, 36], strides = [1, 1, 1]} : vector<64x8x36xf32> to vector<64x1x36xf32>
    %squeeze3A_165 = vector.shape_cast %slice3A_164 : vector<64x1x36xf32> to vector<64x36xf32>
    %broadcast_in_dim3A_166 = vector.shape_cast %squeeze3A_165 : vector<64x36xf32> to vector<64x36x1xf32>
    %slice3A_167 = vector.extract_strided_slice %mul3A_132 {offsets = [0, 2, 0, 0], sizes = [64, 1, 36, 36], strides = [1, 1, 1, 1]} : vector<64x8x36x36xf32> to vector<64x1x36x36xf32>
    %squeeze3A_168 = vector.shape_cast %slice3A_167 : vector<64x1x36x36xf32> to vector<64x36x36xf32>
    %slice3A_169 = vector.extract_strided_slice %dot_general3A_113 {offsets = [0, 0, 16], sizes = [64, 36, 8], strides = [1, 1, 1]} : vector<64x36x64xf32> to vector<64x36x8xf32>
    %dot_general3A_170 = arith.constant dense<0.000000e+00> : vector<64x36x8xf32>
    %dot_general3A_171 = tpu.matmul %squeeze3A_168, %slice3A_169, %dot_general3A_170 {dimension_numbers = #tpu.dot_dimension_numbers<[2], [1], [1], [2], [0, 0, 0, 1, 1, 2], [0], [0]>, transpose_lhs_hint = false} : vector<64x36x36xf32>, vector<64x36x8xf32>, vector<64x36x8xf32> -> vector<64x36x8xf32>
    %mul3A_172 = vector.broadcast %broadcast_in_dim3A_166 : vector<64x36x1xf32> to vector<64x36x8xf32>
    %mul3A_173 = arith.mulf %mul3A_172, %dot_general3A_171 : vector<64x36x8xf32>
    %slice3A_174 = vector.extract_strided_slice %select_n3A_143 {offsets = [0, 3, 0], sizes = [64, 1, 36], strides = [1, 1, 1]} : vector<64x8x36xf32> to vector<64x1x36xf32>
    %squeeze3A_175 = vector.shape_cast %slice3A_174 : vector<64x1x36xf32> to vector<64x36xf32>
    %broadcast_in_dim3A_176 = vector.shape_cast %squeeze3A_175 : vector<64x36xf32> to vector<64x36x1xf32>
    %slice3A_177 = vector.extract_strided_slice %mul3A_132 {offsets = [0, 3, 0, 0], sizes = [64, 1, 36, 36], strides = [1, 1, 1, 1]} : vector<64x8x36x36xf32> to vector<64x1x36x36xf32>
    %squeeze3A_178 = vector.shape_cast %slice3A_177 : vector<64x1x36x36xf32> to vector<64x36x36xf32>
    %slice3A_179 = vector.extract_strided_slice %dot_general3A_113 {offsets = [0, 0, 24], sizes = [64, 36, 8], strides = [1, 1, 1]} : vector<64x36x64xf32> to vector<64x36x8xf32>
    %dot_general3A_180 = arith.constant dense<0.000000e+00> : vector<64x36x8xf32>
    %dot_general3A_181 = tpu.matmul %squeeze3A_178, %slice3A_179, %dot_general3A_180 {dimension_numbers = #tpu.dot_dimension_numbers<[2], [1], [1], [2], [0, 0, 0, 1, 1, 2], [0], [0]>, transpose_lhs_hint = false} : vector<64x36x36xf32>, vector<64x36x8xf32>, vector<64x36x8xf32> -> vector<64x36x8xf32>
    %mul3A_182 = vector.broadcast %broadcast_in_dim3A_176 : vector<64x36x1xf32> to vector<64x36x8xf32>
    %mul3A_183 = arith.mulf %mul3A_182, %dot_general3A_181 : vector<64x36x8xf32>
    %slice3A_184 = vector.extract_strided_slice %select_n3A_143 {offsets = [0, 4, 0], sizes = [64, 1, 36], strides = [1, 1, 1]} : vector<64x8x36xf32> to vector<64x1x36xf32>
    %squeeze3A_185 = vector.shape_cast %slice3A_184 : vector<64x1x36xf32> to vector<64x36xf32>
    %broadcast_in_dim3A_186 = vector.shape_cast %squeeze3A_185 : vector<64x36xf32> to vector<64x36x1xf32>
    %slice3A_187 = vector.extract_strided_slice %mul3A_132 {offsets = [0, 4, 0, 0], sizes = [64, 1, 36, 36], strides = [1, 1, 1, 1]} : vector<64x8x36x36xf32> to vector<64x1x36x36xf32>
    %squeeze3A_188 = vector.shape_cast %slice3A_187 : vector<64x1x36x36xf32> to vector<64x36x36xf32>
    %slice3A_189 = vector.extract_strided_slice %dot_general3A_113 {offsets = [0, 0, 32], sizes = [64, 36, 8], strides = [1, 1, 1]} : vector<64x36x64xf32> to vector<64x36x8xf32>
    %dot_general3A_190 = arith.constant dense<0.000000e+00> : vector<64x36x8xf32>
    %dot_general3A_191 = tpu.matmul %squeeze3A_188, %slice3A_189, %dot_general3A_190 {dimension_numbers = #tpu.dot_dimension_numbers<[2], [1], [1], [2], [0, 0, 0, 1, 1, 2], [0], [0]>, transpose_lhs_hint = false} : vector<64x36x36xf32>, vector<64x36x8xf32>, vector<64x36x8xf32> -> vector<64x36x8xf32>
    %mul3A_192 = vector.broadcast %broadcast_in_dim3A_186 : vector<64x36x1xf32> to vector<64x36x8xf32>
    %mul3A_193 = arith.mulf %mul3A_192, %dot_general3A_191 : vector<64x36x8xf32>
    %slice3A_194 = vector.extract_strided_slice %select_n3A_143 {offsets = [0, 5, 0], sizes = [64, 1, 36], strides = [1, 1, 1]} : vector<64x8x36xf32> to vector<64x1x36xf32>
    %squeeze3A_195 = vector.shape_cast %slice3A_194 : vector<64x1x36xf32> to vector<64x36xf32>
    %broadcast_in_dim3A_196 = vector.shape_cast %squeeze3A_195 : vector<64x36xf32> to vector<64x36x1xf32>
    %slice3A_197 = vector.extract_strided_slice %mul3A_132 {offsets = [0, 5, 0, 0], sizes = [64, 1, 36, 36], strides = [1, 1, 1, 1]} : vector<64x8x36x36xf32> to vector<64x1x36x36xf32>
    %squeeze3A_198 = vector.shape_cast %slice3A_197 : vector<64x1x36x36xf32> to vector<64x36x36xf32>
    %slice3A_199 = vector.extract_strided_slice %dot_general3A_113 {offsets = [0, 0, 40], sizes = [64, 36, 8], strides = [1, 1, 1]} : vector<64x36x64xf32> to vector<64x36x8xf32>
    %dot_general3A_200 = arith.constant dense<0.000000e+00> : vector<64x36x8xf32>
    %dot_general3A_201 = tpu.matmul %squeeze3A_198, %slice3A_199, %dot_general3A_200 {dimension_numbers = #tpu.dot_dimension_numbers<[2], [1], [1], [2], [0, 0, 0, 1, 1, 2], [0], [0]>, transpose_lhs_hint = false} : vector<64x36x36xf32>, vector<64x36x8xf32>, vector<64x36x8xf32> -> vector<64x36x8xf32>
    %mul3A_202 = vector.broadcast %broadcast_in_dim3A_196 : vector<64x36x1xf32> to vector<64x36x8xf32>
    %mul3A_203 = arith.mulf %mul3A_202, %dot_general3A_201 : vector<64x36x8xf32>
    %slice3A_204 = vector.extract_strided_slice %select_n3A_143 {offsets = [0, 6, 0], sizes = [64, 1, 36], strides = [1, 1, 1]} : vector<64x8x36xf32> to vector<64x1x36xf32>
    %squeeze3A_205 = vector.shape_cast %slice3A_204 : vector<64x1x36xf32> to vector<64x36xf32>
    %broadcast_in_dim3A_206 = vector.shape_cast %squeeze3A_205 : vector<64x36xf32> to vector<64x36x1xf32>
    %slice3A_207 = vector.extract_strided_slice %mul3A_132 {offsets = [0, 6, 0, 0], sizes = [64, 1, 36, 36], strides = [1, 1, 1, 1]} : vector<64x8x36x36xf32> to vector<64x1x36x36xf32>
    %squeeze3A_208 = vector.shape_cast %slice3A_207 : vector<64x1x36x36xf32> to vector<64x36x36xf32>
    %slice3A_209 = vector.extract_strided_slice %dot_general3A_113 {offsets = [0, 0, 48], sizes = [64, 36, 8], strides = [1, 1, 1]} : vector<64x36x64xf32> to vector<64x36x8xf32>
    %dot_general3A_210 = arith.constant dense<0.000000e+00> : vector<64x36x8xf32>
    %dot_general3A_211 = tpu.matmul %squeeze3A_208, %slice3A_209, %dot_general3A_210 {dimension_numbers = #tpu.dot_dimension_numbers<[2], [1], [1], [2], [0, 0, 0, 1, 1, 2], [0], [0]>, transpose_lhs_hint = false} : vector<64x36x36xf32>, vector<64x36x8xf32>, vector<64x36x8xf32> -> vector<64x36x8xf32>
    %mul3A_212 = vector.broadcast %broadcast_in_dim3A_206 : vector<64x36x1xf32> to vector<64x36x8xf32>
    %mul3A_213 = arith.mulf %mul3A_212, %dot_general3A_211 : vector<64x36x8xf32>
    %slice3A_214 = vector.extract_strided_slice %select_n3A_143 {offsets = [0, 7, 0], sizes = [64, 1, 36], strides = [1, 1, 1]} : vector<64x8x36xf32> to vector<64x1x36xf32>
    %squeeze3A_215 = vector.shape_cast %slice3A_214 : vector<64x1x36xf32> to vector<64x36xf32>
    %broadcast_in_dim3A_216 = vector.shape_cast %squeeze3A_215 : vector<64x36xf32> to vector<64x36x1xf32>
    %slice3A_217 = vector.extract_strided_slice %mul3A_132 {offsets = [0, 7, 0, 0], sizes = [64, 1, 36, 36], strides = [1, 1, 1, 1]} : vector<64x8x36x36xf32> to vector<64x1x36x36xf32>
    %squeeze3A_218 = vector.shape_cast %slice3A_217 : vector<64x1x36x36xf32> to vector<64x36x36xf32>
    %slice3A_219 = vector.extract_strided_slice %dot_general3A_113 {offsets = [0, 0, 56], sizes = [64, 36, 8], strides = [1, 1, 1]} : vector<64x36x64xf32> to vector<64x36x8xf32>
    %dot_general3A_220 = arith.constant dense<0.000000e+00> : vector<64x36x8xf32>
    %dot_general3A_221 = tpu.matmul %squeeze3A_218, %slice3A_219, %dot_general3A_220 {dimension_numbers = #tpu.dot_dimension_numbers<[2], [1], [1], [2], [0, 0, 0, 1, 1, 2], [0], [0]>, transpose_lhs_hint = false} : vector<64x36x36xf32>, vector<64x36x8xf32>, vector<64x36x8xf32> -> vector<64x36x8xf32>
    %mul3A_222 = vector.broadcast %broadcast_in_dim3A_216 : vector<64x36x1xf32> to vector<64x36x8xf32>
    %mul3A_223 = arith.mulf %mul3A_222, %dot_general3A_221 : vector<64x36x8xf32>
    %concatenate3A_224 = tpu.concatenate %mul3A_153, %mul3A_163, %mul3A_173, %mul3A_183, %mul3A_193, %mul3A_203, %mul3A_213, %mul3A_223 in 2 : vector<64x36x8xf32>, vector<64x36x8xf32>, vector<64x36x8xf32>, vector<64x36x8xf32>, vector<64x36x8xf32>, vector<64x36x8xf32>, vector<64x36x8xf32>, vector<64x36x8xf32> -> vector<64x36x64xf32>
    %get3A_225 = arith.constant 0 : index
    %get3A_226 = arith.constant 0 : index
    %get3A_227 = vector.load %arg12[%get3A_225, %get3A_226] : memref<1x64xf32, #tpu.memory_space<vmem>>, vector<1x64xf32>
    %broadcast_in_dim3A_228 = vector.shape_cast %get3A_227 : vector<1x64xf32> to vector<1x1x64xf32>
    %add3A_229 = vector.broadcast %broadcast_in_dim3A_228 : vector<1x1x64xf32> to vector<64x36x64xf32>
    %add3A_230 = arith.addf %concatenate3A_224, %add3A_229 : vector<64x36x64xf32>
    %transpose3A_231 = tpu.transpose %add3A_230, [0, 2, 1] : vector<64x36x64xf32> -> vector<64x64x36xf32>
    %swap3A = arith.constant 0 : index
    %swap3A_232 = arith.constant 0 : index
    %swap3A_233 = arith.constant 0 : index
    %swap3A_234 = vector.load %arg14[%swap3A, %swap3A_232, %swap3A_233] : memref<64x64x36xf32, #tpu.memory_space<vmem>>, vector<64x64x36xf32>
    tpu.vector_store %arg14[%swap3A, %swap3A_232, %swap3A_233], %transpose3A_231 {strides = array<i32>} : memref<64x64x36xf32, #tpu.memory_space<vmem>>, vector<64x64x36xf32>,
    return
  }
  func.func @transform_0(%arg0: i32) -> (i32, i32, i32) {
    %c0_i32 = arith.constant 0 : i32
    %c0_i32_0 = arith.constant 0 : i32
    %c0_i32_1 = arith.constant 0 : i32
    return %arg0, %c0_i32, %c0_i32_0 : i32, i32, i32
  }
  func.func @transform_1(%arg0: i32) -> (i32, i32) {
    %c0_i32 = arith.constant 0 : i32
    %c0_i32_0 = arith.constant 0 : i32
    %c0_i32_1 = arith.constant 0 : i32
    return %c0_i32, %c0_i32_0 : i32, i32
  }
  func.func @transform_2(%arg0: i32) -> (i32, i32) {
    %c0_i32 = arith.constant 0 : i32
    %c0_i32_0 = arith.constant 0 : i32
    %c0_i32_1 = arith.constant 0 : i32
    return %c0_i32, %c0_i32_0 : i32, i32
  }
  func.func @transform_3(%arg0: i32) -> (i32, i32) {
    %c0_i32 = arith.constant 0 : i32
    %c0_i32_0 = arith.constant 0 : i32
    %c0_i32_1 = arith.constant 0 : i32
    return %c0_i32, %c0_i32_0 : i32, i32
  }
  func.func @transform_4(%arg0: i32) -> (i32, i32) {
    %c0_i32 = arith.constant 0 : i32
    %c0_i32_0 = arith.constant 0 : i32
    %c0_i32_1 = arith.constant 0 : i32
    return %c0_i32, %c0_i32_0 : i32, i32
  }
  func.func @transform_5(%arg0: i32) -> (i32, i32) {
    %c0_i32 = arith.constant 0 : i32
    %c0_i32_0 = arith.constant 0 : i32
    %c0_i32_1 = arith.constant 0 : i32
    return %c0_i32, %c0_i32_0 : i32, i32
  }
  func.func @transform_6(%arg0: i32) -> (i32, i32) {
    %c0_i32 = arith.constant 0 : i32
    %c0_i32_0 = arith.constant 0 : i32
    %c0_i32_1 = arith.constant 0 : i32
    return %c0_i32, %c0_i32_0 : i32, i32
  }
  func.func @transform_7(%arg0: i32) -> (i32, i32) {
    %c0_i32 = arith.constant 0 : i32
    %c0_i32_0 = arith.constant 0 : i32
    %c0_i32_1 = arith.constant 0 : i32
    return %c0_i32, %c0_i32_0 : i32, i32
  }
  func.func @transform_8(%arg0: i32) -> (i32, i32) {
    %c0_i32 = arith.constant 0 : i32
    %c0_i32_0 = arith.constant 0 : i32
    %c0_i32_1 = arith.constant 0 : i32
    return %c0_i32, %c0_i32_0 : i32, i32
  }
  func.func @transform_9(%arg0: i32) -> (i32, i32) {
    %c0_i32 = arith.constant 0 : i32
    %c0_i32_0 = arith.constant 0 : i32
    %c0_i32_1 = arith.constant 0 : i32
    return %c0_i32, %c0_i32_0 : i32, i32
  }
  func.func @transform_10(%arg0: i32) -> (i32, i32) {
    %c0_i32 = arith.constant 0 : i32
    %c0_i32_0 = arith.constant 0 : i32
    %c0_i32_1 = arith.constant 0 : i32
    return %c0_i32, %c0_i32_0 : i32, i32
  }
  func.func @transform_11(%arg0: i32) -> (i32, i32) {
    %c0_i32 = arith.constant 0 : i32
    %c0_i32_0 = arith.constant 0 : i32
    %c0_i32_1 = arith.constant 0 : i32
    return %c0_i32, %c0_i32_0 : i32, i32
  }
  func.func @transform_12(%arg0: i32) -> (i32, i32) {
    %c0_i32 = arith.constant 0 : i32
    %c0_i32_0 = arith.constant 0 : i32
    %c0_i32_1 = arith.constant 0 : i32
    return %c0_i32, %c0_i32_0 : i32, i32
  }
  func.func @transform_13(%arg0: i32) -> (i32, i32, i32) {
    %c0_i32 = arith.constant 0 : i32
    %c0_i32_0 = arith.constant 0 : i32
    %c0_i32_1 = arith.constant 0 : i32
    return %arg0, %c0_i32, %c0_i32_0 : i32, i32, i32
  }
}

</mosaic_0001>

<sc_bundles>
// kernel: _run.4.cloned.1.call-start
scs
__scs_entry_jumppad:
0x0: {  	(pc) =	sbr.rel $0x88, $3  }
0x1: {  	(tag) =	ssettag $0x0;
	lr =	simm.s32 $0x1  }
0x2: {  	[smem:$0x3F96] =	sst lr;
	_ =	strace $0xD0000000  }
0x3: {  	_ = 	snop  }
0x4: {  	_ = 	snop  }
0x5: {  	_ = 	snop  }
0x6: {  	_ = 	snop  }
0x7: {  	_ = 	snop  }
__scs_overlays_trampoline_lowered:
0x8: {  	[smem:$0x3FA5] =	sst s0  }
0x9: {  	[smem:$0x3FA6] =	sst s1  }
0xa: {  	[smem:$0x3FA7] =	sst s2  }
0xb: {  	[smem:$0x3FA8] =	sst s3  }
0xc: {  	[smem:$0x3FA9] =	sst s4  }
0xd: {  	[smem:$0x3FAA] =	sst s5  }
0xe: {  	[smem:$0x3FAB] =	sst s6  }
0xf: {  	[smem:$0x3FAC] =	sst s7  }
0x10: {  	[smem:$0x3FAD] =	sst s8  }
0x11: {  	[smem:$0x3FAE] =	sst s9;
	s0 =	simm.s32 @!p0 $0x0  }
0x12: {  	s1 =	sld [smem:$0x3F94];
	s0 =	simm.s32 @p0 $0x1  }
0x13: {  	[smem:$0x3FAF] =	sst s0;
	s0 =	simm.s32 @!p1 $0x0  }
0x14: {  	s2 =	sld [smem:$0x3F93];
	s0 =	simm.s32 @p1 $0x1  }
0x15: {  	[smem:$0x3FB0] =	sst s0;
	s0 =	simm.s32 @!p2 $0x0  }
0x16: {  	s3 =	sld [smem:$0x3FDB];
	s0 =	simm.s32 @p2 $0x1  }
0x17: {  	s4 =	simm.s32 $0x1BF5;
	[smem:$0x3FB2] =	sst s0  }
0x18: {  	s0 =	sld [smem:$0x3F95];
	_ =	swait.ge [sflag:s4], $0x0  }
0x19: {  	s7 =	sld [smem:$0x3F96]  }
0x1a: {  	s8 =	sadd.s32 $0xFFFFE003, lr  }
0x1b: {  	s9 =	sadd.s32 $0xFFFFFEF7, lr;
	s5 =	simm.s32 $0xFFFFFFFF;
	p2 =	slt.u32 s8, $0xFFFFF086  }
0x1c: {  	p1 =	slt.u32 s9, $0xF7A;
	s5 =	simm.s32 @!p2 $0x0  }
0x1d: {  	s5 =	simm.s32 @p1 $0x1;
	p0 =	seq.s32 s7, s2  }
0x1e: {  	s7 =	smul.u32 @!p0 $0xF7A, s2;
	p2 =	seq.s32 @!p0 s5, $0x0  }
0x1f: {  	s9 =	smul.u32 $0xF7A, s1;
	s8 =	simm.s32 @!p0 $0x1BF5;
	p2 =	por !p2, p0  }
0x20: {  	[sflag:s8] =	ssyncset.s32 @!p0 $0xFFFFF086;
	s6 =	sadd.s32 @!p0 s3, s7;
	s7 =	simm.s32 @!p0 $0x108  }
0x21: {  	s3 =	sadd.s32 s3, s9;
	s6 =	sadd.s32 @!p0 $0x88, s6;
	s7 =	simm.s32 @p2 $0x1082  }
0x22: {  	[simem:s7], [sflag:s8] =	dma.local @!p0 [hbm:s6], $0xF7A  }
0x23: {  	s9 =	sor.u32 $0xD0000000, s2;
	s6 =	simm.s32 $0x108;
	_ =	swait.ge @!p0 [sflag:s8], $0x0  }
0x24: {  	s3 =	sadd.s32 $0x88, s3;
	s6 =	simm.s32 @!p1 $0x1082;
	[sflag:s4] =	ssyncset.s32 $0xFFFFF086  }
0x25: {  	[simem:s6], [sflag:s4] =	dma.local [hbm:s3], $0xF7A  }
0x26: {  	[smem:$0x3F96] =	sst s1;
	(tag) =	ssettag s2;
	_ =	strace s9  }
0x27: {  	s1 =	sld [smem:$0x3FA6]  }
0x28: {  	s2 =	sld [smem:$0x3FA7]  }
0x29: {  	s4 =	sld [smem:$0x3FA9]  }
0x2a: {  	p0 =	seq.s32 s5, $0x0;
	s5 =	sld [smem:$0x3FAA]  }
0x2b: {  	s6 =	sld [smem:$0x3FAB]  }
0x2c: {  	s7 =	sld [smem:$0x3FAC]  }
0x2d: {  	s3 =	simm.s32 $0x108;
	s8 =	sld [smem:$0x3FAD]  }
0x2e: {  	s3 =	simm.s32 @!p0 $0x1082;
	s9 =	sld [smem:$0x3FAE]  }
0x2f: {  	lr =	sadd.s32 s0, s3;
	s0 =	sld [smem:$0x3FA5]  }
0x30: {  	s3 =	sld [smem:$0x3FA8]  }
0x31: {  	[smem:$0x3FB1] =	sst s10  }
0x32: {  	s10 =	sld [smem:$0x3FAF];
	_ =	sdelay $0x3  }
0x33: {  	p0 =	seq.s32 s10, $0x1;
	s10 =	sld [smem:$0x3FB1];
	_ =	sdelay $0x3  }
0x34: {  	[smem:$0x3FB1] =	sst s10  }
0x35: {  	s10 =	sld [smem:$0x3FB0];
	_ =	sdelay $0x3  }
0x36: {  	p1 =	seq.s32 s10, $0x1;
	s10 =	sld [smem:$0x3FB1];
	_ =	sdelay $0x3  }
0x37: {  	[smem:$0x3FB1] =	sst s10  }
0x38: {  	s10 =	sld [smem:$0x3FB2]  }
0x39: {  	_ = 	snop;
	(pc) =	sbr.ind lr, $3  }
0x3a: {  	_ = 	snop  }
0x3b: {  	_ = 	snop  }
0x3c: {  	p2 =	seq.s32 s10, $0x1;
	s10 =	sld [smem:$0x3FB1]  }
0x3d: {  	_ =	shalt  }
0x3e: {  	_ =	shalt  }
0x3f: {  	_ =	shalt  }
0x40: {  	_ =	shalt  }
0x41: {  	_ =	shalt  }
0x42: {  	_ =	shalt  }
0x43: {  	_ =	shalt  }
0x44: {  	_ =	shalt  }
0x45: {  	_ =	shalt  }
0x46: {  	_ =	shalt  }
0x47: {  	_ =	shalt  }
0x48: {  	_ =	shalt  }
0x49: {  	_ =	shalt  }
0x4a: {  	_ =	shalt  }
0x4b: {  	_ =	shalt  }
0x4c: {  	_ =	shalt  }
0x4d: {  	_ =	shalt  }
0x4e: {  	_ =	shalt  }
0x4f: {  	_ =	shalt  }
0x50: {  	_ =	shalt  }
0x51: {  	_ =	shalt  }
0x52: {  	_ =	shalt  }
0x53: {  	_ =	shalt  }
0x54: {  	_ =	shalt  }
0x55: {  	_ =	shalt  }
0x56: {  	_ =	shalt  }
0x57: {  	_ =	shalt  }
0x58: {  	_ =	shalt  }
0x59: {  	_ =	shalt  }
0x5a: {  	_ =	shalt  }
0x5b: {  	_ =	shalt  }
0x5c: {  	_ =	shalt  }
0x5d: {  	_ =	shalt  }
0x5e: {  	_ =	shalt  }
0x5f: {  	_ =	shalt  }
0x60: {  	_ =	shalt  }
0x61: {  	_ =	shalt  }
0x62: {  	_ =	shalt  }
0x63: {  	_ =	shalt  }
0x64: {  	_ =	shalt  }
0x65: {  	_ =	shalt  }
0x66: {  	_ =	shalt  }
0x67: {  	_ =	shalt  }
0x68: {  	_ =	shalt  }
0x69: {  	_ =	shalt  }
0x6a: {  	_ =	shalt  }
0x6b: {  	_ =	shalt  }
0x6c: {  	_ =	shalt  }
0x6d: {  	_ =	shalt  }
0x6e: {  	_ =	shalt  }
0x6f: {  	_ =	shalt  }
0x70: {  	_ =	shalt  }
0x71: {  	_ =	shalt  }
0x72: {  	_ =	shalt  }
0x73: {  	_ =	shalt  }
0x74: {  	_ =	shalt  }
0x75: {  	_ =	shalt  }
0x76: {  	_ =	shalt  }
0x77: {  	_ =	shalt  }
0x78: {  	_ =	shalt  }
0x79: {  	_ =	shalt  }
0x7a: {  	_ =	shalt  }
0x7b: {  	_ =	shalt  }
0x7c: {  	_ =	shalt  }
0x7d: {  	_ =	shalt  }
0x7e: {  	_ =	shalt  }
0x7f: {  	_ =	shalt  }
0x80: {  	_ =	shalt  }
0x81: {  	_ =	shalt  }
0x82: {  	_ =	shalt  }
0x83: {  	_ =	shalt  }
0x84: {  	_ =	shalt  }
0x85: {  	_ =	shalt  }
0x86: {  	_ =	shalt  }
0x87: {  	_ =	shalt  }
.Lfunc_end0:
.L_simem_size_0:
called_computation_lowered:
.L_overlay_start_0:
0x88: {  	s2 =	sld [smem:$0x3FD9]  }
0x89: {  	s3 =	sld [smem:$0x3FFE];
	_ =	sdelay $0x1  }
0x8a: {  	s1 =	srdreg.scid  }
0x8b: {  	s0 =	sand.u32 $0x1, s1  }
0x8c: {  	s17 =	sshll.u32 s0, $0xA;
	s2 =	sadd.s32 s3, s2  }
0x8d: {  	s2 =	sadd.s32 s2, s17  }
0x8e: {  	[smem:$0x3FBD] =	sst s2  }
0x8f: {  	_ = 	snop  }
0x90: {  	s2 =	sld [smem:$0x3FD0];
	(tm) =	ssettm $0x1  }
0x91: {  	s18 =	sld [smem:$0x3FFB];
	_ =	sdelay $0x3  }
0x92: {  	_ =	strace s18  }
0x93: {  	s3 =	sld [smem:$0x3FFC];
	_ =	sdelay $0x3  }
0x94: {  	_ =	strace s3  }
0x95: {  	s3 =	sld [smem:$0x3FFD];
	_ =	sdelay $0x3  }
0x96: {  	_ =	strace s3  }
0x97: {  	_ =	strace $0x8FFFFFFF  }
0x98: {  	s19 =	sld [smem:$0x3FDB];
	_ =	sdelay $0x1  }
0x99: {  	s4 =	simm.s32 $_scs_section_size  }
0x9a: {  	s5 =	simm.s32 $_size__tile_overlayer_lowered;
	s6 =	simm.s32 $_tile_overlayer_lowered  }
0x9b: {  	s22 =	simm.s32 $0x1BFF;
	s21 =	sshll.u32 s6, $0x1;
	s3 =	sadd.s32 s4, s19  }
0x9c: {  	s7 =	simm.s32 $0x0;
	s20 =	sshll.u32 s5, $0x1;
	s5 =	sadd.s32 s21, s3  }
0x9d: {  	[timem:s7], [sflag:s22] =	dma.local [hbm:s5], s20  }
0x9e: {  	_ =	swait.ge [sflag:s22], s20  }
0x9f: {  	s4 =	ssub.s32 $0x0, s20;
	[sflag:s22] =	ssyncset.done $0x0  }
0xa0: {  	[sflag:s22] =	ssyncadd.s32 s4;
	_ =	sdelay $0x1  }
0xa1: {  	s23 =	simm.s32 $0x1B8B  }
0xa2: {  	_ =	swait.ge [sflag:s23], $0x1  }
0xa3: {  	[sflag:s23] =	ssyncset.done $0x0  }
0xa4: {  	s25 =	simm.s32 $0x1B8E;
	s24 =	sld [smem:$0x3FFE];
	[sflag:s23] =	ssyncadd.s32 $0xFFFFFFFF  }
0xa5: {  	s26 =	simm.s32 $execute0_lowered;
	[smem:$0x3FD2] =	sst s25  }
0xa6: {  	s5 =	sshll.u32 s26, $0x1;
	_ =	strace $0x80000046;
	[dreg:$0x1] =	wrdreg $0xFFFFFFFF  }
0xa7: {  	s28 =	simm.s32 $_size_execute0_lowered;
	s3 =	sadd.s32 s3, s5;
	[dreg:$0x0] =	wrdreg $0x0  }
0xa8: {  	s5 =	sshll.u32 s28, $0x1;
	[dreg:$0x2] =	wrdreg s3  }
0xa9: {  	[dreg:$0x3] =	wrdreg s5  }
0xaa: {  	[dreg:$0x4] =	wrdreg $0xC0  }
0xab: {  	_ =	task [dreg:s7], $0x5FFFF  }
0xac: {  	[dreg:$0x1] =	wrdreg $0xFFFFFFFF  }
0xad: {  	[dreg:$0x0] =	wrdreg $0x60  }
0xae: {  	[dreg:$0x2] =	wrdreg s2  }
0xaf: {  	[dreg:$0x3] =	wrdreg s24  }
0xb0: {  	[dreg:$0x4] =	wrdreg $0x2F800  }
0xb1: {  	[dreg:$0x5] =	wrdreg $0x30800  }
0xb2: {  	[dreg:$0x6] =	wrdreg $0x9  }
0xb3: {  	_ =	task.clear_ibuf [dreg:s7], $0x7FFFF;
	_ =	strace $0x90000046  }
0xb4: {  	s29 =	simm.s32 $0x9;
	_ =	strace $0x80000048  }
0xb5: {  	_ =	swait.ge [sflag:s29], $0x1  }
0xb6: {  	[sflag:s29] =	ssyncadd.s32 $0xFFFFFFFF  }
0xb7: {  	_ =	strace $0x90000048  }
0xb8: {  	_ =	sfence  }
0xb9: {  	s30 =	sld [smem:$0x0];
	_ =	sdelay $0x2  }
0xba: {  	s31 =	sshll.u32 s1, $0xD;
	s1 =	sshrl.u32 s1, $0x2  }
0xbb: {  	s3 =	sand.u32 $0x4000, s31;
	s1 =	sadd.s32 s1, s30  }
0xbc: {  	s0 =	sor.u32 s3, s0;
	s1 =	sshll.u32 s1, $0x11  }
0xbd: {  	s0 =	sor.u32 s1, s0  }
0xbe: {  	s0 =	sadd.s32 $0x8F2B, s0  }
0xbf: {  	[sflag:s0] =	ssyncadd.remote.s32 $0x1  }
0xc0: {  	_ =	sfence.sel $0xFFFF  }
0xc1: {  	[dreg:$0x0] =	wrdreg $0xFFFFFFFF;
	(pc) =	sbr.abs _section_cstart, $3  }
0xc2: {  	[dreg:$0x1] =	wrdreg $0xFFFFFFFF  }
0xc3: {  	_ =	task.clear_ibuf [dreg:s7], $0x2FFFF;
	_ =	strace $0x9FFFFFFF  }
0xc4: {  	(tm) =	ssettm $0x7FFFFFFF  }
0xc5: {  	_ =	shalt  }
tec
execute0_lowered:
.L_overlay_start_1:
0x0: {  	(tag) =	ssettag $0x1  }
0x1: {  	s0 =	srdreg.scid  }
0x2: {  	s5 =	sand.u32 $0x1, s0  }
0x3: {  	p1 =	seq.s32 s5, $0x1  }
.Ltmp0:
0x4: {  	s2 =	rddreg [dreg:$0x0];
	(pc) =	sbr.rel @p1 .LBB2_4-.Ltmp0, $4  }
0x5: {  	s3 =	rddreg [dreg:$0x1]  }
0x6: {  	s4 =	rddreg [dreg:$0x2]  }
0x7: {  	s1 =	rddreg [dreg:$0x3];
	s6 =	stileid.u32  }
0x8: {  	s0 =	rddreg [dreg:$0x4];
	_ =	strace $0x80000047;
	p0 =	sne.s32 s6, $0x0  }
0x9: {  	s5 =	simm.s32 $0x0  }
0xa: {  	[tilespmem:s5], [sflag:$0x1] =	stream.linear.gather [hbm4b:s2+s5], $0x1000, $0x38;
	[tilespmem:$0x30D8] =	vst v63  }
0xb: {  	s2 =	simm.s32 $0x1  }
0xc: {  	_ =	swait.ge [sflag:s2], $0x1000  }
0xd: {  	[sflag:s2] =	ssyncset.done $0x0  }
0xe: {  	s7 =	sadd.s32 $0xA00, s3;
	s8 =	simm.s32 $0x2100;
	[sflag:s2] =	ssyncadd.s32 $0xFFFFF000  }
0xf: {  	[tilespmem:s8], [sflag:$0x1] =	stream.linear.gather [hbm4b:s7+s5], $0x800, $0x38;
	[tilespmem:$0x30D8] =	vst v63  }
0x10: {  	_ =	swait.ge [sflag:s2], $0x800  }
0x11: {  	[sflag:s2] =	ssyncset.done $0x0  }
0x12: {  	s22 =	sshll.u32 s6, $0x8;
	[sflag:s2] =	ssyncadd.s32 $0xFFFFF800  }
0x13: {  	v0 =	vld [tilespmem:s22+$0x80]  }
0x14: {  	v1 =	vld [tilespmem:s22+$0x0];
	_ =	sdelay $0x3  }
0x15: {  	v52 =	vimm.f32 $1.000000000e+00;
	v0 =	vshll.u32 v0, $0x6  }
0x16: {  	[tilespmem:$0x1080] =	vst v52;
	v0 =	vadd.s32 v1, v0  }
0x17: {  	[tilespmem:$0x1000] =	vst v0  }
0x18: {  	v53 =	vld [tilespmem:s22+$0x90]  }
0x19: {  	v2 =	vld [tilespmem:s22+$0x10];
	_ =	sdelay $0x3  }
0x1a: {  	v1 =	vshll.u32 v53, $0x6  }
0x1b: {  	[tilespmem:$0x1090] =	vst v52;
	v1 =	vadd.s32 v2, v1  }
0x1c: {  	[tilespmem:$0x1010] =	vst v1  }
0x1d: {  	v1 =	vld [tilespmem:s22+$0xA0]  }
0x1e: {  	v54 =	vld [tilespmem:s22+$0x20];
	_ =	sdelay $0x3  }
0x1f: {  	v1 =	vshll.u32 v1, $0x6  }
0x20: {  	[tilespmem:$0x10A0] =	vst v52;
	v1 =	vadd.s32 v54, v1  }
0x21: {  	[tilespmem:$0x1020] =	vst v1  }
0x22: {  	v1 =	vld [tilespmem:s22+$0xB0]  }
0x23: {  	v55 =	vld [tilespmem:s22+$0x30];
	_ =	sdelay $0x3  }
0x24: {  	v1 =	vshll.u32 v1, $0x6  }
0x25: {  	[tilespmem:$0x10B0] =	vst v52;
	v1 =	vadd.s32 v55, v1  }
0x26: {  	[tilespmem:$0x1030] =	vst v1  }
0x27: {  	v1 =	vld [tilespmem:s22+$0xC0]  }
0x28: {  	v56 =	vld [tilespmem:s22+$0x40];
	_ =	sdelay $0x3  }
0x29: {  	v1 =	vshll.u32 v1, $0x6  }
0x2a: {  	[tilespmem:$0x10C0] =	vst v52;
	v1 =	vadd.s32 v56, v1  }
0x2b: {  	[tilespmem:$0x1040] =	vst v1  }
0x2c: {  	v1 =	vld [tilespmem:s22+$0xD0]  }
0x2d: {  	v57 =	vld [tilespmem:s22+$0x50];
	_ =	sdelay $0x3  }
0x2e: {  	v1 =	vshll.u32 v1, $0x6  }
0x2f: {  	[tilespmem:$0x10D0] =	vst v52;
	v1 =	vadd.s32 v57, v1  }
0x30: {  	[tilespmem:$0x1050] =	vst v1  }
0x31: {  	v1 =	vld [tilespmem:s22+$0xE0]  }
0x32: {  	v58 =	vld [tilespmem:s22+$0x60];
	_ =	sdelay $0x3  }
0x33: {  	v1 =	vshll.u32 v1, $0x6  }
0x34: {  	[tilespmem:$0x10E0] =	vst v52;
	v1 =	vadd.s32 v58, v1  }
0x35: {  	[tilespmem:$0x1060] =	vst v1  }
0x36: {  	v1 =	vld [tilespmem:s22+$0xF0]  }
0x37: {  	v59 =	vld [tilespmem:s22+$0x70];
	_ =	sdelay $0x2  }
0x38: {  	s23 =	sshll.u32 s6, $0x6  }
0x39: {  	s24 =	sshll.u32 s6, $0x7;
	s7 =	sand.u32 $0x40, s23;
	v1 =	vshll.u32 v1, $0x6  }
0x3a: {  	s25 =	sor.u32 s7, s24;
	[tilespmem:$0x10F0] =	vst v52;
	v1 =	vadd.s32 v59, v1  }
0x3b: {  	s9 =	sand.u32 $0x700, s24;
	s8 =	sor.u32 $0x80, s25;
	[tilespmem:$0x1070] =	vst v1  }
0x3c: {  	s9 =	sadd.s32 $0x2100, s9;
	v1 =	vld [tilespmem:s8+$0x2100]  }
0x3d: {  	s26 =	sor.u32 s7, s9  }
0x3e: {  	v60 =	vld [tilespmem:s26+$0x0];
	_ =	sdelay $0x2  }
0x3f: {  	v1 =	vmul.u32 $0x24, v1  }
0x40: {  	s28 =	sor.u32 $0x10, s7  }
0x41: {  	s10 =	sor.u32 s28, s24;
	[tilespmem:$0x2980] =	vst v52;
	v1 =	vadd.s32 v60, v1  }
0x42: {  	s10 =	sor.u32 $0x80, s10;
	[tilespmem:$0x2900] =	vst v1  }
0x43: {  	v1 =	vld [tilespmem:s10+$0x2100]  }
0x44: {  	s8 =	sor.u32 s28, s9  }
0x45: {  	v61 =	vld [tilespmem:s8+$0x0];
	_ =	sdelay $0x2  }
0x46: {  	v1 =	vmul.u32 $0x24, v1  }
0x47: {  	s29 =	sor.u32 $0x20, s7  }
0x48: {  	s30 =	sor.u32 s29, s24;
	[tilespmem:$0x2990] =	vst v52;
	v1 =	vadd.s32 v61, v1  }
0x49: {  	s10 =	sor.u32 $0x80, s30;
	[tilespmem:$0x2910] =	vst v1  }
0x4a: {  	v1 =	vld [tilespmem:s10+$0x2100]  }
0x4b: {  	s8 =	sor.u32 s29, s9  }
0x4c: {  	v62 =	vld [tilespmem:s8+$0x0];
	_ =	sdelay $0x2  }
0x4d: {  	v1 =	vmul.u32 $0x24, v1  }
0x4e: {  	s7 =	sor.u32 $0x30, s7  }
0x4f: {  	s6 =	sor.u32 s7, s24;
	[tilespmem:$0x29A0] =	vst v52;
	v1 =	vadd.s32 v62, v1  }
0x50: {  	s6 =	sor.u32 $0x80, s6;
	[tilespmem:$0x2920] =	vst v1  }
0x51: {  	v1 =	vld [tilespmem:s6+$0x2100]  }
0x52: {  	s31 =	sor.u32 s7, s9  }
0x53: {  	v63 =	vld [tilespmem:s31+$0x0];
	_ =	sdelay $0x1  }
.Ltmp1:
0x54: {  	_ = 	snop;
	(pc) =	sbr.rel @!p0 .LBB2_2-.Ltmp1, $3  }
0x55: {  	v1 =	vmul.u32 $0x24, v1;
	_ =	sdelay $0x1  }
0x56: {  	[tilespmem:$0x29B0] =	vst v52;
	v1 =	vadd.s32 v63, v1  }
0x57: {  	[tilespmem:$0x2930] =	vst v1  }
0x58: {  	[bflag:$0x0] =	sbarrier.arrive $0xFFFF  }
0x59: {  	s3 =	simm.s32 $0x80;
	s5 =	simm.s32 $0x1000;
	s6 =	simm.s32 $0x1080  }
0x5a: {  	[spmem:s4] =	stream.indirect.scatter.add.f32 [tilespmem:s6], [sflag:$0x1], $0x1, s5, s3, $0xb8;
	[tilespmem:$0x30D8] =	vst v63  }
0x5b: {  	_ =	swait.ge [sflag:s2], $0x80  }
0x5c: {  	s29 =	simm.s32 $0x40;
	[sflag:s2] =	ssyncset.done $0x0  }
0x5d: {  	s30 =	simm.s32 $0x2900;
	s31 =	simm.s32 $0x2980;
	[sflag:s2] =	ssyncadd.s32 $0xFFFFFF80  }
0x5e: {  	[spmem:s1] =	stream.indirect.scatter.add.f32 [tilespmem:s31], [sflag:$0x1], $0x1, s30, s29, $0xb8;
	[tilespmem:$0x30D8] =	vst v63  }
.Ltmp2:
0x5f: {  	_ =	swait.ge [sflag:s2], $0x40;
	(pc) =	sbr.rel .LBB2_4-.Ltmp2, $3  }
0x60: {  	[sflag:s2] =	ssyncset.done $0x0  }
0x61: {  	[sflag:s2] =	ssyncadd.s32 $0xFFFFFFC0  }
0x62: {  	[bflag:$0x0] =	sbarrier.arrive $0xFFFF;
	_ =	sdelay $0x1  }
.LBB2_2:
0x63: {  	v0 =	vimm.f32 $0.0e+00  }
0x64: {  	[tilespmem:$0x1100] =	vst v0  }
0x65: {  	[tilespmem:$0x1110] =	vst v0  }
0x66: {  	[tilespmem:$0x1120] =	vst v0  }
0x67: {  	[tilespmem:$0x1130] =	vst v0  }
0x68: {  	[tilespmem:$0x1140] =	vst v0  }
0x69: {  	[tilespmem:$0x1150] =	vst v0  }
0x6a: {  	[tilespmem:$0x1160] =	vst v0  }
0x6b: {  	[tilespmem:$0x1170] =	vst v0  }
0x6c: {  	[tilespmem:$0x1180] =	vst v0  }
0x6d: {  	[tilespmem:$0x1190] =	vst v0  }
0x6e: {  	[tilespmem:$0x11A0] =	vst v0  }
0x6f: {  	[tilespmem:$0x11B0] =	vst v0  }
0x70: {  	[tilespmem:$0x11C0] =	vst v0  }
0x71: {  	[tilespmem:$0x11D0] =	vst v0  }
0x72: {  	[tilespmem:$0x11E0] =	vst v0  }
0x73: {  	[tilespmem:$0x11F0] =	vst v0  }
0x74: {  	[tilespmem:$0x1200] =	vst v0  }
0x75: {  	[tilespmem:$0x1210] =	vst v0  }
0x76: {  	[tilespmem:$0x1220] =	vst v0  }
0x77: {  	[tilespmem:$0x1230] =	vst v0  }
0x78: {  	[tilespmem:$0x1240] =	vst v0  }
0x79: {  	[tilespmem:$0x1250] =	vst v0  }
0x7a: {  	[tilespmem:$0x1260] =	vst v0  }
0x7b: {  	[tilespmem:$0x1270] =	vst v0  }
0x7c: {  	[tilespmem:$0x1280] =	vst v0  }
0x7d: {  	[tilespmem:$0x1290] =	vst v0  }
0x7e: {  	[tilespmem:$0x12A0] =	vst v0  }
0x7f: {  	[tilespmem:$0x12B0] =	vst v0  }
0x80: {  	[tilespmem:$0x12C0] =	vst v0  }
0x81: {  	[tilespmem:$0x12D0] =	vst v0  }
0x82: {  	[tilespmem:$0x12E0] =	vst v0  }
0x83: {  	[tilespmem:$0x12F0] =	vst v0  }
0x84: {  	[tilespmem:$0x1300] =	vst v0  }
0x85: {  	[tilespmem:$0x1310] =	vst v0  }
0x86: {  	[tilespmem:$0x1320] =	vst v0  }
0x87: {  	[tilespmem:$0x1330] =	vst v0  }
0x88: {  	[tilespmem:$0x1340] =	vst v0  }
0x89: {  	[tilespmem:$0x1350] =	vst v0  }
0x8a: {  	[tilespmem:$0x1360] =	vst v0  }
0x8b: {  	[tilespmem:$0x1370] =	vst v0  }
0x8c: {  	[tilespmem:$0x1380] =	vst v0  }
0x8d: {  	[tilespmem:$0x1390] =	vst v0  }
0x8e: {  	[tilespmem:$0x13A0] =	vst v0  }
0x8f: {  	[tilespmem:$0x13B0] =	vst v0  }
0x90: {  	[tilespmem:$0x13C0] =	vst v0  }
0x91: {  	[tilespmem:$0x13D0] =	vst v0  }
0x92: {  	[tilespmem:$0x13E0] =	vst v0  }
0x93: {  	[tilespmem:$0x13F0] =	vst v0  }
0x94: {  	[tilespmem:$0x1400] =	vst v0  }
0x95: {  	[tilespmem:$0x1410] =	vst v0  }
0x96: {  	[tilespmem:$0x1420] =	vst v0  }
0x97: {  	[tilespmem:$0x1430] =	vst v0  }
0x98: {  	[tilespmem:$0x1440] =	vst v0  }
0x99: {  	[tilespmem:$0x1450] =	vst v0  }
0x9a: {  	[tilespmem:$0x1460] =	vst v0  }
0x9b: {  	[tilespmem:$0x1470] =	vst v0  }
0x9c: {  	[tilespmem:$0x1480] =	vst v0  }
0x9d: {  	[tilespmem:$0x1490] =	vst v0  }
0x9e: {  	[tilespmem:$0x14A0] =	vst v0  }
0x9f: {  	[tilespmem:$0x14B0] =	vst v0  }
0xa0: {  	[tilespmem:$0x14C0] =	vst v0  }
0xa1: {  	[tilespmem:$0x14D0] =	vst v0  }
0xa2: {  	[tilespmem:$0x14E0] =	vst v0  }
0xa3: {  	[tilespmem:$0x14F0] =	vst v0  }
0xa4: {  	[tilespmem:$0x1500] =	vst v0  }
0xa5: {  	[tilespmem:$0x1510] =	vst v0  }
0xa6: {  	[tilespmem:$0x1520] =	vst v0  }
0xa7: {  	[tilespmem:$0x1530] =	vst v0  }
0xa8: {  	[tilespmem:$0x1540] =	vst v0  }
0xa9: {  	[tilespmem:$0x1550] =	vst v0  }
0xaa: {  	[tilespmem:$0x1560] =	vst v0  }
0xab: {  	[tilespmem:$0x1570] =	vst v0  }
0xac: {  	[tilespmem:$0x1580] =	vst v0  }
0xad: {  	[tilespmem:$0x1590] =	vst v0  }
0xae: {  	[tilespmem:$0x15A0] =	vst v0  }
0xaf: {  	[tilespmem:$0x15B0] =	vst v0  }
0xb0: {  	[tilespmem:$0x15C0] =	vst v0  }
0xb1: {  	[tilespmem:$0x15D0] =	vst v0  }
0xb2: {  	[tilespmem:$0x15E0] =	vst v0  }
0xb3: {  	[tilespmem:$0x15F0] =	vst v0  }
0xb4: {  	[tilespmem:$0x1600] =	vst v0  }
0xb5: {  	[tilespmem:$0x1610] =	vst v0  }
0xb6: {  	[tilespmem:$0x1620] =	vst v0  }
0xb7: {  	[tilespmem:$0x1630] =	vst v0  }
0xb8: {  	[tilespmem:$0x1640] =	vst v0  }
0xb9: {  	[tilespmem:$0x1650] =	vst v0  }
0xba: {  	[tilespmem:$0x1660] =	vst v0  }
0xbb: {  	[tilespmem:$0x1670] =	vst v0  }
0xbc: {  	[tilespmem:$0x1680] =	vst v0  }
0xbd: {  	[tilespmem:$0x1690] =	vst v0  }
0xbe: {  	[tilespmem:$0x16A0] =	vst v0  }
0xbf: {  	[tilespmem:$0x16B0] =	vst v0  }
0xc0: {  	[tilespmem:$0x16C0] =	vst v0  }
0xc1: {  	[tilespmem:$0x16D0] =	vst v0  }
0xc2: {  	[tilespmem:$0x16E0] =	vst v0  }
0xc3: {  	[tilespmem:$0x16F0] =	vst v0  }
0xc4: {  	[tilespmem:$0x1700] =	vst v0  }
0xc5: {  	[tilespmem:$0x1710] =	vst v0  }
0xc6: {  	[tilespmem:$0x1720] =	vst v0  }
0xc7: {  	[tilespmem:$0x1730] =	vst v0  }
0xc8: {  	[tilespmem:$0x1740] =	vst v0  }
0xc9: {  	[tilespmem:$0x1750] =	vst v0  }
0xca: {  	[tilespmem:$0x1760] =	vst v0  }
0xcb: {  	[tilespmem:$0x1770] =	vst v0  }
0xcc: {  	[tilespmem:$0x1780] =	vst v0  }
0xcd: {  	[tilespmem:$0x1790] =	vst v0  }
0xce: {  	[tilespmem:$0x17A0] =	vst v0  }
0xcf: {  	[tilespmem:$0x17B0] =	vst v0  }
0xd0: {  	[tilespmem:$0x17C0] =	vst v0  }
0xd1: {  	[tilespmem:$0x17D0] =	vst v0  }
0xd2: {  	[tilespmem:$0x17E0] =	vst v0  }
0xd3: {  	[tilespmem:$0x17F0] =	vst v0  }
0xd4: {  	[tilespmem:$0x1800] =	vst v0  }
0xd5: {  	[tilespmem:$0x1810] =	vst v0  }
0xd6: {  	[tilespmem:$0x1820] =	vst v0  }
0xd7: {  	[tilespmem:$0x1830] =	vst v0  }
0xd8: {  	[tilespmem:$0x1840] =	vst v0  }
0xd9: {  	[tilespmem:$0x1850] =	vst v0  }
0xda: {  	[tilespmem:$0x1860] =	vst v0  }
0xdb: {  	[tilespmem:$0x1870] =	vst v0  }
0xdc: {  	[tilespmem:$0x1880] =	vst v0  }
0xdd: {  	[tilespmem:$0x1890] =	vst v0  }
0xde: {  	[tilespmem:$0x18A0] =	vst v0  }
0xdf: {  	[tilespmem:$0x18B0] =	vst v0  }
0xe0: {  	[tilespmem:$0x18C0] =	vst v0  }
0xe1: {  	[tilespmem:$0x18D0] =	vst v0  }
0xe2: {  	[tilespmem:$0x18E0] =	vst v0  }
0xe3: {  	[tilespmem:$0x18F0] =	vst v0  }
0xe4: {  	[tilespmem:$0x1900] =	vst v0  }
0xe5: {  	[tilespmem:$0x1910] =	vst v0  }
0xe6: {  	[tilespmem:$0x1920] =	vst v0  }
0xe7: {  	[tilespmem:$0x1930] =	vst v0  }
0xe8: {  	[tilespmem:$0x1940] =	vst v0  }
0xe9: {  	[tilespmem:$0x1950] =	vst v0  }
0xea: {  	[tilespmem:$0x1960] =	vst v0  }
0xeb: {  	[tilespmem:$0x1970] =	vst v0  }
0xec: {  	[tilespmem:$0x1980] =	vst v0  }
0xed: {  	[tilespmem:$0x1990] =	vst v0  }
0xee: {  	[tilespmem:$0x19A0] =	vst v0  }
0xef: {  	[tilespmem:$0x19B0] =	vst v0  }
0xf0: {  	[tilespmem:$0x19C0] =	vst v0  }
0xf1: {  	[tilespmem:$0x19D0] =	vst v0  }
0xf2: {  	[tilespmem:$0x19E0] =	vst v0  }
0xf3: {  	[tilespmem:$0x19F0] =	vst v0  }
0xf4: {  	[tilespmem:$0x1A00] =	vst v0  }
0xf5: {  	[tilespmem:$0x1A10] =	vst v0  }
0xf6: {  	[tilespmem:$0x1A20] =	vst v0  }
0xf7: {  	[tilespmem:$0x1A30] =	vst v0  }
0xf8: {  	[tilespmem:$0x1A40] =	vst v0  }
0xf9: {  	[tilespmem:$0x1A50] =	vst v0  }
0xfa: {  	[tilespmem:$0x1A60] =	vst v0  }
0xfb: {  	[tilespmem:$0x1A70] =	vst v0  }
0xfc: {  	[tilespmem:$0x1A80] =	vst v0  }
0xfd: {  	[tilespmem:$0x1A90] =	vst v0  }
0xfe: {  	[tilespmem:$0x1AA0] =	vst v0  }
0xff: {  	[tilespmem:$0x1AB0] =	vst v0  }
0x100: {  	[tilespmem:$0x1AC0] =	vst v0  }
0x101: {  	[tilespmem:$0x1AD0] =	vst v0  }
0x102: {  	[tilespmem:$0x1AE0] =	vst v0  }
0x103: {  	[tilespmem:$0x1AF0] =	vst v0  }
0x104: {  	[tilespmem:$0x1B00] =	vst v0  }
0x105: {  	[tilespmem:$0x1B10] =	vst v0  }
0x106: {  	[tilespmem:$0x1B20] =	vst v0  }
0x107: {  	[tilespmem:$0x1B30] =	vst v0  }
0x108: {  	[tilespmem:$0x1B40] =	vst v0  }
0x109: {  	[tilespmem:$0x1B50] =	vst v0  }
0x10a: {  	[tilespmem:$0x1B60] =	vst v0  }
0x10b: {  	[tilespmem:$0x1B70] =	vst v0  }
0x10c: {  	[tilespmem:$0x1B80] =	vst v0  }
0x10d: {  	[tilespmem:$0x1B90] =	vst v0  }
0x10e: {  	[tilespmem:$0x1BA0] =	vst v0  }
0x10f: {  	[tilespmem:$0x1BB0] =	vst v0  }
0x110: {  	[tilespmem:$0x1BC0] =	vst v0  }
0x111: {  	[tilespmem:$0x1BD0] =	vst v0  }
0x112: {  	[tilespmem:$0x1BE0] =	vst v0  }
0x113: {  	[tilespmem:$0x1BF0] =	vst v0  }
0x114: {  	[tilespmem:$0x1C00] =	vst v0  }
0x115: {  	[tilespmem:$0x1C10] =	vst v0  }
0x116: {  	[tilespmem:$0x1C20] =	vst v0  }
0x117: {  	[tilespmem:$0x1C30] =	vst v0  }
0x118: {  	[tilespmem:$0x1C40] =	vst v0  }
0x119: {  	[tilespmem:$0x1C50] =	vst v0  }
0x11a: {  	[tilespmem:$0x1C60] =	vst v0  }
0x11b: {  	[tilespmem:$0x1C70] =	vst v0  }
0x11c: {  	[tilespmem:$0x1C80] =	vst v0  }
0x11d: {  	[tilespmem:$0x1C90] =	vst v0  }
0x11e: {  	[tilespmem:$0x1CA0] =	vst v0  }
0x11f: {  	[tilespmem:$0x1CB0] =	vst v0  }
0x120: {  	[tilespmem:$0x1CC0] =	vst v0  }
0x121: {  	[tilespmem:$0x1CD0] =	vst v0  }
0x122: {  	[tilespmem:$0x1CE0] =	vst v0  }
0x123: {  	[tilespmem:$0x1CF0] =	vst v0  }
0x124: {  	[tilespmem:$0x1D00] =	vst v0  }
0x125: {  	[tilespmem:$0x1D10] =	vst v0  }
0x126: {  	[tilespmem:$0x1D20] =	vst v0  }
0x127: {  	[tilespmem:$0x1D30] =	vst v0  }
0x128: {  	[tilespmem:$0x1D40] =	vst v0  }
0x129: {  	[tilespmem:$0x1D50] =	vst v0  }
0x12a: {  	[tilespmem:$0x1D60] =	vst v0  }
0x12b: {  	[tilespmem:$0x1D70] =	vst v0  }
0x12c: {  	[tilespmem:$0x1D80] =	vst v0  }
0x12d: {  	[tilespmem:$0x1D90] =	vst v0  }
0x12e: {  	[tilespmem:$0x1DA0] =	vst v0  }
0x12f: {  	[tilespmem:$0x1DB0] =	vst v0  }
0x130: {  	[tilespmem:$0x1DC0] =	vst v0  }
0x131: {  	[tilespmem:$0x1DD0] =	vst v0  }
0x132: {  	[tilespmem:$0x1DE0] =	vst v0  }
0x133: {  	[tilespmem:$0x1DF0] =	vst v0  }
0x134: {  	[tilespmem:$0x1E00] =	vst v0  }
0x135: {  	[tilespmem:$0x1E10] =	vst v0  }
0x136: {  	[tilespmem:$0x1E20] =	vst v0  }
0x137: {  	[tilespmem:$0x1E30] =	vst v0  }
0x138: {  	[tilespmem:$0x1E40] =	vst v0  }
0x139: {  	[tilespmem:$0x1E50] =	vst v0  }
0x13a: {  	[tilespmem:$0x1E60] =	vst v0  }
0x13b: {  	[tilespmem:$0x1E70] =	vst v0  }
0x13c: {  	[tilespmem:$0x1E80] =	vst v0  }
0x13d: {  	[tilespmem:$0x1E90] =	vst v0  }
0x13e: {  	[tilespmem:$0x1EA0] =	vst v0  }
0x13f: {  	[tilespmem:$0x1EB0] =	vst v0  }
0x140: {  	[tilespmem:$0x1EC0] =	vst v0  }
0x141: {  	[tilespmem:$0x1ED0] =	vst v0  }
0x142: {  	[tilespmem:$0x1EE0] =	vst v0  }
0x143: {  	[tilespmem:$0x1EF0] =	vst v0  }
0x144: {  	[tilespmem:$0x1F00] =	vst v0  }
0x145: {  	[tilespmem:$0x1F10] =	vst v0  }
0x146: {  	[tilespmem:$0x1F20] =	vst v0  }
0x147: {  	[tilespmem:$0x1F30] =	vst v0  }
0x148: {  	[tilespmem:$0x1F40] =	vst v0  }
0x149: {  	[tilespmem:$0x1F50] =	vst v0  }
0x14a: {  	[tilespmem:$0x1F60] =	vst v0  }
0x14b: {  	[tilespmem:$0x1F70] =	vst v0  }
0x14c: {  	[tilespmem:$0x1F80] =	vst v0  }
0x14d: {  	[tilespmem:$0x1F90] =	vst v0  }
0x14e: {  	[tilespmem:$0x1FA0] =	vst v0  }
0x14f: {  	[tilespmem:$0x1FB0] =	vst v0  }
0x150: {  	[tilespmem:$0x1FC0] =	vst v0  }
0x151: {  	[tilespmem:$0x1FD0] =	vst v0  }
0x152: {  	[tilespmem:$0x1FE0] =	vst v0  }
0x153: {  	[tilespmem:$0x1FF0] =	vst v0  }
0x154: {  	[tilespmem:$0x2000] =	vst v0  }
0x155: {  	[tilespmem:$0x2010] =	vst v0  }
0x156: {  	[tilespmem:$0x2020] =	vst v0  }
0x157: {  	[tilespmem:$0x2030] =	vst v0  }
0x158: {  	[tilespmem:$0x2040] =	vst v0  }
0x159: {  	[tilespmem:$0x2050] =	vst v0  }
0x15a: {  	[tilespmem:$0x2060] =	vst v0  }
0x15b: {  	[tilespmem:$0x2070] =	vst v0  }
0x15c: {  	[tilespmem:$0x2080] =	vst v0  }
0x15d: {  	[tilespmem:$0x2090] =	vst v0  }
0x15e: {  	[tilespmem:$0x20A0] =	vst v0  }
0x15f: {  	[tilespmem:$0x20B0] =	vst v0  }
0x160: {  	[tilespmem:$0x20C0] =	vst v0  }
0x161: {  	[tilespmem:$0x20D0] =	vst v0  }
0x162: {  	[tilespmem:$0x2F00] =	vst v0  }
0x163: {  	[tilespmem:$0x20F0] =	vst v0  }
0x164: {  	[tilespmem:$0x2A00] =	vst v0  }
0x165: {  	[tilespmem:$0x2A10] =	vst v0  }
0x166: {  	[tilespmem:$0x2A20] =	vst v0  }
0x167: {  	[tilespmem:$0x2A30] =	vst v0  }
0x168: {  	[tilespmem:$0x2A40] =	vst v0  }
0x169: {  	[tilespmem:$0x2A50] =	vst v0  }
0x16a: {  	[tilespmem:$0x2A60] =	vst v0  }
0x16b: {  	[tilespmem:$0x2A70] =	vst v0  }
0x16c: {  	[tilespmem:$0x2A80] =	vst v0  }
0x16d: {  	[tilespmem:$0x2A90] =	vst v0  }
0x16e: {  	[tilespmem:$0x2AA0] =	vst v0  }
0x16f: {  	[tilespmem:$0x2AB0] =	vst v0  }
0x170: {  	[tilespmem:$0x2AC0] =	vst v0  }
0x171: {  	[tilespmem:$0x2AD0] =	vst v0  }
0x172: {  	[tilespmem:$0x2AE0] =	vst v0  }
0x173: {  	[tilespmem:$0x2AF0] =	vst v0  }
0x174: {  	[tilespmem:$0x2B00] =	vst v0  }
0x175: {  	[tilespmem:$0x2B10] =	vst v0  }
0x176: {  	[tilespmem:$0x2B20] =	vst v0  }
0x177: {  	[tilespmem:$0x2B30] =	vst v0  }
0x178: {  	[tilespmem:$0x2B40] =	vst v0  }
0x179: {  	[tilespmem:$0x2B50] =	vst v0  }
0x17a: {  	[tilespmem:$0x2B60] =	vst v0  }
0x17b: {  	[tilespmem:$0x2B70] =	vst v0  }
0x17c: {  	[tilespmem:$0x2B80] =	vst v0  }
0x17d: {  	[tilespmem:$0x2B90] =	vst v0  }
0x17e: {  	[tilespmem:$0x2BA0] =	vst v0  }
0x17f: {  	[tilespmem:$0x2BB0] =	vst v0  }
0x180: {  	[tilespmem:$0x2BC0] =	vst v0  }
0x181: {  	[tilespmem:$0x2BD0] =	vst v0  }
0x182: {  	[tilespmem:$0x2BE0] =	vst v0  }
0x183: {  	[tilespmem:$0x2BF0] =	vst v0  }
0x184: {  	[tilespmem:$0x2C00] =	vst v0  }
0x185: {  	[tilespmem:$0x2C10] =	vst v0  }
0x186: {  	[tilespmem:$0x2C20] =	vst v0  }
0x187: {  	[tilespmem:$0x2C30] =	vst v0  }
0x188: {  	[tilespmem:$0x2C40] =	vst v0  }
0x189: {  	[tilespmem:$0x2C50] =	vst v0  }
0x18a: {  	[tilespmem:$0x2C60] =	vst v0  }
0x18b: {  	[tilespmem:$0x2C70] =	vst v0  }
0x18c: {  	[tilespmem:$0x2C80] =	vst v0  }
0x18d: {  	[tilespmem:$0x2C90] =	vst v0  }
0x18e: {  	[tilespmem:$0x2CA0] =	vst v0  }
0x18f: {  	[tilespmem:$0x2CB0] =	vst v0  }
0x190: {  	[tilespmem:$0x2CC0] =	vst v0  }
0x191: {  	[tilespmem:$0x2CD0] =	vst v0  }
0x192: {  	[tilespmem:$0x2CE0] =	vst v0  }
0x193: {  	[tilespmem:$0x2CF0] =	vst v0  }
0x194: {  	[tilespmem:$0x2D00] =	vst v0  }
0x195: {  	[tilespmem:$0x2D10] =	vst v0  }
0x196: {  	[tilespmem:$0x2D20] =	vst v0  }
0x197: {  	[tilespmem:$0x2D30] =	vst v0  }
0x198: {  	[tilespmem:$0x2D40] =	vst v0  }
0x199: {  	[tilespmem:$0x2D50] =	vst v0  }
0x19a: {  	[tilespmem:$0x2D60] =	vst v0  }
0x19b: {  	[tilespmem:$0x2D70] =	vst v0  }
0x19c: {  	[tilespmem:$0x2D80] =	vst v0  }
0x19d: {  	[tilespmem:$0x2D90] =	vst v0  }
0x19e: {  	[tilespmem:$0x2DA0] =	vst v0  }
0x19f: {  	[tilespmem:$0x2DB0] =	vst v0  }
0x1a0: {  	[tilespmem:$0x2DC0] =	vst v0  }
0x1a1: {  	[tilespmem:$0x2DD0] =	vst v0  }
0x1a2: {  	[tilespmem:$0x2DE0] =	vst v0  }
0x1a3: {  	[tilespmem:$0x2DF0] =	vst v0  }
0x1a4: {  	[tilespmem:$0x2E00] =	vst v0  }
0x1a5: {  	[tilespmem:$0x2E10] =	vst v0  }
0x1a6: {  	[tilespmem:$0x2E20] =	vst v0  }
0x1a7: {  	[tilespmem:$0x2E30] =	vst v0  }
0x1a8: {  	[tilespmem:$0x2E40] =	vst v0  }
0x1a9: {  	[tilespmem:$0x2E50] =	vst v0  }
0x1aa: {  	[tilespmem:$0x2E60] =	vst v0  }
0x1ab: {  	[tilespmem:$0x2E70] =	vst v0  }
0x1ac: {  	[tilespmem:$0x2E80] =	vst v0  }
0x1ad: {  	[tilespmem:$0x2E90] =	vst v0  }
0x1ae: {  	[tilespmem:$0x2EA0] =	vst v0  }
0x1af: {  	[tilespmem:$0x2EB0] =	vst v0  }
0x1b0: {  	[tilespmem:$0x2EC0] =	vst v0  }
0x1b1: {  	[tilespmem:$0x2ED0] =	vst v0  }
0x1b2: {  	[tilespmem:$0x2EE0] =	vst v0  }
0x1b3: {  	[tilespmem:$0x2EF0] =	vst v0  }
0x1b4: {  	s6 =	simm.s32 $0x1100;
	[tilespmem:$0x20E0] =	vst v0  }
0x1b5: {  	[spmem:s4] =	stream.linear.scatter [tilespmem:s6], [sflag:$0x1], $0x1000, $0x38;
	[tilespmem:$0x30D8] =	vst v63  }
0x1b6: {  	_ =	swait.ge [sflag:s2], $0x1000  }
0x1b7: {  	[sflag:s2] =	ssyncset.done $0x0  }
0x1b8: {  	s7 =	simm.s32 $0x2A00;
	[sflag:s2] =	ssyncadd.s32 $0xFFFFF000  }
0x1b9: {  	[spmem:s1] =	stream.linear.scatter [tilespmem:s7], [sflag:$0x1], $0x580, $0x38;
	[tilespmem:$0x30D8] =	vst v63  }
0x1ba: {  	_ =	swait.ge [sflag:s2], $0x580  }
0x1bb: {  	[sflag:s2] =	ssyncset.done $0x0  }
0x1bc: {  	s8 =	simm.s32 $0x80;
	[sflag:s2] =	ssyncadd.s32 $0xFFFFFA80  }
0x1bd: {  	s9 =	simm.s32 $0x1000;
	s10 =	simm.s32 $0x1080;
	[bflag:$0x0] =	sbarrier.arrive $0xFFFF  }
0x1be: {  	[spmem:s4] =	stream.indirect.scatter.add.f32 [tilespmem:s10], [sflag:$0x1], $0x1, s9, s8, $0xb8;
	[tilespmem:$0x30D8] =	vst v63  }
0x1bf: {  	_ =	swait.ge [sflag:s2], $0x80  }
0x1c0: {  	s26 =	simm.s32 $0x40;
	[sflag:s2] =	ssyncset.done $0x0  }
0x1c1: {  	s28 =	simm.s32 $0x2900;
	s29 =	simm.s32 $0x2980;
	[sflag:s2] =	ssyncadd.s32 $0xFFFFFF80  }
0x1c2: {  	[spmem:s1] =	stream.indirect.scatter.add.f32 [tilespmem:s29], [sflag:$0x1], $0x1, s28, s26, $0xb8;
	[tilespmem:$0x30D8] =	vst v63  }
0x1c3: {  	_ =	swait.ge [sflag:s2], $0x40  }
0x1c4: {  	[sflag:s2] =	ssyncset.done $0x0  }
0x1c5: {  	[sflag:s2] =	ssyncadd.s32 $0xFFFFFFC0  }
0x1c6: {  	[bflag:$0x0] =	sbarrier.arrive $0xFFFF  }
0x1c7: {  	[tilespmem:s6], [sflag:$0x1] =	stream.linear.gather [spmem:s4], $0x1000, $0x38;
	[tilespmem:$0x30D8] =	vst v63  }
0x1c8: {  	_ =	swait.ge [sflag:s2], $0x1000  }
0x1c9: {  	[sflag:s2] =	ssyncset.done $0x0  }
0x1ca: {  	s30 =	sadd.s32 $0xC00, s3;
	[sflag:s2] =	ssyncadd.s32 $0xFFFFF000  }
0x1cb: {  	[hbm4b:s30+s5] =	stream.linear.scatter [tilespmem:s6], [sflag:$0x1], $0x1000, $0x38;
	[tilespmem:$0x30D8] =	vst v63  }
0x1cc: {  	_ =	swait.ge [sflag:s2], $0x1000  }
0x1cd: {  	[sflag:s2] =	ssyncset.done $0x0  }
0x1ce: {  	[sflag:s2] =	ssyncadd.s32 $0xFFFFF000  }
0x1cf: {  	[tilespmem:s7], [sflag:$0x1] =	stream.linear.gather [spmem:s1], $0x580, $0x38;
	[tilespmem:$0x30D8] =	vst v63  }
0x1d0: {  	_ =	swait.ge [sflag:s2], $0x580  }
0x1d1: {  	[sflag:s2] =	ssyncset.done $0x0  }
0x1d2: {  	s31 =	sadd.s32 $0xE00, s3;
	[sflag:s2] =	ssyncadd.s32 $0xFFFFFA80  }
0x1d3: {  	[hbm4b:s31+s5] =	stream.linear.scatter [tilespmem:s7], [sflag:$0x1], $0x580, $0x38;
	[tilespmem:$0x30D8] =	vst v63  }
0x1d4: {  	_ =	swait.ge [sflag:s2], $0x580  }
0x1d5: {  	[sflag:s2] =	ssyncset.done $0x0  }
0x1d6: {  	[sflag:s2] =	ssyncadd.s32 $0xFFFFFA80  }
.LBB2_4:
0x1d7: {  	_ =	sfence.sel $0x180000  }
0x1d8: {  	[bflag:$0x0] =	sbarrier.arrive $0xFFFF  }
0x1d9: {  	_ =	strace $0x90000047  }
0x1da: {  	s0 =	sadd.s32 @!p0 $0x100000, s0;
	[bflag:$0x2] =	sbarrier.arrive $0xFFFF  }
0x1db: {  	[sflag:s0] =	ssyncadd.tile.s32 @!p0 $0x1;
	_ =	shalt  }
.Lfunc_end2:
_tile_overlayer_lowered:
.L_overlay_start_2:
0x1dc: {  	(tag) =	ssettag $0x2  }
0x1dd: {  	s0 =	rddreg [dreg:$0x0];
	s2 =	stileid.u32  }
0x1de: {  	s1 =	rddreg [dreg:$0x1];
	p0 =	sne.s32 s2, $0x0  }
0x1df: {  	s3 =	rddreg [dreg:$0x2];
	[bflag:$0x3] =	sbarrier.arrive $0xFFFF;
	s2 =	simm.s32 @!p0 $0x1C01  }
0x1e0: {  	[timem:s3], [sflag:s2] =	dma.local @!p0 [hbm:s0], s1  }
0x1e1: {  	s0 =	simm.s32 @!p0 $0x1  }
0x1e2: {  	_ =	swait.ge @!p0 [sflag:s0], s1  }
0x1e3: {  	s1 =	ssub.s32 @!p0 $0x0, s1;
	[sflag:s0] =	ssyncset.done @!p0 $0x0  }
0x1e4: {  	[sflag:s0] =	ssyncadd.s32 @!p0 s1  }
0x1e5: {  	[bflag:$0x3] =	sbarrier.arrive $0xFFFF  }
0x1e6: {  	_ =	shalt  }

</sc_bundles>
